<compile_context>
chip_gen: v7x
topology: tpu7x:2x2x1
jax: 0.10.2.dev20260603
libtpu: 0.0.44.dev20260713+nightly
codegen_flags: <defaults>
</compile_context>

<pallas_src>
import functools

import jax
import jax.numpy as jnp
from jax import lax
from jax.experimental import pallas as pl
from jax.experimental.pallas import tpu as pltpu
from jax.experimental.pallas import tpu_sc as plsc

N = 10000
E = 160000
D = 256
H = D // 2
NC = 2
NS = 16
CH = 128
NCH = E // CH
RB = 5000

RPT = 624
RPT_LAST = N - 15 * RPT

_mesh = plsc.VectorSubcoreMesh(core_axis_name="c", subcore_axis_name="s")

_BASE_K = NCH // NS
_EXTRA = NCH - _BASE_K * NS


def _num_chunks(s):
    return _BASE_K + jnp.where(s < _EXTRA, 1, 0)


def _rows_copy(s, src_ref, dst_ref):

    @pl.when(s < NS - 1)
    def _():
        pltpu.sync_copy(src_ref.at[pl.ds(s * RPT, RPT)],
                        dst_ref.at[pl.ds(s * RPT, RPT)])

    @pl.when(s == NS - 1)
    def _():
        pltpu.sync_copy(src_ref.at[pl.ds(15 * RPT, RPT_LAST)],
                        dst_ref.at[pl.ds(15 * RPT, RPT_LAST)])


NKD = (NCH // NC) // NS
_DEG_MAIN = NKD - (NKD % 2)


@functools.partial(
    pl.kernel,
    out_type=[
        jax.ShapeDtypeStruct((N,), jnp.float32),
        jax.ShapeDtypeStruct((N,), jnp.float32),
    ],
    mesh=_mesh,
    scratch_types=[
        pltpu.VMEM_SHARED((N,), jnp.float32),
        [pltpu.VMEM((CH,), jnp.int32)] * 4,
        pltpu.VMEM((RPT_LAST,), jnp.float32),
        pltpu.VMEM((N,), jnp.float32),
        [pltpu.SemaphoreType.DMA] * 4,
        [pltpu.SemaphoreType.DMA] * 2,
    ],
)
def _deg_kernel(dst_hbm, ones_hbm, d0_hbm, d1_hbm,
                slab, dv, ones_v, out_stage, si_d, ss):
    c = lax.axis_index("c")
    s = lax.axis_index("s")
    pltpu.sync_copy(ones_hbm, ones_v)

    @pl.when(s < NS - 1)
    def _():
        pltpu.sync_copy(ones_v.at[pl.ds(0, RPT)],
                        slab.at[pl.ds(s * RPT, RPT)])

    @pl.when(s == NS - 1)
    def _():
        pltpu.sync_copy(ones_v, slab.at[pl.ds(15 * RPT, RPT_LAST)])

    plsc.subcore_barrier()
    ones_upd = ones_v.at[pl.ds(0, CH)]
    cid0 = c * (NCH // NC) + s

    def dst_slice(k):
        return dst_hbm.at[pl.ds((cid0 + k * NS) * CH, CH)]

    def wait_scatter(q, b):
        pltpu.make_async_copy(ones_upd, slab.at[dv[q]], ss[b]).wait()

    pltpu.async_copy(dst_slice(0), dv[0], si_d[0])
    pltpu.async_copy(dst_slice(1), dv[1], si_d[1])

    def sub_step(k, q):
        b = q % 2

        @pl.when(k >= 2)
        def _():
            wait_scatter((q + 2) % 4, b)

        pltpu.make_async_copy(dst_slice(k), dv[q], si_d[q]).wait()
        pltpu.async_copy(ones_upd, slab.at[dv[q]], ss[b], add=True)
        pltpu.async_copy(dst_slice(k + 2), dv[(q + 2) % 4], si_d[(q + 2) % 4])

    def body(t, carry):
        for p in range(4):
            sub_step(4 * t + p, p)
        return carry

    lax.fori_loop(0, 36 // 4, body, 0, unroll=False)
    wait_scatter(2, 0)
    pltpu.make_async_copy(dst_slice(36), dv[0], si_d[0]).wait()
    pltpu.async_copy(ones_upd, slab.at[dv[0]], ss[0], add=True)
    pltpu.async_copy(dst_slice(38), dv[2], si_d[2])
    wait_scatter(3, 1)
    pltpu.make_async_copy(dst_slice(37), dv[1], si_d[1]).wait()
    pltpu.async_copy(ones_upd, slab.at[dv[1]], ss[1], add=True)
    wait_scatter(0, 0)
    pltpu.make_async_copy(dst_slice(38), dv[2], si_d[2]).wait()
    pltpu.async_copy(ones_upd, slab.at[dv[2]], ss[0], add=True)
    wait_scatter(1, 1)
    wait_scatter(2, 0)

    @pl.when(s == 0)
    def _():
        base = (c * (NCH // NC) + NKD * NS) * CH
        pltpu.sync_copy(dst_hbm.at[pl.ds(base, CH)], dv[3])
        pltpu.sync_copy(ones_upd, slab.at[dv[3]], add=True)

    plsc.subcore_barrier()

    @pl.when(jnp.logical_and(c == 0, s == 0))
    def _():
        pltpu.sync_copy(slab, out_stage)
        pltpu.sync_copy(out_stage, d0_hbm)

    @pl.when(jnp.logical_and(c == 1, s == 0))
    def _():
        pltpu.sync_copy(slab, out_stage)
        pltpu.sync_copy(out_stage, d1_hbm)


NK = NCH // NS


@functools.partial(
    pl.kernel,
    out_type=[
        jax.ShapeDtypeStruct((N, H), jnp.float32),
        jax.ShapeDtypeStruct((N, H), jnp.float32),
    ],
    mesh=_mesh,
    scratch_types=[
        pltpu.VMEM_SHARED((N, H), jnp.float32),
        [pltpu.VMEM((CH,), jnp.int32)] * 2,
        [pltpu.VMEM((CH,), jnp.int32)] * 2,
        [pltpu.VMEM((CH, H), jnp.float32)] * 2,
        [pltpu.SemaphoreType.DMA] * 2,
        [pltpu.SemaphoreType.DMA] * 2,
        [pltpu.SemaphoreType.DMA] * 2,
        [pltpu.SemaphoreType.DMA] * 2,
    ],
)
def _agg_kernel(y0_hbm, y1_hbm, src_hbm, dst_hbm, a0_hbm, a1_hbm,
                slab, sv, dv, rv, si_s, si_d, sg, ss):
    c = lax.axis_index("c")
    s = lax.axis_index("s")

    def run(y_hbm, out_hbm):
        _rows_copy(s, y_hbm, slab)
        plsc.subcore_barrier()

        def src_slice(k):
            return src_hbm.at[pl.ds((s + k * NS) * CH, CH)]

        def dst_slice(k):
            return dst_hbm.at[pl.ds((s + k * NS) * CH, CH)]

        pltpu.async_copy(src_slice(0), sv[0], si_s[0])

        def sub_step(j, b, k):
            o = 1 - b

            @pl.when(k >= 2)
            def _():
                pltpu.make_async_copy(rv[b], slab.at[dv[b]], ss[b]).wait()

            pltpu.async_copy(dst_slice(k), dv[b], si_d[b])
            pltpu.make_async_copy(src_slice(k), sv[b], si_s[b]).wait()
            pltpu.async_copy(y_hbm.at[sv[b]], rv[b], sg[b])

            @pl.when(k >= 1)
            def _():
                pltpu.make_async_copy(y_hbm.at[sv[o]], rv[o], sg[o]).wait()

            @pl.when(k + 1 < NK)
            def _():
                pltpu.async_copy(src_slice(k + 1), sv[o], si_s[o])

            @pl.when(k >= 1)
            def _():
                pltpu.make_async_copy(dst_slice(k - 1), dv[o], si_d[o]).wait()
                pltpu.async_copy(rv[o], slab.at[dv[o]], ss[o], add=True)

        def body(j, carry):
            sub_step(j, 0, 2 * j)
            sub_step(j, 1, 2 * j + 1)
            return carry

        lax.fori_loop(0, NK // 2, body, 0, unroll=False)

        pltpu.make_async_copy(y_hbm.at[sv[1]], rv[1], sg[1]).wait()
        pltpu.make_async_copy(dst_slice(NK - 1), dv[1], si_d[1]).wait()
        pltpu.async_copy(rv[1], slab.at[dv[1]], ss[1], add=True)
        pltpu.make_async_copy(rv[0], slab.at[dv[0]], ss[0]).wait()
        pltpu.make_async_copy(rv[1], slab.at[dv[1]], ss[1]).wait()

        @pl.when(s < NCH - NK * NS)
        def _():
            base = (NK * NS + s) * CH
            pltpu.sync_copy(src_hbm.at[pl.ds(base, CH)], sv[0])
            pltpu.sync_copy(dst_hbm.at[pl.ds(base, CH)], dv[0])
            pltpu.async_copy(y_hbm.at[sv[0]], rv[0], sg[0]).wait()
            pltpu.sync_copy(rv[0], slab.at[dv[0]], add=True)

        plsc.subcore_barrier()
        _rows_copy(s, slab, out_hbm)

    @pl.when(c == 0)
    def _():
        run(y0_hbm, a0_hbm)

    @pl.when(c == 1)
    def _():
        run(y1_hbm, a1_hbm)


def _first_body(x_ref, w_ref, d0_ref, d1_ref, y0_ref, y1_ref, dis_ref):
    deg = d0_ref[...] + d1_ref[...] - 1.0
    dis = lax.rsqrt(deg)
    xw = jnp.dot(x_ref[...], w_ref[...],
                 preferred_element_type=jnp.float32) * dis
    y0_ref[...] = xw[:, :H]
    y1_ref[...] = xw[:, H:]
    dis_ref[...] = dis


def _tc_first(x, W, d0, d1):
    return pl.pallas_call(
        _first_body,
        grid=(N // RB,),
        in_specs=[
            pl.BlockSpec((RB, D), lambda i: (i, 0)),
            pl.BlockSpec((D, D), lambda i: (0, 0)),
            pl.BlockSpec((RB, 1), lambda i: (i, 0)),
            pl.BlockSpec((RB, 1), lambda i: (i, 0)),
        ],
        out_specs=[
            pl.BlockSpec((RB, H), lambda i: (i, 0)),
            pl.BlockSpec((RB, H), lambda i: (i, 0)),
            pl.BlockSpec((RB, 1), lambda i: (i, 0)),
        ],
        out_shape=[
            jax.ShapeDtypeStruct((N, H), jnp.float32),
            jax.ShapeDtypeStruct((N, H), jnp.float32),
            jax.ShapeDtypeStruct((N, 1), jnp.float32),
        ],
    )(x, W, d0, d1)


def _mid_body(a0_ref, a1_ref, dis_ref, b_ref, w_ref, y0_ref, y1_ref):
    dis = dis_ref[...]
    h = jnp.concatenate([a0_ref[...], a1_ref[...]], axis=1) * dis + b_ref[...]
    h = jnp.maximum(h, 0.0)
    yw = jnp.dot(h, w_ref[...], preferred_element_type=jnp.float32) * dis
    y0_ref[...] = yw[:, :H]
    y1_ref[...] = yw[:, H:]


def _tc_mid(a0, a1, dis, b, W):
    return pl.pallas_call(
        _mid_body,
        grid=(N // RB,),
        in_specs=[
            pl.BlockSpec((RB, H), lambda i: (i, 0)),
            pl.BlockSpec((RB, H), lambda i: (i, 0)),
            pl.BlockSpec((RB, 1), lambda i: (i, 0)),
            pl.BlockSpec((1, D), lambda i: (0, 0)),
            pl.BlockSpec((D, D), lambda i: (0, 0)),
        ],
        out_specs=[
            pl.BlockSpec((RB, H), lambda i: (i, 0)),
            pl.BlockSpec((RB, H), lambda i: (i, 0)),
        ],
        out_shape=[
            jax.ShapeDtypeStruct((N, H), jnp.float32),
            jax.ShapeDtypeStruct((N, H), jnp.float32),
        ],
    )(a0, a1, dis, b, W)


def _last_body(a0_ref, a1_ref, dis_ref, b_ref, out_ref):
    dis = dis_ref[...]
    out_ref[...] = (
        jnp.concatenate([a0_ref[...], a1_ref[...]], axis=1) * dis + b_ref[...]
    )


def _tc_last(a0, a1, dis, b):
    return pl.pallas_call(
        _last_body,
        grid=(N // RB,),
        in_specs=[
            pl.BlockSpec((RB, H), lambda i: (i, 0)),
            pl.BlockSpec((RB, H), lambda i: (i, 0)),
            pl.BlockSpec((RB, 1), lambda i: (i, 0)),
            pl.BlockSpec((1, D), lambda i: (0, 0)),
        ],
        out_specs=pl.BlockSpec((RB, D), lambda i: (i, 0)),
        out_shape=jax.ShapeDtypeStruct((N, D), jnp.float32),
    )(a0, a1, dis, b)


def kernel(x, edge_index, W1, b1, W2, b2, W3, b3):
    src = edge_index[0]
    dst = edge_index[1]
    ones = jnp.ones((RPT_LAST,), jnp.float32)

    d0, d1 = _deg_kernel(dst, ones)
    y0, y1, dis = _tc_first(x, W1, d0.reshape(N, 1), d1.reshape(N, 1))
    a0, a1 = _agg_kernel(y0, y1, src, dst)
    y0, y1 = _tc_mid(a0, a1, dis, b1.reshape(1, D), W2)
    a0, a1 = _agg_kernel(y0, y1, src, dst)
    y0, y1 = _tc_mid(a0, a1, dis, b2.reshape(1, D), W3)
    a0, a1 = _agg_kernel(y0, y1, src, dst)
    return _tc_last(a0, a1, dis, b3.reshape(1, D))

# --- scband reference (transcript-rebuilt; emitter-appended) ---
"""Pipeline reference for scband-gcn-43739946943285 (READ-ONLY COPY).

The authoritative reference and input builder live on the scoring server;
editing this copy changes nothing except your own understanding.
"""

import jax, jax.numpy as jnp
import numpy as np

N_NODES = 10000
N_EDGES = 160000
D = 256


def glorot(key, shape):
    lim = float(np.sqrt(6.0 / (shape[0] + shape[1])))
    return jax.random.uniform(key, shape, dtype=jnp.float32, minval=-lim, maxval=lim)


def setup_inputs(seed: int = 0) -> dict:
    key = jax.random.key(seed)
    ks = jax.random.split(key, 8)
    x = jax.random.normal(ks[0], (N_NODES, D), dtype=jnp.float32)
    edge_index = jax.random.randint(ks[1], (2, N_EDGES), 0, N_NODES, dtype=jnp.int64 if jax.config.read('jax_enable_x64') else jnp.int32).astype(jnp.int32)
    W1 = glorot(ks[2], (D, D))
    b1 = jnp.zeros((D,), dtype=jnp.float32)
    W2 = glorot(ks[3], (D, D))
    b2 = jnp.zeros((D,), dtype=jnp.float32)
    W3 = glorot(ks[4], (D, D))
    b3 = jnp.zeros((D,), dtype=jnp.float32)
    return {"x": x, "edge_index": edge_index, "W1": W1, "b1": b1, "W2": W2, "b2": b2, "W3": W3, "b3": b3}


def gcn_conv(x, src, dst, W, b, num_nodes):
    # x' = x @ W  (PyG GCNConv linear, no bias inside; bias added after aggregation)
    xw = x @ W
    # self-loops already concatenated into src/dst by caller
    deg = jnp.zeros((num_nodes,), dtype=jnp.float32).at[dst].add(1.0)
    deg_inv_sqrt = jnp.where(deg > 0, jax.lax.rsqrt(deg), 0.0)
    norm = deg_inv_sqrt[src] * deg_inv_sqrt[dst]
    msg = xw[src] * norm[:, None]
    out = jnp.zeros((num_nodes, W.shape[1]), dtype=jnp.float32).at[dst].add(msg)
    return out + b


def reference(x, edge_index, W1, b1, W2, b2, W3, b3):
    num_nodes = x.shape[0]
    loop = jnp.arange(num_nodes, dtype=edge_index.dtype)
    src = jnp.concatenate([edge_index[0], loop])
    dst = jnp.concatenate([edge_index[1], loop])
    h = gcn_conv(x, src, dst, W1, b1, num_nodes)
    h = jax.nn.relu(h)
    # dropout p=0.0 -> identity
    h = gcn_conv(h, src, dst, W2, b2, num_nodes)
    h = jax.nn.relu(h)
    h = gcn_conv(h, src, dst, W3, b3, num_nodes)
    return h

if __name__ == "__main__":
    import jax
    _d = setup_inputs()
    print(jax.jit(kernel)(*tuple(_d.values())))

</pallas_src>

<mosaic_0001>
#map = affine_map<(d0, d1) -> (0)>
module attributes {stable_mosaic.version = 14 : i64} {
  func.func @_deg_kernel(%arg0: i32, %arg1: i32, %arg2: memref<160000xi32, #tpu.memory_space<hbm>>, %arg3: memref<640xf32, #tpu.memory_space<hbm>>, %arg4: memref<10000xf32, #tpu.memory_space<hbm>>, %arg5: memref<10000xf32, #tpu.memory_space<hbm>>, %arg6: memref<10000xf32, #tpu.memory_space<vmem_shared>>, %arg7: memref<128xi32, #tpu.memory_space<vmem>>, %arg8: memref<128xi32, #tpu.memory_space<vmem>>, %arg9: memref<128xi32, #tpu.memory_space<vmem>>, %arg10: memref<128xi32, #tpu.memory_space<vmem>>, %arg11: memref<640xf32, #tpu.memory_space<vmem>>, %arg12: memref<10000xf32, #tpu.memory_space<vmem>>, %arg13: memref<!tpu.dma_semaphore, #tpu.memory_space<semaphore_mem>>, %arg14: memref<!tpu.dma_semaphore, #tpu.memory_space<semaphore_mem>>, %arg15: memref<!tpu.dma_semaphore, #tpu.memory_space<semaphore_mem>>, %arg16: memref<!tpu.dma_semaphore, #tpu.memory_space<semaphore_mem>>, %arg17: memref<!tpu.dma_semaphore, #tpu.memory_space<semaphore_mem>>, %arg18: memref<!tpu.dma_semaphore, #tpu.memory_space<semaphore_mem>>) attributes {dimension_semantics = [#tpu.dimension_semantics<core_parallel>, #tpu.dimension_semantics<subcore_parallel>], iteration_bounds = array<i64: 2, 16>, scalar_prefetch = 0 : i64, scratch_operands = 13 : i64, tpu.core_type = #tpu.core_type<sc_vector_subcore>, window_params = [{transform_indices = #map}, {transform_indices = #map}, {transform_indices = #map}, {transform_indices = #map}]} {
    "tpu.region"() ({
      %run_scoped3A = tpu.sem_alloc : memref<!tpu.dma_semaphore, #tpu.memory_space<semaphore_mem>>
      tpu.enqueue_dma source(%arg3 : memref<640xf32, #tpu.memory_space<hbm>>) target(%arg11 : memref<640xf32, #tpu.memory_space<vmem>>) target_semaphore(%run_scoped3A : memref<!tpu.dma_semaphore, #tpu.memory_space<semaphore_mem>>)
      tpu.wait_dma2 semaphore(%run_scoped3A : memref<!tpu.dma_semaphore, #tpu.memory_space<semaphore_mem>>) src(%arg3 : memref<640xf32, #tpu.memory_space<hbm>>) dst(%arg11 : memref<640xf32, #tpu.memory_space<vmem>>)
      tpu.yield
    }) : () -> ()
    %lt3A = arith.constant 15 : i32
    %lt3A_0 = arith.cmpi slt, %arg1, %lt3A : i32
    %convert_element_type3A = arith.extui %lt3A_0 : i1 to i32
    %cond3A = arith.constant 0 : i32
    %cond3A_1 = arith.cmpi ne, %convert_element_type3A, %cond3A : i32
    scf.if %cond3A_1 {
      %mul3A_99 = arith.constant 624 : i32
      %mul3A_100 = arith.muli %arg1, %mul3A_99 : i32
      "tpu.region"() ({
        %run_scoped3A = tpu.sem_alloc : memref<!tpu.dma_semaphore, #tpu.memory_space<semaphore_mem>>
        %dma_start3A_101 = arith.constant 0 : i32
        %dma_start3A_102 = tpu.memref_slice %arg11[%dma_start3A_101] : memref<640xf32, #tpu.memory_space<vmem>> -> memref<624xf32, #tpu.memory_space<vmem>>
        %dma_start3A_103 = tpu.memref_slice %arg6[%mul3A_100] : memref<10000xf32, #tpu.memory_space<vmem_shared>> -> memref<624xf32, #tpu.memory_space<vmem_shared>>
        %dma_start3A_104 = tpu.memref_slice %arg6[%mul3A_100] : memref<10000xf32, #tpu.memory_space<vmem_shared>> -> memref<624xf32, #tpu.memory_space<vmem_shared>>
        %dma_start3A_105 = arith.constant 0 : i32
        %dma_start3A_106 = tpu.memref_slice %arg11[%dma_start3A_105] : memref<640xf32, #tpu.memory_space<vmem>> -> memref<624xf32, #tpu.memory_space<vmem>>
        tpu.enqueue_dma source(%dma_start3A_106 : memref<624xf32, #tpu.memory_space<vmem>>) target(%dma_start3A_104 : memref<624xf32, #tpu.memory_space<vmem_shared>>) target_semaphore(%run_scoped3A : memref<!tpu.dma_semaphore, #tpu.memory_space<semaphore_mem>>)
        %dma_wait3A_107 = arith.constant 0 : i32
        %dma_wait3A_108 = tpu.memref_slice %arg11[%dma_wait3A_107] : memref<640xf32, #tpu.memory_space<vmem>> -> memref<624xf32, #tpu.memory_space<vmem>>
        %dma_wait3A_109 = tpu.memref_slice %arg6[%mul3A_100] : memref<10000xf32, #tpu.memory_space<vmem_shared>> -> memref<624xf32, #tpu.memory_space<vmem_shared>>
        %dma_wait3A_110 = tpu.memref_slice %arg6[%mul3A_100] : memref<10000xf32, #tpu.memory_space<vmem_shared>> -> memref<624xf32, #tpu.memory_space<vmem_shared>>
        %dma_wait3A_111 = arith.constant 0 : i32
        %dma_wait3A_112 = tpu.memref_slice %arg11[%dma_wait3A_111] : memref<640xf32, #tpu.memory_space<vmem>> -> memref<624xf32, #tpu.memory_space<vmem>>
        tpu.wait_dma2 semaphore(%run_scoped3A : memref<!tpu.dma_semaphore, #tpu.memory_space<semaphore_mem>>) src(%dma_wait3A_112 : memref<624xf32, #tpu.memory_space<vmem>>) dst(%dma_wait3A_110 : memref<624xf32, #tpu.memory_space<vmem_shared>>)
        tpu.yield
      }) : () -> ()
    } else {
    }
    %eq3A = arith.constant 15 : i32
    %eq3A_2 = arith.cmpi eq, %arg1, %eq3A : i32
    %convert_element_type3A_3 = arith.extui %eq3A_2 : i1 to i32
    %cond3A_4 = arith.constant 0 : i32
    %cond3A_5 = arith.cmpi ne, %convert_element_type3A_3, %cond3A_4 : i32
    scf.if %cond3A_5 {
      "tpu.region"() ({
        %run_scoped3A = tpu.sem_alloc : memref<!tpu.dma_semaphore, #tpu.memory_space<semaphore_mem>>
        %dma_start3A_99 = arith.constant 9360 : i32
        %dma_start3A_100 = tpu.memref_slice %arg6[%dma_start3A_99] : memref<10000xf32, #tpu.memory_space<vmem_shared>> -> memref<640xf32, #tpu.memory_space<vmem_shared>>
        %dma_start3A_101 = arith.constant 9360 : i32
        %dma_start3A_102 = tpu.memref_slice %arg6[%dma_start3A_101] : memref<10000xf32, #tpu.memory_space<vmem_shared>> -> memref<640xf32, #tpu.memory_space<vmem_shared>>
        tpu.enqueue_dma source(%arg11 : memref<640xf32, #tpu.memory_space<vmem>>) target(%dma_start3A_102 : memref<640xf32, #tpu.memory_space<vmem_shared>>) target_semaphore(%run_scoped3A : memref<!tpu.dma_semaphore, #tpu.memory_space<semaphore_mem>>)
        %dma_wait3A_103 = arith.constant 9360 : i32
        %dma_wait3A_104 = tpu.memref_slice %arg6[%dma_wait3A_103] : memref<10000xf32, #tpu.memory_space<vmem_shared>> -> memref<640xf32, #tpu.memory_space<vmem_shared>>
        %dma_wait3A_105 = arith.constant 9360 : i32
        %dma_wait3A_106 = tpu.memref_slice %arg6[%dma_wait3A_105] : memref<10000xf32, #tpu.memory_space<vmem_shared>> -> memref<640xf32, #tpu.memory_space<vmem_shared>>
        tpu.wait_dma2 semaphore(%run_scoped3A : memref<!tpu.dma_semaphore, #tpu.memory_space<semaphore_mem>>) src(%arg11 : memref<640xf32, #tpu.memory_space<vmem>>) dst(%dma_wait3A_106 : memref<640xf32, #tpu.memory_space<vmem_shared>>)
        tpu.yield
      }) : () -> ()
    } else {
    }
    %barrier3A = arith.constant 0 : index
    tpu.barrier barrier_id(%barrier3A)
    %mul3A = arith.constant 625 : i32
    %mul3A_6 = arith.muli %arg0, %mul3A : i32
    %add3A = arith.addi %mul3A_6, %arg1 : i32
    %add3A_7 = arith.constant 0 : i32
    %add3A_8 = arith.addi %add3A, %add3A_7 : i32
    %mul3A_9 = arith.constant 128 : i32
    %mul3A_10 = arith.muli %add3A_8, %mul3A_9 : i32
    %dma_start3A = tpu.memref_slice %arg2[%mul3A_10] : memref<160000xi32, #tpu.memory_space<hbm>> -> memref<128xi32, #tpu.memory_space<hbm>>
    %dma_start3A_11 = tpu.memref_slice %arg2[%mul3A_10] : memref<160000xi32, #tpu.memory_space<hbm>> -> memref<128xi32, #tpu.memory_space<hbm>>
    tpu.enqueue_dma source(%dma_start3A_11 : memref<128xi32, #tpu.memory_space<hbm>>) target(%arg7 : memref<128xi32, #tpu.memory_space<vmem>>) target_semaphore(%arg13 : memref<!tpu.dma_semaphore, #tpu.memory_space<semaphore_mem>>)
    %add3A_12 = arith.constant 16 : i32
    %add3A_13 = arith.addi %add3A, %add3A_12 : i32
    %mul3A_14 = arith.constant 128 : i32
    %mul3A_15 = arith.muli %add3A_13, %mul3A_14 : i32
    %dma_start3A_16 = tpu.memref_slice %arg2[%mul3A_15] : memref<160000xi32, #tpu.memory_space<hbm>> -> memref<128xi32, #tpu.memory_space<hbm>>
    %dma_start3A_17 = tpu.memref_slice %arg2[%mul3A_15] : memref<160000xi32, #tpu.memory_space<hbm>> -> memref<128xi32, #tpu.memory_space<hbm>>
    tpu.enqueue_dma source(%dma_start3A_17 : memref<128xi32, #tpu.memory_space<hbm>>) target(%arg8 : memref<128xi32, #tpu.memory_space<vmem>>) target_semaphore(%arg14 : memref<!tpu.dma_semaphore, #tpu.memory_space<semaphore_mem>>)
    %scan3A = arith.constant 0 : i32
    %scan3A_18 = arith.constant 0 : i32
    %scan3A_19 = arith.constant 9 : i32
    %scan3A_20 = arith.addi %scan3A_18, %scan3A_19 : i32
    %scan3A_21 = arith.constant 1 : i32
    scf.for %scan3A_99 = %scan3A_18 to %scan3A_20 step %scan3A_21  : i32 {
      %mul3A_100 = arith.constant 4 : i32
      %mul3A_101 = arith.muli %mul3A_100, %scan3A_99 : i32
      %add3A_102 = arith.constant 0 : i32
      %add3A_103 = arith.addi %mul3A_101, %add3A_102 : i32
      %ge3A = arith.constant 2 : i32
      %ge3A_104 = arith.cmpi sge, %add3A_103, %ge3A : i32
      %convert_element_type3A_105 = arith.extui %ge3A_104 : i1 to i32
      %cond3A_106 = arith.constant 0 : i32
      %cond3A_107 = arith.cmpi ne, %convert_element_type3A_105, %cond3A_106 : i32
      scf.if %cond3A_107 {
        %dma_wait3A_215 = arith.constant 0 : i32
        %dma_wait3A_216 = tpu.memref_slice %arg11[%dma_wait3A_215] : memref<640xf32, #tpu.memory_space<vmem>> -> memref<128xf32, #tpu.memory_space<vmem>>
        %dma_wait3A_217 = arith.constant 0 : i32
        %dma_wait3A_218 = tpu.memref_slice %arg6[%dma_wait3A_217] : memref<10000xf32, #tpu.memory_space<vmem_shared>> -> memref<10000xf32, #tpu.memory_space<vmem_shared>>
        tpu.wait_indirect_dma semaphore(%arg17 : memref<!tpu.dma_semaphore, #tpu.memory_space<semaphore_mem>>) src(%dma_wait3A_216 : memref<128xf32, #tpu.memory_space<vmem>>) dst(%dma_wait3A_218 : memref<10000xf32, #tpu.memory_space<vmem_shared>>)
      } else {
      }
      %mul3A_108 = arith.constant 16 : i32
      %mul3A_109 = arith.muli %add3A_103, %mul3A_108 : i32
      %add3A_110 = arith.addi %add3A, %mul3A_109 : i32
      %mul3A_111 = arith.constant 128 : i32
      %mul3A_112 = arith.muli %add3A_110, %mul3A_111 : i32
      %dma_wait3A_113 = tpu.memref_slice %arg2[%mul3A_112] : memref<160000xi32, #tpu.memory_space<hbm>> -> memref<128xi32, #tpu.memory_space<hbm>>
      %dma_wait3A_114 = tpu.memref_slice %arg2[%mul3A_112] : memref<160000xi32, #tpu.memory_space<hbm>> -> memref<128xi32, #tpu.memory_space<hbm>>
      tpu.wait_dma2 semaphore(%arg13 : memref<!tpu.dma_semaphore, #tpu.memory_space<semaphore_mem>>) src(%dma_wait3A_114 : memref<128xi32, #tpu.memory_space<hbm>>) dst(%arg7 : memref<128xi32, #tpu.memory_space<vmem>>)
      %dma_start3A_115 = arith.constant 0 : i32
      %dma_start3A_116 = tpu.memref_slice %arg11[%dma_start3A_115] : memref<640xf32, #tpu.memory_space<vmem>> -> memref<128xf32, #tpu.memory_space<vmem>>
      %dma_start3A_117 = arith.constant 0 : i32
      %dma_start3A_118 = tpu.memref_slice %arg6[%dma_start3A_117] : memref<10000xf32, #tpu.memory_space<vmem_shared>> -> memref<10000xf32, #tpu.memory_space<vmem_shared>>
      tpu.enqueue_indirect_dma source(%dma_start3A_116 : memref<128xf32, #tpu.memory_space<vmem>>) target(%dma_start3A_118 : memref<10000xf32, #tpu.memory_space<vmem_shared>>) offsets(%arg7 : memref<128xi32, #tpu.memory_space<vmem>>) semaphore(%arg17 : memref<!tpu.dma_semaphore, #tpu.memory_space<semaphore_mem>>) {add = true}
      %add3A_119 = arith.constant 2 : i32
      %add3A_120 = arith.addi %add3A_103, %add3A_119 : i32
      %mul3A_121 = arith.constant 16 : i32
      %mul3A_122 = arith.muli %add3A_120, %mul3A_121 : i32
      %add3A_123 = arith.addi %add3A, %mul3A_122 : i32
      %mul3A_124 = arith.constant 128 : i32
      %mul3A_125 = arith.muli %add3A_123, %mul3A_124 : i32
      %dma_start3A_126 = tpu.memref_slice %arg2[%mul3A_125] : memref<160000xi32, #tpu.memory_space<hbm>> -> memref<128xi32, #tpu.memory_space<hbm>>
      %dma_start3A_127 = tpu.memref_slice %arg2[%mul3A_125] : memref<160000xi32, #tpu.memory_space<hbm>> -> memref<128xi32, #tpu.memory_space<hbm>>
      tpu.enqueue_dma source(%dma_start3A_127 : memref<128xi32, #tpu.memory_space<hbm>>) target(%arg9 : memref<128xi32, #tpu.memory_space<vmem>>) target_semaphore(%arg15 : memref<!tpu.dma_semaphore, #tpu.memory_space<semaphore_mem>>)
      %mul3A_128 = arith.constant 4 : i32
      %mul3A_129 = arith.muli %mul3A_128, %scan3A_99 : i32
      %add3A_130 = arith.constant 1 : i32
      %add3A_131 = arith.addi %mul3A_129, %add3A_130 : i32
      %ge3A_132 = arith.constant 2 : i32
      %ge3A_133 = arith.cmpi sge, %add3A_131, %ge3A_132 : i32
      %convert_element_type3A_134 = arith.extui %ge3A_133 : i1 to i32
      %cond3A_135 = arith.constant 0 : i32
      %cond3A_136 = arith.cmpi ne, %convert_element_type3A_134, %cond3A_135 : i32
      scf.if %cond3A_136 {
        %dma_wait3A_215 = arith.constant 0 : i32
        %dma_wait3A_216 = tpu.memref_slice %arg11[%dma_wait3A_215] : memref<640xf32, #tpu.memory_space<vmem>> -> memref<128xf32, #tpu.memory_space<vmem>>
        %dma_wait3A_217 = arith.constant 0 : i32
        %dma_wait3A_218 = tpu.memref_slice %arg6[%dma_wait3A_217] : memref<10000xf32, #tpu.memory_space<vmem_shared>> -> memref<10000xf32, #tpu.memory_space<vmem_shared>>
        tpu.wait_indirect_dma semaphore(%arg18 : memref<!tpu.dma_semaphore, #tpu.memory_space<semaphore_mem>>) src(%dma_wait3A_216 : memref<128xf32, #tpu.memory_space<vmem>>) dst(%dma_wait3A_218 : memref<10000xf32, #tpu.memory_space<vmem_shared>>)
      } else {
      }
      %mul3A_137 = arith.constant 16 : i32
      %mul3A_138 = arith.muli %add3A_131, %mul3A_137 : i32
      %add3A_139 = arith.addi %add3A, %mul3A_138 : i32
      %mul3A_140 = arith.constant 128 : i32
      %mul3A_141 = arith.muli %add3A_139, %mul3A_140 : i32
      %dma_wait3A_142 = tpu.memref_slice %arg2[%mul3A_141] : memref<160000xi32, #tpu.memory_space<hbm>> -> memref<128xi32, #tpu.memory_space<hbm>>
      %dma_wait3A_143 = tpu.memref_slice %arg2[%mul3A_141] : memref<160000xi32, #tpu.memory_space<hbm>> -> memref<128xi32, #tpu.memory_space<hbm>>
      tpu.wait_dma2 semaphore(%arg14 : memref<!tpu.dma_semaphore, #tpu.memory_space<semaphore_mem>>) src(%dma_wait3A_143 : memref<128xi32, #tpu.memory_space<hbm>>) dst(%arg8 : memref<128xi32, #tpu.memory_space<vmem>>)
      %dma_start3A_144 = arith.constant 0 : i32
      %dma_start3A_145 = tpu.memref_slice %arg11[%dma_start3A_144] : memref<640xf32, #tpu.memory_space<vmem>> -> memref<128xf32, #tpu.memory_space<vmem>>
      %dma_start3A_146 = arith.constant 0 : i32
      %dma_start3A_147 = tpu.memref_slice %arg6[%dma_start3A_146] : memref<10000xf32, #tpu.memory_space<vmem_shared>> -> memref<10000xf32, #tpu.memory_space<vmem_shared>>
      tpu.enqueue_indirect_dma source(%dma_start3A_145 : memref<128xf32, #tpu.memory_space<vmem>>) target(%dma_start3A_147 : memref<10000xf32, #tpu.memory_space<vmem_shared>>) offsets(%arg8 : memref<128xi32, #tpu.memory_space<vmem>>) semaphore(%arg18 : memref<!tpu.dma_semaphore, #tpu.memory_space<semaphore_mem>>) {add = true}
      %add3A_148 = arith.constant 2 : i32
      %add3A_149 = arith.addi %add3A_131, %add3A_148 : i32
      %mul3A_150 = arith.constant 16 : i32
      %mul3A_151 = arith.muli %add3A_149, %mul3A_150 : i32
      %add3A_152 = arith.addi %add3A, %mul3A_151 : i32
      %mul3A_153 = arith.constant 128 : i32
      %mul3A_154 = arith.muli %add3A_152, %mul3A_153 : i32
      %dma_start3A_155 = tpu.memref_slice %arg2[%mul3A_154] : memref<160000xi32, #tpu.memory_space<hbm>> -> memref<128xi32, #tpu.memory_space<hbm>>
      %dma_start3A_156 = tpu.memref_slice %arg2[%mul3A_154] : memref<160000xi32, #tpu.memory_space<hbm>> -> memref<128xi32, #tpu.memory_space<hbm>>
      tpu.enqueue_dma source(%dma_start3A_156 : memref<128xi32, #tpu.memory_space<hbm>>) target(%arg10 : memref<128xi32, #tpu.memory_space<vmem>>) target_semaphore(%arg16 : memref<!tpu.dma_semaphore, #tpu.memory_space<semaphore_mem>>)
      %mul3A_157 = arith.constant 4 : i32
      %mul3A_158 = arith.muli %mul3A_157, %scan3A_99 : i32
      %add3A_159 = arith.constant 2 : i32
      %add3A_160 = arith.addi %mul3A_158, %add3A_159 : i32
      %ge3A_161 = arith.constant 2 : i32
      %ge3A_162 = arith.cmpi sge, %add3A_160, %ge3A_161 : i32
      %convert_element_type3A_163 = arith.extui %ge3A_162 : i1 to i32
      %cond3A_164 = arith.constant 0 : i32
      %cond3A_165 = arith.cmpi ne, %convert_element_type3A_163, %cond3A_164 : i32
      scf.if %cond3A_165 {
        %dma_wait3A_215 = arith.constant 0 : i32
        %dma_wait3A_216 = tpu.memref_slice %arg11[%dma_wait3A_215] : memref<640xf32, #tpu.memory_space<vmem>> -> memref<128xf32, #tpu.memory_space<vmem>>
        %dma_wait3A_217 = arith.constant 0 : i32
        %dma_wait3A_218 = tpu.memref_slice %arg6[%dma_wait3A_217] : memref<10000xf32, #tpu.memory_space<vmem_shared>> -> memref<10000xf32, #tpu.memory_space<vmem_shared>>
        tpu.wait_indirect_dma semaphore(%arg17 : memref<!tpu.dma_semaphore, #tpu.memory_space<semaphore_mem>>) src(%dma_wait3A_216 : memref<128xf32, #tpu.memory_space<vmem>>) dst(%dma_wait3A_218 : memref<10000xf32, #tpu.memory_space<vmem_shared>>)
      } else {
      }
      %mul3A_166 = arith.constant 16 : i32
      %mul3A_167 = arith.muli %add3A_160, %mul3A_166 : i32
      %add3A_168 = arith.addi %add3A, %mul3A_167 : i32
      %mul3A_169 = arith.constant 128 : i32
      %mul3A_170 = arith.muli %add3A_168, %mul3A_169 : i32
      %dma_wait3A_171 = tpu.memref_slice %arg2[%mul3A_170] : memref<160000xi32, #tpu.memory_space<hbm>> -> memref<128xi32, #tpu.memory_space<hbm>>
      %dma_wait3A_172 = tpu.memref_slice %arg2[%mul3A_170] : memref<160000xi32, #tpu.memory_space<hbm>> -> memref<128xi32, #tpu.memory_space<hbm>>
      tpu.wait_dma2 semaphore(%arg15 : memref<!tpu.dma_semaphore, #tpu.memory_space<semaphore_mem>>) src(%dma_wait3A_172 : memref<128xi32, #tpu.memory_space<hbm>>) dst(%arg9 : memref<128xi32, #tpu.memory_space<vmem>>)
      %dma_start3A_173 = arith.constant 0 : i32
      %dma_start3A_174 = tpu.memref_slice %arg11[%dma_start3A_173] : memref<640xf32, #tpu.memory_space<vmem>> -> memref<128xf32, #tpu.memory_space<vmem>>
      %dma_start3A_175 = arith.constant 0 : i32
      %dma_start3A_176 = tpu.memref_slice %arg6[%dma_start3A_175] : memref<10000xf32, #tpu.memory_space<vmem_shared>> -> memref<10000xf32, #tpu.memory_space<vmem_shared>>
      tpu.enqueue_indirect_dma source(%dma_start3A_174 : memref<128xf32, #tpu.memory_space<vmem>>) target(%dma_start3A_176 : memref<10000xf32, #tpu.memory_space<vmem_shared>>) offsets(%arg9 : memref<128xi32, #tpu.memory_space<vmem>>) semaphore(%arg17 : memref<!tpu.dma_semaphore, #tpu.memory_space<semaphore_mem>>) {add = true}
      %add3A_177 = arith.constant 2 : i32
      %add3A_178 = arith.addi %add3A_160, %add3A_177 : i32
      %mul3A_179 = arith.constant 16 : i32
      %mul3A_180 = arith.muli %add3A_178, %mul3A_179 : i32
      %add3A_181 = arith.addi %add3A, %mul3A_180 : i32
      %mul3A_182 = arith.constant 128 : i32
      %mul3A_183 = arith.muli %add3A_181, %mul3A_182 : i32
      %dma_start3A_184 = tpu.memref_slice %arg2[%mul3A_183] : memref<160000xi32, #tpu.memory_space<hbm>> -> memref<128xi32, #tpu.memory_space<hbm>>
      %dma_start3A_185 = tpu.memref_slice %arg2[%mul3A_183] : memref<160000xi32, #tpu.memory_space<hbm>> -> memref<128xi32, #tpu.memory_space<hbm>>
      tpu.enqueue_dma source(%dma_start3A_185 : memref<128xi32, #tpu.memory_space<hbm>>) target(%arg7 : memref<128xi32, #tpu.memory_space<vmem>>) target_semaphore(%arg13 : memref<!tpu.dma_semaphore, #tpu.memory_space<semaphore_mem>>)
      %mul3A_186 = arith.constant 4 : i32
      %mul3A_187 = arith.muli %mul3A_186, %scan3A_99 : i32
      %add3A_188 = arith.constant 3 : i32
      %add3A_189 = arith.addi %mul3A_187, %add3A_188 : i32
      %ge3A_190 = arith.constant 2 : i32
      %ge3A_191 = arith.cmpi sge, %add3A_189, %ge3A_190 : i32
      %convert_element_type3A_192 = arith.extui %ge3A_191 : i1 to i32
      %cond3A_193 = arith.constant 0 : i32
      %cond3A_194 = arith.cmpi ne, %convert_element_type3A_192, %cond3A_193 : i32
      scf.if %cond3A_194 {
        %dma_wait3A_215 = arith.constant 0 : i32
        %dma_wait3A_216 = tpu.memref_slice %arg11[%dma_wait3A_215] : memref<640xf32, #tpu.memory_space<vmem>> -> memref<128xf32, #tpu.memory_space<vmem>>
        %dma_wait3A_217 = arith.constant 0 : i32
        %dma_wait3A_218 = tpu.memref_slice %arg6[%dma_wait3A_217] : memref<10000xf32, #tpu.memory_space<vmem_shared>> -> memref<10000xf32, #tpu.memory_space<vmem_shared>>
        tpu.wait_indirect_dma semaphore(%arg18 : memref<!tpu.dma_semaphore, #tpu.memory_space<semaphore_mem>>) src(%dma_wait3A_216 : memref<128xf32, #tpu.memory_space<vmem>>) dst(%dma_wait3A_218 : memref<10000xf32, #tpu.memory_space<vmem_shared>>)
      } else {
      }
      %mul3A_195 = arith.constant 16 : i32
      %mul3A_196 = arith.muli %add3A_189, %mul3A_195 : i32
      %add3A_197 = arith.addi %add3A, %mul3A_196 : i32
      %mul3A_198 = arith.constant 128 : i32
      %mul3A_199 = arith.muli %add3A_197, %mul3A_198 : i32
      %dma_wait3A_200 = tpu.memref_slice %arg2[%mul3A_199] : memref<160000xi32, #tpu.memory_space<hbm>> -> memref<128xi32, #tpu.memory_space<hbm>>
      %dma_wait3A_201 = tpu.memref_slice %arg2[%mul3A_199] : memref<160000xi32, #tpu.memory_space<hbm>> -> memref<128xi32, #tpu.memory_space<hbm>>
      tpu.wait_dma2 semaphore(%arg16 : memref<!tpu.dma_semaphore, #tpu.memory_space<semaphore_mem>>) src(%dma_wait3A_201 : memref<128xi32, #tpu.memory_space<hbm>>) dst(%arg10 : memref<128xi32, #tpu.memory_space<vmem>>)
      %dma_start3A_202 = arith.constant 0 : i32
      %dma_start3A_203 = tpu.memref_slice %arg11[%dma_start3A_202] : memref<640xf32, #tpu.memory_space<vmem>> -> memref<128xf32, #tpu.memory_space<vmem>>
      %dma_start3A_204 = arith.constant 0 : i32
      %dma_start3A_205 = tpu.memref_slice %arg6[%dma_start3A_204] : memref<10000xf32, #tpu.memory_space<vmem_shared>> -> memref<10000xf32, #tpu.memory_space<vmem_shared>>
      tpu.enqueue_indirect_dma source(%dma_start3A_203 : memref<128xf32, #tpu.memory_space<vmem>>) target(%dma_start3A_205 : memref<10000xf32, #tpu.memory_space<vmem_shared>>) offsets(%arg10 : memref<128xi32, #tpu.memory_space<vmem>>) semaphore(%arg18 : memref<!tpu.dma_semaphore, #tpu.memory_space<semaphore_mem>>) {add = true}
      %add3A_206 = arith.constant 2 : i32
      %add3A_207 = arith.addi %add3A_189, %add3A_206 : i32
      %mul3A_208 = arith.constant 16 : i32
      %mul3A_209 = arith.muli %add3A_207, %mul3A_208 : i32
      %add3A_210 = arith.addi %add3A, %mul3A_209 : i32
      %mul3A_211 = arith.constant 128 : i32
      %mul3A_212 = arith.muli %add3A_210, %mul3A_211 : i32
      %dma_start3A_213 = tpu.memref_slice %arg2[%mul3A_212] : memref<160000xi32, #tpu.memory_space<hbm>> -> memref<128xi32, #tpu.memory_space<hbm>>
      %dma_start3A_214 = tpu.memref_slice %arg2[%mul3A_212] : memref<160000xi32, #tpu.memory_space<hbm>> -> memref<128xi32, #tpu.memory_space<hbm>>
      tpu.enqueue_dma source(%dma_start3A_214 : memref<128xi32, #tpu.memory_space<hbm>>) target(%arg8 : memref<128xi32, #tpu.memory_space<vmem>>) target_semaphore(%arg14 : memref<!tpu.dma_semaphore, #tpu.memory_space<semaphore_mem>>)
    }
    %scan3A_22 = arith.constant 9 : i32
    %dma_wait3A = arith.constant 0 : i32
    %dma_wait3A_23 = tpu.memref_slice %arg11[%dma_wait3A] : memref<640xf32, #tpu.memory_space<vmem>> -> memref<128xf32, #tpu.memory_space<vmem>>
    %dma_wait3A_24 = arith.constant 0 : i32
    %dma_wait3A_25 = tpu.memref_slice %arg6[%dma_wait3A_24] : memref<10000xf32, #tpu.memory_space<vmem_shared>> -> memref<10000xf32, #tpu.memory_space<vmem_shared>>
    tpu.wait_indirect_dma semaphore(%arg17 : memref<!tpu.dma_semaphore, #tpu.memory_space<semaphore_mem>>) src(%dma_wait3A_23 : memref<128xf32, #tpu.memory_space<vmem>>) dst(%dma_wait3A_25 : memref<10000xf32, #tpu.memory_space<vmem_shared>>)
    %add3A_26 = arith.constant 576 : i32
    %add3A_27 = arith.addi %add3A, %add3A_26 : i32
    %mul3A_28 = arith.constant 128 : i32
    %mul3A_29 = arith.muli %add3A_27, %mul3A_28 : i32
    %dma_wait3A_30 = tpu.memref_slice %arg2[%mul3A_29] : memref<160000xi32, #tpu.memory_space<hbm>> -> memref<128xi32, #tpu.memory_space<hbm>>
    %dma_wait3A_31 = tpu.memref_slice %arg2[%mul3A_29] : memref<160000xi32, #tpu.memory_space<hbm>> -> memref<128xi32, #tpu.memory_space<hbm>>
    tpu.wait_dma2 semaphore(%arg13 : memref<!tpu.dma_semaphore, #tpu.memory_space<semaphore_mem>>) src(%dma_wait3A_31 : memref<128xi32, #tpu.memory_space<hbm>>) dst(%arg7 : memref<128xi32, #tpu.memory_space<vmem>>)
    %dma_start3A_32 = arith.constant 0 : i32
    %dma_start3A_33 = tpu.memref_slice %arg11[%dma_start3A_32] : memref<640xf32, #tpu.memory_space<vmem>> -> memref<128xf32, #tpu.memory_space<vmem>>
    %dma_start3A_34 = arith.constant 0 : i32
    %dma_start3A_35 = tpu.memref_slice %arg6[%dma_start3A_34] : memref<10000xf32, #tpu.memory_space<vmem_shared>> -> memref<10000xf32, #tpu.memory_space<vmem_shared>>
    tpu.enqueue_indirect_dma source(%dma_start3A_33 : memref<128xf32, #tpu.memory_space<vmem>>) target(%dma_start3A_35 : memref<10000xf32, #tpu.memory_space<vmem_shared>>) offsets(%arg7 : memref<128xi32, #tpu.memory_space<vmem>>) semaphore(%arg17 : memref<!tpu.dma_semaphore, #tpu.memory_space<semaphore_mem>>) {add = true}
    %add3A_36 = arith.constant 608 : i32
    %add3A_37 = arith.addi %add3A, %add3A_36 : i32
    %mul3A_38 = arith.constant 128 : i32
    %mul3A_39 = arith.muli %add3A_37, %mul3A_38 : i32
    %dma_start3A_40 = tpu.memref_slice %arg2[%mul3A_39] : memref<160000xi32, #tpu.memory_space<hbm>> -> memref<128xi32, #tpu.memory_space<hbm>>
    %dma_start3A_41 = tpu.memref_slice %arg2[%mul3A_39] : memref<160000xi32, #tpu.memory_space<hbm>> -> memref<128xi32, #tpu.memory_space<hbm>>
    tpu.enqueue_dma source(%dma_start3A_41 : memref<128xi32, #tpu.memory_space<hbm>>) target(%arg9 : memref<128xi32, #tpu.memory_space<vmem>>) target_semaphore(%arg15 : memref<!tpu.dma_semaphore, #tpu.memory_space<semaphore_mem>>)
    %dma_wait3A_42 = arith.constant 0 : i32
    %dma_wait3A_43 = tpu.memref_slice %arg11[%dma_wait3A_42] : memref<640xf32, #tpu.memory_space<vmem>> -> memref<128xf32, #tpu.memory_space<vmem>>
    %dma_wait3A_44 = arith.constant 0 : i32
    %dma_wait3A_45 = tpu.memref_slice %arg6[%dma_wait3A_44] : memref<10000xf32, #tpu.memory_space<vmem_shared>> -> memref<10000xf32, #tpu.memory_space<vmem_shared>>
    tpu.wait_indirect_dma semaphore(%arg18 : memref<!tpu.dma_semaphore, #tpu.memory_space<semaphore_mem>>) src(%dma_wait3A_43 : memref<128xf32, #tpu.memory_space<vmem>>) dst(%dma_wait3A_45 : memref<10000xf32, #tpu.memory_space<vmem_shared>>)
    %add3A_46 = arith.constant 592 : i32
    %add3A_47 = arith.addi %add3A, %add3A_46 : i32
    %mul3A_48 = arith.constant 128 : i32
    %mul3A_49 = arith.muli %add3A_47, %mul3A_48 : i32
    %dma_wait3A_50 = tpu.memref_slice %arg2[%mul3A_49] : memref<160000xi32, #tpu.memory_space<hbm>> -> memref<128xi32, #tpu.memory_space<hbm>>
    %dma_wait3A_51 = tpu.memref_slice %arg2[%mul3A_49] : memref<160000xi32, #tpu.memory_space<hbm>> -> memref<128xi32, #tpu.memory_space<hbm>>
    tpu.wait_dma2 semaphore(%arg14 : memref<!tpu.dma_semaphore, #tpu.memory_space<semaphore_mem>>) src(%dma_wait3A_51 : memref<128xi32, #tpu.memory_space<hbm>>) dst(%arg8 : memref<128xi32, #tpu.memory_space<vmem>>)
    %dma_start3A_52 = arith.constant 0 : i32
    %dma_start3A_53 = tpu.memref_slice %arg11[%dma_start3A_52] : memref<640xf32, #tpu.memory_space<vmem>> -> memref<128xf32, #tpu.memory_space<vmem>>
    %dma_start3A_54 = arith.constant 0 : i32
    %dma_start3A_55 = tpu.memref_slice %arg6[%dma_start3A_54] : memref<10000xf32, #tpu.memory_space<vmem_shared>> -> memref<10000xf32, #tpu.memory_space<vmem_shared>>
    tpu.enqueue_indirect_dma source(%dma_start3A_53 : memref<128xf32, #tpu.memory_space<vmem>>) target(%dma_start3A_55 : memref<10000xf32, #tpu.memory_space<vmem_shared>>) offsets(%arg8 : memref<128xi32, #tpu.memory_space<vmem>>) semaphore(%arg18 : memref<!tpu.dma_semaphore, #tpu.memory_space<semaphore_mem>>) {add = true}
    %dma_wait3A_56 = arith.constant 0 : i32
    %dma_wait3A_57 = tpu.memref_slice %arg11[%dma_wait3A_56] : memref<640xf32, #tpu.memory_space<vmem>> -> memref<128xf32, #tpu.memory_space<vmem>>
    %dma_wait3A_58 = arith.constant 0 : i32
    %dma_wait3A_59 = tpu.memref_slice %arg6[%dma_wait3A_58] : memref<10000xf32, #tpu.memory_space<vmem_shared>> -> memref<10000xf32, #tpu.memory_space<vmem_shared>>
    tpu.wait_indirect_dma semaphore(%arg17 : memref<!tpu.dma_semaphore, #tpu.memory_space<semaphore_mem>>) src(%dma_wait3A_57 : memref<128xf32, #tpu.memory_space<vmem>>) dst(%dma_wait3A_59 : memref<10000xf32, #tpu.memory_space<vmem_shared>>)
    %add3A_60 = arith.constant 608 : i32
    %add3A_61 = arith.addi %add3A, %add3A_60 : i32
    %mul3A_62 = arith.constant 128 : i32
    %mul3A_63 = arith.muli %add3A_61, %mul3A_62 : i32
    %dma_wait3A_64 = tpu.memref_slice %arg2[%mul3A_63] : memref<160000xi32, #tpu.memory_space<hbm>> -> memref<128xi32, #tpu.memory_space<hbm>>
    %dma_wait3A_65 = tpu.memref_slice %arg2[%mul3A_63] : memref<160000xi32, #tpu.memory_space<hbm>> -> memref<128xi32, #tpu.memory_space<hbm>>
    tpu.wait_dma2 semaphore(%arg15 : memref<!tpu.dma_semaphore, #tpu.memory_space<semaphore_mem>>) src(%dma_wait3A_65 : memref<128xi32, #tpu.memory_space<hbm>>) dst(%arg9 : memref<128xi32, #tpu.memory_space<vmem>>)
    %dma_start3A_66 = arith.constant 0 : i32
    %dma_start3A_67 = tpu.memref_slice %arg11[%dma_start3A_66] : memref<640xf32, #tpu.memory_space<vmem>> -> memref<128xf32, #tpu.memory_space<vmem>>
    %dma_start3A_68 = arith.constant 0 : i32
    %dma_start3A_69 = tpu.memref_slice %arg6[%dma_start3A_68] : memref<10000xf32, #tpu.memory_space<vmem_shared>> -> memref<10000xf32, #tpu.memory_space<vmem_shared>>
    tpu.enqueue_indirect_dma source(%dma_start3A_67 : memref<128xf32, #tpu.memory_space<vmem>>) target(%dma_start3A_69 : memref<10000xf32, #tpu.memory_space<vmem_shared>>) offsets(%arg9 : memref<128xi32, #tpu.memory_space<vmem>>) semaphore(%arg17 : memref<!tpu.dma_semaphore, #tpu.memory_space<semaphore_mem>>) {add = true}
    %dma_wait3A_70 = arith.constant 0 : i32
    %dma_wait3A_71 = tpu.memref_slice %arg11[%dma_wait3A_70] : memref<640xf32, #tpu.memory_space<vmem>> -> memref<128xf32, #tpu.memory_space<vmem>>
    %dma_wait3A_72 = arith.constant 0 : i32
    %dma_wait3A_73 = tpu.memref_slice %arg6[%dma_wait3A_72] : memref<10000xf32, #tpu.memory_space<vmem_shared>> -> memref<10000xf32, #tpu.memory_space<vmem_shared>>
    tpu.wait_indirect_dma semaphore(%arg18 : memref<!tpu.dma_semaphore, #tpu.memory_space<semaphore_mem>>) src(%dma_wait3A_71 : memref<128xf32, #tpu.memory_space<vmem>>) dst(%dma_wait3A_73 : memref<10000xf32, #tpu.memory_space<vmem_shared>>)
    %dma_wait3A_74 = arith.constant 0 : i32
    %dma_wait3A_75 = tpu.memref_slice %arg11[%dma_wait3A_74] : memref<640xf32, #tpu.memory_space<vmem>> -> memref<128xf32, #tpu.memory_space<vmem>>
    %dma_wait3A_76 = arith.constant 0 : i32
    %dma_wait3A_77 = tpu.memref_slice %arg6[%dma_wait3A_76] : memref<10000xf32, #tpu.memory_space<vmem_shared>> -> memref<10000xf32, #tpu.memory_space<vmem_shared>>
    tpu.wait_indirect_dma semaphore(%arg17 : memref<!tpu.dma_semaphore, #tpu.memory_space<semaphore_mem>>) src(%dma_wait3A_75 : memref<128xf32, #tpu.memory_space<vmem>>) dst(%dma_wait3A_77 : memref<10000xf32, #tpu.memory_space<vmem_shared>>)
    %eq3A_78 = arith.constant 0 : i32
    %eq3A_79 = arith.cmpi eq, %arg1, %eq3A_78 : i32
    %convert_element_type3A_80 = arith.extui %eq3A_79 : i1 to i32
    %cond3A_81 = arith.constant 0 : i32
    %cond3A_82 = arith.cmpi ne, %convert_element_type3A_80, %cond3A_81 : i32
    scf.if %cond3A_82 {
      %mul3A_99 = arith.constant 625 : i32
      %mul3A_100 = arith.muli %arg0, %mul3A_99 : i32
      %add3A_101 = arith.constant 624 : i32
      %add3A_102 = arith.addi %mul3A_100, %add3A_101 : i32
      %mul3A_103 = arith.constant 128 : i32
      %mul3A_104 = arith.muli %add3A_102, %mul3A_103 : i32
      "tpu.region"() ({
        %run_scoped3A = tpu.sem_alloc : memref<!tpu.dma_semaphore, #tpu.memory_space<semaphore_mem>>
        %dma_start3A_105 = tpu.memref_slice %arg2[%mul3A_104] : memref<160000xi32, #tpu.memory_space<hbm>> -> memref<128xi32, #tpu.memory_space<hbm>>
        %dma_start3A_106 = tpu.memref_slice %arg2[%mul3A_104] : memref<160000xi32, #tpu.memory_space<hbm>> -> memref<128xi32, #tpu.memory_space<hbm>>
        tpu.enqueue_dma source(%dma_start3A_106 : memref<128xi32, #tpu.memory_space<hbm>>) target(%arg10 : memref<128xi32, #tpu.memory_space<vmem>>) target_semaphore(%run_scoped3A : memref<!tpu.dma_semaphore, #tpu.memory_space<semaphore_mem>>)
        %dma_wait3A_107 = tpu.memref_slice %arg2[%mul3A_104] : memref<160000xi32, #tpu.memory_space<hbm>> -> memref<128xi32, #tpu.memory_space<hbm>>
        %dma_wait3A_108 = tpu.memref_slice %arg2[%mul3A_104] : memref<160000xi32, #tpu.memory_space<hbm>> -> memref<128xi32, #tpu.memory_space<hbm>>
        tpu.wait_dma2 semaphore(%run_scoped3A : memref<!tpu.dma_semaphore, #tpu.memory_space<semaphore_mem>>) src(%dma_wait3A_108 : memref<128xi32, #tpu.memory_space<hbm>>) dst(%arg10 : memref<128xi32, #tpu.memory_space<vmem>>)
        tpu.yield
      }) : () -> ()
      "tpu.region"() ({
        %run_scoped3A = tpu.sem_alloc : memref<!tpu.dma_semaphore, #tpu.memory_space<semaphore_mem>>
        %dma_start3A_105 = arith.constant 0 : i32
        %dma_start3A_106 = tpu.memref_slice %arg11[%dma_start3A_105] : memref<640xf32, #tpu.memory_space<vmem>> -> memref<128xf32, #tpu.memory_space<vmem>>
        %dma_start3A_107 = arith.constant 0 : i32
        %dma_start3A_108 = tpu.memref_slice %arg6[%dma_start3A_107] : memref<10000xf32, #tpu.memory_space<vmem_shared>> -> memref<10000xf32, #tpu.memory_space<vmem_shared>>
        tpu.enqueue_indirect_dma source(%dma_start3A_106 : memref<128xf32, #tpu.memory_space<vmem>>) target(%dma_start3A_108 : memref<10000xf32, #tpu.memory_space<vmem_shared>>) offsets(%arg10 : memref<128xi32, #tpu.memory_space<vmem>>) semaphore(%run_scoped3A : memref<!tpu.dma_semaphore, #tpu.memory_space<semaphore_mem>>) {add = true}
        %dma_wait3A_109 = arith.constant 0 : i32
        %dma_wait3A_110 = tpu.memref_slice %arg11[%dma_wait3A_109] : memref<640xf32, #tpu.memory_space<vmem>> -> memref<128xf32, #tpu.memory_space<vmem>>
        %dma_wait3A_111 = arith.constant 0 : i32
        %dma_wait3A_112 = tpu.memref_slice %arg6[%dma_wait3A_111] : memref<10000xf32, #tpu.memory_space<vmem_shared>> -> memref<10000xf32, #tpu.memory_space<vmem_shared>>
        tpu.wait_indirect_dma semaphore(%run_scoped3A : memref<!tpu.dma_semaphore, #tpu.memory_space<semaphore_mem>>) src(%dma_wait3A_110 : memref<128xf32, #tpu.memory_space<vmem>>) dst(%dma_wait3A_112 : memref<10000xf32, #tpu.memory_space<vmem_shared>>)
        tpu.yield
      }) : () -> ()
    } else {
    }
    %barrier3A_83 = arith.constant 0 : index
    tpu.barrier barrier_id(%barrier3A_83)
    %eq3A_84 = arith.constant 0 : i32
    %eq3A_85 = arith.cmpi eq, %arg0, %eq3A_84 : i32
    %eq3A_86 = arith.constant 0 : i32
    %eq3A_87 = arith.cmpi eq, %arg1, %eq3A_86 : i32
    %and3A = arith.andi %eq3A_85, %eq3A_87 : i1
    %convert_element_type3A_88 = arith.extui %and3A : i1 to i32
    %cond3A_89 = arith.constant 0 : i32
    %cond3A_90 = arith.cmpi ne, %convert_element_type3A_88, %cond3A_89 : i32
    scf.if %cond3A_90 {
      "tpu.region"() ({
        %run_scoped3A = tpu.sem_alloc : memref<!tpu.dma_semaphore, #tpu.memory_space<semaphore_mem>>
        tpu.enqueue_dma source(%arg6 : memref<10000xf32, #tpu.memory_space<vmem_shared>>) target(%arg12 : memref<10000xf32, #tpu.memory_space<vmem>>) target_semaphore(%run_scoped3A : memref<!tpu.dma_semaphore, #tpu.memory_space<semaphore_mem>>)
        tpu.wait_dma2 semaphore(%run_scoped3A : memref<!tpu.dma_semaphore, #tpu.memory_space<semaphore_mem>>) src(%arg6 : memref<10000xf32, #tpu.memory_space<vmem_shared>>) dst(%arg12 : memref<10000xf32, #tpu.memory_space<vmem>>)
        tpu.yield
      }) : () -> ()
      "tpu.region"() ({
        %run_scoped3A = tpu.sem_alloc : memref<!tpu.dma_semaphore, #tpu.memory_space<semaphore_mem>>
        tpu.enqueue_dma source(%arg12 : memref<10000xf32, #tpu.memory_space<vmem>>) target(%arg4 : memref<10000xf32, #tpu.memory_space<hbm>>) target_semaphore(%run_scoped3A : memref<!tpu.dma_semaphore, #tpu.memory_space<semaphore_mem>>)
        tpu.wait_dma2 semaphore(%run_scoped3A : memref<!tpu.dma_semaphore, #tpu.memory_space<semaphore_mem>>) src(%arg12 : memref<10000xf32, #tpu.memory_space<vmem>>) dst(%arg4 : memref<10000xf32, #tpu.memory_space<hbm>>)
        tpu.yield
      }) : () -> ()
    } else {
    }
    %eq3A_91 = arith.constant 1 : i32
    %eq3A_92 = arith.cmpi eq, %arg0, %eq3A_91 : i32
    %eq3A_93 = arith.constant 0 : i32
    %eq3A_94 = arith.cmpi eq, %arg1, %eq3A_93 : i32
    %and3A_95 = arith.andi %eq3A_92, %eq3A_94 : i1
    %convert_element_type3A_96 = arith.extui %and3A_95 : i1 to i32
    %cond3A_97 = arith.constant 0 : i32
    %cond3A_98 = arith.cmpi ne, %convert_element_type3A_96, %cond3A_97 : i32
    scf.if %cond3A_98 {
      "tpu.region"() ({
        %run_scoped3A = tpu.sem_alloc : memref<!tpu.dma_semaphore, #tpu.memory_space<semaphore_mem>>
        tpu.enqueue_dma source(%arg6 : memref<10000xf32, #tpu.memory_space<vmem_shared>>) target(%arg12 : memref<10000xf32, #tpu.memory_space<vmem>>) target_semaphore(%run_scoped3A : memref<!tpu.dma_semaphore, #tpu.memory_space<semaphore_mem>>)
        tpu.wait_dma2 semaphore(%run_scoped3A : memref<!tpu.dma_semaphore, #tpu.memory_space<semaphore_mem>>) src(%arg6 : memref<10000xf32, #tpu.memory_space<vmem_shared>>) dst(%arg12 : memref<10000xf32, #tpu.memory_space<vmem>>)
        tpu.yield
      }) : () -> ()
      "tpu.region"() ({
        %run_scoped3A = tpu.sem_alloc : memref<!tpu.dma_semaphore, #tpu.memory_space<semaphore_mem>>
        tpu.enqueue_dma source(%arg12 : memref<10000xf32, #tpu.memory_space<vmem>>) target(%arg5 : memref<10000xf32, #tpu.memory_space<hbm>>) target_semaphore(%run_scoped3A : memref<!tpu.dma_semaphore, #tpu.memory_space<semaphore_mem>>)
        tpu.wait_dma2 semaphore(%run_scoped3A : memref<!tpu.dma_semaphore, #tpu.memory_space<semaphore_mem>>) src(%arg12 : memref<10000xf32, #tpu.memory_space<vmem>>) dst(%arg5 : memref<10000xf32, #tpu.memory_space<hbm>>)
        tpu.yield
      }) : () -> ()
    } else {
    }
    return
  }
}

#map = affine_map<(d0, d1) -> (0, 0)>
#map1 = affine_map<(d0, d1) -> (0)>
module attributes {stable_mosaic.version = 14 : i64} {
  func.func @_agg_kernel(%arg0: i32, %arg1: i32, %arg2: memref<10000x128xf32, #tpu.memory_space<hbm>>, %arg3: memref<10000x128xf32, #tpu.memory_space<hbm>>, %arg4: memref<160000xi32, #tpu.memory_space<hbm>>, %arg5: memref<160000xi32, #tpu.memory_space<hbm>>, %arg6: memref<10000x128xf32, #tpu.memory_space<hbm>>, %arg7: memref<10000x128xf32, #tpu.memory_space<hbm>>, %arg8: memref<10000x128xf32, #tpu.memory_space<vmem_shared>>, %arg9: memref<128xi32, #tpu.memory_space<vmem>>, %arg10: memref<128xi32, #tpu.memory_space<vmem>>, %arg11: memref<128xi32, #tpu.memory_space<vmem>>, %arg12: memref<128xi32, #tpu.memory_space<vmem>>, %arg13: memref<128x128xf32, #tpu.memory_space<vmem>>, %arg14: memref<128x128xf32, #tpu.memory_space<vmem>>, %arg15: memref<!tpu.dma_semaphore, #tpu.memory_space<semaphore_mem>>, %arg16: memref<!tpu.dma_semaphore, #tpu.memory_space<semaphore_mem>>, %arg17: memref<!tpu.dma_semaphore, #tpu.memory_space<semaphore_mem>>, %arg18: memref<!tpu.dma_semaphore, #tpu.memory_space<semaphore_mem>>, %arg19: memref<!tpu.dma_semaphore, #tpu.memory_space<semaphore_mem>>, %arg20: memref<!tpu.dma_semaphore, #tpu.memory_space<semaphore_mem>>, %arg21: memref<!tpu.dma_semaphore, #tpu.memory_space<semaphore_mem>>, %arg22: memref<!tpu.dma_semaphore, #tpu.memory_space<semaphore_mem>>) attributes {dimension_semantics = [#tpu.dimension_semantics<core_parallel>, #tpu.dimension_semantics<subcore_parallel>], iteration_bounds = array<i64: 2, 16>, scalar_prefetch = 0 : i64, scratch_operands = 15 : i64, tpu.core_type = #tpu.core_type<sc_vector_subcore>, window_params = [{transform_indices = #map}, {transform_indices = #map}, {transform_indices = #map1}, {transform_indices = #map1}, {transform_indices = #map}, {transform_indices = #map}]} {
    %eq3A = arith.constant 0 : i32
    %eq3A_0 = arith.cmpi eq, %arg0, %eq3A : i32
    %convert_element_type3A = arith.extui %eq3A_0 : i1 to i32
    %cond3A = arith.constant 0 : i32
    %cond3A_1 = arith.cmpi ne, %convert_element_type3A, %cond3A : i32
    scf.if %cond3A_1 {
      %lt3A = arith.constant 15 : i32
      %lt3A_7 = arith.cmpi slt, %arg1, %lt3A : i32
      %convert_element_type3A_8 = arith.extui %lt3A_7 : i1 to i32
      %cond3A_9 = arith.constant 0 : i32
      %cond3A_10 = arith.cmpi ne, %convert_element_type3A_8, %cond3A_9 : i32
      scf.if %cond3A_10 {
        %mul3A_57 = arith.constant 624 : i32
        %mul3A_58 = arith.muli %arg1, %mul3A_57 : i32
        %mul3A_59 = arith.constant 624 : i32
        %mul3A_60 = arith.muli %arg1, %mul3A_59 : i32
        "tpu.region"() ({
          %run_scoped3A = tpu.sem_alloc : memref<!tpu.dma_semaphore, #tpu.memory_space<semaphore_mem>>
          %dma_start3A_61 = arith.constant 0 : i32
          %dma_start3A_62 = tpu.memref_slice %arg8[%mul3A_60, %dma_start3A_61] : memref<10000x128xf32, #tpu.memory_space<vmem_shared>> -> memref<624x128xf32, #tpu.memory_space<vmem_shared>>
          %dma_start3A_63 = arith.constant 0 : i32
          %dma_start3A_64 = tpu.memref_slice %arg2[%mul3A_58, %dma_start3A_63] : memref<10000x128xf32, #tpu.memory_space<hbm>> -> memref<624x128xf32, #tpu.memory_space<hbm>>
          tpu.enqueue_dma source(%dma_start3A_64 : memref<624x128xf32, #tpu.memory_space<hbm>>) target(%dma_start3A_62 : memref<624x128xf32, #tpu.memory_space<vmem_shared>>) target_semaphore(%run_scoped3A : memref<!tpu.dma_semaphore, #tpu.memory_space<semaphore_mem>>)
          %dma_wait3A_65 = arith.constant 0 : i32
          %dma_wait3A_66 = tpu.memref_slice %arg8[%mul3A_60, %dma_wait3A_65] : memref<10000x128xf32, #tpu.memory_space<vmem_shared>> -> memref<624x128xf32, #tpu.memory_space<vmem_shared>>
          %dma_wait3A_67 = arith.constant 0 : i32
          %dma_wait3A_68 = tpu.memref_slice %arg2[%mul3A_58, %dma_wait3A_67] : memref<10000x128xf32, #tpu.memory_space<hbm>> -> memref<624x128xf32, #tpu.memory_space<hbm>>
          tpu.wait_dma2 semaphore(%run_scoped3A : memref<!tpu.dma_semaphore, #tpu.memory_space<semaphore_mem>>) src(%dma_wait3A_68 : memref<624x128xf32, #tpu.memory_space<hbm>>) dst(%dma_wait3A_66 : memref<624x128xf32, #tpu.memory_space<vmem_shared>>)
          tpu.yield
        }) : () -> ()
      } else {
      }
      %eq3A_11 = arith.constant 15 : i32
      %eq3A_12 = arith.cmpi eq, %arg1, %eq3A_11 : i32
      %convert_element_type3A_13 = arith.extui %eq3A_12 : i1 to i32
      %cond3A_14 = arith.constant 0 : i32
      %cond3A_15 = arith.cmpi ne, %convert_element_type3A_13, %cond3A_14 : i32
      scf.if %cond3A_15 {
        "tpu.region"() ({
          %run_scoped3A = tpu.sem_alloc : memref<!tpu.dma_semaphore, #tpu.memory_space<semaphore_mem>>
          %dma_start3A_57 = arith.constant 9360 : i32
          %dma_start3A_58 = arith.constant 0 : i32
          %dma_start3A_59 = tpu.memref_slice %arg8[%dma_start3A_57, %dma_start3A_58] : memref<10000x128xf32, #tpu.memory_space<vmem_shared>> -> memref<640x128xf32, #tpu.memory_space<vmem_shared>>
          %dma_start3A_60 = arith.constant 9360 : i32
          %dma_start3A_61 = arith.constant 0 : i32
          %dma_start3A_62 = tpu.memref_slice %arg2[%dma_start3A_60, %dma_start3A_61] : memref<10000x128xf32, #tpu.memory_space<hbm>> -> memref<640x128xf32, #tpu.memory_space<hbm>>
          tpu.enqueue_dma source(%dma_start3A_62 : memref<640x128xf32, #tpu.memory_space<hbm>>) target(%dma_start3A_59 : memref<640x128xf32, #tpu.memory_space<vmem_shared>>) target_semaphore(%run_scoped3A : memref<!tpu.dma_semaphore, #tpu.memory_space<semaphore_mem>>)
          %dma_wait3A_63 = arith.constant 9360 : i32
          %dma_wait3A_64 = arith.constant 0 : i32
          %dma_wait3A_65 = tpu.memref_slice %arg8[%dma_wait3A_63, %dma_wait3A_64] : memref<10000x128xf32, #tpu.memory_space<vmem_shared>> -> memref<640x128xf32, #tpu.memory_space<vmem_shared>>
          %dma_wait3A_66 = arith.constant 9360 : i32
          %dma_wait3A_67 = arith.constant 0 : i32
          %dma_wait3A_68 = tpu.memref_slice %arg2[%dma_wait3A_66, %dma_wait3A_67] : memref<10000x128xf32, #tpu.memory_space<hbm>> -> memref<640x128xf32, #tpu.memory_space<hbm>>
          tpu.wait_dma2 semaphore(%run_scoped3A : memref<!tpu.dma_semaphore, #tpu.memory_space<semaphore_mem>>) src(%dma_wait3A_68 : memref<640x128xf32, #tpu.memory_space<hbm>>) dst(%dma_wait3A_65 : memref<640x128xf32, #tpu.memory_space<vmem_shared>>)
          tpu.yield
        }) : () -> ()
      } else {
      }
      %barrier3A = arith.constant 0 : index
      tpu.barrier barrier_id(%barrier3A)
      %add3A = arith.constant 0 : i32
      %add3A_16 = arith.addi %arg1, %add3A : i32
      %mul3A = arith.constant 128 : i32
      %mul3A_17 = arith.muli %add3A_16, %mul3A : i32
      %dma_start3A = tpu.memref_slice %arg4[%mul3A_17] : memref<160000xi32, #tpu.memory_space<hbm>> -> memref<128xi32, #tpu.memory_space<hbm>>
      %dma_start3A_18 = tpu.memref_slice %arg4[%mul3A_17] : memref<160000xi32, #tpu.memory_space<hbm>> -> memref<128xi32, #tpu.memory_space<hbm>>
      tpu.enqueue_dma source(%dma_start3A_18 : memref<128xi32, #tpu.memory_space<hbm>>) target(%arg9 : memref<128xi32, #tpu.memory_space<vmem>>) target_semaphore(%arg15 : memref<!tpu.dma_semaphore, #tpu.memory_space<semaphore_mem>>)
      %scan3A = arith.constant 0 : i32
      %scan3A_19 = arith.constant 0 : i32
      %scan3A_20 = arith.constant 39 : i32
      %scan3A_21 = arith.addi %scan3A_19, %scan3A_20 : i32
      %scan3A_22 = arith.constant 1 : i32
      scf.for %scan3A_57 = %scan3A_19 to %scan3A_21 step %scan3A_22  : i32 {
        %mul3A_58 = arith.constant 2 : i32
        %mul3A_59 = arith.muli %mul3A_58, %scan3A_57 : i32
        %ge3A = arith.constant 2 : i32
        %ge3A_60 = arith.cmpi sge, %mul3A_59, %ge3A : i32
        %convert_element_type3A_61 = arith.extui %ge3A_60 : i1 to i32
        %cond3A_62 = arith.constant 0 : i32
        %cond3A_63 = arith.cmpi ne, %convert_element_type3A_61, %cond3A_62 : i32
        scf.if %cond3A_63 {
          %dma_wait3A_141 = arith.constant 0 : i32
          %dma_wait3A_142 = arith.constant 0 : i32
          %dma_wait3A_143 = tpu.memref_slice %arg8[%dma_wait3A_141, %dma_wait3A_142] : memref<10000x128xf32, #tpu.memory_space<vmem_shared>> -> memref<10000x128xf32, #tpu.memory_space<vmem_shared>>
          tpu.wait_indirect_dma semaphore(%arg21 : memref<!tpu.dma_semaphore, #tpu.memory_space<semaphore_mem>>) src(%arg13 : memref<128x128xf32, #tpu.memory_space<vmem>>) dst(%dma_wait3A_143 : memref<10000x128xf32, #tpu.memory_space<vmem_shared>>)
        } else {
        }
        %mul3A_64 = arith.constant 16 : i32
        %mul3A_65 = arith.muli %mul3A_59, %mul3A_64 : i32
        %add3A_66 = arith.addi %arg1, %mul3A_65 : i32
        %mul3A_67 = arith.constant 128 : i32
        %mul3A_68 = arith.muli %add3A_66, %mul3A_67 : i32
        %dma_start3A_69 = tpu.memref_slice %arg5[%mul3A_68] : memref<160000xi32, #tpu.memory_space<hbm>> -> memref<128xi32, #tpu.memory_space<hbm>>
        %dma_start3A_70 = tpu.memref_slice %arg5[%mul3A_68] : memref<160000xi32, #tpu.memory_space<hbm>> -> memref<128xi32, #tpu.memory_space<hbm>>
        tpu.enqueue_dma source(%dma_start3A_70 : memref<128xi32, #tpu.memory_space<hbm>>) target(%arg11 : memref<128xi32, #tpu.memory_space<vmem>>) target_semaphore(%arg17 : memref<!tpu.dma_semaphore, #tpu.memory_space<semaphore_mem>>)
        %mul3A_71 = arith.constant 16 : i32
        %mul3A_72 = arith.muli %mul3A_59, %mul3A_71 : i32
        %add3A_73 = arith.addi %arg1, %mul3A_72 : i32
        %mul3A_74 = arith.constant 128 : i32
        %mul3A_75 = arith.muli %add3A_73, %mul3A_74 : i32
        %dma_wait3A_76 = tpu.memref_slice %arg4[%mul3A_75] : memref<160000xi32, #tpu.memory_space<hbm>> -> memref<128xi32, #tpu.memory_space<hbm>>
        %dma_wait3A_77 = tpu.memref_slice %arg4[%mul3A_75] : memref<160000xi32, #tpu.memory_space<hbm>> -> memref<128xi32, #tpu.memory_space<hbm>>
        tpu.wait_dma2 semaphore(%arg15 : memref<!tpu.dma_semaphore, #tpu.memory_space<semaphore_mem>>) src(%dma_wait3A_77 : memref<128xi32, #tpu.memory_space<hbm>>) dst(%arg9 : memref<128xi32, #tpu.memory_space<vmem>>)
        %dma_start3A_78 = arith.constant 0 : i32
        %dma_start3A_79 = arith.constant 0 : i32
        %dma_start3A_80 = tpu.memref_slice %arg2[%dma_start3A_78, %dma_start3A_79] : memref<10000x128xf32, #tpu.memory_space<hbm>> -> memref<10000x128xf32, #tpu.memory_space<hbm>>
        tpu.enqueue_indirect_dma source(%dma_start3A_80 : memref<10000x128xf32, #tpu.memory_space<hbm>>) target(%arg13 : memref<128x128xf32, #tpu.memory_space<vmem>>) offsets(%arg9 : memref<128xi32, #tpu.memory_space<vmem>>) semaphore(%arg19 : memref<!tpu.dma_semaphore, #tpu.memory_space<semaphore_mem>>)
        %ge3A_81 = arith.constant 1 : i32
        %ge3A_82 = arith.cmpi sge, %mul3A_59, %ge3A_81 : i32
        %convert_element_type3A_83 = arith.extui %ge3A_82 : i1 to i32
        %cond3A_84 = arith.constant 0 : i32
        %cond3A_85 = arith.cmpi ne, %convert_element_type3A_83, %cond3A_84 : i32
        scf.if %cond3A_85 {
          %dma_wait3A_141 = arith.constant 0 : i32
          %dma_wait3A_142 = arith.constant 0 : i32
          %dma_wait3A_143 = tpu.memref_slice %arg2[%dma_wait3A_141, %dma_wait3A_142] : memref<10000x128xf32, #tpu.memory_space<hbm>> -> memref<10000x128xf32, #tpu.memory_space<hbm>>
          tpu.wait_indirect_dma semaphore(%arg20 : memref<!tpu.dma_semaphore, #tpu.memory_space<semaphore_mem>>) src(%dma_wait3A_143 : memref<10000x128xf32, #tpu.memory_space<hbm>>) dst(%arg14 : memref<128x128xf32, #tpu.memory_space<vmem>>)
        } else {
        }
        %add3A_86 = arith.constant 1 : i32
        %add3A_87 = arith.addi %mul3A_59, %add3A_86 : i32
        %lt3A_88 = arith.constant 78 : i32
        %lt3A_89 = arith.cmpi slt, %add3A_87, %lt3A_88 : i32
        %convert_element_type3A_90 = arith.extui %lt3A_89 : i1 to i32
        %cond3A_91 = arith.constant 0 : i32
        %cond3A_92 = arith.cmpi ne, %convert_element_type3A_90, %cond3A_91 : i32
        scf.if %cond3A_92 {
          %add3A_141 = arith.constant 1 : i32
          %add3A_142 = arith.addi %mul3A_59, %add3A_141 : i32
          %mul3A_143 = arith.constant 16 : i32
          %mul3A_144 = arith.muli %add3A_142, %mul3A_143 : i32
          %add3A_145 = arith.addi %arg1, %mul3A_144 : i32
          %mul3A_146 = arith.constant 128 : i32
          %mul3A_147 = arith.muli %add3A_145, %mul3A_146 : i32
          %dma_start3A_148 = tpu.memref_slice %arg4[%mul3A_147] : memref<160000xi32, #tpu.memory_space<hbm>> -> memref<128xi32, #tpu.memory_space<hbm>>
          %dma_start3A_149 = tpu.memref_slice %arg4[%mul3A_147] : memref<160000xi32, #tpu.memory_space<hbm>> -> memref<128xi32, #tpu.memory_space<hbm>>
          tpu.enqueue_dma source(%dma_start3A_149 : memref<128xi32, #tpu.memory_space<hbm>>) target(%arg10 : memref<128xi32, #tpu.memory_space<vmem>>) target_semaphore(%arg16 : memref<!tpu.dma_semaphore, #tpu.memory_space<semaphore_mem>>)
        } else {
        }
        %ge3A_93 = arith.constant 1 : i32
        %ge3A_94 = arith.cmpi sge, %mul3A_59, %ge3A_93 : i32
        %convert_element_type3A_95 = arith.extui %ge3A_94 : i1 to i32
        %cond3A_96 = arith.constant 0 : i32
        %cond3A_97 = arith.cmpi ne, %convert_element_type3A_95, %cond3A_96 : i32
        scf.if %cond3A_97 {
          %sub3A = arith.constant 1 : i32
          %sub3A_141 = arith.subi %mul3A_59, %sub3A : i32
          %mul3A_142 = arith.constant 16 : i32
          %mul3A_143 = arith.muli %sub3A_141, %mul3A_142 : i32
          %add3A_144 = arith.addi %arg1, %mul3A_143 : i32
          %mul3A_145 = arith.constant 128 : i32
          %mul3A_146 = arith.muli %add3A_144, %mul3A_145 : i32
          %dma_wait3A_147 = tpu.memref_slice %arg5[%mul3A_146] : memref<160000xi32, #tpu.memory_space<hbm>> -> memref<128xi32, #tpu.memory_space<hbm>>
          %dma_wait3A_148 = tpu.memref_slice %arg5[%mul3A_146] : memref<160000xi32, #tpu.memory_space<hbm>> -> memref<128xi32, #tpu.memory_space<hbm>>
          tpu.wait_dma2 semaphore(%arg18 : memref<!tpu.dma_semaphore, #tpu.memory_space<semaphore_mem>>) src(%dma_wait3A_148 : memref<128xi32, #tpu.memory_space<hbm>>) dst(%arg12 : memref<128xi32, #tpu.memory_space<vmem>>)
          %dma_start3A_149 = arith.constant 0 : i32
          %dma_start3A_150 = arith.constant 0 : i32
          %dma_start3A_151 = tpu.memref_slice %arg8[%dma_start3A_149, %dma_start3A_150] : memref<10000x128xf32, #tpu.memory_space<vmem_shared>> -> memref<10000x128xf32, #tpu.memory_space<vmem_shared>>
          tpu.enqueue_indirect_dma source(%arg14 : memref<128x128xf32, #tpu.memory_space<vmem>>) target(%dma_start3A_151 : memref<10000x128xf32, #tpu.memory_space<vmem_shared>>) offsets(%arg12 : memref<128xi32, #tpu.memory_space<vmem>>) semaphore(%arg22 : memref<!tpu.dma_semaphore, #tpu.memory_space<semaphore_mem>>) {add = true}
        } else {
        }
        %mul3A_98 = arith.constant 2 : i32
        %mul3A_99 = arith.muli %mul3A_98, %scan3A_57 : i32
        %add3A_100 = arith.constant 1 : i32
        %add3A_101 = arith.addi %mul3A_99, %add3A_100 : i32
        %ge3A_102 = arith.constant 2 : i32
        %ge3A_103 = arith.cmpi sge, %add3A_101, %ge3A_102 : i32
        %convert_element_type3A_104 = arith.extui %ge3A_103 : i1 to i32
        %cond3A_105 = arith.constant 0 : i32
        %cond3A_106 = arith.cmpi ne, %convert_element_type3A_104, %cond3A_105 : i32
        scf.if %cond3A_106 {
          %dma_wait3A_141 = arith.constant 0 : i32
          %dma_wait3A_142 = arith.constant 0 : i32
          %dma_wait3A_143 = tpu.memref_slice %arg8[%dma_wait3A_141, %dma_wait3A_142] : memref<10000x128xf32, #tpu.memory_space<vmem_shared>> -> memref<10000x128xf32, #tpu.memory_space<vmem_shared>>
          tpu.wait_indirect_dma semaphore(%arg22 : memref<!tpu.dma_semaphore, #tpu.memory_space<semaphore_mem>>) src(%arg14 : memref<128x128xf32, #tpu.memory_space<vmem>>) dst(%dma_wait3A_143 : memref<10000x128xf32, #tpu.memory_space<vmem_shared>>)
        } else {
        }
        %mul3A_107 = arith.constant 16 : i32
        %mul3A_108 = arith.muli %add3A_101, %mul3A_107 : i32
        %add3A_109 = arith.addi %arg1, %mul3A_108 : i32
        %mul3A_110 = arith.constant 128 : i32
        %mul3A_111 = arith.muli %add3A_109, %mul3A_110 : i32
        %dma_start3A_112 = tpu.memref_slice %arg5[%mul3A_111] : memref<160000xi32, #tpu.memory_space<hbm>> -> memref<128xi32, #tpu.memory_space<hbm>>
        %dma_start3A_113 = tpu.memref_slice %arg5[%mul3A_111] : memref<160000xi32, #tpu.memory_space<hbm>> -> memref<128xi32, #tpu.memory_space<hbm>>
        tpu.enqueue_dma source(%dma_start3A_113 : memref<128xi32, #tpu.memory_space<hbm>>) target(%arg12 : memref<128xi32, #tpu.memory_space<vmem>>) target_semaphore(%arg18 : memref<!tpu.dma_semaphore, #tpu.memory_space<semaphore_mem>>)
        %mul3A_114 = arith.constant 16 : i32
        %mul3A_115 = arith.muli %add3A_101, %mul3A_114 : i32
        %add3A_116 = arith.addi %arg1, %mul3A_115 : i32
        %mul3A_117 = arith.constant 128 : i32
        %mul3A_118 = arith.muli %add3A_116, %mul3A_117 : i32
        %dma_wait3A_119 = tpu.memref_slice %arg4[%mul3A_118] : memref<160000xi32, #tpu.memory_space<hbm>> -> memref<128xi32, #tpu.memory_space<hbm>>
        %dma_wait3A_120 = tpu.memref_slice %arg4[%mul3A_118] : memref<160000xi32, #tpu.memory_space<hbm>> -> memref<128xi32, #tpu.memory_space<hbm>>
        tpu.wait_dma2 semaphore(%arg16 : memref<!tpu.dma_semaphore, #tpu.memory_space<semaphore_mem>>) src(%dma_wait3A_120 : memref<128xi32, #tpu.memory_space<hbm>>) dst(%arg10 : memref<128xi32, #tpu.memory_space<vmem>>)
        %dma_start3A_121 = arith.constant 0 : i32
        %dma_start3A_122 = arith.constant 0 : i32
        %dma_start3A_123 = tpu.memref_slice %arg2[%dma_start3A_121, %dma_start3A_122] : memref<10000x128xf32, #tpu.memory_space<hbm>> -> memref<10000x128xf32, #tpu.memory_space<hbm>>
        tpu.enqueue_indirect_dma source(%dma_start3A_123 : memref<10000x128xf32, #tpu.memory_space<hbm>>) target(%arg14 : memref<128x128xf32, #tpu.memory_space<vmem>>) offsets(%arg10 : memref<128xi32, #tpu.memory_space<vmem>>) semaphore(%arg20 : memref<!tpu.dma_semaphore, #tpu.memory_space<semaphore_mem>>)
        %ge3A_124 = arith.constant 1 : i32
        %ge3A_125 = arith.cmpi sge, %add3A_101, %ge3A_124 : i32
        %convert_element_type3A_126 = arith.extui %ge3A_125 : i1 to i32
        %cond3A_127 = arith.constant 0 : i32
        %cond3A_128 = arith.cmpi ne, %convert_element_type3A_126, %cond3A_127 : i32
        scf.if %cond3A_128 {
          %dma_wait3A_141 = arith.constant 0 : i32
          %dma_wait3A_142 = arith.constant 0 : i32
          %dma_wait3A_143 = tpu.memref_slice %arg2[%dma_wait3A_141, %dma_wait3A_142] : memref<10000x128xf32, #tpu.memory_space<hbm>> -> memref<10000x128xf32, #tpu.memory_space<hbm>>
          tpu.wait_indirect_dma semaphore(%arg19 : memref<!tpu.dma_semaphore, #tpu.memory_space<semaphore_mem>>) src(%dma_wait3A_143 : memref<10000x128xf32, #tpu.memory_space<hbm>>) dst(%arg13 : memref<128x128xf32, #tpu.memory_space<vmem>>)
        } else {
        }
        %add3A_129 = arith.constant 1 : i32
        %add3A_130 = arith.addi %add3A_101, %add3A_129 : i32
        %lt3A_131 = arith.constant 78 : i32
        %lt3A_132 = arith.cmpi slt, %add3A_130, %lt3A_131 : i32
        %convert_element_type3A_133 = arith.extui %lt3A_132 : i1 to i32
        %cond3A_134 = arith.constant 0 : i32
        %cond3A_135 = arith.cmpi ne, %convert_element_type3A_133, %cond3A_134 : i32
        scf.if %cond3A_135 {
          %add3A_141 = arith.constant 1 : i32
          %add3A_142 = arith.addi %add3A_101, %add3A_141 : i32
          %mul3A_143 = arith.constant 16 : i32
          %mul3A_144 = arith.muli %add3A_142, %mul3A_143 : i32
          %add3A_145 = arith.addi %arg1, %mul3A_144 : i32
          %mul3A_146 = arith.constant 128 : i32
          %mul3A_147 = arith.muli %add3A_145, %mul3A_146 : i32
          %dma_start3A_148 = tpu.memref_slice %arg4[%mul3A_147] : memref<160000xi32, #tpu.memory_space<hbm>> -> memref<128xi32, #tpu.memory_space<hbm>>
          %dma_start3A_149 = tpu.memref_slice %arg4[%mul3A_147] : memref<160000xi32, #tpu.memory_space<hbm>> -> memref<128xi32, #tpu.memory_space<hbm>>
          tpu.enqueue_dma source(%dma_start3A_149 : memref<128xi32, #tpu.memory_space<hbm>>) target(%arg9 : memref<128xi32, #tpu.memory_space<vmem>>) target_semaphore(%arg15 : memref<!tpu.dma_semaphore, #tpu.memory_space<semaphore_mem>>)
        } else {
        }
        %ge3A_136 = arith.constant 1 : i32
        %ge3A_137 = arith.cmpi sge, %add3A_101, %ge3A_136 : i32
        %convert_element_type3A_138 = arith.extui %ge3A_137 : i1 to i32
        %cond3A_139 = arith.constant 0 : i32
        %cond3A_140 = arith.cmpi ne, %convert_element_type3A_138, %cond3A_139 : i32
        scf.if %cond3A_140 {
          %sub3A = arith.constant 1 : i32
          %sub3A_141 = arith.subi %add3A_101, %sub3A : i32
          %mul3A_142 = arith.constant 16 : i32
          %mul3A_143 = arith.muli %sub3A_141, %mul3A_142 : i32
          %add3A_144 = arith.addi %arg1, %mul3A_143 : i32
          %mul3A_145 = arith.constant 128 : i32
          %mul3A_146 = arith.muli %add3A_144, %mul3A_145 : i32
          %dma_wait3A_147 = tpu.memref_slice %arg5[%mul3A_146] : memref<160000xi32, #tpu.memory_space<hbm>> -> memref<128xi32, #tpu.memory_space<hbm>>
          %dma_wait3A_148 = tpu.memref_slice %arg5[%mul3A_146] : memref<160000xi32, #tpu.memory_space<hbm>> -> memref<128xi32, #tpu.memory_space<hbm>>
          tpu.wait_dma2 semaphore(%arg17 : memref<!tpu.dma_semaphore, #tpu.memory_space<semaphore_mem>>) src(%dma_wait3A_148 : memref<128xi32, #tpu.memory_space<hbm>>) dst(%arg11 : memref<128xi32, #tpu.memory_space<vmem>>)
          %dma_start3A_149 = arith.constant 0 : i32
          %dma_start3A_150 = arith.constant 0 : i32
          %dma_start3A_151 = tpu.memref_slice %arg8[%dma_start3A_149, %dma_start3A_150] : memref<10000x128xf32, #tpu.memory_space<vmem_shared>> -> memref<10000x128xf32, #tpu.memory_space<vmem_shared>>
          tpu.enqueue_indirect_dma source(%arg13 : memref<128x128xf32, #tpu.memory_space<vmem>>) target(%dma_start3A_151 : memref<10000x128xf32, #tpu.memory_space<vmem_shared>>) offsets(%arg11 : memref<128xi32, #tpu.memory_space<vmem>>) semaphore(%arg21 : memref<!tpu.dma_semaphore, #tpu.memory_space<semaphore_mem>>) {add = true}
        } else {
        }
      }
      %scan3A_23 = arith.constant 39 : i32
      %dma_wait3A = arith.constant 0 : i32
      %dma_wait3A_24 = arith.constant 0 : i32
      %dma_wait3A_25 = tpu.memref_slice %arg2[%dma_wait3A, %dma_wait3A_24] : memref<10000x128xf32, #tpu.memory_space<hbm>> -> memref<10000x128xf32, #tpu.memory_space<hbm>>
      tpu.wait_indirect_dma semaphore(%arg20 : memref<!tpu.dma_semaphore, #tpu.memory_space<semaphore_mem>>) src(%dma_wait3A_25 : memref<10000x128xf32, #tpu.memory_space<hbm>>) dst(%arg14 : memref<128x128xf32, #tpu.memory_space<vmem>>)
      %add3A_26 = arith.constant 1232 : i32
      %add3A_27 = arith.addi %arg1, %add3A_26 : i32
      %mul3A_28 = arith.constant 128 : i32
      %mul3A_29 = arith.muli %add3A_27, %mul3A_28 : i32
      %dma_wait3A_30 = tpu.memref_slice %arg5[%mul3A_29] : memref<160000xi32, #tpu.memory_space<hbm>> -> memref<128xi32, #tpu.memory_space<hbm>>
      %dma_wait3A_31 = tpu.memref_slice %arg5[%mul3A_29] : memref<160000xi32, #tpu.memory_space<hbm>> -> memref<128xi32, #tpu.memory_space<hbm>>
      tpu.wait_dma2 semaphore(%arg18 : memref<!tpu.dma_semaphore, #tpu.memory_space<semaphore_mem>>) src(%dma_wait3A_31 : memref<128xi32, #tpu.memory_space<hbm>>) dst(%arg12 : memref<128xi32, #tpu.memory_space<vmem>>)
      %dma_start3A_32 = arith.constant 0 : i32
      %dma_start3A_33 = arith.constant 0 : i32
      %dma_start3A_34 = tpu.memref_slice %arg8[%dma_start3A_32, %dma_start3A_33] : memref<10000x128xf32, #tpu.memory_space<vmem_shared>> -> memref<10000x128xf32, #tpu.memory_space<vmem_shared>>
      tpu.enqueue_indirect_dma source(%arg14 : memref<128x128xf32, #tpu.memory_space<vmem>>) target(%dma_start3A_34 : memref<10000x128xf32, #tpu.memory_space<vmem_shared>>) offsets(%arg12 : memref<128xi32, #tpu.memory_space<vmem>>) semaphore(%arg22 : memref<!tpu.dma_semaphore, #tpu.memory_space<semaphore_mem>>) {add = true}
      %dma_wait3A_35 = arith.constant 0 : i32
      %dma_wait3A_36 = arith.constant 0 : i32
      %dma_wait3A_37 = tpu.memref_slice %arg8[%dma_wait3A_35, %dma_wait3A_36] : memref<10000x128xf32, #tpu.memory_space<vmem_shared>> -> memref<10000x128xf32, #tpu.memory_space<vmem_shared>>
      tpu.wait_indirect_dma semaphore(%arg21 : memref<!tpu.dma_semaphore, #tpu.memory_space<semaphore_mem>>) src(%arg13 : memref<128x128xf32, #tpu.memory_space<vmem>>) dst(%dma_wait3A_37 : memref<10000x128xf32, #tpu.memory_space<vmem_shared>>)
      %dma_wait3A_38 = arith.constant 0 : i32
      %dma_wait3A_39 = arith.constant 0 : i32
      %dma_wait3A_40 = tpu.memref_slice %arg8[%dma_wait3A_38, %dma_wait3A_39] : memref<10000x128xf32, #tpu.memory_space<vmem_shared>> -> memref<10000x128xf32, #tpu.memory_space<vmem_shared>>
      tpu.wait_indirect_dma semaphore(%arg22 : memref<!tpu.dma_semaphore, #tpu.memory_space<semaphore_mem>>) src(%arg14 : memref<128x128xf32, #tpu.memory_space<vmem>>) dst(%dma_wait3A_40 : memref<10000x128xf32, #tpu.memory_space<vmem_shared>>)
      %lt3A_41 = arith.constant 2 : i32
      %lt3A_42 = arith.cmpi slt, %arg1, %lt3A_41 : i32
      %convert_element_type3A_43 = arith.extui %lt3A_42 : i1 to i32
      %cond3A_44 = arith.constant 0 : i32
      %cond3A_45 = arith.cmpi ne, %convert_element_type3A_43, %cond3A_44 : i32
      scf.if %cond3A_45 {
        %add3A_57 = arith.constant 1248 : i32
        %add3A_58 = arith.addi %add3A_57, %arg1 : i32
        %mul3A_59 = arith.constant 128 : i32
        %mul3A_60 = arith.muli %add3A_58, %mul3A_59 : i32
        "tpu.region"() ({
          %run_scoped3A = tpu.sem_alloc : memref<!tpu.dma_semaphore, #tpu.memory_space<semaphore_mem>>
          %dma_start3A_67 = tpu.memref_slice %arg4[%mul3A_60] : memref<160000xi32, #tpu.memory_space<hbm>> -> memref<128xi32, #tpu.memory_space<hbm>>
          %dma_start3A_68 = tpu.memref_slice %arg4[%mul3A_60] : memref<160000xi32, #tpu.memory_space<hbm>> -> memref<128xi32, #tpu.memory_space<hbm>>
          tpu.enqueue_dma source(%dma_start3A_68 : memref<128xi32, #tpu.memory_space<hbm>>) target(%arg9 : memref<128xi32, #tpu.memory_space<vmem>>) target_semaphore(%run_scoped3A : memref<!tpu.dma_semaphore, #tpu.memory_space<semaphore_mem>>)
          %dma_wait3A_69 = tpu.memref_slice %arg4[%mul3A_60] : memref<160000xi32, #tpu.memory_space<hbm>> -> memref<128xi32, #tpu.memory_space<hbm>>
          %dma_wait3A_70 = tpu.memref_slice %arg4[%mul3A_60] : memref<160000xi32, #tpu.memory_space<hbm>> -> memref<128xi32, #tpu.memory_space<hbm>>
          tpu.wait_dma2 semaphore(%run_scoped3A : memref<!tpu.dma_semaphore, #tpu.memory_space<semaphore_mem>>) src(%dma_wait3A_70 : memref<128xi32, #tpu.memory_space<hbm>>) dst(%arg9 : memref<128xi32, #tpu.memory_space<vmem>>)
          tpu.yield
        }) : () -> ()
        "tpu.region"() ({
          %run_scoped3A = tpu.sem_alloc : memref<!tpu.dma_semaphore, #tpu.memory_space<semaphore_mem>>
          %dma_start3A_67 = tpu.memref_slice %arg5[%mul3A_60] : memref<160000xi32, #tpu.memory_space<hbm>> -> memref<128xi32, #tpu.memory_space<hbm>>
          %dma_start3A_68 = tpu.memref_slice %arg5[%mul3A_60] : memref<160000xi32, #tpu.memory_space<hbm>> -> memref<128xi32, #tpu.memory_space<hbm>>
          tpu.enqueue_dma source(%dma_start3A_68 : memref<128xi32, #tpu.memory_space<hbm>>) target(%arg11 : memref<128xi32, #tpu.memory_space<vmem>>) target_semaphore(%run_scoped3A : memref<!tpu.dma_semaphore, #tpu.memory_space<semaphore_mem>>)
          %dma_wait3A_69 = tpu.memref_slice %arg5[%mul3A_60] : memref<160000xi32, #tpu.memory_space<hbm>> -> memref<128xi32, #tpu.memory_space<hbm>>
          %dma_wait3A_70 = tpu.memref_slice %arg5[%mul3A_60] : memref<160000xi32, #tpu.memory_space<hbm>> -> memref<128xi32, #tpu.memory_space<hbm>>
          tpu.wait_dma2 semaphore(%run_scoped3A : memref<!tpu.dma_semaphore, #tpu.memory_space<semaphore_mem>>) src(%dma_wait3A_70 : memref<128xi32, #tpu.memory_space<hbm>>) dst(%arg11 : memref<128xi32, #tpu.memory_space<vmem>>)
          tpu.yield
        }) : () -> ()
        %dma_start3A_61 = arith.constant 0 : i32
        %dma_start3A_62 = arith.constant 0 : i32
        %dma_start3A_63 = tpu.memref_slice %arg2[%dma_start3A_61, %dma_start3A_62] : memref<10000x128xf32, #tpu.memory_space<hbm>> -> memref<10000x128xf32, #tpu.memory_space<hbm>>
        tpu.enqueue_indirect_dma source(%dma_start3A_63 : memref<10000x128xf32, #tpu.memory_space<hbm>>) target(%arg13 : memref<128x128xf32, #tpu.memory_space<vmem>>) offsets(%arg9 : memref<128xi32, #tpu.memory_space<vmem>>) semaphore(%arg19 : memref<!tpu.dma_semaphore, #tpu.memory_space<semaphore_mem>>)
        %dma_wait3A_64 = arith.constant 0 : i32
        %dma_wait3A_65 = arith.constant 0 : i32
        %dma_wait3A_66 = tpu.memref_slice %arg2[%dma_wait3A_64, %dma_wait3A_65] : memref<10000x128xf32, #tpu.memory_space<hbm>> -> memref<10000x128xf32, #tpu.memory_space<hbm>>
        tpu.wait_indirect_dma semaphore(%arg19 : memref<!tpu.dma_semaphore, #tpu.memory_space<semaphore_mem>>) src(%dma_wait3A_66 : memref<10000x128xf32, #tpu.memory_space<hbm>>) dst(%arg13 : memref<128x128xf32, #tpu.memory_space<vmem>>)
        "tpu.region"() ({
          %run_scoped3A = tpu.sem_alloc : memref<!tpu.dma_semaphore, #tpu.memory_space<semaphore_mem>>
          %dma_start3A_67 = arith.constant 0 : i32
          %dma_start3A_68 = arith.constant 0 : i32
          %dma_start3A_69 = tpu.memref_slice %arg8[%dma_start3A_67, %dma_start3A_68] : memref<10000x128xf32, #tpu.memory_space<vmem_shared>> -> memref<10000x128xf32, #tpu.memory_space<vmem_shared>>
          tpu.enqueue_indirect_dma source(%arg13 : memref<128x128xf32, #tpu.memory_space<vmem>>) target(%dma_start3A_69 : memref<10000x128xf32, #tpu.memory_space<vmem_shared>>) offsets(%arg11 : memref<128xi32, #tpu.memory_space<vmem>>) semaphore(%run_scoped3A : memref<!tpu.dma_semaphore, #tpu.memory_space<semaphore_mem>>) {add = true}
          %dma_wait3A_70 = arith.constant 0 : i32
          %dma_wait3A_71 = arith.constant 0 : i32
          %dma_wait3A_72 = tpu.memref_slice %arg8[%dma_wait3A_70, %dma_wait3A_71] : memref<10000x128xf32, #tpu.memory_space<vmem_shared>> -> memref<10000x128xf32, #tpu.memory_space<vmem_shared>>
          tpu.wait_indirect_dma semaphore(%run_scoped3A : memref<!tpu.dma_semaphore, #tpu.memory_space<semaphore_mem>>) src(%arg13 : memref<128x128xf32, #tpu.memory_space<vmem>>) dst(%dma_wait3A_72 : memref<10000x128xf32, #tpu.memory_space<vmem_shared>>)
          tpu.yield
        }) : () -> ()
      } else {
      }
      %barrier3A_46 = arith.constant 0 : index
      tpu.barrier barrier_id(%barrier3A_46)
      %lt3A_47 = arith.constant 15 : i32
      %lt3A_48 = arith.cmpi slt, %arg1, %lt3A_47 : i32
      %convert_element_type3A_49 = arith.extui %lt3A_48 : i1 to i32
      %cond3A_50 = arith.constant 0 : i32
      %cond3A_51 = arith.cmpi ne, %convert_element_type3A_49, %cond3A_50 : i32
      scf.if %cond3A_51 {
        %mul3A_57 = arith.constant 624 : i32
        %mul3A_58 = arith.muli %arg1, %mul3A_57 : i32
        %mul3A_59 = arith.constant 624 : i32
        %mul3A_60 = arith.muli %arg1, %mul3A_59 : i32
        "tpu.region"() ({
          %run_scoped3A = tpu.sem_alloc : memref<!tpu.dma_semaphore, #tpu.memory_space<semaphore_mem>>
          %dma_start3A_61 = arith.constant 0 : i32
          %dma_start3A_62 = tpu.memref_slice %arg6[%mul3A_60, %dma_start3A_61] : memref<10000x128xf32, #tpu.memory_space<hbm>> -> memref<624x128xf32, #tpu.memory_space<hbm>>
          %dma_start3A_63 = arith.constant 0 : i32
          %dma_start3A_64 = tpu.memref_slice %arg8[%mul3A_58, %dma_start3A_63] : memref<10000x128xf32, #tpu.memory_space<vmem_shared>> -> memref<624x128xf32, #tpu.memory_space<vmem_shared>>
          tpu.enqueue_dma source(%dma_start3A_64 : memref<624x128xf32, #tpu.memory_space<vmem_shared>>) target(%dma_start3A_62 : memref<624x128xf32, #tpu.memory_space<hbm>>) target_semaphore(%run_scoped3A : memref<!tpu.dma_semaphore, #tpu.memory_space<semaphore_mem>>)
          %dma_wait3A_65 = arith.constant 0 : i32
          %dma_wait3A_66 = tpu.memref_slice %arg6[%mul3A_60, %dma_wait3A_65] : memref<10000x128xf32, #tpu.memory_space<hbm>> -> memref<624x128xf32, #tpu.memory_space<hbm>>
          %dma_wait3A_67 = arith.constant 0 : i32
          %dma_wait3A_68 = tpu.memref_slice %arg8[%mul3A_58, %dma_wait3A_67] : memref<10000x128xf32, #tpu.memory_space<vmem_shared>> -> memref<624x128xf32, #tpu.memory_space<vmem_shared>>
          tpu.wait_dma2 semaphore(%run_scoped3A : memref<!tpu.dma_semaphore, #tpu.memory_space<semaphore_mem>>) src(%dma_wait3A_68 : memref<624x128xf32, #tpu.memory_space<vmem_shared>>) dst(%dma_wait3A_66 : memref<624x128xf32, #tpu.memory_space<hbm>>)
          tpu.yield
        }) : () -> ()
      } else {
      }
      %eq3A_52 = arith.constant 15 : i32
      %eq3A_53 = arith.cmpi eq, %arg1, %eq3A_52 : i32
      %convert_element_type3A_54 = arith.extui %eq3A_53 : i1 to i32
      %cond3A_55 = arith.constant 0 : i32
      %cond3A_56 = arith.cmpi ne, %convert_element_type3A_54, %cond3A_55 : i32
      scf.if %cond3A_56 {
        "tpu.region"() ({
          %run_scoped3A = tpu.sem_alloc : memref<!tpu.dma_semaphore, #tpu.memory_space<semaphore_mem>>
          %dma_start3A_57 = arith.constant 9360 : i32
          %dma_start3A_58 = arith.constant 0 : i32
          %dma_start3A_59 = tpu.memref_slice %arg6[%dma_start3A_57, %dma_start3A_58] : memref<10000x128xf32, #tpu.memory_space<hbm>> -> memref<640x128xf32, #tpu.memory_space<hbm>>
          %dma_start3A_60 = arith.constant 9360 : i32
          %dma_start3A_61 = arith.constant 0 : i32
          %dma_start3A_62 = tpu.memref_slice %arg8[%dma_start3A_60, %dma_start3A_61] : memref<10000x128xf32, #tpu.memory_space<vmem_shared>> -> memref<640x128xf32, #tpu.memory_space<vmem_shared>>
          tpu.enqueue_dma source(%dma_start3A_62 : memref<640x128xf32, #tpu.memory_space<vmem_shared>>) target(%dma_start3A_59 : memref<640x128xf32, #tpu.memory_space<hbm>>) target_semaphore(%run_scoped3A : memref<!tpu.dma_semaphore, #tpu.memory_space<semaphore_mem>>)
          %dma_wait3A_63 = arith.constant 9360 : i32
          %dma_wait3A_64 = arith.constant 0 : i32
          %dma_wait3A_65 = tpu.memref_slice %arg6[%dma_wait3A_63, %dma_wait3A_64] : memref<10000x128xf32, #tpu.memory_space<hbm>> -> memref<640x128xf32, #tpu.memory_space<hbm>>
          %dma_wait3A_66 = arith.constant 9360 : i32
          %dma_wait3A_67 = arith.constant 0 : i32
          %dma_wait3A_68 = tpu.memref_slice %arg8[%dma_wait3A_66, %dma_wait3A_67] : memref<10000x128xf32, #tpu.memory_space<vmem_shared>> -> memref<640x128xf32, #tpu.memory_space<vmem_shared>>
          tpu.wait_dma2 semaphore(%run_scoped3A : memref<!tpu.dma_semaphore, #tpu.memory_space<semaphore_mem>>) src(%dma_wait3A_68 : memref<640x128xf32, #tpu.memory_space<vmem_shared>>) dst(%dma_wait3A_65 : memref<640x128xf32, #tpu.memory_space<hbm>>)
          tpu.yield
        }) : () -> ()
      } else {
      }
    } else {
    }
    %eq3A_2 = arith.constant 1 : i32
    %eq3A_3 = arith.cmpi eq, %arg0, %eq3A_2 : i32
    %convert_element_type3A_4 = arith.extui %eq3A_3 : i1 to i32
    %cond3A_5 = arith.constant 0 : i32
    %cond3A_6 = arith.cmpi ne, %convert_element_type3A_4, %cond3A_5 : i32
    scf.if %cond3A_6 {
      %lt3A = arith.constant 15 : i32
      %lt3A_7 = arith.cmpi slt, %arg1, %lt3A : i32
      %convert_element_type3A_8 = arith.extui %lt3A_7 : i1 to i32
      %cond3A_9 = arith.constant 0 : i32
      %cond3A_10 = arith.cmpi ne, %convert_element_type3A_8, %cond3A_9 : i32
      scf.if %cond3A_10 {
        %mul3A_57 = arith.constant 624 : i32
        %mul3A_58 = arith.muli %arg1, %mul3A_57 : i32
        %mul3A_59 = arith.constant 624 : i32
        %mul3A_60 = arith.muli %arg1, %mul3A_59 : i32
        "tpu.region"() ({
          %run_scoped3A = tpu.sem_alloc : memref<!tpu.dma_semaphore, #tpu.memory_space<semaphore_mem>>
          %dma_start3A_61 = arith.constant 0 : i32
          %dma_start3A_62 = tpu.memref_slice %arg8[%mul3A_60, %dma_start3A_61] : memref<10000x128xf32, #tpu.memory_space<vmem_shared>> -> memref<624x128xf32, #tpu.memory_space<vmem_shared>>
          %dma_start3A_63 = arith.constant 0 : i32
          %dma_start3A_64 = tpu.memref_slice %arg3[%mul3A_58, %dma_start3A_63] : memref<10000x128xf32, #tpu.memory_space<hbm>> -> memref<624x128xf32, #tpu.memory_space<hbm>>
          tpu.enqueue_dma source(%dma_start3A_64 : memref<624x128xf32, #tpu.memory_space<hbm>>) target(%dma_start3A_62 : memref<624x128xf32, #tpu.memory_space<vmem_shared>>) target_semaphore(%run_scoped3A : memref<!tpu.dma_semaphore, #tpu.memory_space<semaphore_mem>>)
          %dma_wait3A_65 = arith.constant 0 : i32
          %dma_wait3A_66 = tpu.memref_slice %arg8[%mul3A_60, %dma_wait3A_65] : memref<10000x128xf32, #tpu.memory_space<vmem_shared>> -> memref<624x128xf32, #tpu.memory_space<vmem_shared>>
          %dma_wait3A_67 = arith.constant 0 : i32
          %dma_wait3A_68 = tpu.memref_slice %arg3[%mul3A_58, %dma_wait3A_67] : memref<10000x128xf32, #tpu.memory_space<hbm>> -> memref<624x128xf32, #tpu.memory_space<hbm>>
          tpu.wait_dma2 semaphore(%run_scoped3A : memref<!tpu.dma_semaphore, #tpu.memory_space<semaphore_mem>>) src(%dma_wait3A_68 : memref<624x128xf32, #tpu.memory_space<hbm>>) dst(%dma_wait3A_66 : memref<624x128xf32, #tpu.memory_space<vmem_shared>>)
          tpu.yield
        }) : () -> ()
      } else {
      }
      %eq3A_11 = arith.constant 15 : i32
      %eq3A_12 = arith.cmpi eq, %arg1, %eq3A_11 : i32
      %convert_element_type3A_13 = arith.extui %eq3A_12 : i1 to i32
      %cond3A_14 = arith.constant 0 : i32
      %cond3A_15 = arith.cmpi ne, %convert_element_type3A_13, %cond3A_14 : i32
      scf.if %cond3A_15 {
        "tpu.region"() ({
          %run_scoped3A = tpu.sem_alloc : memref<!tpu.dma_semaphore, #tpu.memory_space<semaphore_mem>>
          %dma_start3A_57 = arith.constant 9360 : i32
          %dma_start3A_58 = arith.constant 0 : i32
          %dma_start3A_59 = tpu.memref_slice %arg8[%dma_start3A_57, %dma_start3A_58] : memref<10000x128xf32, #tpu.memory_space<vmem_shared>> -> memref<640x128xf32, #tpu.memory_space<vmem_shared>>
          %dma_start3A_60 = arith.constant 9360 : i32
          %dma_start3A_61 = arith.constant 0 : i32
          %dma_start3A_62 = tpu.memref_slice %arg3[%dma_start3A_60, %dma_start3A_61] : memref<10000x128xf32, #tpu.memory_space<hbm>> -> memref<640x128xf32, #tpu.memory_space<hbm>>
          tpu.enqueue_dma source(%dma_start3A_62 : memref<640x128xf32, #tpu.memory_space<hbm>>) target(%dma_start3A_59 : memref<640x128xf32, #tpu.memory_space<vmem_shared>>) target_semaphore(%run_scoped3A : memref<!tpu.dma_semaphore, #tpu.memory_space<semaphore_mem>>)
          %dma_wait3A_63 = arith.constant 9360 : i32
          %dma_wait3A_64 = arith.constant 0 : i32
          %dma_wait3A_65 = tpu.memref_slice %arg8[%dma_wait3A_63, %dma_wait3A_64] : memref<10000x128xf32, #tpu.memory_space<vmem_shared>> -> memref<640x128xf32, #tpu.memory_space<vmem_shared>>
          %dma_wait3A_66 = arith.constant 9360 : i32
          %dma_wait3A_67 = arith.constant 0 : i32
          %dma_wait3A_68 = tpu.memref_slice %arg3[%dma_wait3A_66, %dma_wait3A_67] : memref<10000x128xf32, #tpu.memory_space<hbm>> -> memref<640x128xf32, #tpu.memory_space<hbm>>
          tpu.wait_dma2 semaphore(%run_scoped3A : memref<!tpu.dma_semaphore, #tpu.memory_space<semaphore_mem>>) src(%dma_wait3A_68 : memref<640x128xf32, #tpu.memory_space<hbm>>) dst(%dma_wait3A_65 : memref<640x128xf32, #tpu.memory_space<vmem_shared>>)
          tpu.yield
        }) : () -> ()
      } else {
      }
      %barrier3A = arith.constant 0 : index
      tpu.barrier barrier_id(%barrier3A)
      %add3A = arith.constant 0 : i32
      %add3A_16 = arith.addi %arg1, %add3A : i32
      %mul3A = arith.constant 128 : i32
      %mul3A_17 = arith.muli %add3A_16, %mul3A : i32
      %dma_start3A = tpu.memref_slice %arg4[%mul3A_17] : memref<160000xi32, #tpu.memory_space<hbm>> -> memref<128xi32, #tpu.memory_space<hbm>>
      %dma_start3A_18 = tpu.memref_slice %arg4[%mul3A_17] : memref<160000xi32, #tpu.memory_space<hbm>> -> memref<128xi32, #tpu.memory_space<hbm>>
      tpu.enqueue_dma source(%dma_start3A_18 : memref<128xi32, #tpu.memory_space<hbm>>) target(%arg9 : memref<128xi32, #tpu.memory_space<vmem>>) target_semaphore(%arg15 : memref<!tpu.dma_semaphore, #tpu.memory_space<semaphore_mem>>)
      %scan3A = arith.constant 0 : i32
      %scan3A_19 = arith.constant 0 : i32
      %scan3A_20 = arith.constant 39 : i32
      %scan3A_21 = arith.addi %scan3A_19, %scan3A_20 : i32
      %scan3A_22 = arith.constant 1 : i32
      scf.for %scan3A_57 = %scan3A_19 to %scan3A_21 step %scan3A_22  : i32 {
        %mul3A_58 = arith.constant 2 : i32
        %mul3A_59 = arith.muli %mul3A_58, %scan3A_57 : i32
        %ge3A = arith.constant 2 : i32
        %ge3A_60 = arith.cmpi sge, %mul3A_59, %ge3A : i32
        %convert_element_type3A_61 = arith.extui %ge3A_60 : i1 to i32
        %cond3A_62 = arith.constant 0 : i32
        %cond3A_63 = arith.cmpi ne, %convert_element_type3A_61, %cond3A_62 : i32
        scf.if %cond3A_63 {
          %dma_wait3A_141 = arith.constant 0 : i32
          %dma_wait3A_142 = arith.constant 0 : i32
          %dma_wait3A_143 = tpu.memref_slice %arg8[%dma_wait3A_141, %dma_wait3A_142] : memref<10000x128xf32, #tpu.memory_space<vmem_shared>> -> memref<10000x128xf32, #tpu.memory_space<vmem_shared>>
          tpu.wait_indirect_dma semaphore(%arg21 : memref<!tpu.dma_semaphore, #tpu.memory_space<semaphore_mem>>) src(%arg13 : memref<128x128xf32, #tpu.memory_space<vmem>>) dst(%dma_wait3A_143 : memref<10000x128xf32, #tpu.memory_space<vmem_shared>>)
        } else {
        }
        %mul3A_64 = arith.constant 16 : i32
        %mul3A_65 = arith.muli %mul3A_59, %mul3A_64 : i32
        %add3A_66 = arith.addi %arg1, %mul3A_65 : i32
        %mul3A_67 = arith.constant 128 : i32
        %mul3A_68 = arith.muli %add3A_66, %mul3A_67 : i32
        %dma_start3A_69 = tpu.memref_slice %arg5[%mul3A_68] : memref<160000xi32, #tpu.memory_space<hbm>> -> memref<128xi32, #tpu.memory_space<hbm>>
        %dma_start3A_70 = tpu.memref_slice %arg5[%mul3A_68] : memref<160000xi32, #tpu.memory_space<hbm>> -> memref<128xi32, #tpu.memory_space<hbm>>
        tpu.enqueue_dma source(%dma_start3A_70 : memref<128xi32, #tpu.memory_space<hbm>>) target(%arg11 : memref<128xi32, #tpu.memory_space<vmem>>) target_semaphore(%arg17 : memref<!tpu.dma_semaphore, #tpu.memory_space<semaphore_mem>>)
        %mul3A_71 = arith.constant 16 : i32
        %mul3A_72 = arith.muli %mul3A_59, %mul3A_71 : i32
        %add3A_73 = arith.addi %arg1, %mul3A_72 : i32
        %mul3A_74 = arith.constant 128 : i32
        %mul3A_75 = arith.muli %add3A_73, %mul3A_74 : i32
        %dma_wait3A_76 = tpu.memref_slice %arg4[%mul3A_75] : memref<160000xi32, #tpu.memory_space<hbm>> -> memref<128xi32, #tpu.memory_space<hbm>>
        %dma_wait3A_77 = tpu.memref_slice %arg4[%mul3A_75] : memref<160000xi32, #tpu.memory_space<hbm>> -> memref<128xi32, #tpu.memory_space<hbm>>
        tpu.wait_dma2 semaphore(%arg15 : memref<!tpu.dma_semaphore, #tpu.memory_space<semaphore_mem>>) src(%dma_wait3A_77 : memref<128xi32, #tpu.memory_space<hbm>>) dst(%arg9 : memref<128xi32, #tpu.memory_space<vmem>>)
        %dma_start3A_78 = arith.constant 0 : i32
        %dma_start3A_79 = arith.constant 0 : i32
        %dma_start3A_80 = tpu.memref_slice %arg3[%dma_start3A_78, %dma_start3A_79] : memref<10000x128xf32, #tpu.memory_space<hbm>> -> memref<10000x128xf32, #tpu.memory_space<hbm>>
        tpu.enqueue_indirect_dma source(%dma_start3A_80 : memref<10000x128xf32, #tpu.memory_space<hbm>>) target(%arg13 : memref<128x128xf32, #tpu.memory_space<vmem>>) offsets(%arg9 : memref<128xi32, #tpu.memory_space<vmem>>) semaphore(%arg19 : memref<!tpu.dma_semaphore, #tpu.memory_space<semaphore_mem>>)
        %ge3A_81 = arith.constant 1 : i32
        %ge3A_82 = arith.cmpi sge, %mul3A_59, %ge3A_81 : i32
        %convert_element_type3A_83 = arith.extui %ge3A_82 : i1 to i32
        %cond3A_84 = arith.constant 0 : i32
        %cond3A_85 = arith.cmpi ne, %convert_element_type3A_83, %cond3A_84 : i32
        scf.if %cond3A_85 {
          %dma_wait3A_141 = arith.constant 0 : i32
          %dma_wait3A_142 = arith.constant 0 : i32
          %dma_wait3A_143 = tpu.memref_slice %arg3[%dma_wait3A_141, %dma_wait3A_142] : memref<10000x128xf32, #tpu.memory_space<hbm>> -> memref<10000x128xf32, #tpu.memory_space<hbm>>
          tpu.wait_indirect_dma semaphore(%arg20 : memref<!tpu.dma_semaphore, #tpu.memory_space<semaphore_mem>>) src(%dma_wait3A_143 : memref<10000x128xf32, #tpu.memory_space<hbm>>) dst(%arg14 : memref<128x128xf32, #tpu.memory_space<vmem>>)
        } else {
        }
        %add3A_86 = arith.constant 1 : i32
        %add3A_87 = arith.addi %mul3A_59, %add3A_86 : i32
        %lt3A_88 = arith.constant 78 : i32
        %lt3A_89 = arith.cmpi slt, %add3A_87, %lt3A_88 : i32
        %convert_element_type3A_90 = arith.extui %lt3A_89 : i1 to i32
        %cond3A_91 = arith.constant 0 : i32
        %cond3A_92 = arith.cmpi ne, %convert_element_type3A_90, %cond3A_91 : i32
        scf.if %cond3A_92 {
          %add3A_141 = arith.constant 1 : i32
          %add3A_142 = arith.addi %mul3A_59, %add3A_141 : i32
          %mul3A_143 = arith.constant 16 : i32
          %mul3A_144 = arith.muli %add3A_142, %mul3A_143 : i32
          %add3A_145 = arith.addi %arg1, %mul3A_144 : i32
          %mul3A_146 = arith.constant 128 : i32
          %mul3A_147 = arith.muli %add3A_145, %mul3A_146 : i32
          %dma_start3A_148 = tpu.memref_slice %arg4[%mul3A_147] : memref<160000xi32, #tpu.memory_space<hbm>> -> memref<128xi32, #tpu.memory_space<hbm>>
          %dma_start3A_149 = tpu.memref_slice %arg4[%mul3A_147] : memref<160000xi32, #tpu.memory_space<hbm>> -> memref<128xi32, #tpu.memory_space<hbm>>
          tpu.enqueue_dma source(%dma_start3A_149 : memref<128xi32, #tpu.memory_space<hbm>>) target(%arg10 : memref<128xi32, #tpu.memory_space<vmem>>) target_semaphore(%arg16 : memref<!tpu.dma_semaphore, #tpu.memory_space<semaphore_mem>>)
        } else {
        }
        %ge3A_93 = arith.constant 1 : i32
        %ge3A_94 = arith.cmpi sge, %mul3A_59, %ge3A_93 : i32
        %convert_element_type3A_95 = arith.extui %ge3A_94 : i1 to i32
        %cond3A_96 = arith.constant 0 : i32
        %cond3A_97 = arith.cmpi ne, %convert_element_type3A_95, %cond3A_96 : i32
        scf.if %cond3A_97 {
          %sub3A = arith.constant 1 : i32
          %sub3A_141 = arith.subi %mul3A_59, %sub3A : i32
          %mul3A_142 = arith.constant 16 : i32
          %mul3A_143 = arith.muli %sub3A_141, %mul3A_142 : i32
          %add3A_144 = arith.addi %arg1, %mul3A_143 : i32
          %mul3A_145 = arith.constant 128 : i32
          %mul3A_146 = arith.muli %add3A_144, %mul3A_145 : i32
          %dma_wait3A_147 = tpu.memref_slice %arg5[%mul3A_146] : memref<160000xi32, #tpu.memory_space<hbm>> -> memref<128xi32, #tpu.memory_space<hbm>>
          %dma_wait3A_148 = tpu.memref_slice %arg5[%mul3A_146] : memref<160000xi32, #tpu.memory_space<hbm>> -> memref<128xi32, #tpu.memory_space<hbm>>
          tpu.wait_dma2 semaphore(%arg18 : memref<!tpu.dma_semaphore, #tpu.memory_space<semaphore_mem>>) src(%dma_wait3A_148 : memref<128xi32, #tpu.memory_space<hbm>>) dst(%arg12 : memref<128xi32, #tpu.memory_space<vmem>>)
          %dma_start3A_149 = arith.constant 0 : i32
          %dma_start3A_150 = arith.constant 0 : i32
          %dma_start3A_151 = tpu.memref_slice %arg8[%dma_start3A_149, %dma_start3A_150] : memref<10000x128xf32, #tpu.memory_space<vmem_shared>> -> memref<10000x128xf32, #tpu.memory_space<vmem_shared>>
          tpu.enqueue_indirect_dma source(%arg14 : memref<128x128xf32, #tpu.memory_space<vmem>>) target(%dma_start3A_151 : memref<10000x128xf32, #tpu.memory_space<vmem_shared>>) offsets(%arg12 : memref<128xi32, #tpu.memory_space<vmem>>) semaphore(%arg22 : memref<!tpu.dma_semaphore, #tpu.memory_space<semaphore_mem>>) {add = true}
        } else {
        }
        %mul3A_98 = arith.constant 2 : i32
        %mul3A_99 = arith.muli %mul3A_98, %scan3A_57 : i32
        %add3A_100 = arith.constant 1 : i32
        %add3A_101 = arith.addi %mul3A_99, %add3A_100 : i32
        %ge3A_102 = arith.constant 2 : i32
        %ge3A_103 = arith.cmpi sge, %add3A_101, %ge3A_102 : i32
        %convert_element_type3A_104 = arith.extui %ge3A_103 : i1 to i32
        %cond3A_105 = arith.constant 0 : i32
        %cond3A_106 = arith.cmpi ne, %convert_element_type3A_104, %cond3A_105 : i32
        scf.if %cond3A_106 {
          %dma_wait3A_141 = arith.constant 0 : i32
          %dma_wait3A_142 = arith.constant 0 : i32
          %dma_wait3A_143 = tpu.memref_slice %arg8[%dma_wait3A_141, %dma_wait3A_142] : memref<10000x128xf32, #tpu.memory_space<vmem_shared>> -> memref<10000x128xf32, #tpu.memory_space<vmem_shared>>
          tpu.wait_indirect_dma semaphore(%arg22 : memref<!tpu.dma_semaphore, #tpu.memory_space<semaphore_mem>>) src(%arg14 : memref<128x128xf32, #tpu.memory_space<vmem>>) dst(%dma_wait3A_143 : memref<10000x128xf32, #tpu.memory_space<vmem_shared>>)
        } else {
        }
        %mul3A_107 = arith.constant 16 : i32
        %mul3A_108 = arith.muli %add3A_101, %mul3A_107 : i32
        %add3A_109 = arith.addi %arg1, %mul3A_108 : i32
        %mul3A_110 = arith.constant 128 : i32
        %mul3A_111 = arith.muli %add3A_109, %mul3A_110 : i32
        %dma_start3A_112 = tpu.memref_slice %arg5[%mul3A_111] : memref<160000xi32, #tpu.memory_space<hbm>> -> memref<128xi32, #tpu.memory_space<hbm>>
        %dma_start3A_113 = tpu.memref_slice %arg5[%mul3A_111] : memref<160000xi32, #tpu.memory_space<hbm>> -> memref<128xi32, #tpu.memory_space<hbm>>
        tpu.enqueue_dma source(%dma_start3A_113 : memref<128xi32, #tpu.memory_space<hbm>>) target(%arg12 : memref<128xi32, #tpu.memory_space<vmem>>) target_semaphore(%arg18 : memref<!tpu.dma_semaphore, #tpu.memory_space<semaphore_mem>>)
        %mul3A_114 = arith.constant 16 : i32
        %mul3A_115 = arith.muli %add3A_101, %mul3A_114 : i32
        %add3A_116 = arith.addi %arg1, %mul3A_115 : i32
        %mul3A_117 = arith.constant 128 : i32
        %mul3A_118 = arith.muli %add3A_116, %mul3A_117 : i32
        %dma_wait3A_119 = tpu.memref_slice %arg4[%mul3A_118] : memref<160000xi32, #tpu.memory_space<hbm>> -> memref<128xi32, #tpu.memory_space<hbm>>
        %dma_wait3A_120 = tpu.memref_slice %arg4[%mul3A_118] : memref<160000xi32, #tpu.memory_space<hbm>> -> memref<128xi32, #tpu.memory_space<hbm>>
        tpu.wait_dma2 semaphore(%arg16 : memref<!tpu.dma_semaphore, #tpu.memory_space<semaphore_mem>>) src(%dma_wait3A_120 : memref<128xi32, #tpu.memory_space<hbm>>) dst(%arg10 : memref<128xi32, #tpu.memory_space<vmem>>)
        %dma_start3A_121 = arith.constant 0 : i32
        %dma_start3A_122 = arith.constant 0 : i32
        %dma_start3A_123 = tpu.memref_slice %arg3[%dma_start3A_121, %dma_start3A_122] : memref<10000x128xf32, #tpu.memory_space<hbm>> -> memref<10000x128xf32, #tpu.memory_space<hbm>>
        tpu.enqueue_indirect_dma source(%dma_start3A_123 : memref<10000x128xf32, #tpu.memory_space<hbm>>) target(%arg14 : memref<128x128xf32, #tpu.memory_space<vmem>>) offsets(%arg10 : memref<128xi32, #tpu.memory_space<vmem>>) semaphore(%arg20 : memref<!tpu.dma_semaphore, #tpu.memory_space<semaphore_mem>>)
        %ge3A_124 = arith.constant 1 : i32
        %ge3A_125 = arith.cmpi sge, %add3A_101, %ge3A_124 : i32
        %convert_element_type3A_126 = arith.extui %ge3A_125 : i1 to i32
        %cond3A_127 = arith.constant 0 : i32
        %cond3A_128 = arith.cmpi ne, %convert_element_type3A_126, %cond3A_127 : i32
        scf.if %cond3A_128 {
          %dma_wait3A_141 = arith.constant 0 : i32
          %dma_wait3A_142 = arith.constant 0 : i32
          %dma_wait3A_143 = tpu.memref_slice %arg3[%dma_wait3A_141, %dma_wait3A_142] : memref<10000x128xf32, #tpu.memory_space<hbm>> -> memref<10000x128xf32, #tpu.memory_space<hbm>>
          tpu.wait_indirect_dma semaphore(%arg19 : memref<!tpu.dma_semaphore, #tpu.memory_space<semaphore_mem>>) src(%dma_wait3A_143 : memref<10000x128xf32, #tpu.memory_space<hbm>>) dst(%arg13 : memref<128x128xf32, #tpu.memory_space<vmem>>)
        } else {
        }
        %add3A_129 = arith.constant 1 : i32
        %add3A_130 = arith.addi %add3A_101, %add3A_129 : i32
        %lt3A_131 = arith.constant 78 : i32
        %lt3A_132 = arith.cmpi slt, %add3A_130, %lt3A_131 : i32
        %convert_element_type3A_133 = arith.extui %lt3A_132 : i1 to i32
        %cond3A_134 = arith.constant 0 : i32
        %cond3A_135 = arith.cmpi ne, %convert_element_type3A_133, %cond3A_134 : i32
        scf.if %cond3A_135 {
          %add3A_141 = arith.constant 1 : i32
          %add3A_142 = arith.addi %add3A_101, %add3A_141 : i32
          %mul3A_143 = arith.constant 16 : i32
          %mul3A_144 = arith.muli %add3A_142, %mul3A_143 : i32
          %add3A_145 = arith.addi %arg1, %mul3A_144 : i32
          %mul3A_146 = arith.constant 128 : i32
          %mul3A_147 = arith.muli %add3A_145, %mul3A_146 : i32
          %dma_start3A_148 = tpu.memref_slice %arg4[%mul3A_147] : memref<160000xi32, #tpu.memory_space<hbm>> -> memref<128xi32, #tpu.memory_space<hbm>>
          %dma_start3A_149 = tpu.memref_slice %arg4[%mul3A_147] : memref<160000xi32, #tpu.memory_space<hbm>> -> memref<128xi32, #tpu.memory_space<hbm>>
          tpu.enqueue_dma source(%dma_start3A_149 : memref<128xi32, #tpu.memory_space<hbm>>) target(%arg9 : memref<128xi32, #tpu.memory_space<vmem>>) target_semaphore(%arg15 : memref<!tpu.dma_semaphore, #tpu.memory_space<semaphore_mem>>)
        } else {
        }
        %ge3A_136 = arith.constant 1 : i32
        %ge3A_137 = arith.cmpi sge, %add3A_101, %ge3A_136 : i32
        %convert_element_type3A_138 = arith.extui %ge3A_137 : i1 to i32
        %cond3A_139 = arith.constant 0 : i32
        %cond3A_140 = arith.cmpi ne, %convert_element_type3A_138, %cond3A_139 : i32
        scf.if %cond3A_140 {
          %sub3A = arith.constant 1 : i32
          %sub3A_141 = arith.subi %add3A_101, %sub3A : i32
          %mul3A_142 = arith.constant 16 : i32
          %mul3A_143 = arith.muli %sub3A_141, %mul3A_142 : i32
          %add3A_144 = arith.addi %arg1, %mul3A_143 : i32
          %mul3A_145 = arith.constant 128 : i32
          %mul3A_146 = arith.muli %add3A_144, %mul3A_145 : i32
          %dma_wait3A_147 = tpu.memref_slice %arg5[%mul3A_146] : memref<160000xi32, #tpu.memory_space<hbm>> -> memref<128xi32, #tpu.memory_space<hbm>>
          %dma_wait3A_148 = tpu.memref_slice %arg5[%mul3A_146] : memref<160000xi32, #tpu.memory_space<hbm>> -> memref<128xi32, #tpu.memory_space<hbm>>
          tpu.wait_dma2 semaphore(%arg17 : memref<!tpu.dma_semaphore, #tpu.memory_space<semaphore_mem>>) src(%dma_wait3A_148 : memref<128xi32, #tpu.memory_space<hbm>>) dst(%arg11 : memref<128xi32, #tpu.memory_space<vmem>>)
          %dma_start3A_149 = arith.constant 0 : i32
          %dma_start3A_150 = arith.constant 0 : i32
          %dma_start3A_151 = tpu.memref_slice %arg8[%dma_start3A_149, %dma_start3A_150] : memref<10000x128xf32, #tpu.memory_space<vmem_shared>> -> memref<10000x128xf32, #tpu.memory_space<vmem_shared>>
          tpu.enqueue_indirect_dma source(%arg13 : memref<128x128xf32, #tpu.memory_space<vmem>>) target(%dma_start3A_151 : memref<10000x128xf32, #tpu.memory_space<vmem_shared>>) offsets(%arg11 : memref<128xi32, #tpu.memory_space<vmem>>) semaphore(%arg21 : memref<!tpu.dma_semaphore, #tpu.memory_space<semaphore_mem>>) {add = true}
        } else {
        }
      }
      %scan3A_23 = arith.constant 39 : i32
      %dma_wait3A = arith.constant 0 : i32
      %dma_wait3A_24 = arith.constant 0 : i32
      %dma_wait3A_25 = tpu.memref_slice %arg3[%dma_wait3A, %dma_wait3A_24] : memref<10000x128xf32, #tpu.memory_space<hbm>> -> memref<10000x128xf32, #tpu.memory_space<hbm>>
      tpu.wait_indirect_dma semaphore(%arg20 : memref<!tpu.dma_semaphore, #tpu.memory_space<semaphore_mem>>) src(%dma_wait3A_25 : memref<10000x128xf32, #tpu.memory_space<hbm>>) dst(%arg14 : memref<128x128xf32, #tpu.memory_space<vmem>>)
      %add3A_26 = arith.constant 1232 : i32
      %add3A_27 = arith.addi %arg1, %add3A_26 : i32
      %mul3A_28 = arith.constant 128 : i32
      %mul3A_29 = arith.muli %add3A_27, %mul3A_28 : i32
      %dma_wait3A_30 = tpu.memref_slice %arg5[%mul3A_29] : memref<160000xi32, #tpu.memory_space<hbm>> -> memref<128xi32, #tpu.memory_space<hbm>>
      %dma_wait3A_31 = tpu.memref_slice %arg5[%mul3A_29] : memref<160000xi32, #tpu.memory_space<hbm>> -> memref<128xi32, #tpu.memory_space<hbm>>
      tpu.wait_dma2 semaphore(%arg18 : memref<!tpu.dma_semaphore, #tpu.memory_space<semaphore_mem>>) src(%dma_wait3A_31 : memref<128xi32, #tpu.memory_space<hbm>>) dst(%arg12 : memref<128xi32, #tpu.memory_space<vmem>>)
      %dma_start3A_32 = arith.constant 0 : i32
      %dma_start3A_33 = arith.constant 0 : i32
      %dma_start3A_34 = tpu.memref_slice %arg8[%dma_start3A_32, %dma_start3A_33] : memref<10000x128xf32, #tpu.memory_space<vmem_shared>> -> memref<10000x128xf32, #tpu.memory_space<vmem_shared>>
      tpu.enqueue_indirect_dma source(%arg14 : memref<128x128xf32, #tpu.memory_space<vmem>>) target(%dma_start3A_34 : memref<10000x128xf32, #tpu.memory_space<vmem_shared>>) offsets(%arg12 : memref<128xi32, #tpu.memory_space<vmem>>) semaphore(%arg22 : memref<!tpu.dma_semaphore, #tpu.memory_space<semaphore_mem>>) {add = true}
      %dma_wait3A_35 = arith.constant 0 : i32
      %dma_wait3A_36 = arith.constant 0 : i32
      %dma_wait3A_37 = tpu.memref_slice %arg8[%dma_wait3A_35, %dma_wait3A_36] : memref<10000x128xf32, #tpu.memory_space<vmem_shared>> -> memref<10000x128xf32, #tpu.memory_space<vmem_shared>>
      tpu.wait_indirect_dma semaphore(%arg21 : memref<!tpu.dma_semaphore, #tpu.memory_space<semaphore_mem>>) src(%arg13 : memref<128x128xf32, #tpu.memory_space<vmem>>) dst(%dma_wait3A_37 : memref<10000x128xf32, #tpu.memory_space<vmem_shared>>)
      %dma_wait3A_38 = arith.constant 0 : i32
      %dma_wait3A_39 = arith.constant 0 : i32
      %dma_wait3A_40 = tpu.memref_slice %arg8[%dma_wait3A_38, %dma_wait3A_39] : memref<10000x128xf32, #tpu.memory_space<vmem_shared>> -> memref<10000x128xf32, #tpu.memory_space<vmem_shared>>
      tpu.wait_indirect_dma semaphore(%arg22 : memref<!tpu.dma_semaphore, #tpu.memory_space<semaphore_mem>>) src(%arg14 : memref<128x128xf32, #tpu.memory_space<vmem>>) dst(%dma_wait3A_40 : memref<10000x128xf32, #tpu.memory_space<vmem_shared>>)
      %lt3A_41 = arith.constant 2 : i32
      %lt3A_42 = arith.cmpi slt, %arg1, %lt3A_41 : i32
      %convert_element_type3A_43 = arith.extui %lt3A_42 : i1 to i32
      %cond3A_44 = arith.constant 0 : i32
      %cond3A_45 = arith.cmpi ne, %convert_element_type3A_43, %cond3A_44 : i32
      scf.if %cond3A_45 {
        %add3A_57 = arith.constant 1248 : i32
        %add3A_58 = arith.addi %add3A_57, %arg1 : i32
        %mul3A_59 = arith.constant 128 : i32
        %mul3A_60 = arith.muli %add3A_58, %mul3A_59 : i32
        "tpu.region"() ({
          %run_scoped3A = tpu.sem_alloc : memref<!tpu.dma_semaphore, #tpu.memory_space<semaphore_mem>>
          %dma_start3A_67 = tpu.memref_slice %arg4[%mul3A_60] : memref<160000xi32, #tpu.memory_space<hbm>> -> memref<128xi32, #tpu.memory_space<hbm>>
          %dma_start3A_68 = tpu.memref_slice %arg4[%mul3A_60] : memref<160000xi32, #tpu.memory_space<hbm>> -> memref<128xi32, #tpu.memory_space<hbm>>
          tpu.enqueue_dma source(%dma_start3A_68 : memref<128xi32, #tpu.memory_space<hbm>>) target(%arg9 : memref<128xi32, #tpu.memory_space<vmem>>) target_semaphore(%run_scoped3A : memref<!tpu.dma_semaphore, #tpu.memory_space<semaphore_mem>>)
          %dma_wait3A_69 = tpu.memref_slice %arg4[%mul3A_60] : memref<160000xi32, #tpu.memory_space<hbm>> -> memref<128xi32, #tpu.memory_space<hbm>>
          %dma_wait3A_70 = tpu.memref_slice %arg4[%mul3A_60] : memref<160000xi32, #tpu.memory_space<hbm>> -> memref<128xi32, #tpu.memory_space<hbm>>
          tpu.wait_dma2 semaphore(%run_scoped3A : memref<!tpu.dma_semaphore, #tpu.memory_space<semaphore_mem>>) src(%dma_wait3A_70 : memref<128xi32, #tpu.memory_space<hbm>>) dst(%arg9 : memref<128xi32, #tpu.memory_space<vmem>>)
          tpu.yield
        }) : () -> ()
        "tpu.region"() ({
          %run_scoped3A = tpu.sem_alloc : memref<!tpu.dma_semaphore, #tpu.memory_space<semaphore_mem>>
          %dma_start3A_67 = tpu.memref_slice %arg5[%mul3A_60] : memref<160000xi32, #tpu.memory_space<hbm>> -> memref<128xi32, #tpu.memory_space<hbm>>
          %dma_start3A_68 = tpu.memref_slice %arg5[%mul3A_60] : memref<160000xi32, #tpu.memory_space<hbm>> -> memref<128xi32, #tpu.memory_space<hbm>>
          tpu.enqueue_dma source(%dma_start3A_68 : memref<128xi32, #tpu.memory_space<hbm>>) target(%arg11 : memref<128xi32, #tpu.memory_space<vmem>>) target_semaphore(%run_scoped3A : memref<!tpu.dma_semaphore, #tpu.memory_space<semaphore_mem>>)
          %dma_wait3A_69 = tpu.memref_slice %arg5[%mul3A_60] : memref<160000xi32, #tpu.memory_space<hbm>> -> memref<128xi32, #tpu.memory_space<hbm>>
          %dma_wait3A_70 = tpu.memref_slice %arg5[%mul3A_60] : memref<160000xi32, #tpu.memory_space<hbm>> -> memref<128xi32, #tpu.memory_space<hbm>>
          tpu.wait_dma2 semaphore(%run_scoped3A : memref<!tpu.dma_semaphore, #tpu.memory_space<semaphore_mem>>) src(%dma_wait3A_70 : memref<128xi32, #tpu.memory_space<hbm>>) dst(%arg11 : memref<128xi32, #tpu.memory_space<vmem>>)
          tpu.yield
        }) : () -> ()
        %dma_start3A_61 = arith.constant 0 : i32
        %dma_start3A_62 = arith.constant 0 : i32
        %dma_start3A_63 = tpu.memref_slice %arg3[%dma_start3A_61, %dma_start3A_62] : memref<10000x128xf32, #tpu.memory_space<hbm>> -> memref<10000x128xf32, #tpu.memory_space<hbm>>
        tpu.enqueue_indirect_dma source(%dma_start3A_63 : memref<10000x128xf32, #tpu.memory_space<hbm>>) target(%arg13 : memref<128x128xf32, #tpu.memory_space<vmem>>) offsets(%arg9 : memref<128xi32, #tpu.memory_space<vmem>>) semaphore(%arg19 : memref<!tpu.dma_semaphore, #tpu.memory_space<semaphore_mem>>)
        %dma_wait3A_64 = arith.constant 0 : i32
        %dma_wait3A_65 = arith.constant 0 : i32
        %dma_wait3A_66 = tpu.memref_slice %arg3[%dma_wait3A_64, %dma_wait3A_65] : memref<10000x128xf32, #tpu.memory_space<hbm>> -> memref<10000x128xf32, #tpu.memory_space<hbm>>
        tpu.wait_indirect_dma semaphore(%arg19 : memref<!tpu.dma_semaphore, #tpu.memory_space<semaphore_mem>>) src(%dma_wait3A_66 : memref<10000x128xf32, #tpu.memory_space<hbm>>) dst(%arg13 : memref<128x128xf32, #tpu.memory_space<vmem>>)
        "tpu.region"() ({
          %run_scoped3A = tpu.sem_alloc : memref<!tpu.dma_semaphore, #tpu.memory_space<semaphore_mem>>
          %dma_start3A_67 = arith.constant 0 : i32
          %dma_start3A_68 = arith.constant 0 : i32
          %dma_start3A_69 = tpu.memref_slice %arg8[%dma_start3A_67, %dma_start3A_68] : memref<10000x128xf32, #tpu.memory_space<vmem_shared>> -> memref<10000x128xf32, #tpu.memory_space<vmem_shared>>
          tpu.enqueue_indirect_dma source(%arg13 : memref<128x128xf32, #tpu.memory_space<vmem>>) target(%dma_start3A_69 : memref<10000x128xf32, #tpu.memory_space<vmem_shared>>) offsets(%arg11 : memref<128xi32, #tpu.memory_space<vmem>>) semaphore(%run_scoped3A : memref<!tpu.dma_semaphore, #tpu.memory_space<semaphore_mem>>) {add = true}
          %dma_wait3A_70 = arith.constant 0 : i32
          %dma_wait3A_71 = arith.constant 0 : i32
          %dma_wait3A_72 = tpu.memref_slice %arg8[%dma_wait3A_70, %dma_wait3A_71] : memref<10000x128xf32, #tpu.memory_space<vmem_shared>> -> memref<10000x128xf32, #tpu.memory_space<vmem_shared>>
          tpu.wait_indirect_dma semaphore(%run_scoped3A : memref<!tpu.dma_semaphore, #tpu.memory_space<semaphore_mem>>) src(%arg13 : memref<128x128xf32, #tpu.memory_space<vmem>>) dst(%dma_wait3A_72 : memref<10000x128xf32, #tpu.memory_space<vmem_shared>>)
          tpu.yield
        }) : () -> ()
      } else {
      }
      %barrier3A_46 = arith.constant 0 : index
      tpu.barrier barrier_id(%barrier3A_46)
      %lt3A_47 = arith.constant 15 : i32
      %lt3A_48 = arith.cmpi slt, %arg1, %lt3A_47 : i32
      %convert_element_type3A_49 = arith.extui %lt3A_48 : i1 to i32
      %cond3A_50 = arith.constant 0 : i32
      %cond3A_51 = arith.cmpi ne, %convert_element_type3A_49, %cond3A_50 : i32
      scf.if %cond3A_51 {
        %mul3A_57 = arith.constant 624 : i32
        %mul3A_58 = arith.muli %arg1, %mul3A_57 : i32
        %mul3A_59 = arith.constant 624 : i32
        %mul3A_60 = arith.muli %arg1, %mul3A_59 : i32
        "tpu.region"() ({
          %run_scoped3A = tpu.sem_alloc : memref<!tpu.dma_semaphore, #tpu.memory_space<semaphore_mem>>
          %dma_start3A_61 = arith.constant 0 : i32
          %dma_start3A_62 = tpu.memref_slice %arg7[%mul3A_60, %dma_start3A_61] : memref<10000x128xf32, #tpu.memory_space<hbm>> -> memref<624x128xf32, #tpu.memory_space<hbm>>
          %dma_start3A_63 = arith.constant 0 : i32
          %dma_start3A_64 = tpu.memref_slice %arg8[%mul3A_58, %dma_start3A_63] : memref<10000x128xf32, #tpu.memory_space<vmem_shared>> -> memref<624x128xf32, #tpu.memory_space<vmem_shared>>
          tpu.enqueue_dma source(%dma_start3A_64 : memref<624x128xf32, #tpu.memory_space<vmem_shared>>) target(%dma_start3A_62 : memref<624x128xf32, #tpu.memory_space<hbm>>) target_semaphore(%run_scoped3A : memref<!tpu.dma_semaphore, #tpu.memory_space<semaphore_mem>>)
          %dma_wait3A_65 = arith.constant 0 : i32
          %dma_wait3A_66 = tpu.memref_slice %arg7[%mul3A_60, %dma_wait3A_65] : memref<10000x128xf32, #tpu.memory_space<hbm>> -> memref<624x128xf32, #tpu.memory_space<hbm>>
          %dma_wait3A_67 = arith.constant 0 : i32
          %dma_wait3A_68 = tpu.memref_slice %arg8[%mul3A_58, %dma_wait3A_67] : memref<10000x128xf32, #tpu.memory_space<vmem_shared>> -> memref<624x128xf32, #tpu.memory_space<vmem_shared>>
          tpu.wait_dma2 semaphore(%run_scoped3A : memref<!tpu.dma_semaphore, #tpu.memory_space<semaphore_mem>>) src(%dma_wait3A_68 : memref<624x128xf32, #tpu.memory_space<vmem_shared>>) dst(%dma_wait3A_66 : memref<624x128xf32, #tpu.memory_space<hbm>>)
          tpu.yield
        }) : () -> ()
      } else {
      }
      %eq3A_52 = arith.constant 15 : i32
      %eq3A_53 = arith.cmpi eq, %arg1, %eq3A_52 : i32
      %convert_element_type3A_54 = arith.extui %eq3A_53 : i1 to i32
      %cond3A_55 = arith.constant 0 : i32
      %cond3A_56 = arith.cmpi ne, %convert_element_type3A_54, %cond3A_55 : i32
      scf.if %cond3A_56 {
        "tpu.region"() ({
          %run_scoped3A = tpu.sem_alloc : memref<!tpu.dma_semaphore, #tpu.memory_space<semaphore_mem>>
          %dma_start3A_57 = arith.constant 9360 : i32
          %dma_start3A_58 = arith.constant 0 : i32
          %dma_start3A_59 = tpu.memref_slice %arg7[%dma_start3A_57, %dma_start3A_58] : memref<10000x128xf32, #tpu.memory_space<hbm>> -> memref<640x128xf32, #tpu.memory_space<hbm>>
          %dma_start3A_60 = arith.constant 9360 : i32
          %dma_start3A_61 = arith.constant 0 : i32
          %dma_start3A_62 = tpu.memref_slice %arg8[%dma_start3A_60, %dma_start3A_61] : memref<10000x128xf32, #tpu.memory_space<vmem_shared>> -> memref<640x128xf32, #tpu.memory_space<vmem_shared>>
          tpu.enqueue_dma source(%dma_start3A_62 : memref<640x128xf32, #tpu.memory_space<vmem_shared>>) target(%dma_start3A_59 : memref<640x128xf32, #tpu.memory_space<hbm>>) target_semaphore(%run_scoped3A : memref<!tpu.dma_semaphore, #tpu.memory_space<semaphore_mem>>)
          %dma_wait3A_63 = arith.constant 9360 : i32
          %dma_wait3A_64 = arith.constant 0 : i32
          %dma_wait3A_65 = tpu.memref_slice %arg7[%dma_wait3A_63, %dma_wait3A_64] : memref<10000x128xf32, #tpu.memory_space<hbm>> -> memref<640x128xf32, #tpu.memory_space<hbm>>
          %dma_wait3A_66 = arith.constant 9360 : i32
          %dma_wait3A_67 = arith.constant 0 : i32
          %dma_wait3A_68 = tpu.memref_slice %arg8[%dma_wait3A_66, %dma_wait3A_67] : memref<10000x128xf32, #tpu.memory_space<vmem_shared>> -> memref<640x128xf32, #tpu.memory_space<vmem_shared>>
          tpu.wait_dma2 semaphore(%run_scoped3A : memref<!tpu.dma_semaphore, #tpu.memory_space<semaphore_mem>>) src(%dma_wait3A_68 : memref<640x128xf32, #tpu.memory_space<vmem_shared>>) dst(%dma_wait3A_65 : memref<640x128xf32, #tpu.memory_space<hbm>>)
          tpu.yield
        }) : () -> ()
      } else {
      }
    } else {
    }
    return
  }
}

#map = affine_map<(d0, d1) -> (0, 0)>
#map1 = affine_map<(d0, d1) -> (0)>
module attributes {stable_mosaic.version = 14 : i64} {
  func.func @_agg_kernel(%arg0: i32, %arg1: i32, %arg2: memref<10000x128xf32, #tpu.memory_space<hbm>>, %arg3: memref<10000x128xf32, #tpu.memory_space<hbm>>, %arg4: memref<160000xi32, #tpu.memory_space<hbm>>, %arg5: memref<160000xi32, #tpu.memory_space<hbm>>, %arg6: memref<10000x128xf32, #tpu.memory_space<hbm>>, %arg7: memref<10000x128xf32, #tpu.memory_space<hbm>>, %arg8: memref<10000x128xf32, #tpu.memory_space<vmem_shared>>, %arg9: memref<128xi32, #tpu.memory_space<vmem>>, %arg10: memref<128xi32, #tpu.memory_space<vmem>>, %arg11: memref<128xi32, #tpu.memory_space<vmem>>, %arg12: memref<128xi32, #tpu.memory_space<vmem>>, %arg13: memref<128x128xf32, #tpu.memory_space<vmem>>, %arg14: memref<128x128xf32, #tpu.memory_space<vmem>>, %arg15: memref<!tpu.dma_semaphore, #tpu.memory_space<semaphore_mem>>, %arg16: memref<!tpu.dma_semaphore, #tpu.memory_space<semaphore_mem>>, %arg17: memref<!tpu.dma_semaphore, #tpu.memory_space<semaphore_mem>>, %arg18: memref<!tpu.dma_semaphore, #tpu.memory_space<semaphore_mem>>, %arg19: memref<!tpu.dma_semaphore, #tpu.memory_space<semaphore_mem>>, %arg20: memref<!tpu.dma_semaphore, #tpu.memory_space<semaphore_mem>>, %arg21: memref<!tpu.dma_semaphore, #tpu.memory_space<semaphore_mem>>, %arg22: memref<!tpu.dma_semaphore, #tpu.memory_space<semaphore_mem>>) attributes {dimension_semantics = [#tpu.dimension_semantics<core_parallel>, #tpu.dimension_semantics<subcore_parallel>], iteration_bounds = array<i64: 2, 16>, scalar_prefetch = 0 : i64, scratch_operands = 15 : i64, tpu.core_type = #tpu.core_type<sc_vector_subcore>, window_params = [{transform_indices = #map}, {transform_indices = #map}, {transform_indices = #map1}, {transform_indices = #map1}, {transform_indices = #map}, {transform_indices = #map}]} {
    %eq3A = arith.constant 0 : i32
    %eq3A_0 = arith.cmpi eq, %arg0, %eq3A : i32
    %convert_element_type3A = arith.extui %eq3A_0 : i1 to i32
    %cond3A = arith.constant 0 : i32
    %cond3A_1 = arith.cmpi ne, %convert_element_type3A, %cond3A : i32
    scf.if %cond3A_1 {
      %lt3A = arith.constant 15 : i32
      %lt3A_7 = arith.cmpi slt, %arg1, %lt3A : i32
      %convert_element_type3A_8 = arith.extui %lt3A_7 : i1 to i32
      %cond3A_9 = arith.constant 0 : i32
      %cond3A_10 = arith.cmpi ne, %convert_element_type3A_8, %cond3A_9 : i32
      scf.if %cond3A_10 {
        %mul3A_57 = arith.constant 624 : i32
        %mul3A_58 = arith.muli %arg1, %mul3A_57 : i32
        %mul3A_59 = arith.constant 624 : i32
        %mul3A_60 = arith.muli %arg1, %mul3A_59 : i32
        "tpu.region"() ({
          %run_scoped3A = tpu.sem_alloc : memref<!tpu.dma_semaphore, #tpu.memory_space<semaphore_mem>>
          %dma_start3A_61 = arith.constant 0 : i32
          %dma_start3A_62 = tpu.memref_slice %arg8[%mul3A_60, %dma_start3A_61] : memref<10000x128xf32, #tpu.memory_space<vmem_shared>> -> memref<624x128xf32, #tpu.memory_space<vmem_shared>>
          %dma_start3A_63 = arith.constant 0 : i32
          %dma_start3A_64 = tpu.memref_slice %arg2[%mul3A_58, %dma_start3A_63] : memref<10000x128xf32, #tpu.memory_space<hbm>> -> memref<624x128xf32, #tpu.memory_space<hbm>>
          tpu.enqueue_dma source(%dma_start3A_64 : memref<624x128xf32, #tpu.memory_space<hbm>>) target(%dma_start3A_62 : memref<624x128xf32, #tpu.memory_space<vmem_shared>>) target_semaphore(%run_scoped3A : memref<!tpu.dma_semaphore, #tpu.memory_space<semaphore_mem>>)
          %dma_wait3A_65 = arith.constant 0 : i32
          %dma_wait3A_66 = tpu.memref_slice %arg8[%mul3A_60, %dma_wait3A_65] : memref<10000x128xf32, #tpu.memory_space<vmem_shared>> -> memref<624x128xf32, #tpu.memory_space<vmem_shared>>
          %dma_wait3A_67 = arith.constant 0 : i32
          %dma_wait3A_68 = tpu.memref_slice %arg2[%mul3A_58, %dma_wait3A_67] : memref<10000x128xf32, #tpu.memory_space<hbm>> -> memref<624x128xf32, #tpu.memory_space<hbm>>
          tpu.wait_dma2 semaphore(%run_scoped3A : memref<!tpu.dma_semaphore, #tpu.memory_space<semaphore_mem>>) src(%dma_wait3A_68 : memref<624x128xf32, #tpu.memory_space<hbm>>) dst(%dma_wait3A_66 : memref<624x128xf32, #tpu.memory_space<vmem_shared>>)
          tpu.yield
        }) : () -> ()
      } else {
      }
      %eq3A_11 = arith.constant 15 : i32
      %eq3A_12 = arith.cmpi eq, %arg1, %eq3A_11 : i32
      %convert_element_type3A_13 = arith.extui %eq3A_12 : i1 to i32
      %cond3A_14 = arith.constant 0 : i32
      %cond3A_15 = arith.cmpi ne, %convert_element_type3A_13, %cond3A_14 : i32
      scf.if %cond3A_15 {
        "tpu.region"() ({
          %run_scoped3A = tpu.sem_alloc : memref<!tpu.dma_semaphore, #tpu.memory_space<semaphore_mem>>
          %dma_start3A_57 = arith.constant 9360 : i32
          %dma_start3A_58 = arith.constant 0 : i32
          %dma_start3A_59 = tpu.memref_slice %arg8[%dma_start3A_57, %dma_start3A_58] : memref<10000x128xf32, #tpu.memory_space<vmem_shared>> -> memref<640x128xf32, #tpu.memory_space<vmem_shared>>
          %dma_start3A_60 = arith.constant 9360 : i32
          %dma_start3A_61 = arith.constant 0 : i32
          %dma_start3A_62 = tpu.memref_slice %arg2[%dma_start3A_60, %dma_start3A_61] : memref<10000x128xf32, #tpu.memory_space<hbm>> -> memref<640x128xf32, #tpu.memory_space<hbm>>
          tpu.enqueue_dma source(%dma_start3A_62 : memref<640x128xf32, #tpu.memory_space<hbm>>) target(%dma_start3A_59 : memref<640x128xf32, #tpu.memory_space<vmem_shared>>) target_semaphore(%run_scoped3A : memref<!tpu.dma_semaphore, #tpu.memory_space<semaphore_mem>>)
          %dma_wait3A_63 = arith.constant 9360 : i32
          %dma_wait3A_64 = arith.constant 0 : i32
          %dma_wait3A_65 = tpu.memref_slice %arg8[%dma_wait3A_63, %dma_wait3A_64] : memref<10000x128xf32, #tpu.memory_space<vmem_shared>> -> memref<640x128xf32, #tpu.memory_space<vmem_shared>>
          %dma_wait3A_66 = arith.constant 9360 : i32
          %dma_wait3A_67 = arith.constant 0 : i32
          %dma_wait3A_68 = tpu.memref_slice %arg2[%dma_wait3A_66, %dma_wait3A_67] : memref<10000x128xf32, #tpu.memory_space<hbm>> -> memref<640x128xf32, #tpu.memory_space<hbm>>
          tpu.wait_dma2 semaphore(%run_scoped3A : memref<!tpu.dma_semaphore, #tpu.memory_space<semaphore_mem>>) src(%dma_wait3A_68 : memref<640x128xf32, #tpu.memory_space<hbm>>) dst(%dma_wait3A_65 : memref<640x128xf32, #tpu.memory_space<vmem_shared>>)
          tpu.yield
        }) : () -> ()
      } else {
      }
      %barrier3A = arith.constant 0 : index
      tpu.barrier barrier_id(%barrier3A)
      %add3A = arith.constant 0 : i32
      %add3A_16 = arith.addi %arg1, %add3A : i32
      %mul3A = arith.constant 128 : i32
      %mul3A_17 = arith.muli %add3A_16, %mul3A : i32
      %dma_start3A = tpu.memref_slice %arg4[%mul3A_17] : memref<160000xi32, #tpu.memory_space<hbm>> -> memref<128xi32, #tpu.memory_space<hbm>>
      %dma_start3A_18 = tpu.memref_slice %arg4[%mul3A_17] : memref<160000xi32, #tpu.memory_space<hbm>> -> memref<128xi32, #tpu.memory_space<hbm>>
      tpu.enqueue_dma source(%dma_start3A_18 : memref<128xi32, #tpu.memory_space<hbm>>) target(%arg9 : memref<128xi32, #tpu.memory_space<vmem>>) target_semaphore(%arg15 : memref<!tpu.dma_semaphore, #tpu.memory_space<semaphore_mem>>)
      %scan3A = arith.constant 0 : i32
      %scan3A_19 = arith.constant 0 : i32
      %scan3A_20 = arith.constant 39 : i32
      %scan3A_21 = arith.addi %scan3A_19, %scan3A_20 : i32
      %scan3A_22 = arith.constant 1 : i32
      scf.for %scan3A_57 = %scan3A_19 to %scan3A_21 step %scan3A_22  : i32 {
        %mul3A_58 = arith.constant 2 : i32
        %mul3A_59 = arith.muli %mul3A_58, %scan3A_57 : i32
        %ge3A = arith.constant 2 : i32
        %ge3A_60 = arith.cmpi sge, %mul3A_59, %ge3A : i32
        %convert_element_type3A_61 = arith.extui %ge3A_60 : i1 to i32
        %cond3A_62 = arith.constant 0 : i32
        %cond3A_63 = arith.cmpi ne, %convert_element_type3A_61, %cond3A_62 : i32
        scf.if %cond3A_63 {
          %dma_wait3A_141 = arith.constant 0 : i32
          %dma_wait3A_142 = arith.constant 0 : i32
          %dma_wait3A_143 = tpu.memref_slice %arg8[%dma_wait3A_141, %dma_wait3A_142] : memref<10000x128xf32, #tpu.memory_space<vmem_shared>> -> memref<10000x128xf32, #tpu.memory_space<vmem_shared>>
          tpu.wait_indirect_dma semaphore(%arg21 : memref<!tpu.dma_semaphore, #tpu.memory_space<semaphore_mem>>) src(%arg13 : memref<128x128xf32, #tpu.memory_space<vmem>>) dst(%dma_wait3A_143 : memref<10000x128xf32, #tpu.memory_space<vmem_shared>>)
        } else {
        }
        %mul3A_64 = arith.constant 16 : i32
        %mul3A_65 = arith.muli %mul3A_59, %mul3A_64 : i32
        %add3A_66 = arith.addi %arg1, %mul3A_65 : i32
        %mul3A_67 = arith.constant 128 : i32
        %mul3A_68 = arith.muli %add3A_66, %mul3A_67 : i32
        %dma_start3A_69 = tpu.memref_slice %arg5[%mul3A_68] : memref<160000xi32, #tpu.memory_space<hbm>> -> memref<128xi32, #tpu.memory_space<hbm>>
        %dma_start3A_70 = tpu.memref_slice %arg5[%mul3A_68] : memref<160000xi32, #tpu.memory_space<hbm>> -> memref<128xi32, #tpu.memory_space<hbm>>
        tpu.enqueue_dma source(%dma_start3A_70 : memref<128xi32, #tpu.memory_space<hbm>>) target(%arg11 : memref<128xi32, #tpu.memory_space<vmem>>) target_semaphore(%arg17 : memref<!tpu.dma_semaphore, #tpu.memory_space<semaphore_mem>>)
        %mul3A_71 = arith.constant 16 : i32
        %mul3A_72 = arith.muli %mul3A_59, %mul3A_71 : i32
        %add3A_73 = arith.addi %arg1, %mul3A_72 : i32
        %mul3A_74 = arith.constant 128 : i32
        %mul3A_75 = arith.muli %add3A_73, %mul3A_74 : i32
        %dma_wait3A_76 = tpu.memref_slice %arg4[%mul3A_75] : memref<160000xi32, #tpu.memory_space<hbm>> -> memref<128xi32, #tpu.memory_space<hbm>>
        %dma_wait3A_77 = tpu.memref_slice %arg4[%mul3A_75] : memref<160000xi32, #tpu.memory_space<hbm>> -> memref<128xi32, #tpu.memory_space<hbm>>
        tpu.wait_dma2 semaphore(%arg15 : memref<!tpu.dma_semaphore, #tpu.memory_space<semaphore_mem>>) src(%dma_wait3A_77 : memref<128xi32, #tpu.memory_space<hbm>>) dst(%arg9 : memref<128xi32, #tpu.memory_space<vmem>>)
        %dma_start3A_78 = arith.constant 0 : i32
        %dma_start3A_79 = arith.constant 0 : i32
        %dma_start3A_80 = tpu.memref_slice %arg2[%dma_start3A_78, %dma_start3A_79] : memref<10000x128xf32, #tpu.memory_space<hbm>> -> memref<10000x128xf32, #tpu.memory_space<hbm>>
        tpu.enqueue_indirect_dma source(%dma_start3A_80 : memref<10000x128xf32, #tpu.memory_space<hbm>>) target(%arg13 : memref<128x128xf32, #tpu.memory_space<vmem>>) offsets(%arg9 : memref<128xi32, #tpu.memory_space<vmem>>) semaphore(%arg19 : memref<!tpu.dma_semaphore, #tpu.memory_space<semaphore_mem>>)
        %ge3A_81 = arith.constant 1 : i32
        %ge3A_82 = arith.cmpi sge, %mul3A_59, %ge3A_81 : i32
        %convert_element_type3A_83 = arith.extui %ge3A_82 : i1 to i32
        %cond3A_84 = arith.constant 0 : i32
        %cond3A_85 = arith.cmpi ne, %convert_element_type3A_83, %cond3A_84 : i32
        scf.if %cond3A_85 {
          %dma_wait3A_141 = arith.constant 0 : i32
          %dma_wait3A_142 = arith.constant 0 : i32
          %dma_wait3A_143 = tpu.memref_slice %arg2[%dma_wait3A_141, %dma_wait3A_142] : memref<10000x128xf32, #tpu.memory_space<hbm>> -> memref<10000x128xf32, #tpu.memory_space<hbm>>
          tpu.wait_indirect_dma semaphore(%arg20 : memref<!tpu.dma_semaphore, #tpu.memory_space<semaphore_mem>>) src(%dma_wait3A_143 : memref<10000x128xf32, #tpu.memory_space<hbm>>) dst(%arg14 : memref<128x128xf32, #tpu.memory_space<vmem>>)
        } else {
        }
        %add3A_86 = arith.constant 1 : i32
        %add3A_87 = arith.addi %mul3A_59, %add3A_86 : i32
        %lt3A_88 = arith.constant 78 : i32
        %lt3A_89 = arith.cmpi slt, %add3A_87, %lt3A_88 : i32
        %convert_element_type3A_90 = arith.extui %lt3A_89 : i1 to i32
        %cond3A_91 = arith.constant 0 : i32
        %cond3A_92 = arith.cmpi ne, %convert_element_type3A_90, %cond3A_91 : i32
        scf.if %cond3A_92 {
          %add3A_141 = arith.constant 1 : i32
          %add3A_142 = arith.addi %mul3A_59, %add3A_141 : i32
          %mul3A_143 = arith.constant 16 : i32
          %mul3A_144 = arith.muli %add3A_142, %mul3A_143 : i32
          %add3A_145 = arith.addi %arg1, %mul3A_144 : i32
          %mul3A_146 = arith.constant 128 : i32
          %mul3A_147 = arith.muli %add3A_145, %mul3A_146 : i32
          %dma_start3A_148 = tpu.memref_slice %arg4[%mul3A_147] : memref<160000xi32, #tpu.memory_space<hbm>> -> memref<128xi32, #tpu.memory_space<hbm>>
          %dma_start3A_149 = tpu.memref_slice %arg4[%mul3A_147] : memref<160000xi32, #tpu.memory_space<hbm>> -> memref<128xi32, #tpu.memory_space<hbm>>
          tpu.enqueue_dma source(%dma_start3A_149 : memref<128xi32, #tpu.memory_space<hbm>>) target(%arg10 : memref<128xi32, #tpu.memory_space<vmem>>) target_semaphore(%arg16 : memref<!tpu.dma_semaphore, #tpu.memory_space<semaphore_mem>>)
        } else {
        }
        %ge3A_93 = arith.constant 1 : i32
        %ge3A_94 = arith.cmpi sge, %mul3A_59, %ge3A_93 : i32
        %convert_element_type3A_95 = arith.extui %ge3A_94 : i1 to i32
        %cond3A_96 = arith.constant 0 : i32
        %cond3A_97 = arith.cmpi ne, %convert_element_type3A_95, %cond3A_96 : i32
        scf.if %cond3A_97 {
          %sub3A = arith.constant 1 : i32
          %sub3A_141 = arith.subi %mul3A_59, %sub3A : i32
          %mul3A_142 = arith.constant 16 : i32
          %mul3A_143 = arith.muli %sub3A_141, %mul3A_142 : i32
          %add3A_144 = arith.addi %arg1, %mul3A_143 : i32
          %mul3A_145 = arith.constant 128 : i32
          %mul3A_146 = arith.muli %add3A_144, %mul3A_145 : i32
          %dma_wait3A_147 = tpu.memref_slice %arg5[%mul3A_146] : memref<160000xi32, #tpu.memory_space<hbm>> -> memref<128xi32, #tpu.memory_space<hbm>>
          %dma_wait3A_148 = tpu.memref_slice %arg5[%mul3A_146] : memref<160000xi32, #tpu.memory_space<hbm>> -> memref<128xi32, #tpu.memory_space<hbm>>
          tpu.wait_dma2 semaphore(%arg18 : memref<!tpu.dma_semaphore, #tpu.memory_space<semaphore_mem>>) src(%dma_wait3A_148 : memref<128xi32, #tpu.memory_space<hbm>>) dst(%arg12 : memref<128xi32, #tpu.memory_space<vmem>>)
          %dma_start3A_149 = arith.constant 0 : i32
          %dma_start3A_150 = arith.constant 0 : i32
          %dma_start3A_151 = tpu.memref_slice %arg8[%dma_start3A_149, %dma_start3A_150] : memref<10000x128xf32, #tpu.memory_space<vmem_shared>> -> memref<10000x128xf32, #tpu.memory_space<vmem_shared>>
          tpu.enqueue_indirect_dma source(%arg14 : memref<128x128xf32, #tpu.memory_space<vmem>>) target(%dma_start3A_151 : memref<10000x128xf32, #tpu.memory_space<vmem_shared>>) offsets(%arg12 : memref<128xi32, #tpu.memory_space<vmem>>) semaphore(%arg22 : memref<!tpu.dma_semaphore, #tpu.memory_space<semaphore_mem>>) {add = true}
        } else {
        }
        %mul3A_98 = arith.constant 2 : i32
        %mul3A_99 = arith.muli %mul3A_98, %scan3A_57 : i32
        %add3A_100 = arith.constant 1 : i32
        %add3A_101 = arith.addi %mul3A_99, %add3A_100 : i32
        %ge3A_102 = arith.constant 2 : i32
        %ge3A_103 = arith.cmpi sge, %add3A_101, %ge3A_102 : i32
        %convert_element_type3A_104 = arith.extui %ge3A_103 : i1 to i32
        %cond3A_105 = arith.constant 0 : i32
        %cond3A_106 = arith.cmpi ne, %convert_element_type3A_104, %cond3A_105 : i32
        scf.if %cond3A_106 {
          %dma_wait3A_141 = arith.constant 0 : i32
          %dma_wait3A_142 = arith.constant 0 : i32
          %dma_wait3A_143 = tpu.memref_slice %arg8[%dma_wait3A_141, %dma_wait3A_142] : memref<10000x128xf32, #tpu.memory_space<vmem_shared>> -> memref<10000x128xf32, #tpu.memory_space<vmem_shared>>
          tpu.wait_indirect_dma semaphore(%arg22 : memref<!tpu.dma_semaphore, #tpu.memory_space<semaphore_mem>>) src(%arg14 : memref<128x128xf32, #tpu.memory_space<vmem>>) dst(%dma_wait3A_143 : memref<10000x128xf32, #tpu.memory_space<vmem_shared>>)
        } else {
        }
        %mul3A_107 = arith.constant 16 : i32
        %mul3A_108 = arith.muli %add3A_101, %mul3A_107 : i32
        %add3A_109 = arith.addi %arg1, %mul3A_108 : i32
        %mul3A_110 = arith.constant 128 : i32
        %mul3A_111 = arith.muli %add3A_109, %mul3A_110 : i32
        %dma_start3A_112 = tpu.memref_slice %arg5[%mul3A_111] : memref<160000xi32, #tpu.memory_space<hbm>> -> memref<128xi32, #tpu.memory_space<hbm>>
        %dma_start3A_113 = tpu.memref_slice %arg5[%mul3A_111] : memref<160000xi32, #tpu.memory_space<hbm>> -> memref<128xi32, #tpu.memory_space<hbm>>
        tpu.enqueue_dma source(%dma_start3A_113 : memref<128xi32, #tpu.memory_space<hbm>>) target(%arg12 : memref<128xi32, #tpu.memory_space<vmem>>) target_semaphore(%arg18 : memref<!tpu.dma_semaphore, #tpu.memory_space<semaphore_mem>>)
        %mul3A_114 = arith.constant 16 : i32
        %mul3A_115 = arith.muli %add3A_101, %mul3A_114 : i32
        %add3A_116 = arith.addi %arg1, %mul3A_115 : i32
        %mul3A_117 = arith.constant 128 : i32
        %mul3A_118 = arith.muli %add3A_116, %mul3A_117 : i32
        %dma_wait3A_119 = tpu.memref_slice %arg4[%mul3A_118] : memref<160000xi32, #tpu.memory_space<hbm>> -> memref<128xi32, #tpu.memory_space<hbm>>
        %dma_wait3A_120 = tpu.memref_slice %arg4[%mul3A_118] : memref<160000xi32, #tpu.memory_space<hbm>> -> memref<128xi32, #tpu.memory_space<hbm>>
        tpu.wait_dma2 semaphore(%arg16 : memref<!tpu.dma_semaphore, #tpu.memory_space<semaphore_mem>>) src(%dma_wait3A_120 : memref<128xi32, #tpu.memory_space<hbm>>) dst(%arg10 : memref<128xi32, #tpu.memory_space<vmem>>)
        %dma_start3A_121 = arith.constant 0 : i32
        %dma_start3A_122 = arith.constant 0 : i32
        %dma_start3A_123 = tpu.memref_slice %arg2[%dma_start3A_121, %dma_start3A_122] : memref<10000x128xf32, #tpu.memory_space<hbm>> -> memref<10000x128xf32, #tpu.memory_space<hbm>>
        tpu.enqueue_indirect_dma source(%dma_start3A_123 : memref<10000x128xf32, #tpu.memory_space<hbm>>) target(%arg14 : memref<128x128xf32, #tpu.memory_space<vmem>>) offsets(%arg10 : memref<128xi32, #tpu.memory_space<vmem>>) semaphore(%arg20 : memref<!tpu.dma_semaphore, #tpu.memory_space<semaphore_mem>>)
        %ge3A_124 = arith.constant 1 : i32
        %ge3A_125 = arith.cmpi sge, %add3A_101, %ge3A_124 : i32
        %convert_element_type3A_126 = arith.extui %ge3A_125 : i1 to i32
        %cond3A_127 = arith.constant 0 : i32
        %cond3A_128 = arith.cmpi ne, %convert_element_type3A_126, %cond3A_127 : i32
        scf.if %cond3A_128 {
          %dma_wait3A_141 = arith.constant 0 : i32
          %dma_wait3A_142 = arith.constant 0 : i32
          %dma_wait3A_143 = tpu.memref_slice %arg2[%dma_wait3A_141, %dma_wait3A_142] : memref<10000x128xf32, #tpu.memory_space<hbm>> -> memref<10000x128xf32, #tpu.memory_space<hbm>>
          tpu.wait_indirect_dma semaphore(%arg19 : memref<!tpu.dma_semaphore, #tpu.memory_space<semaphore_mem>>) src(%dma_wait3A_143 : memref<10000x128xf32, #tpu.memory_space<hbm>>) dst(%arg13 : memref<128x128xf32, #tpu.memory_space<vmem>>)
        } else {
        }
        %add3A_129 = arith.constant 1 : i32
        %add3A_130 = arith.addi %add3A_101, %add3A_129 : i32
        %lt3A_131 = arith.constant 78 : i32
        %lt3A_132 = arith.cmpi slt, %add3A_130, %lt3A_131 : i32
        %convert_element_type3A_133 = arith.extui %lt3A_132 : i1 to i32
        %cond3A_134 = arith.constant 0 : i32
        %cond3A_135 = arith.cmpi ne, %convert_element_type3A_133, %cond3A_134 : i32
        scf.if %cond3A_135 {
          %add3A_141 = arith.constant 1 : i32
          %add3A_142 = arith.addi %add3A_101, %add3A_141 : i32
          %mul3A_143 = arith.constant 16 : i32
          %mul3A_144 = arith.muli %add3A_142, %mul3A_143 : i32
          %add3A_145 = arith.addi %arg1, %mul3A_144 : i32
          %mul3A_146 = arith.constant 128 : i32
          %mul3A_147 = arith.muli %add3A_145, %mul3A_146 : i32
          %dma_start3A_148 = tpu.memref_slice %arg4[%mul3A_147] : memref<160000xi32, #tpu.memory_space<hbm>> -> memref<128xi32, #tpu.memory_space<hbm>>
          %dma_start3A_149 = tpu.memref_slice %arg4[%mul3A_147] : memref<160000xi32, #tpu.memory_space<hbm>> -> memref<128xi32, #tpu.memory_space<hbm>>
          tpu.enqueue_dma source(%dma_start3A_149 : memref<128xi32, #tpu.memory_space<hbm>>) target(%arg9 : memref<128xi32, #tpu.memory_space<vmem>>) target_semaphore(%arg15 : memref<!tpu.dma_semaphore, #tpu.memory_space<semaphore_mem>>)
        } else {
        }
        %ge3A_136 = arith.constant 1 : i32
        %ge3A_137 = arith.cmpi sge, %add3A_101, %ge3A_136 : i32
        %convert_element_type3A_138 = arith.extui %ge3A_137 : i1 to i32
        %cond3A_139 = arith.constant 0 : i32
        %cond3A_140 = arith.cmpi ne, %convert_element_type3A_138, %cond3A_139 : i32
        scf.if %cond3A_140 {
          %sub3A = arith.constant 1 : i32
          %sub3A_141 = arith.subi %add3A_101, %sub3A : i32
          %mul3A_142 = arith.constant 16 : i32
          %mul3A_143 = arith.muli %sub3A_141, %mul3A_142 : i32
          %add3A_144 = arith.addi %arg1, %mul3A_143 : i32
          %mul3A_145 = arith.constant 128 : i32
          %mul3A_146 = arith.muli %add3A_144, %mul3A_145 : i32
          %dma_wait3A_147 = tpu.memref_slice %arg5[%mul3A_146] : memref<160000xi32, #tpu.memory_space<hbm>> -> memref<128xi32, #tpu.memory_space<hbm>>
          %dma_wait3A_148 = tpu.memref_slice %arg5[%mul3A_146] : memref<160000xi32, #tpu.memory_space<hbm>> -> memref<128xi32, #tpu.memory_space<hbm>>
          tpu.wait_dma2 semaphore(%arg17 : memref<!tpu.dma_semaphore, #tpu.memory_space<semaphore_mem>>) src(%dma_wait3A_148 : memref<128xi32, #tpu.memory_space<hbm>>) dst(%arg11 : memref<128xi32, #tpu.memory_space<vmem>>)
          %dma_start3A_149 = arith.constant 0 : i32
          %dma_start3A_150 = arith.constant 0 : i32
          %dma_start3A_151 = tpu.memref_slice %arg8[%dma_start3A_149, %dma_start3A_150] : memref<10000x128xf32, #tpu.memory_space<vmem_shared>> -> memref<10000x128xf32, #tpu.memory_space<vmem_shared>>
          tpu.enqueue_indirect_dma source(%arg13 : memref<128x128xf32, #tpu.memory_space<vmem>>) target(%dma_start3A_151 : memref<10000x128xf32, #tpu.memory_space<vmem_shared>>) offsets(%arg11 : memref<128xi32, #tpu.memory_space<vmem>>) semaphore(%arg21 : memref<!tpu.dma_semaphore, #tpu.memory_space<semaphore_mem>>) {add = true}
        } else {
        }
      }
      %scan3A_23 = arith.constant 39 : i32
      %dma_wait3A = arith.constant 0 : i32
      %dma_wait3A_24 = arith.constant 0 : i32
      %dma_wait3A_25 = tpu.memref_slice %arg2[%dma_wait3A, %dma_wait3A_24] : memref<10000x128xf32, #tpu.memory_space<hbm>> -> memref<10000x128xf32, #tpu.memory_space<hbm>>
      tpu.wait_indirect_dma semaphore(%arg20 : memref<!tpu.dma_semaphore, #tpu.memory_space<semaphore_mem>>) src(%dma_wait3A_25 : memref<10000x128xf32, #tpu.memory_space<hbm>>) dst(%arg14 : memref<128x128xf32, #tpu.memory_space<vmem>>)
      %add3A_26 = arith.constant 1232 : i32
      %add3A_27 = arith.addi %arg1, %add3A_26 : i32
      %mul3A_28 = arith.constant 128 : i32
      %mul3A_29 = arith.muli %add3A_27, %mul3A_28 : i32
      %dma_wait3A_30 = tpu.memref_slice %arg5[%mul3A_29] : memref<160000xi32, #tpu.memory_space<hbm>> -> memref<128xi32, #tpu.memory_space<hbm>>
      %dma_wait3A_31 = tpu.memref_slice %arg5[%mul3A_29] : memref<160000xi32, #tpu.memory_space<hbm>> -> memref<128xi32, #tpu.memory_space<hbm>>
      tpu.wait_dma2 semaphore(%arg18 : memref<!tpu.dma_semaphore, #tpu.memory_space<semaphore_mem>>) src(%dma_wait3A_31 : memref<128xi32, #tpu.memory_space<hbm>>) dst(%arg12 : memref<128xi32, #tpu.memory_space<vmem>>)
      %dma_start3A_32 = arith.constant 0 : i32
      %dma_start3A_33 = arith.constant 0 : i32
      %dma_start3A_34 = tpu.memref_slice %arg8[%dma_start3A_32, %dma_start3A_33] : memref<10000x128xf32, #tpu.memory_space<vmem_shared>> -> memref<10000x128xf32, #tpu.memory_space<vmem_shared>>
      tpu.enqueue_indirect_dma source(%arg14 : memref<128x128xf32, #tpu.memory_space<vmem>>) target(%dma_start3A_34 : memref<10000x128xf32, #tpu.memory_space<vmem_shared>>) offsets(%arg12 : memref<128xi32, #tpu.memory_space<vmem>>) semaphore(%arg22 : memref<!tpu.dma_semaphore, #tpu.memory_space<semaphore_mem>>) {add = true}
      %dma_wait3A_35 = arith.constant 0 : i32
      %dma_wait3A_36 = arith.constant 0 : i32
      %dma_wait3A_37 = tpu.memref_slice %arg8[%dma_wait3A_35, %dma_wait3A_36] : memref<10000x128xf32, #tpu.memory_space<vmem_shared>> -> memref<10000x128xf32, #tpu.memory_space<vmem_shared>>
      tpu.wait_indirect_dma semaphore(%arg21 : memref<!tpu.dma_semaphore, #tpu.memory_space<semaphore_mem>>) src(%arg13 : memref<128x128xf32, #tpu.memory_space<vmem>>) dst(%dma_wait3A_37 : memref<10000x128xf32, #tpu.memory_space<vmem_shared>>)
      %dma_wait3A_38 = arith.constant 0 : i32
      %dma_wait3A_39 = arith.constant 0 : i32
      %dma_wait3A_40 = tpu.memref_slice %arg8[%dma_wait3A_38, %dma_wait3A_39] : memref<10000x128xf32, #tpu.memory_space<vmem_shared>> -> memref<10000x128xf32, #tpu.memory_space<vmem_shared>>
      tpu.wait_indirect_dma semaphore(%arg22 : memref<!tpu.dma_semaphore, #tpu.memory_space<semaphore_mem>>) src(%arg14 : memref<128x128xf32, #tpu.memory_space<vmem>>) dst(%dma_wait3A_40 : memref<10000x128xf32, #tpu.memory_space<vmem_shared>>)
      %lt3A_41 = arith.constant 2 : i32
      %lt3A_42 = arith.cmpi slt, %arg1, %lt3A_41 : i32
      %convert_element_type3A_43 = arith.extui %lt3A_42 : i1 to i32
      %cond3A_44 = arith.constant 0 : i32
      %cond3A_45 = arith.cmpi ne, %convert_element_type3A_43, %cond3A_44 : i32
      scf.if %cond3A_45 {
        %add3A_57 = arith.constant 1248 : i32
        %add3A_58 = arith.addi %add3A_57, %arg1 : i32
        %mul3A_59 = arith.constant 128 : i32
        %mul3A_60 = arith.muli %add3A_58, %mul3A_59 : i32
        "tpu.region"() ({
          %run_scoped3A = tpu.sem_alloc : memref<!tpu.dma_semaphore, #tpu.memory_space<semaphore_mem>>
          %dma_start3A_67 = tpu.memref_slice %arg4[%mul3A_60] : memref<160000xi32, #tpu.memory_space<hbm>> -> memref<128xi32, #tpu.memory_space<hbm>>
          %dma_start3A_68 = tpu.memref_slice %arg4[%mul3A_60] : memref<160000xi32, #tpu.memory_space<hbm>> -> memref<128xi32, #tpu.memory_space<hbm>>
          tpu.enqueue_dma source(%dma_start3A_68 : memref<128xi32, #tpu.memory_space<hbm>>) target(%arg9 : memref<128xi32, #tpu.memory_space<vmem>>) target_semaphore(%run_scoped3A : memref<!tpu.dma_semaphore, #tpu.memory_space<semaphore_mem>>)
          %dma_wait3A_69 = tpu.memref_slice %arg4[%mul3A_60] : memref<160000xi32, #tpu.memory_space<hbm>> -> memref<128xi32, #tpu.memory_space<hbm>>
          %dma_wait3A_70 = tpu.memref_slice %arg4[%mul3A_60] : memref<160000xi32, #tpu.memory_space<hbm>> -> memref<128xi32, #tpu.memory_space<hbm>>
          tpu.wait_dma2 semaphore(%run_scoped3A : memref<!tpu.dma_semaphore, #tpu.memory_space<semaphore_mem>>) src(%dma_wait3A_70 : memref<128xi32, #tpu.memory_space<hbm>>) dst(%arg9 : memref<128xi32, #tpu.memory_space<vmem>>)
          tpu.yield
        }) : () -> ()
        "tpu.region"() ({
          %run_scoped3A = tpu.sem_alloc : memref<!tpu.dma_semaphore, #tpu.memory_space<semaphore_mem>>
          %dma_start3A_67 = tpu.memref_slice %arg5[%mul3A_60] : memref<160000xi32, #tpu.memory_space<hbm>> -> memref<128xi32, #tpu.memory_space<hbm>>
          %dma_start3A_68 = tpu.memref_slice %arg5[%mul3A_60] : memref<160000xi32, #tpu.memory_space<hbm>> -> memref<128xi32, #tpu.memory_space<hbm>>
          tpu.enqueue_dma source(%dma_start3A_68 : memref<128xi32, #tpu.memory_space<hbm>>) target(%arg11 : memref<128xi32, #tpu.memory_space<vmem>>) target_semaphore(%run_scoped3A : memref<!tpu.dma_semaphore, #tpu.memory_space<semaphore_mem>>)
          %dma_wait3A_69 = tpu.memref_slice %arg5[%mul3A_60] : memref<160000xi32, #tpu.memory_space<hbm>> -> memref<128xi32, #tpu.memory_space<hbm>>
          %dma_wait3A_70 = tpu.memref_slice %arg5[%mul3A_60] : memref<160000xi32, #tpu.memory_space<hbm>> -> memref<128xi32, #tpu.memory_space<hbm>>
          tpu.wait_dma2 semaphore(%run_scoped3A : memref<!tpu.dma_semaphore, #tpu.memory_space<semaphore_mem>>) src(%dma_wait3A_70 : memref<128xi32, #tpu.memory_space<hbm>>) dst(%arg11 : memref<128xi32, #tpu.memory_space<vmem>>)
          tpu.yield
        }) : () -> ()
        %dma_start3A_61 = arith.constant 0 : i32
        %dma_start3A_62 = arith.constant 0 : i32
        %dma_start3A_63 = tpu.memref_slice %arg2[%dma_start3A_61, %dma_start3A_62] : memref<10000x128xf32, #tpu.memory_space<hbm>> -> memref<10000x128xf32, #tpu.memory_space<hbm>>
        tpu.enqueue_indirect_dma source(%dma_start3A_63 : memref<10000x128xf32, #tpu.memory_space<hbm>>) target(%arg13 : memref<128x128xf32, #tpu.memory_space<vmem>>) offsets(%arg9 : memref<128xi32, #tpu.memory_space<vmem>>) semaphore(%arg19 : memref<!tpu.dma_semaphore, #tpu.memory_space<semaphore_mem>>)
        %dma_wait3A_64 = arith.constant 0 : i32
        %dma_wait3A_65 = arith.constant 0 : i32
        %dma_wait3A_66 = tpu.memref_slice %arg2[%dma_wait3A_64, %dma_wait3A_65] : memref<10000x128xf32, #tpu.memory_space<hbm>> -> memref<10000x128xf32, #tpu.memory_space<hbm>>
        tpu.wait_indirect_dma semaphore(%arg19 : memref<!tpu.dma_semaphore, #tpu.memory_space<semaphore_mem>>) src(%dma_wait3A_66 : memref<10000x128xf32, #tpu.memory_space<hbm>>) dst(%arg13 : memref<128x128xf32, #tpu.memory_space<vmem>>)
        "tpu.region"() ({
          %run_scoped3A = tpu.sem_alloc : memref<!tpu.dma_semaphore, #tpu.memory_space<semaphore_mem>>
          %dma_start3A_67 = arith.constant 0 : i32
          %dma_start3A_68 = arith.constant 0 : i32
          %dma_start3A_69 = tpu.memref_slice %arg8[%dma_start3A_67, %dma_start3A_68] : memref<10000x128xf32, #tpu.memory_space<vmem_shared>> -> memref<10000x128xf32, #tpu.memory_space<vmem_shared>>
          tpu.enqueue_indirect_dma source(%arg13 : memref<128x128xf32, #tpu.memory_space<vmem>>) target(%dma_start3A_69 : memref<10000x128xf32, #tpu.memory_space<vmem_shared>>) offsets(%arg11 : memref<128xi32, #tpu.memory_space<vmem>>) semaphore(%run_scoped3A : memref<!tpu.dma_semaphore, #tpu.memory_space<semaphore_mem>>) {add = true}
          %dma_wait3A_70 = arith.constant 0 : i32
          %dma_wait3A_71 = arith.constant 0 : i32
          %dma_wait3A_72 = tpu.memref_slice %arg8[%dma_wait3A_70, %dma_wait3A_71] : memref<10000x128xf32, #tpu.memory_space<vmem_shared>> -> memref<10000x128xf32, #tpu.memory_space<vmem_shared>>
          tpu.wait_indirect_dma semaphore(%run_scoped3A : memref<!tpu.dma_semaphore, #tpu.memory_space<semaphore_mem>>) src(%arg13 : memref<128x128xf32, #tpu.memory_space<vmem>>) dst(%dma_wait3A_72 : memref<10000x128xf32, #tpu.memory_space<vmem_shared>>)
          tpu.yield
        }) : () -> ()
      } else {
      }
      %barrier3A_46 = arith.constant 0 : index
      tpu.barrier barrier_id(%barrier3A_46)
      %lt3A_47 = arith.constant 15 : i32
      %lt3A_48 = arith.cmpi slt, %arg1, %lt3A_47 : i32
      %convert_element_type3A_49 = arith.extui %lt3A_48 : i1 to i32
      %cond3A_50 = arith.constant 0 : i32
      %cond3A_51 = arith.cmpi ne, %convert_element_type3A_49, %cond3A_50 : i32
      scf.if %cond3A_51 {
        %mul3A_57 = arith.constant 624 : i32
        %mul3A_58 = arith.muli %arg1, %mul3A_57 : i32
        %mul3A_59 = arith.constant 624 : i32
        %mul3A_60 = arith.muli %arg1, %mul3A_59 : i32
        "tpu.region"() ({
          %run_scoped3A = tpu.sem_alloc : memref<!tpu.dma_semaphore, #tpu.memory_space<semaphore_mem>>
          %dma_start3A_61 = arith.constant 0 : i32
          %dma_start3A_62 = tpu.memref_slice %arg6[%mul3A_60, %dma_start3A_61] : memref<10000x128xf32, #tpu.memory_space<hbm>> -> memref<624x128xf32, #tpu.memory_space<hbm>>
          %dma_start3A_63 = arith.constant 0 : i32
          %dma_start3A_64 = tpu.memref_slice %arg8[%mul3A_58, %dma_start3A_63] : memref<10000x128xf32, #tpu.memory_space<vmem_shared>> -> memref<624x128xf32, #tpu.memory_space<vmem_shared>>
          tpu.enqueue_dma source(%dma_start3A_64 : memref<624x128xf32, #tpu.memory_space<vmem_shared>>) target(%dma_start3A_62 : memref<624x128xf32, #tpu.memory_space<hbm>>) target_semaphore(%run_scoped3A : memref<!tpu.dma_semaphore, #tpu.memory_space<semaphore_mem>>)
          %dma_wait3A_65 = arith.constant 0 : i32
          %dma_wait3A_66 = tpu.memref_slice %arg6[%mul3A_60, %dma_wait3A_65] : memref<10000x128xf32, #tpu.memory_space<hbm>> -> memref<624x128xf32, #tpu.memory_space<hbm>>
          %dma_wait3A_67 = arith.constant 0 : i32
          %dma_wait3A_68 = tpu.memref_slice %arg8[%mul3A_58, %dma_wait3A_67] : memref<10000x128xf32, #tpu.memory_space<vmem_shared>> -> memref<624x128xf32, #tpu.memory_space<vmem_shared>>
          tpu.wait_dma2 semaphore(%run_scoped3A : memref<!tpu.dma_semaphore, #tpu.memory_space<semaphore_mem>>) src(%dma_wait3A_68 : memref<624x128xf32, #tpu.memory_space<vmem_shared>>) dst(%dma_wait3A_66 : memref<624x128xf32, #tpu.memory_space<hbm>>)
          tpu.yield
        }) : () -> ()
      } else {
      }
      %eq3A_52 = arith.constant 15 : i32
      %eq3A_53 = arith.cmpi eq, %arg1, %eq3A_52 : i32
      %convert_element_type3A_54 = arith.extui %eq3A_53 : i1 to i32
      %cond3A_55 = arith.constant 0 : i32
      %cond3A_56 = arith.cmpi ne, %convert_element_type3A_54, %cond3A_55 : i32
      scf.if %cond3A_56 {
        "tpu.region"() ({
          %run_scoped3A = tpu.sem_alloc : memref<!tpu.dma_semaphore, #tpu.memory_space<semaphore_mem>>
          %dma_start3A_57 = arith.constant 9360 : i32
          %dma_start3A_58 = arith.constant 0 : i32
          %dma_start3A_59 = tpu.memref_slice %arg6[%dma_start3A_57, %dma_start3A_58] : memref<10000x128xf32, #tpu.memory_space<hbm>> -> memref<640x128xf32, #tpu.memory_space<hbm>>
          %dma_start3A_60 = arith.constant 9360 : i32
          %dma_start3A_61 = arith.constant 0 : i32
          %dma_start3A_62 = tpu.memref_slice %arg8[%dma_start3A_60, %dma_start3A_61] : memref<10000x128xf32, #tpu.memory_space<vmem_shared>> -> memref<640x128xf32, #tpu.memory_space<vmem_shared>>
          tpu.enqueue_dma source(%dma_start3A_62 : memref<640x128xf32, #tpu.memory_space<vmem_shared>>) target(%dma_start3A_59 : memref<640x128xf32, #tpu.memory_space<hbm>>) target_semaphore(%run_scoped3A : memref<!tpu.dma_semaphore, #tpu.memory_space<semaphore_mem>>)
          %dma_wait3A_63 = arith.constant 9360 : i32
          %dma_wait3A_64 = arith.constant 0 : i32
          %dma_wait3A_65 = tpu.memref_slice %arg6[%dma_wait3A_63, %dma_wait3A_64] : memref<10000x128xf32, #tpu.memory_space<hbm>> -> memref<640x128xf32, #tpu.memory_space<hbm>>
          %dma_wait3A_66 = arith.constant 9360 : i32
          %dma_wait3A_67 = arith.constant 0 : i32
          %dma_wait3A_68 = tpu.memref_slice %arg8[%dma_wait3A_66, %dma_wait3A_67] : memref<10000x128xf32, #tpu.memory_space<vmem_shared>> -> memref<640x128xf32, #tpu.memory_space<vmem_shared>>
          tpu.wait_dma2 semaphore(%run_scoped3A : memref<!tpu.dma_semaphore, #tpu.memory_space<semaphore_mem>>) src(%dma_wait3A_68 : memref<640x128xf32, #tpu.memory_space<vmem_shared>>) dst(%dma_wait3A_65 : memref<640x128xf32, #tpu.memory_space<hbm>>)
          tpu.yield
        }) : () -> ()
      } else {
      }
    } else {
    }
    %eq3A_2 = arith.constant 1 : i32
    %eq3A_3 = arith.cmpi eq, %arg0, %eq3A_2 : i32
    %convert_element_type3A_4 = arith.extui %eq3A_3 : i1 to i32
    %cond3A_5 = arith.constant 0 : i32
    %cond3A_6 = arith.cmpi ne, %convert_element_type3A_4, %cond3A_5 : i32
    scf.if %cond3A_6 {
      %lt3A = arith.constant 15 : i32
      %lt3A_7 = arith.cmpi slt, %arg1, %lt3A : i32
      %convert_element_type3A_8 = arith.extui %lt3A_7 : i1 to i32
      %cond3A_9 = arith.constant 0 : i32
      %cond3A_10 = arith.cmpi ne, %convert_element_type3A_8, %cond3A_9 : i32
      scf.if %cond3A_10 {
        %mul3A_57 = arith.constant 624 : i32
        %mul3A_58 = arith.muli %arg1, %mul3A_57 : i32
        %mul3A_59 = arith.constant 624 : i32
        %mul3A_60 = arith.muli %arg1, %mul3A_59 : i32
        "tpu.region"() ({
          %run_scoped3A = tpu.sem_alloc : memref<!tpu.dma_semaphore, #tpu.memory_space<semaphore_mem>>
          %dma_start3A_61 = arith.constant 0 : i32
          %dma_start3A_62 = tpu.memref_slice %arg8[%mul3A_60, %dma_start3A_61] : memref<10000x128xf32, #tpu.memory_space<vmem_shared>> -> memref<624x128xf32, #tpu.memory_space<vmem_shared>>
          %dma_start3A_63 = arith.constant 0 : i32
          %dma_start3A_64 = tpu.memref_slice %arg3[%mul3A_58, %dma_start3A_63] : memref<10000x128xf32, #tpu.memory_space<hbm>> -> memref<624x128xf32, #tpu.memory_space<hbm>>
          tpu.enqueue_dma source(%dma_start3A_64 : memref<624x128xf32, #tpu.memory_space<hbm>>) target(%dma_start3A_62 : memref<624x128xf32, #tpu.memory_space<vmem_shared>>) target_semaphore(%run_scoped3A : memref<!tpu.dma_semaphore, #tpu.memory_space<semaphore_mem>>)
          %dma_wait3A_65 = arith.constant 0 : i32
          %dma_wait3A_66 = tpu.memref_slice %arg8[%mul3A_60, %dma_wait3A_65] : memref<10000x128xf32, #tpu.memory_space<vmem_shared>> -> memref<624x128xf32, #tpu.memory_space<vmem_shared>>
          %dma_wait3A_67 = arith.constant 0 : i32
          %dma_wait3A_68 = tpu.memref_slice %arg3[%mul3A_58, %dma_wait3A_67] : memref<10000x128xf32, #tpu.memory_space<hbm>> -> memref<624x128xf32, #tpu.memory_space<hbm>>
          tpu.wait_dma2 semaphore(%run_scoped3A : memref<!tpu.dma_semaphore, #tpu.memory_space<semaphore_mem>>) src(%dma_wait3A_68 : memref<624x128xf32, #tpu.memory_space<hbm>>) dst(%dma_wait3A_66 : memref<624x128xf32, #tpu.memory_space<vmem_shared>>)
          tpu.yield
        }) : () -> ()
      } else {
      }
      %eq3A_11 = arith.constant 15 : i32
      %eq3A_12 = arith.cmpi eq, %arg1, %eq3A_11 : i32
      %convert_element_type3A_13 = arith.extui %eq3A_12 : i1 to i32
      %cond3A_14 = arith.constant 0 : i32
      %cond3A_15 = arith.cmpi ne, %convert_element_type3A_13, %cond3A_14 : i32
      scf.if %cond3A_15 {
        "tpu.region"() ({
          %run_scoped3A = tpu.sem_alloc : memref<!tpu.dma_semaphore, #tpu.memory_space<semaphore_mem>>
          %dma_start3A_57 = arith.constant 9360 : i32
          %dma_start3A_58 = arith.constant 0 : i32
          %dma_start3A_59 = tpu.memref_slice %arg8[%dma_start3A_57, %dma_start3A_58] : memref<10000x128xf32, #tpu.memory_space<vmem_shared>> -> memref<640x128xf32, #tpu.memory_space<vmem_shared>>
          %dma_start3A_60 = arith.constant 9360 : i32
          %dma_start3A_61 = arith.constant 0 : i32
          %dma_start3A_62 = tpu.memref_slice %arg3[%dma_start3A_60, %dma_start3A_61] : memref<10000x128xf32, #tpu.memory_space<hbm>> -> memref<640x128xf32, #tpu.memory_space<hbm>>
          tpu.enqueue_dma source(%dma_start3A_62 : memref<640x128xf32, #tpu.memory_space<hbm>>) target(%dma_start3A_59 : memref<640x128xf32, #tpu.memory_space<vmem_shared>>) target_semaphore(%run_scoped3A : memref<!tpu.dma_semaphore, #tpu.memory_space<semaphore_mem>>)
          %dma_wait3A_63 = arith.constant 9360 : i32
          %dma_wait3A_64 = arith.constant 0 : i32
          %dma_wait3A_65 = tpu.memref_slice %arg8[%dma_wait3A_63, %dma_wait3A_64] : memref<10000x128xf32, #tpu.memory_space<vmem_shared>> -> memref<640x128xf32, #tpu.memory_space<vmem_shared>>
          %dma_wait3A_66 = arith.constant 9360 : i32
          %dma_wait3A_67 = arith.constant 0 : i32
          %dma_wait3A_68 = tpu.memref_slice %arg3[%dma_wait3A_66, %dma_wait3A_67] : memref<10000x128xf32, #tpu.memory_space<hbm>> -> memref<640x128xf32, #tpu.memory_space<hbm>>
          tpu.wait_dma2 semaphore(%run_scoped3A : memref<!tpu.dma_semaphore, #tpu.memory_space<semaphore_mem>>) src(%dma_wait3A_68 : memref<640x128xf32, #tpu.memory_space<hbm>>) dst(%dma_wait3A_65 : memref<640x128xf32, #tpu.memory_space<vmem_shared>>)
          tpu.yield
        }) : () -> ()
      } else {
      }
      %barrier3A = arith.constant 0 : index
      tpu.barrier barrier_id(%barrier3A)
      %add3A = arith.constant 0 : i32
      %add3A_16 = arith.addi %arg1, %add3A : i32
      %mul3A = arith.constant 128 : i32
      %mul3A_17 = arith.muli %add3A_16, %mul3A : i32
      %dma_start3A = tpu.memref_slice %arg4[%mul3A_17] : memref<160000xi32, #tpu.memory_space<hbm>> -> memref<128xi32, #tpu.memory_space<hbm>>
      %dma_start3A_18 = tpu.memref_slice %arg4[%mul3A_17] : memref<160000xi32, #tpu.memory_space<hbm>> -> memref<128xi32, #tpu.memory_space<hbm>>
      tpu.enqueue_dma source(%dma_start3A_18 : memref<128xi32, #tpu.memory_space<hbm>>) target(%arg9 : memref<128xi32, #tpu.memory_space<vmem>>) target_semaphore(%arg15 : memref<!tpu.dma_semaphore, #tpu.memory_space<semaphore_mem>>)
      %scan3A = arith.constant 0 : i32
      %scan3A_19 = arith.constant 0 : i32
      %scan3A_20 = arith.constant 39 : i32
      %scan3A_21 = arith.addi %scan3A_19, %scan3A_20 : i32
      %scan3A_22 = arith.constant 1 : i32
      scf.for %scan3A_57 = %scan3A_19 to %scan3A_21 step %scan3A_22  : i32 {
        %mul3A_58 = arith.constant 2 : i32
        %mul3A_59 = arith.muli %mul3A_58, %scan3A_57 : i32
        %ge3A = arith.constant 2 : i32
        %ge3A_60 = arith.cmpi sge, %mul3A_59, %ge3A : i32
        %convert_element_type3A_61 = arith.extui %ge3A_60 : i1 to i32
        %cond3A_62 = arith.constant 0 : i32
        %cond3A_63 = arith.cmpi ne, %convert_element_type3A_61, %cond3A_62 : i32
        scf.if %cond3A_63 {
          %dma_wait3A_141 = arith.constant 0 : i32
          %dma_wait3A_142 = arith.constant 0 : i32
          %dma_wait3A_143 = tpu.memref_slice %arg8[%dma_wait3A_141, %dma_wait3A_142] : memref<10000x128xf32, #tpu.memory_space<vmem_shared>> -> memref<10000x128xf32, #tpu.memory_space<vmem_shared>>
          tpu.wait_indirect_dma semaphore(%arg21 : memref<!tpu.dma_semaphore, #tpu.memory_space<semaphore_mem>>) src(%arg13 : memref<128x128xf32, #tpu.memory_space<vmem>>) dst(%dma_wait3A_143 : memref<10000x128xf32, #tpu.memory_space<vmem_shared>>)
        } else {
        }
        %mul3A_64 = arith.constant 16 : i32
        %mul3A_65 = arith.muli %mul3A_59, %mul3A_64 : i32
        %add3A_66 = arith.addi %arg1, %mul3A_65 : i32
        %mul3A_67 = arith.constant 128 : i32
        %mul3A_68 = arith.muli %add3A_66, %mul3A_67 : i32
        %dma_start3A_69 = tpu.memref_slice %arg5[%mul3A_68] : memref<160000xi32, #tpu.memory_space<hbm>> -> memref<128xi32, #tpu.memory_space<hbm>>
        %dma_start3A_70 = tpu.memref_slice %arg5[%mul3A_68] : memref<160000xi32, #tpu.memory_space<hbm>> -> memref<128xi32, #tpu.memory_space<hbm>>
        tpu.enqueue_dma source(%dma_start3A_70 : memref<128xi32, #tpu.memory_space<hbm>>) target(%arg11 : memref<128xi32, #tpu.memory_space<vmem>>) target_semaphore(%arg17 : memref<!tpu.dma_semaphore, #tpu.memory_space<semaphore_mem>>)
        %mul3A_71 = arith.constant 16 : i32
        %mul3A_72 = arith.muli %mul3A_59, %mul3A_71 : i32
        %add3A_73 = arith.addi %arg1, %mul3A_72 : i32
        %mul3A_74 = arith.constant 128 : i32
        %mul3A_75 = arith.muli %add3A_73, %mul3A_74 : i32
        %dma_wait3A_76 = tpu.memref_slice %arg4[%mul3A_75] : memref<160000xi32, #tpu.memory_space<hbm>> -> memref<128xi32, #tpu.memory_space<hbm>>
        %dma_wait3A_77 = tpu.memref_slice %arg4[%mul3A_75] : memref<160000xi32, #tpu.memory_space<hbm>> -> memref<128xi32, #tpu.memory_space<hbm>>
        tpu.wait_dma2 semaphore(%arg15 : memref<!tpu.dma_semaphore, #tpu.memory_space<semaphore_mem>>) src(%dma_wait3A_77 : memref<128xi32, #tpu.memory_space<hbm>>) dst(%arg9 : memref<128xi32, #tpu.memory_space<vmem>>)
        %dma_start3A_78 = arith.constant 0 : i32
        %dma_start3A_79 = arith.constant 0 : i32
        %dma_start3A_80 = tpu.memref_slice %arg3[%dma_start3A_78, %dma_start3A_79] : memref<10000x128xf32, #tpu.memory_space<hbm>> -> memref<10000x128xf32, #tpu.memory_space<hbm>>
        tpu.enqueue_indirect_dma source(%dma_start3A_80 : memref<10000x128xf32, #tpu.memory_space<hbm>>) target(%arg13 : memref<128x128xf32, #tpu.memory_space<vmem>>) offsets(%arg9 : memref<128xi32, #tpu.memory_space<vmem>>) semaphore(%arg19 : memref<!tpu.dma_semaphore, #tpu.memory_space<semaphore_mem>>)
        %ge3A_81 = arith.constant 1 : i32
        %ge3A_82 = arith.cmpi sge, %mul3A_59, %ge3A_81 : i32
        %convert_element_type3A_83 = arith.extui %ge3A_82 : i1 to i32
        %cond3A_84 = arith.constant 0 : i32
        %cond3A_85 = arith.cmpi ne, %convert_element_type3A_83, %cond3A_84 : i32
        scf.if %cond3A_85 {
          %dma_wait3A_141 = arith.constant 0 : i32
          %dma_wait3A_142 = arith.constant 0 : i32
          %dma_wait3A_143 = tpu.memref_slice %arg3[%dma_wait3A_141, %dma_wait3A_142] : memref<10000x128xf32, #tpu.memory_space<hbm>> -> memref<10000x128xf32, #tpu.memory_space<hbm>>
          tpu.wait_indirect_dma semaphore(%arg20 : memref<!tpu.dma_semaphore, #tpu.memory_space<semaphore_mem>>) src(%dma_wait3A_143 : memref<10000x128xf32, #tpu.memory_space<hbm>>) dst(%arg14 : memref<128x128xf32, #tpu.memory_space<vmem>>)
        } else {
        }
        %add3A_86 = arith.constant 1 : i32
        %add3A_87 = arith.addi %mul3A_59, %add3A_86 : i32
        %lt3A_88 = arith.constant 78 : i32
        %lt3A_89 = arith.cmpi slt, %add3A_87, %lt3A_88 : i32
        %convert_element_type3A_90 = arith.extui %lt3A_89 : i1 to i32
        %cond3A_91 = arith.constant 0 : i32
        %cond3A_92 = arith.cmpi ne, %convert_element_type3A_90, %cond3A_91 : i32
        scf.if %cond3A_92 {
          %add3A_141 = arith.constant 1 : i32
          %add3A_142 = arith.addi %mul3A_59, %add3A_141 : i32
          %mul3A_143 = arith.constant 16 : i32
          %mul3A_144 = arith.muli %add3A_142, %mul3A_143 : i32
          %add3A_145 = arith.addi %arg1, %mul3A_144 : i32
          %mul3A_146 = arith.constant 128 : i32
          %mul3A_147 = arith.muli %add3A_145, %mul3A_146 : i32
          %dma_start3A_148 = tpu.memref_slice %arg4[%mul3A_147] : memref<160000xi32, #tpu.memory_space<hbm>> -> memref<128xi32, #tpu.memory_space<hbm>>
          %dma_start3A_149 = tpu.memref_slice %arg4[%mul3A_147] : memref<160000xi32, #tpu.memory_space<hbm>> -> memref<128xi32, #tpu.memory_space<hbm>>
          tpu.enqueue_dma source(%dma_start3A_149 : memref<128xi32, #tpu.memory_space<hbm>>) target(%arg10 : memref<128xi32, #tpu.memory_space<vmem>>) target_semaphore(%arg16 : memref<!tpu.dma_semaphore, #tpu.memory_space<semaphore_mem>>)
        } else {
        }
        %ge3A_93 = arith.constant 1 : i32
        %ge3A_94 = arith.cmpi sge, %mul3A_59, %ge3A_93 : i32
        %convert_element_type3A_95 = arith.extui %ge3A_94 : i1 to i32
        %cond3A_96 = arith.constant 0 : i32
        %cond3A_97 = arith.cmpi ne, %convert_element_type3A_95, %cond3A_96 : i32
        scf.if %cond3A_97 {
          %sub3A = arith.constant 1 : i32
          %sub3A_141 = arith.subi %mul3A_59, %sub3A : i32
          %mul3A_142 = arith.constant 16 : i32
          %mul3A_143 = arith.muli %sub3A_141, %mul3A_142 : i32
          %add3A_144 = arith.addi %arg1, %mul3A_143 : i32
          %mul3A_145 = arith.constant 128 : i32
          %mul3A_146 = arith.muli %add3A_144, %mul3A_145 : i32
          %dma_wait3A_147 = tpu.memref_slice %arg5[%mul3A_146] : memref<160000xi32, #tpu.memory_space<hbm>> -> memref<128xi32, #tpu.memory_space<hbm>>
          %dma_wait3A_148 = tpu.memref_slice %arg5[%mul3A_146] : memref<160000xi32, #tpu.memory_space<hbm>> -> memref<128xi32, #tpu.memory_space<hbm>>
          tpu.wait_dma2 semaphore(%arg18 : memref<!tpu.dma_semaphore, #tpu.memory_space<semaphore_mem>>) src(%dma_wait3A_148 : memref<128xi32, #tpu.memory_space<hbm>>) dst(%arg12 : memref<128xi32, #tpu.memory_space<vmem>>)
          %dma_start3A_149 = arith.constant 0 : i32
          %dma_start3A_150 = arith.constant 0 : i32
          %dma_start3A_151 = tpu.memref_slice %arg8[%dma_start3A_149, %dma_start3A_150] : memref<10000x128xf32, #tpu.memory_space<vmem_shared>> -> memref<10000x128xf32, #tpu.memory_space<vmem_shared>>
          tpu.enqueue_indirect_dma source(%arg14 : memref<128x128xf32, #tpu.memory_space<vmem>>) target(%dma_start3A_151 : memref<10000x128xf32, #tpu.memory_space<vmem_shared>>) offsets(%arg12 : memref<128xi32, #tpu.memory_space<vmem>>) semaphore(%arg22 : memref<!tpu.dma_semaphore, #tpu.memory_space<semaphore_mem>>) {add = true}
        } else {
        }
        %mul3A_98 = arith.constant 2 : i32
        %mul3A_99 = arith.muli %mul3A_98, %scan3A_57 : i32
        %add3A_100 = arith.constant 1 : i32
        %add3A_101 = arith.addi %mul3A_99, %add3A_100 : i32
        %ge3A_102 = arith.constant 2 : i32
        %ge3A_103 = arith.cmpi sge, %add3A_101, %ge3A_102 : i32
        %convert_element_type3A_104 = arith.extui %ge3A_103 : i1 to i32
        %cond3A_105 = arith.constant 0 : i32
        %cond3A_106 = arith.cmpi ne, %convert_element_type3A_104, %cond3A_105 : i32
        scf.if %cond3A_106 {
          %dma_wait3A_141 = arith.constant 0 : i32
          %dma_wait3A_142 = arith.constant 0 : i32
          %dma_wait3A_143 = tpu.memref_slice %arg8[%dma_wait3A_141, %dma_wait3A_142] : memref<10000x128xf32, #tpu.memory_space<vmem_shared>> -> memref<10000x128xf32, #tpu.memory_space<vmem_shared>>
          tpu.wait_indirect_dma semaphore(%arg22 : memref<!tpu.dma_semaphore, #tpu.memory_space<semaphore_mem>>) src(%arg14 : memref<128x128xf32, #tpu.memory_space<vmem>>) dst(%dma_wait3A_143 : memref<10000x128xf32, #tpu.memory_space<vmem_shared>>)
        } else {
        }
        %mul3A_107 = arith.constant 16 : i32
        %mul3A_108 = arith.muli %add3A_101, %mul3A_107 : i32
        %add3A_109 = arith.addi %arg1, %mul3A_108 : i32
        %mul3A_110 = arith.constant 128 : i32
        %mul3A_111 = arith.muli %add3A_109, %mul3A_110 : i32
        %dma_start3A_112 = tpu.memref_slice %arg5[%mul3A_111] : memref<160000xi32, #tpu.memory_space<hbm>> -> memref<128xi32, #tpu.memory_space<hbm>>
        %dma_start3A_113 = tpu.memref_slice %arg5[%mul3A_111] : memref<160000xi32, #tpu.memory_space<hbm>> -> memref<128xi32, #tpu.memory_space<hbm>>
        tpu.enqueue_dma source(%dma_start3A_113 : memref<128xi32, #tpu.memory_space<hbm>>) target(%arg12 : memref<128xi32, #tpu.memory_space<vmem>>) target_semaphore(%arg18 : memref<!tpu.dma_semaphore, #tpu.memory_space<semaphore_mem>>)
        %mul3A_114 = arith.constant 16 : i32
        %mul3A_115 = arith.muli %add3A_101, %mul3A_114 : i32
        %add3A_116 = arith.addi %arg1, %mul3A_115 : i32
        %mul3A_117 = arith.constant 128 : i32
        %mul3A_118 = arith.muli %add3A_116, %mul3A_117 : i32
        %dma_wait3A_119 = tpu.memref_slice %arg4[%mul3A_118] : memref<160000xi32, #tpu.memory_space<hbm>> -> memref<128xi32, #tpu.memory_space<hbm>>
        %dma_wait3A_120 = tpu.memref_slice %arg4[%mul3A_118] : memref<160000xi32, #tpu.memory_space<hbm>> -> memref<128xi32, #tpu.memory_space<hbm>>
        tpu.wait_dma2 semaphore(%arg16 : memref<!tpu.dma_semaphore, #tpu.memory_space<semaphore_mem>>) src(%dma_wait3A_120 : memref<128xi32, #tpu.memory_space<hbm>>) dst(%arg10 : memref<128xi32, #tpu.memory_space<vmem>>)
        %dma_start3A_121 = arith.constant 0 : i32
        %dma_start3A_122 = arith.constant 0 : i32
        %dma_start3A_123 = tpu.memref_slice %arg3[%dma_start3A_121, %dma_start3A_122] : memref<10000x128xf32, #tpu.memory_space<hbm>> -> memref<10000x128xf32, #tpu.memory_space<hbm>>
        tpu.enqueue_indirect_dma source(%dma_start3A_123 : memref<10000x128xf32, #tpu.memory_space<hbm>>) target(%arg14 : memref<128x128xf32, #tpu.memory_space<vmem>>) offsets(%arg10 : memref<128xi32, #tpu.memory_space<vmem>>) semaphore(%arg20 : memref<!tpu.dma_semaphore, #tpu.memory_space<semaphore_mem>>)
        %ge3A_124 = arith.constant 1 : i32
        %ge3A_125 = arith.cmpi sge, %add3A_101, %ge3A_124 : i32
        %convert_element_type3A_126 = arith.extui %ge3A_125 : i1 to i32
        %cond3A_127 = arith.constant 0 : i32
        %cond3A_128 = arith.cmpi ne, %convert_element_type3A_126, %cond3A_127 : i32
        scf.if %cond3A_128 {
          %dma_wait3A_141 = arith.constant 0 : i32
          %dma_wait3A_142 = arith.constant 0 : i32
          %dma_wait3A_143 = tpu.memref_slice %arg3[%dma_wait3A_141, %dma_wait3A_142] : memref<10000x128xf32, #tpu.memory_space<hbm>> -> memref<10000x128xf32, #tpu.memory_space<hbm>>
          tpu.wait_indirect_dma semaphore(%arg19 : memref<!tpu.dma_semaphore, #tpu.memory_space<semaphore_mem>>) src(%dma_wait3A_143 : memref<10000x128xf32, #tpu.memory_space<hbm>>) dst(%arg13 : memref<128x128xf32, #tpu.memory_space<vmem>>)
        } else {
        }
        %add3A_129 = arith.constant 1 : i32
        %add3A_130 = arith.addi %add3A_101, %add3A_129 : i32
        %lt3A_131 = arith.constant 78 : i32
        %lt3A_132 = arith.cmpi slt, %add3A_130, %lt3A_131 : i32
        %convert_element_type3A_133 = arith.extui %lt3A_132 : i1 to i32
        %cond3A_134 = arith.constant 0 : i32
        %cond3A_135 = arith.cmpi ne, %convert_element_type3A_133, %cond3A_134 : i32
        scf.if %cond3A_135 {
          %add3A_141 = arith.constant 1 : i32
          %add3A_142 = arith.addi %add3A_101, %add3A_141 : i32
          %mul3A_143 = arith.constant 16 : i32
          %mul3A_144 = arith.muli %add3A_142, %mul3A_143 : i32
          %add3A_145 = arith.addi %arg1, %mul3A_144 : i32
          %mul3A_146 = arith.constant 128 : i32
          %mul3A_147 = arith.muli %add3A_145, %mul3A_146 : i32
          %dma_start3A_148 = tpu.memref_slice %arg4[%mul3A_147] : memref<160000xi32, #tpu.memory_space<hbm>> -> memref<128xi32, #tpu.memory_space<hbm>>
          %dma_start3A_149 = tpu.memref_slice %arg4[%mul3A_147] : memref<160000xi32, #tpu.memory_space<hbm>> -> memref<128xi32, #tpu.memory_space<hbm>>
          tpu.enqueue_dma source(%dma_start3A_149 : memref<128xi32, #tpu.memory_space<hbm>>) target(%arg9 : memref<128xi32, #tpu.memory_space<vmem>>) target_semaphore(%arg15 : memref<!tpu.dma_semaphore, #tpu.memory_space<semaphore_mem>>)
        } else {
        }
        %ge3A_136 = arith.constant 1 : i32
        %ge3A_137 = arith.cmpi sge, %add3A_101, %ge3A_136 : i32
        %convert_element_type3A_138 = arith.extui %ge3A_137 : i1 to i32
        %cond3A_139 = arith.constant 0 : i32
        %cond3A_140 = arith.cmpi ne, %convert_element_type3A_138, %cond3A_139 : i32
        scf.if %cond3A_140 {
          %sub3A = arith.constant 1 : i32
          %sub3A_141 = arith.subi %add3A_101, %sub3A : i32
          %mul3A_142 = arith.constant 16 : i32
          %mul3A_143 = arith.muli %sub3A_141, %mul3A_142 : i32
          %add3A_144 = arith.addi %arg1, %mul3A_143 : i32
          %mul3A_145 = arith.constant 128 : i32
          %mul3A_146 = arith.muli %add3A_144, %mul3A_145 : i32
          %dma_wait3A_147 = tpu.memref_slice %arg5[%mul3A_146] : memref<160000xi32, #tpu.memory_space<hbm>> -> memref<128xi32, #tpu.memory_space<hbm>>
          %dma_wait3A_148 = tpu.memref_slice %arg5[%mul3A_146] : memref<160000xi32, #tpu.memory_space<hbm>> -> memref<128xi32, #tpu.memory_space<hbm>>
          tpu.wait_dma2 semaphore(%arg17 : memref<!tpu.dma_semaphore, #tpu.memory_space<semaphore_mem>>) src(%dma_wait3A_148 : memref<128xi32, #tpu.memory_space<hbm>>) dst(%arg11 : memref<128xi32, #tpu.memory_space<vmem>>)
          %dma_start3A_149 = arith.constant 0 : i32
          %dma_start3A_150 = arith.constant 0 : i32
          %dma_start3A_151 = tpu.memref_slice %arg8[%dma_start3A_149, %dma_start3A_150] : memref<10000x128xf32, #tpu.memory_space<vmem_shared>> -> memref<10000x128xf32, #tpu.memory_space<vmem_shared>>
          tpu.enqueue_indirect_dma source(%arg13 : memref<128x128xf32, #tpu.memory_space<vmem>>) target(%dma_start3A_151 : memref<10000x128xf32, #tpu.memory_space<vmem_shared>>) offsets(%arg11 : memref<128xi32, #tpu.memory_space<vmem>>) semaphore(%arg21 : memref<!tpu.dma_semaphore, #tpu.memory_space<semaphore_mem>>) {add = true}
        } else {
        }
      }
      %scan3A_23 = arith.constant 39 : i32
      %dma_wait3A = arith.constant 0 : i32
      %dma_wait3A_24 = arith.constant 0 : i32
      %dma_wait3A_25 = tpu.memref_slice %arg3[%dma_wait3A, %dma_wait3A_24] : memref<10000x128xf32, #tpu.memory_space<hbm>> -> memref<10000x128xf32, #tpu.memory_space<hbm>>
      tpu.wait_indirect_dma semaphore(%arg20 : memref<!tpu.dma_semaphore, #tpu.memory_space<semaphore_mem>>) src(%dma_wait3A_25 : memref<10000x128xf32, #tpu.memory_space<hbm>>) dst(%arg14 : memref<128x128xf32, #tpu.memory_space<vmem>>)
      %add3A_26 = arith.constant 1232 : i32
      %add3A_27 = arith.addi %arg1, %add3A_26 : i32
      %mul3A_28 = arith.constant 128 : i32
      %mul3A_29 = arith.muli %add3A_27, %mul3A_28 : i32
      %dma_wait3A_30 = tpu.memref_slice %arg5[%mul3A_29] : memref<160000xi32, #tpu.memory_space<hbm>> -> memref<128xi32, #tpu.memory_space<hbm>>
      %dma_wait3A_31 = tpu.memref_slice %arg5[%mul3A_29] : memref<160000xi32, #tpu.memory_space<hbm>> -> memref<128xi32, #tpu.memory_space<hbm>>
      tpu.wait_dma2 semaphore(%arg18 : memref<!tpu.dma_semaphore, #tpu.memory_space<semaphore_mem>>) src(%dma_wait3A_31 : memref<128xi32, #tpu.memory_space<hbm>>) dst(%arg12 : memref<128xi32, #tpu.memory_space<vmem>>)
      %dma_start3A_32 = arith.constant 0 : i32
      %dma_start3A_33 = arith.constant 0 : i32
      %dma_start3A_34 = tpu.memref_slice %arg8[%dma_start3A_32, %dma_start3A_33] : memref<10000x128xf32, #tpu.memory_space<vmem_shared>> -> memref<10000x128xf32, #tpu.memory_space<vmem_shared>>
      tpu.enqueue_indirect_dma source(%arg14 : memref<128x128xf32, #tpu.memory_space<vmem>>) target(%dma_start3A_34 : memref<10000x128xf32, #tpu.memory_space<vmem_shared>>) offsets(%arg12 : memref<128xi32, #tpu.memory_space<vmem>>) semaphore(%arg22 : memref<!tpu.dma_semaphore, #tpu.memory_space<semaphore_mem>>) {add = true}
      %dma_wait3A_35 = arith.constant 0 : i32
      %dma_wait3A_36 = arith.constant 0 : i32
      %dma_wait3A_37 = tpu.memref_slice %arg8[%dma_wait3A_35, %dma_wait3A_36] : memref<10000x128xf32, #tpu.memory_space<vmem_shared>> -> memref<10000x128xf32, #tpu.memory_space<vmem_shared>>
      tpu.wait_indirect_dma semaphore(%arg21 : memref<!tpu.dma_semaphore, #tpu.memory_space<semaphore_mem>>) src(%arg13 : memref<128x128xf32, #tpu.memory_space<vmem>>) dst(%dma_wait3A_37 : memref<10000x128xf32, #tpu.memory_space<vmem_shared>>)
      %dma_wait3A_38 = arith.constant 0 : i32
      %dma_wait3A_39 = arith.constant 0 : i32
      %dma_wait3A_40 = tpu.memref_slice %arg8[%dma_wait3A_38, %dma_wait3A_39] : memref<10000x128xf32, #tpu.memory_space<vmem_shared>> -> memref<10000x128xf32, #tpu.memory_space<vmem_shared>>
      tpu.wait_indirect_dma semaphore(%arg22 : memref<!tpu.dma_semaphore, #tpu.memory_space<semaphore_mem>>) src(%arg14 : memref<128x128xf32, #tpu.memory_space<vmem>>) dst(%dma_wait3A_40 : memref<10000x128xf32, #tpu.memory_space<vmem_shared>>)
      %lt3A_41 = arith.constant 2 : i32
      %lt3A_42 = arith.cmpi slt, %arg1, %lt3A_41 : i32
      %convert_element_type3A_43 = arith.extui %lt3A_42 : i1 to i32
      %cond3A_44 = arith.constant 0 : i32
      %cond3A_45 = arith.cmpi ne, %convert_element_type3A_43, %cond3A_44 : i32
      scf.if %cond3A_45 {
        %add3A_57 = arith.constant 1248 : i32
        %add3A_58 = arith.addi %add3A_57, %arg1 : i32
        %mul3A_59 = arith.constant 128 : i32
        %mul3A_60 = arith.muli %add3A_58, %mul3A_59 : i32
        "tpu.region"() ({
          %run_scoped3A = tpu.sem_alloc : memref<!tpu.dma_semaphore, #tpu.memory_space<semaphore_mem>>
          %dma_start3A_67 = tpu.memref_slice %arg4[%mul3A_60] : memref<160000xi32, #tpu.memory_space<hbm>> -> memref<128xi32, #tpu.memory_space<hbm>>
          %dma_start3A_68 = tpu.memref_slice %arg4[%mul3A_60] : memref<160000xi32, #tpu.memory_space<hbm>> -> memref<128xi32, #tpu.memory_space<hbm>>
          tpu.enqueue_dma source(%dma_start3A_68 : memref<128xi32, #tpu.memory_space<hbm>>) target(%arg9 : memref<128xi32, #tpu.memory_space<vmem>>) target_semaphore(%run_scoped3A : memref<!tpu.dma_semaphore, #tpu.memory_space<semaphore_mem>>)
          %dma_wait3A_69 = tpu.memref_slice %arg4[%mul3A_60] : memref<160000xi32, #tpu.memory_space<hbm>> -> memref<128xi32, #tpu.memory_space<hbm>>
          %dma_wait3A_70 = tpu.memref_slice %arg4[%mul3A_60] : memref<160000xi32, #tpu.memory_space<hbm>> -> memref<128xi32, #tpu.memory_space<hbm>>
          tpu.wait_dma2 semaphore(%run_scoped3A : memref<!tpu.dma_semaphore, #tpu.memory_space<semaphore_mem>>) src(%dma_wait3A_70 : memref<128xi32, #tpu.memory_space<hbm>>) dst(%arg9 : memref<128xi32, #tpu.memory_space<vmem>>)
          tpu.yield
        }) : () -> ()
        "tpu.region"() ({
          %run_scoped3A = tpu.sem_alloc : memref<!tpu.dma_semaphore, #tpu.memory_space<semaphore_mem>>
          %dma_start3A_67 = tpu.memref_slice %arg5[%mul3A_60] : memref<160000xi32, #tpu.memory_space<hbm>> -> memref<128xi32, #tpu.memory_space<hbm>>
          %dma_start3A_68 = tpu.memref_slice %arg5[%mul3A_60] : memref<160000xi32, #tpu.memory_space<hbm>> -> memref<128xi32, #tpu.memory_space<hbm>>
          tpu.enqueue_dma source(%dma_start3A_68 : memref<128xi32, #tpu.memory_space<hbm>>) target(%arg11 : memref<128xi32, #tpu.memory_space<vmem>>) target_semaphore(%run_scoped3A : memref<!tpu.dma_semaphore, #tpu.memory_space<semaphore_mem>>)
          %dma_wait3A_69 = tpu.memref_slice %arg5[%mul3A_60] : memref<160000xi32, #tpu.memory_space<hbm>> -> memref<128xi32, #tpu.memory_space<hbm>>
          %dma_wait3A_70 = tpu.memref_slice %arg5[%mul3A_60] : memref<160000xi32, #tpu.memory_space<hbm>> -> memref<128xi32, #tpu.memory_space<hbm>>
          tpu.wait_dma2 semaphore(%run_scoped3A : memref<!tpu.dma_semaphore, #tpu.memory_space<semaphore_mem>>) src(%dma_wait3A_70 : memref<128xi32, #tpu.memory_space<hbm>>) dst(%arg11 : memref<128xi32, #tpu.memory_space<vmem>>)
          tpu.yield
        }) : () -> ()
        %dma_start3A_61 = arith.constant 0 : i32
        %dma_start3A_62 = arith.constant 0 : i32
        %dma_start3A_63 = tpu.memref_slice %arg3[%dma_start3A_61, %dma_start3A_62] : memref<10000x128xf32, #tpu.memory_space<hbm>> -> memref<10000x128xf32, #tpu.memory_space<hbm>>
        tpu.enqueue_indirect_dma source(%dma_start3A_63 : memref<10000x128xf32, #tpu.memory_space<hbm>>) target(%arg13 : memref<128x128xf32, #tpu.memory_space<vmem>>) offsets(%arg9 : memref<128xi32, #tpu.memory_space<vmem>>) semaphore(%arg19 : memref<!tpu.dma_semaphore, #tpu.memory_space<semaphore_mem>>)
        %dma_wait3A_64 = arith.constant 0 : i32
        %dma_wait3A_65 = arith.constant 0 : i32
        %dma_wait3A_66 = tpu.memref_slice %arg3[%dma_wait3A_64, %dma_wait3A_65] : memref<10000x128xf32, #tpu.memory_space<hbm>> -> memref<10000x128xf32, #tpu.memory_space<hbm>>
        tpu.wait_indirect_dma semaphore(%arg19 : memref<!tpu.dma_semaphore, #tpu.memory_space<semaphore_mem>>) src(%dma_wait3A_66 : memref<10000x128xf32, #tpu.memory_space<hbm>>) dst(%arg13 : memref<128x128xf32, #tpu.memory_space<vmem>>)
        "tpu.region"() ({
          %run_scoped3A = tpu.sem_alloc : memref<!tpu.dma_semaphore, #tpu.memory_space<semaphore_mem>>
          %dma_start3A_67 = arith.constant 0 : i32
          %dma_start3A_68 = arith.constant 0 : i32
          %dma_start3A_69 = tpu.memref_slice %arg8[%dma_start3A_67, %dma_start3A_68] : memref<10000x128xf32, #tpu.memory_space<vmem_shared>> -> memref<10000x128xf32, #tpu.memory_space<vmem_shared>>
          tpu.enqueue_indirect_dma source(%arg13 : memref<128x128xf32, #tpu.memory_space<vmem>>) target(%dma_start3A_69 : memref<10000x128xf32, #tpu.memory_space<vmem_shared>>) offsets(%arg11 : memref<128xi32, #tpu.memory_space<vmem>>) semaphore(%run_scoped3A : memref<!tpu.dma_semaphore, #tpu.memory_space<semaphore_mem>>) {add = true}
          %dma_wait3A_70 = arith.constant 0 : i32
          %dma_wait3A_71 = arith.constant 0 : i32
          %dma_wait3A_72 = tpu.memref_slice %arg8[%dma_wait3A_70, %dma_wait3A_71] : memref<10000x128xf32, #tpu.memory_space<vmem_shared>> -> memref<10000x128xf32, #tpu.memory_space<vmem_shared>>
          tpu.wait_indirect_dma semaphore(%run_scoped3A : memref<!tpu.dma_semaphore, #tpu.memory_space<semaphore_mem>>) src(%arg13 : memref<128x128xf32, #tpu.memory_space<vmem>>) dst(%dma_wait3A_72 : memref<10000x128xf32, #tpu.memory_space<vmem_shared>>)
          tpu.yield
        }) : () -> ()
      } else {
      }
      %barrier3A_46 = arith.constant 0 : index
      tpu.barrier barrier_id(%barrier3A_46)
      %lt3A_47 = arith.constant 15 : i32
      %lt3A_48 = arith.cmpi slt, %arg1, %lt3A_47 : i32
      %convert_element_type3A_49 = arith.extui %lt3A_48 : i1 to i32
      %cond3A_50 = arith.constant 0 : i32
      %cond3A_51 = arith.cmpi ne, %convert_element_type3A_49, %cond3A_50 : i32
      scf.if %cond3A_51 {
        %mul3A_57 = arith.constant 624 : i32
        %mul3A_58 = arith.muli %arg1, %mul3A_57 : i32
        %mul3A_59 = arith.constant 624 : i32
        %mul3A_60 = arith.muli %arg1, %mul3A_59 : i32
        "tpu.region"() ({
          %run_scoped3A = tpu.sem_alloc : memref<!tpu.dma_semaphore, #tpu.memory_space<semaphore_mem>>
          %dma_start3A_61 = arith.constant 0 : i32
          %dma_start3A_62 = tpu.memref_slice %arg7[%mul3A_60, %dma_start3A_61] : memref<10000x128xf32, #tpu.memory_space<hbm>> -> memref<624x128xf32, #tpu.memory_space<hbm>>
          %dma_start3A_63 = arith.constant 0 : i32
          %dma_start3A_64 = tpu.memref_slice %arg8[%mul3A_58, %dma_start3A_63] : memref<10000x128xf32, #tpu.memory_space<vmem_shared>> -> memref<624x128xf32, #tpu.memory_space<vmem_shared>>
          tpu.enqueue_dma source(%dma_start3A_64 : memref<624x128xf32, #tpu.memory_space<vmem_shared>>) target(%dma_start3A_62 : memref<624x128xf32, #tpu.memory_space<hbm>>) target_semaphore(%run_scoped3A : memref<!tpu.dma_semaphore, #tpu.memory_space<semaphore_mem>>)
          %dma_wait3A_65 = arith.constant 0 : i32
          %dma_wait3A_66 = tpu.memref_slice %arg7[%mul3A_60, %dma_wait3A_65] : memref<10000x128xf32, #tpu.memory_space<hbm>> -> memref<624x128xf32, #tpu.memory_space<hbm>>
          %dma_wait3A_67 = arith.constant 0 : i32
          %dma_wait3A_68 = tpu.memref_slice %arg8[%mul3A_58, %dma_wait3A_67] : memref<10000x128xf32, #tpu.memory_space<vmem_shared>> -> memref<624x128xf32, #tpu.memory_space<vmem_shared>>
          tpu.wait_dma2 semaphore(%run_scoped3A : memref<!tpu.dma_semaphore, #tpu.memory_space<semaphore_mem>>) src(%dma_wait3A_68 : memref<624x128xf32, #tpu.memory_space<vmem_shared>>) dst(%dma_wait3A_66 : memref<624x128xf32, #tpu.memory_space<hbm>>)
          tpu.yield
        }) : () -> ()
      } else {
      }
      %eq3A_52 = arith.constant 15 : i32
      %eq3A_53 = arith.cmpi eq, %arg1, %eq3A_52 : i32
      %convert_element_type3A_54 = arith.extui %eq3A_53 : i1 to i32
      %cond3A_55 = arith.constant 0 : i32
      %cond3A_56 = arith.cmpi ne, %convert_element_type3A_54, %cond3A_55 : i32
      scf.if %cond3A_56 {
        "tpu.region"() ({
          %run_scoped3A = tpu.sem_alloc : memref<!tpu.dma_semaphore, #tpu.memory_space<semaphore_mem>>
          %dma_start3A_57 = arith.constant 9360 : i32
          %dma_start3A_58 = arith.constant 0 : i32
          %dma_start3A_59 = tpu.memref_slice %arg7[%dma_start3A_57, %dma_start3A_58] : memref<10000x128xf32, #tpu.memory_space<hbm>> -> memref<640x128xf32, #tpu.memory_space<hbm>>
          %dma_start3A_60 = arith.constant 9360 : i32
          %dma_start3A_61 = arith.constant 0 : i32
          %dma_start3A_62 = tpu.memref_slice %arg8[%dma_start3A_60, %dma_start3A_61] : memref<10000x128xf32, #tpu.memory_space<vmem_shared>> -> memref<640x128xf32, #tpu.memory_space<vmem_shared>>
          tpu.enqueue_dma source(%dma_start3A_62 : memref<640x128xf32, #tpu.memory_space<vmem_shared>>) target(%dma_start3A_59 : memref<640x128xf32, #tpu.memory_space<hbm>>) target_semaphore(%run_scoped3A : memref<!tpu.dma_semaphore, #tpu.memory_space<semaphore_mem>>)
          %dma_wait3A_63 = arith.constant 9360 : i32
          %dma_wait3A_64 = arith.constant 0 : i32
          %dma_wait3A_65 = tpu.memref_slice %arg7[%dma_wait3A_63, %dma_wait3A_64] : memref<10000x128xf32, #tpu.memory_space<hbm>> -> memref<640x128xf32, #tpu.memory_space<hbm>>
          %dma_wait3A_66 = arith.constant 9360 : i32
          %dma_wait3A_67 = arith.constant 0 : i32
          %dma_wait3A_68 = tpu.memref_slice %arg8[%dma_wait3A_66, %dma_wait3A_67] : memref<10000x128xf32, #tpu.memory_space<vmem_shared>> -> memref<640x128xf32, #tpu.memory_space<vmem_shared>>
          tpu.wait_dma2 semaphore(%run_scoped3A : memref<!tpu.dma_semaphore, #tpu.memory_space<semaphore_mem>>) src(%dma_wait3A_68 : memref<640x128xf32, #tpu.memory_space<vmem_shared>>) dst(%dma_wait3A_65 : memref<640x128xf32, #tpu.memory_space<hbm>>)
          tpu.yield
        }) : () -> ()
      } else {
      }
    } else {
    }
    return
  }
}

#map = affine_map<(d0, d1) -> (0, 0)>
#map1 = affine_map<(d0, d1) -> (0)>
module attributes {stable_mosaic.version = 14 : i64} {
  func.func @_agg_kernel(%arg0: i32, %arg1: i32, %arg2: memref<10000x128xf32, #tpu.memory_space<hbm>>, %arg3: memref<10000x128xf32, #tpu.memory_space<hbm>>, %arg4: memref<160000xi32, #tpu.memory_space<hbm>>, %arg5: memref<160000xi32, #tpu.memory_space<hbm>>, %arg6: memref<10000x128xf32, #tpu.memory_space<hbm>>, %arg7: memref<10000x128xf32, #tpu.memory_space<hbm>>, %arg8: memref<10000x128xf32, #tpu.memory_space<vmem_shared>>, %arg9: memref<128xi32, #tpu.memory_space<vmem>>, %arg10: memref<128xi32, #tpu.memory_space<vmem>>, %arg11: memref<128xi32, #tpu.memory_space<vmem>>, %arg12: memref<128xi32, #tpu.memory_space<vmem>>, %arg13: memref<128x128xf32, #tpu.memory_space<vmem>>, %arg14: memref<128x128xf32, #tpu.memory_space<vmem>>, %arg15: memref<!tpu.dma_semaphore, #tpu.memory_space<semaphore_mem>>, %arg16: memref<!tpu.dma_semaphore, #tpu.memory_space<semaphore_mem>>, %arg17: memref<!tpu.dma_semaphore, #tpu.memory_space<semaphore_mem>>, %arg18: memref<!tpu.dma_semaphore, #tpu.memory_space<semaphore_mem>>, %arg19: memref<!tpu.dma_semaphore, #tpu.memory_space<semaphore_mem>>, %arg20: memref<!tpu.dma_semaphore, #tpu.memory_space<semaphore_mem>>, %arg21: memref<!tpu.dma_semaphore, #tpu.memory_space<semaphore_mem>>, %arg22: memref<!tpu.dma_semaphore, #tpu.memory_space<semaphore_mem>>) attributes {dimension_semantics = [#tpu.dimension_semantics<core_parallel>, #tpu.dimension_semantics<subcore_parallel>], iteration_bounds = array<i64: 2, 16>, scalar_prefetch = 0 : i64, scratch_operands = 15 : i64, tpu.core_type = #tpu.core_type<sc_vector_subcore>, window_params = [{transform_indices = #map}, {transform_indices = #map}, {transform_indices = #map1}, {transform_indices = #map1}, {transform_indices = #map}, {transform_indices = #map}]} {
    %eq3A = arith.constant 0 : i32
    %eq3A_0 = arith.cmpi eq, %arg0, %eq3A : i32
    %convert_element_type3A = arith.extui %eq3A_0 : i1 to i32
    %cond3A = arith.constant 0 : i32
    %cond3A_1 = arith.cmpi ne, %convert_element_type3A, %cond3A : i32
    scf.if %cond3A_1 {
      %lt3A = arith.constant 15 : i32
      %lt3A_7 = arith.cmpi slt, %arg1, %lt3A : i32
      %convert_element_type3A_8 = arith.extui %lt3A_7 : i1 to i32
      %cond3A_9 = arith.constant 0 : i32
      %cond3A_10 = arith.cmpi ne, %convert_element_type3A_8, %cond3A_9 : i32
      scf.if %cond3A_10 {
        %mul3A_57 = arith.constant 624 : i32
        %mul3A_58 = arith.muli %arg1, %mul3A_57 : i32
        %mul3A_59 = arith.constant 624 : i32
        %mul3A_60 = arith.muli %arg1, %mul3A_59 : i32
        "tpu.region"() ({
          %run_scoped3A = tpu.sem_alloc : memref<!tpu.dma_semaphore, #tpu.memory_space<semaphore_mem>>
          %dma_start3A_61 = arith.constant 0 : i32
          %dma_start3A_62 = tpu.memref_slice %arg8[%mul3A_60, %dma_start3A_61] : memref<10000x128xf32, #tpu.memory_space<vmem_shared>> -> memref<624x128xf32, #tpu.memory_space<vmem_shared>>
          %dma_start3A_63 = arith.constant 0 : i32
          %dma_start3A_64 = tpu.memref_slice %arg2[%mul3A_58, %dma_start3A_63] : memref<10000x128xf32, #tpu.memory_space<hbm>> -> memref<624x128xf32, #tpu.memory_space<hbm>>
          tpu.enqueue_dma source(%dma_start3A_64 : memref<624x128xf32, #tpu.memory_space<hbm>>) target(%dma_start3A_62 : memref<624x128xf32, #tpu.memory_space<vmem_shared>>) target_semaphore(%run_scoped3A : memref<!tpu.dma_semaphore, #tpu.memory_space<semaphore_mem>>)
          %dma_wait3A_65 = arith.constant 0 : i32
          %dma_wait3A_66 = tpu.memref_slice %arg8[%mul3A_60, %dma_wait3A_65] : memref<10000x128xf32, #tpu.memory_space<vmem_shared>> -> memref<624x128xf32, #tpu.memory_space<vmem_shared>>
          %dma_wait3A_67 = arith.constant 0 : i32
          %dma_wait3A_68 = tpu.memref_slice %arg2[%mul3A_58, %dma_wait3A_67] : memref<10000x128xf32, #tpu.memory_space<hbm>> -> memref<624x128xf32, #tpu.memory_space<hbm>>
          tpu.wait_dma2 semaphore(%run_scoped3A : memref<!tpu.dma_semaphore, #tpu.memory_space<semaphore_mem>>) src(%dma_wait3A_68 : memref<624x128xf32, #tpu.memory_space<hbm>>) dst(%dma_wait3A_66 : memref<624x128xf32, #tpu.memory_space<vmem_shared>>)
          tpu.yield
        }) : () -> ()
      } else {
      }
      %eq3A_11 = arith.constant 15 : i32
      %eq3A_12 = arith.cmpi eq, %arg1, %eq3A_11 : i32
      %convert_element_type3A_13 = arith.extui %eq3A_12 : i1 to i32
      %cond3A_14 = arith.constant 0 : i32
      %cond3A_15 = arith.cmpi ne, %convert_element_type3A_13, %cond3A_14 : i32
      scf.if %cond3A_15 {
        "tpu.region"() ({
          %run_scoped3A = tpu.sem_alloc : memref<!tpu.dma_semaphore, #tpu.memory_space<semaphore_mem>>
          %dma_start3A_57 = arith.constant 9360 : i32
          %dma_start3A_58 = arith.constant 0 : i32
          %dma_start3A_59 = tpu.memref_slice %arg8[%dma_start3A_57, %dma_start3A_58] : memref<10000x128xf32, #tpu.memory_space<vmem_shared>> -> memref<640x128xf32, #tpu.memory_space<vmem_shared>>
          %dma_start3A_60 = arith.constant 9360 : i32
          %dma_start3A_61 = arith.constant 0 : i32
          %dma_start3A_62 = tpu.memref_slice %arg2[%dma_start3A_60, %dma_start3A_61] : memref<10000x128xf32, #tpu.memory_space<hbm>> -> memref<640x128xf32, #tpu.memory_space<hbm>>
          tpu.enqueue_dma source(%dma_start3A_62 : memref<640x128xf32, #tpu.memory_space<hbm>>) target(%dma_start3A_59 : memref<640x128xf32, #tpu.memory_space<vmem_shared>>) target_semaphore(%run_scoped3A : memref<!tpu.dma_semaphore, #tpu.memory_space<semaphore_mem>>)
          %dma_wait3A_63 = arith.constant 9360 : i32
          %dma_wait3A_64 = arith.constant 0 : i32
          %dma_wait3A_65 = tpu.memref_slice %arg8[%dma_wait3A_63, %dma_wait3A_64] : memref<10000x128xf32, #tpu.memory_space<vmem_shared>> -> memref<640x128xf32, #tpu.memory_space<vmem_shared>>
          %dma_wait3A_66 = arith.constant 9360 : i32
          %dma_wait3A_67 = arith.constant 0 : i32
          %dma_wait3A_68 = tpu.memref_slice %arg2[%dma_wait3A_66, %dma_wait3A_67] : memref<10000x128xf32, #tpu.memory_space<hbm>> -> memref<640x128xf32, #tpu.memory_space<hbm>>
          tpu.wait_dma2 semaphore(%run_scoped3A : memref<!tpu.dma_semaphore, #tpu.memory_space<semaphore_mem>>) src(%dma_wait3A_68 : memref<640x128xf32, #tpu.memory_space<hbm>>) dst(%dma_wait3A_65 : memref<640x128xf32, #tpu.memory_space<vmem_shared>>)
          tpu.yield
        }) : () -> ()
      } else {
      }
      %barrier3A = arith.constant 0 : index
      tpu.barrier barrier_id(%barrier3A)
      %add3A = arith.constant 0 : i32
      %add3A_16 = arith.addi %arg1, %add3A : i32
      %mul3A = arith.constant 128 : i32
      %mul3A_17 = arith.muli %add3A_16, %mul3A : i32
      %dma_start3A = tpu.memref_slice %arg4[%mul3A_17] : memref<160000xi32, #tpu.memory_space<hbm>> -> memref<128xi32, #tpu.memory_space<hbm>>
      %dma_start3A_18 = tpu.memref_slice %arg4[%mul3A_17] : memref<160000xi32, #tpu.memory_space<hbm>> -> memref<128xi32, #tpu.memory_space<hbm>>
      tpu.enqueue_dma source(%dma_start3A_18 : memref<128xi32, #tpu.memory_space<hbm>>) target(%arg9 : memref<128xi32, #tpu.memory_space<vmem>>) target_semaphore(%arg15 : memref<!tpu.dma_semaphore, #tpu.memory_space<semaphore_mem>>)
      %scan3A = arith.constant 0 : i32
      %scan3A_19 = arith.constant 0 : i32
      %scan3A_20 = arith.constant 39 : i32
      %scan3A_21 = arith.addi %scan3A_19, %scan3A_20 : i32
      %scan3A_22 = arith.constant 1 : i32
      scf.for %scan3A_57 = %scan3A_19 to %scan3A_21 step %scan3A_22  : i32 {
        %mul3A_58 = arith.constant 2 : i32
        %mul3A_59 = arith.muli %mul3A_58, %scan3A_57 : i32
        %ge3A = arith.constant 2 : i32
        %ge3A_60 = arith.cmpi sge, %mul3A_59, %ge3A : i32
        %convert_element_type3A_61 = arith.extui %ge3A_60 : i1 to i32
        %cond3A_62 = arith.constant 0 : i32
        %cond3A_63 = arith.cmpi ne, %convert_element_type3A_61, %cond3A_62 : i32
        scf.if %cond3A_63 {
          %dma_wait3A_141 = arith.constant 0 : i32
          %dma_wait3A_142 = arith.constant 0 : i32
          %dma_wait3A_143 = tpu.memref_slice %arg8[%dma_wait3A_141, %dma_wait3A_142] : memref<10000x128xf32, #tpu.memory_space<vmem_shared>> -> memref<10000x128xf32, #tpu.memory_space<vmem_shared>>
          tpu.wait_indirect_dma semaphore(%arg21 : memref<!tpu.dma_semaphore, #tpu.memory_space<semaphore_mem>>) src(%arg13 : memref<128x128xf32, #tpu.memory_space<vmem>>) dst(%dma_wait3A_143 : memref<10000x128xf32, #tpu.memory_space<vmem_shared>>)
        } else {
        }
        %mul3A_64 = arith.constant 16 : i32
        %mul3A_65 = arith.muli %mul3A_59, %mul3A_64 : i32
        %add3A_66 = arith.addi %arg1, %mul3A_65 : i32
        %mul3A_67 = arith.constant 128 : i32
        %mul3A_68 = arith.muli %add3A_66, %mul3A_67 : i32
        %dma_start3A_69 = tpu.memref_slice %arg5[%mul3A_68] : memref<160000xi32, #tpu.memory_space<hbm>> -> memref<128xi32, #tpu.memory_space<hbm>>
        %dma_start3A_70 = tpu.memref_slice %arg5[%mul3A_68] : memref<160000xi32, #tpu.memory_space<hbm>> -> memref<128xi32, #tpu.memory_space<hbm>>
        tpu.enqueue_dma source(%dma_start3A_70 : memref<128xi32, #tpu.memory_space<hbm>>) target(%arg11 : memref<128xi32, #tpu.memory_space<vmem>>) target_semaphore(%arg17 : memref<!tpu.dma_semaphore, #tpu.memory_space<semaphore_mem>>)
        %mul3A_71 = arith.constant 16 : i32
        %mul3A_72 = arith.muli %mul3A_59, %mul3A_71 : i32
        %add3A_73 = arith.addi %arg1, %mul3A_72 : i32
        %mul3A_74 = arith.constant 128 : i32
        %mul3A_75 = arith.muli %add3A_73, %mul3A_74 : i32
        %dma_wait3A_76 = tpu.memref_slice %arg4[%mul3A_75] : memref<160000xi32, #tpu.memory_space<hbm>> -> memref<128xi32, #tpu.memory_space<hbm>>
        %dma_wait3A_77 = tpu.memref_slice %arg4[%mul3A_75] : memref<160000xi32, #tpu.memory_space<hbm>> -> memref<128xi32, #tpu.memory_space<hbm>>
        tpu.wait_dma2 semaphore(%arg15 : memref<!tpu.dma_semaphore, #tpu.memory_space<semaphore_mem>>) src(%dma_wait3A_77 : memref<128xi32, #tpu.memory_space<hbm>>) dst(%arg9 : memref<128xi32, #tpu.memory_space<vmem>>)
        %dma_start3A_78 = arith.constant 0 : i32
        %dma_start3A_79 = arith.constant 0 : i32
        %dma_start3A_80 = tpu.memref_slice %arg2[%dma_start3A_78, %dma_start3A_79] : memref<10000x128xf32, #tpu.memory_space<hbm>> -> memref<10000x128xf32, #tpu.memory_space<hbm>>
        tpu.enqueue_indirect_dma source(%dma_start3A_80 : memref<10000x128xf32, #tpu.memory_space<hbm>>) target(%arg13 : memref<128x128xf32, #tpu.memory_space<vmem>>) offsets(%arg9 : memref<128xi32, #tpu.memory_space<vmem>>) semaphore(%arg19 : memref<!tpu.dma_semaphore, #tpu.memory_space<semaphore_mem>>)
        %ge3A_81 = arith.constant 1 : i32
        %ge3A_82 = arith.cmpi sge, %mul3A_59, %ge3A_81 : i32
        %convert_element_type3A_83 = arith.extui %ge3A_82 : i1 to i32
        %cond3A_84 = arith.constant 0 : i32
        %cond3A_85 = arith.cmpi ne, %convert_element_type3A_83, %cond3A_84 : i32
        scf.if %cond3A_85 {
          %dma_wait3A_141 = arith.constant 0 : i32
          %dma_wait3A_142 = arith.constant 0 : i32
          %dma_wait3A_143 = tpu.memref_slice %arg2[%dma_wait3A_141, %dma_wait3A_142] : memref<10000x128xf32, #tpu.memory_space<hbm>> -> memref<10000x128xf32, #tpu.memory_space<hbm>>
          tpu.wait_indirect_dma semaphore(%arg20 : memref<!tpu.dma_semaphore, #tpu.memory_space<semaphore_mem>>) src(%dma_wait3A_143 : memref<10000x128xf32, #tpu.memory_space<hbm>>) dst(%arg14 : memref<128x128xf32, #tpu.memory_space<vmem>>)
        } else {
        }
        %add3A_86 = arith.constant 1 : i32
        %add3A_87 = arith.addi %mul3A_59, %add3A_86 : i32
        %lt3A_88 = arith.constant 78 : i32
        %lt3A_89 = arith.cmpi slt, %add3A_87, %lt3A_88 : i32
        %convert_element_type3A_90 = arith.extui %lt3A_89 : i1 to i32
        %cond3A_91 = arith.constant 0 : i32
        %cond3A_92 = arith.cmpi ne, %convert_element_type3A_90, %cond3A_91 : i32
        scf.if %cond3A_92 {
          %add3A_141 = arith.constant 1 : i32
          %add3A_142 = arith.addi %mul3A_59, %add3A_141 : i32
          %mul3A_143 = arith.constant 16 : i32
          %mul3A_144 = arith.muli %add3A_142, %mul3A_143 : i32
          %add3A_145 = arith.addi %arg1, %mul3A_144 : i32
          %mul3A_146 = arith.constant 128 : i32
          %mul3A_147 = arith.muli %add3A_145, %mul3A_146 : i32
          %dma_start3A_148 = tpu.memref_slice %arg4[%mul3A_147] : memref<160000xi32, #tpu.memory_space<hbm>> -> memref<128xi32, #tpu.memory_space<hbm>>
          %dma_start3A_149 = tpu.memref_slice %arg4[%mul3A_147] : memref<160000xi32, #tpu.memory_space<hbm>> -> memref<128xi32, #tpu.memory_space<hbm>>
          tpu.enqueue_dma source(%dma_start3A_149 : memref<128xi32, #tpu.memory_space<hbm>>) target(%arg10 : memref<128xi32, #tpu.memory_space<vmem>>) target_semaphore(%arg16 : memref<!tpu.dma_semaphore, #tpu.memory_space<semaphore_mem>>)
        } else {
        }
        %ge3A_93 = arith.constant 1 : i32
        %ge3A_94 = arith.cmpi sge, %mul3A_59, %ge3A_93 : i32
        %convert_element_type3A_95 = arith.extui %ge3A_94 : i1 to i32
        %cond3A_96 = arith.constant 0 : i32
        %cond3A_97 = arith.cmpi ne, %convert_element_type3A_95, %cond3A_96 : i32
        scf.if %cond3A_97 {
          %sub3A = arith.constant 1 : i32
          %sub3A_141 = arith.subi %mul3A_59, %sub3A : i32
          %mul3A_142 = arith.constant 16 : i32
          %mul3A_143 = arith.muli %sub3A_141, %mul3A_142 : i32
          %add3A_144 = arith.addi %arg1, %mul3A_143 : i32
          %mul3A_145 = arith.constant 128 : i32
          %mul3A_146 = arith.muli %add3A_144, %mul3A_145 : i32
          %dma_wait3A_147 = tpu.memref_slice %arg5[%mul3A_146] : memref<160000xi32, #tpu.memory_space<hbm>> -> memref<128xi32, #tpu.memory_space<hbm>>
          %dma_wait3A_148 = tpu.memref_slice %arg5[%mul3A_146] : memref<160000xi32, #tpu.memory_space<hbm>> -> memref<128xi32, #tpu.memory_space<hbm>>
          tpu.wait_dma2 semaphore(%arg18 : memref<!tpu.dma_semaphore, #tpu.memory_space<semaphore_mem>>) src(%dma_wait3A_148 : memref<128xi32, #tpu.memory_space<hbm>>) dst(%arg12 : memref<128xi32, #tpu.memory_space<vmem>>)
          %dma_start3A_149 = arith.constant 0 : i32
          %dma_start3A_150 = arith.constant 0 : i32
          %dma_start3A_151 = tpu.memref_slice %arg8[%dma_start3A_149, %dma_start3A_150] : memref<10000x128xf32, #tpu.memory_space<vmem_shared>> -> memref<10000x128xf32, #tpu.memory_space<vmem_shared>>
          tpu.enqueue_indirect_dma source(%arg14 : memref<128x128xf32, #tpu.memory_space<vmem>>) target(%dma_start3A_151 : memref<10000x128xf32, #tpu.memory_space<vmem_shared>>) offsets(%arg12 : memref<128xi32, #tpu.memory_space<vmem>>) semaphore(%arg22 : memref<!tpu.dma_semaphore, #tpu.memory_space<semaphore_mem>>) {add = true}
        } else {
        }
        %mul3A_98 = arith.constant 2 : i32
        %mul3A_99 = arith.muli %mul3A_98, %scan3A_57 : i32
        %add3A_100 = arith.constant 1 : i32
        %add3A_101 = arith.addi %mul3A_99, %add3A_100 : i32
        %ge3A_102 = arith.constant 2 : i32
        %ge3A_103 = arith.cmpi sge, %add3A_101, %ge3A_102 : i32
        %convert_element_type3A_104 = arith.extui %ge3A_103 : i1 to i32
        %cond3A_105 = arith.constant 0 : i32
        %cond3A_106 = arith.cmpi ne, %convert_element_type3A_104, %cond3A_105 : i32
        scf.if %cond3A_106 {
          %dma_wait3A_141 = arith.constant 0 : i32
          %dma_wait3A_142 = arith.constant 0 : i32
          %dma_wait3A_143 = tpu.memref_slice %arg8[%dma_wait3A_141, %dma_wait3A_142] : memref<10000x128xf32, #tpu.memory_space<vmem_shared>> -> memref<10000x128xf32, #tpu.memory_space<vmem_shared>>
          tpu.wait_indirect_dma semaphore(%arg22 : memref<!tpu.dma_semaphore, #tpu.memory_space<semaphore_mem>>) src(%arg14 : memref<128x128xf32, #tpu.memory_space<vmem>>) dst(%dma_wait3A_143 : memref<10000x128xf32, #tpu.memory_space<vmem_shared>>)
        } else {
        }
        %mul3A_107 = arith.constant 16 : i32
        %mul3A_108 = arith.muli %add3A_101, %mul3A_107 : i32
        %add3A_109 = arith.addi %arg1, %mul3A_108 : i32
        %mul3A_110 = arith.constant 128 : i32
        %mul3A_111 = arith.muli %add3A_109, %mul3A_110 : i32
        %dma_start3A_112 = tpu.memref_slice %arg5[%mul3A_111] : memref<160000xi32, #tpu.memory_space<hbm>> -> memref<128xi32, #tpu.memory_space<hbm>>
        %dma_start3A_113 = tpu.memref_slice %arg5[%mul3A_111] : memref<160000xi32, #tpu.memory_space<hbm>> -> memref<128xi32, #tpu.memory_space<hbm>>
        tpu.enqueue_dma source(%dma_start3A_113 : memref<128xi32, #tpu.memory_space<hbm>>) target(%arg12 : memref<128xi32, #tpu.memory_space<vmem>>) target_semaphore(%arg18 : memref<!tpu.dma_semaphore, #tpu.memory_space<semaphore_mem>>)
        %mul3A_114 = arith.constant 16 : i32
        %mul3A_115 = arith.muli %add3A_101, %mul3A_114 : i32
        %add3A_116 = arith.addi %arg1, %mul3A_115 : i32
        %mul3A_117 = arith.constant 128 : i32
        %mul3A_118 = arith.muli %add3A_116, %mul3A_117 : i32
        %dma_wait3A_119 = tpu.memref_slice %arg4[%mul3A_118] : memref<160000xi32, #tpu.memory_space<hbm>> -> memref<128xi32, #tpu.memory_space<hbm>>
        %dma_wait3A_120 = tpu.memref_slice %arg4[%mul3A_118] : memref<160000xi32, #tpu.memory_space<hbm>> -> memref<128xi32, #tpu.memory_space<hbm>>
        tpu.wait_dma2 semaphore(%arg16 : memref<!tpu.dma_semaphore, #tpu.memory_space<semaphore_mem>>) src(%dma_wait3A_120 : memref<128xi32, #tpu.memory_space<hbm>>) dst(%arg10 : memref<128xi32, #tpu.memory_space<vmem>>)
        %dma_start3A_121 = arith.constant 0 : i32
        %dma_start3A_122 = arith.constant 0 : i32
        %dma_start3A_123 = tpu.memref_slice %arg2[%dma_start3A_121, %dma_start3A_122] : memref<10000x128xf32, #tpu.memory_space<hbm>> -> memref<10000x128xf32, #tpu.memory_space<hbm>>
        tpu.enqueue_indirect_dma source(%dma_start3A_123 : memref<10000x128xf32, #tpu.memory_space<hbm>>) target(%arg14 : memref<128x128xf32, #tpu.memory_space<vmem>>) offsets(%arg10 : memref<128xi32, #tpu.memory_space<vmem>>) semaphore(%arg20 : memref<!tpu.dma_semaphore, #tpu.memory_space<semaphore_mem>>)
        %ge3A_124 = arith.constant 1 : i32
        %ge3A_125 = arith.cmpi sge, %add3A_101, %ge3A_124 : i32
        %convert_element_type3A_126 = arith.extui %ge3A_125 : i1 to i32
        %cond3A_127 = arith.constant 0 : i32
        %cond3A_128 = arith.cmpi ne, %convert_element_type3A_126, %cond3A_127 : i32
        scf.if %cond3A_128 {
          %dma_wait3A_141 = arith.constant 0 : i32
          %dma_wait3A_142 = arith.constant 0 : i32
          %dma_wait3A_143 = tpu.memref_slice %arg2[%dma_wait3A_141, %dma_wait3A_142] : memref<10000x128xf32, #tpu.memory_space<hbm>> -> memref<10000x128xf32, #tpu.memory_space<hbm>>
          tpu.wait_indirect_dma semaphore(%arg19 : memref<!tpu.dma_semaphore, #tpu.memory_space<semaphore_mem>>) src(%dma_wait3A_143 : memref<10000x128xf32, #tpu.memory_space<hbm>>) dst(%arg13 : memref<128x128xf32, #tpu.memory_space<vmem>>)
        } else {
        }
        %add3A_129 = arith.constant 1 : i32
        %add3A_130 = arith.addi %add3A_101, %add3A_129 : i32
        %lt3A_131 = arith.constant 78 : i32
        %lt3A_132 = arith.cmpi slt, %add3A_130, %lt3A_131 : i32
        %convert_element_type3A_133 = arith.extui %lt3A_132 : i1 to i32
        %cond3A_134 = arith.constant 0 : i32
        %cond3A_135 = arith.cmpi ne, %convert_element_type3A_133, %cond3A_134 : i32
        scf.if %cond3A_135 {
          %add3A_141 = arith.constant 1 : i32
          %add3A_142 = arith.addi %add3A_101, %add3A_141 : i32
          %mul3A_143 = arith.constant 16 : i32
          %mul3A_144 = arith.muli %add3A_142, %mul3A_143 : i32
          %add3A_145 = arith.addi %arg1, %mul3A_144 : i32
          %mul3A_146 = arith.constant 128 : i32
          %mul3A_147 = arith.muli %add3A_145, %mul3A_146 : i32
          %dma_start3A_148 = tpu.memref_slice %arg4[%mul3A_147] : memref<160000xi32, #tpu.memory_space<hbm>> -> memref<128xi32, #tpu.memory_space<hbm>>
          %dma_start3A_149 = tpu.memref_slice %arg4[%mul3A_147] : memref<160000xi32, #tpu.memory_space<hbm>> -> memref<128xi32, #tpu.memory_space<hbm>>
          tpu.enqueue_dma source(%dma_start3A_149 : memref<128xi32, #tpu.memory_space<hbm>>) target(%arg9 : memref<128xi32, #tpu.memory_space<vmem>>) target_semaphore(%arg15 : memref<!tpu.dma_semaphore, #tpu.memory_space<semaphore_mem>>)
        } else {
        }
        %ge3A_136 = arith.constant 1 : i32
        %ge3A_137 = arith.cmpi sge, %add3A_101, %ge3A_136 : i32
        %convert_element_type3A_138 = arith.extui %ge3A_137 : i1 to i32
        %cond3A_139 = arith.constant 0 : i32
        %cond3A_140 = arith.cmpi ne, %convert_element_type3A_138, %cond3A_139 : i32
        scf.if %cond3A_140 {
          %sub3A = arith.constant 1 : i32
          %sub3A_141 = arith.subi %add3A_101, %sub3A : i32
          %mul3A_142 = arith.constant 16 : i32
          %mul3A_143 = arith.muli %sub3A_141, %mul3A_142 : i32
          %add3A_144 = arith.addi %arg1, %mul3A_143 : i32
          %mul3A_145 = arith.constant 128 : i32
          %mul3A_146 = arith.muli %add3A_144, %mul3A_145 : i32
          %dma_wait3A_147 = tpu.memref_slice %arg5[%mul3A_146] : memref<160000xi32, #tpu.memory_space<hbm>> -> memref<128xi32, #tpu.memory_space<hbm>>
          %dma_wait3A_148 = tpu.memref_slice %arg5[%mul3A_146] : memref<160000xi32, #tpu.memory_space<hbm>> -> memref<128xi32, #tpu.memory_space<hbm>>
          tpu.wait_dma2 semaphore(%arg17 : memref<!tpu.dma_semaphore, #tpu.memory_space<semaphore_mem>>) src(%dma_wait3A_148 : memref<128xi32, #tpu.memory_space<hbm>>) dst(%arg11 : memref<128xi32, #tpu.memory_space<vmem>>)
          %dma_start3A_149 = arith.constant 0 : i32
          %dma_start3A_150 = arith.constant 0 : i32
          %dma_start3A_151 = tpu.memref_slice %arg8[%dma_start3A_149, %dma_start3A_150] : memref<10000x128xf32, #tpu.memory_space<vmem_shared>> -> memref<10000x128xf32, #tpu.memory_space<vmem_shared>>
          tpu.enqueue_indirect_dma source(%arg13 : memref<128x128xf32, #tpu.memory_space<vmem>>) target(%dma_start3A_151 : memref<10000x128xf32, #tpu.memory_space<vmem_shared>>) offsets(%arg11 : memref<128xi32, #tpu.memory_space<vmem>>) semaphore(%arg21 : memref<!tpu.dma_semaphore, #tpu.memory_space<semaphore_mem>>) {add = true}
        } else {
        }
      }
      %scan3A_23 = arith.constant 39 : i32
      %dma_wait3A = arith.constant 0 : i32
      %dma_wait3A_24 = arith.constant 0 : i32
      %dma_wait3A_25 = tpu.memref_slice %arg2[%dma_wait3A, %dma_wait3A_24] : memref<10000x128xf32, #tpu.memory_space<hbm>> -> memref<10000x128xf32, #tpu.memory_space<hbm>>
      tpu.wait_indirect_dma semaphore(%arg20 : memref<!tpu.dma_semaphore, #tpu.memory_space<semaphore_mem>>) src(%dma_wait3A_25 : memref<10000x128xf32, #tpu.memory_space<hbm>>) dst(%arg14 : memref<128x128xf32, #tpu.memory_space<vmem>>)
      %add3A_26 = arith.constant 1232 : i32
      %add3A_27 = arith.addi %arg1, %add3A_26 : i32
      %mul3A_28 = arith.constant 128 : i32
      %mul3A_29 = arith.muli %add3A_27, %mul3A_28 : i32
      %dma_wait3A_30 = tpu.memref_slice %arg5[%mul3A_29] : memref<160000xi32, #tpu.memory_space<hbm>> -> memref<128xi32, #tpu.memory_space<hbm>>
      %dma_wait3A_31 = tpu.memref_slice %arg5[%mul3A_29] : memref<160000xi32, #tpu.memory_space<hbm>> -> memref<128xi32, #tpu.memory_space<hbm>>
      tpu.wait_dma2 semaphore(%arg18 : memref<!tpu.dma_semaphore, #tpu.memory_space<semaphore_mem>>) src(%dma_wait3A_31 : memref<128xi32, #tpu.memory_space<hbm>>) dst(%arg12 : memref<128xi32, #tpu.memory_space<vmem>>)
      %dma_start3A_32 = arith.constant 0 : i32
      %dma_start3A_33 = arith.constant 0 : i32
      %dma_start3A_34 = tpu.memref_slice %arg8[%dma_start3A_32, %dma_start3A_33] : memref<10000x128xf32, #tpu.memory_space<vmem_shared>> -> memref<10000x128xf32, #tpu.memory_space<vmem_shared>>
      tpu.enqueue_indirect_dma source(%arg14 : memref<128x128xf32, #tpu.memory_space<vmem>>) target(%dma_start3A_34 : memref<10000x128xf32, #tpu.memory_space<vmem_shared>>) offsets(%arg12 : memref<128xi32, #tpu.memory_space<vmem>>) semaphore(%arg22 : memref<!tpu.dma_semaphore, #tpu.memory_space<semaphore_mem>>) {add = true}
      %dma_wait3A_35 = arith.constant 0 : i32
      %dma_wait3A_36 = arith.constant 0 : i32
      %dma_wait3A_37 = tpu.memref_slice %arg8[%dma_wait3A_35, %dma_wait3A_36] : memref<10000x128xf32, #tpu.memory_space<vmem_shared>> -> memref<10000x128xf32, #tpu.memory_space<vmem_shared>>
      tpu.wait_indirect_dma semaphore(%arg21 : memref<!tpu.dma_semaphore, #tpu.memory_space<semaphore_mem>>) src(%arg13 : memref<128x128xf32, #tpu.memory_space<vmem>>) dst(%dma_wait3A_37 : memref<10000x128xf32, #tpu.memory_space<vmem_shared>>)
      %dma_wait3A_38 = arith.constant 0 : i32
      %dma_wait3A_39 = arith.constant 0 : i32
      %dma_wait3A_40 = tpu.memref_slice %arg8[%dma_wait3A_38, %dma_wait3A_39] : memref<10000x128xf32, #tpu.memory_space<vmem_shared>> -> memref<10000x128xf32, #tpu.memory_space<vmem_shared>>
      tpu.wait_indirect_dma semaphore(%arg22 : memref<!tpu.dma_semaphore, #tpu.memory_space<semaphore_mem>>) src(%arg14 : memref<128x128xf32, #tpu.memory_space<vmem>>) dst(%dma_wait3A_40 : memref<10000x128xf32, #tpu.memory_space<vmem_shared>>)
      %lt3A_41 = arith.constant 2 : i32
      %lt3A_42 = arith.cmpi slt, %arg1, %lt3A_41 : i32
      %convert_element_type3A_43 = arith.extui %lt3A_42 : i1 to i32
      %cond3A_44 = arith.constant 0 : i32
      %cond3A_45 = arith.cmpi ne, %convert_element_type3A_43, %cond3A_44 : i32
      scf.if %cond3A_45 {
        %add3A_57 = arith.constant 1248 : i32
        %add3A_58 = arith.addi %add3A_57, %arg1 : i32
        %mul3A_59 = arith.constant 128 : i32
        %mul3A_60 = arith.muli %add3A_58, %mul3A_59 : i32
        "tpu.region"() ({
          %run_scoped3A = tpu.sem_alloc : memref<!tpu.dma_semaphore, #tpu.memory_space<semaphore_mem>>
          %dma_start3A_67 = tpu.memref_slice %arg4[%mul3A_60] : memref<160000xi32, #tpu.memory_space<hbm>> -> memref<128xi32, #tpu.memory_space<hbm>>
          %dma_start3A_68 = tpu.memref_slice %arg4[%mul3A_60] : memref<160000xi32, #tpu.memory_space<hbm>> -> memref<128xi32, #tpu.memory_space<hbm>>
          tpu.enqueue_dma source(%dma_start3A_68 : memref<128xi32, #tpu.memory_space<hbm>>) target(%arg9 : memref<128xi32, #tpu.memory_space<vmem>>) target_semaphore(%run_scoped3A : memref<!tpu.dma_semaphore, #tpu.memory_space<semaphore_mem>>)
          %dma_wait3A_69 = tpu.memref_slice %arg4[%mul3A_60] : memref<160000xi32, #tpu.memory_space<hbm>> -> memref<128xi32, #tpu.memory_space<hbm>>
          %dma_wait3A_70 = tpu.memref_slice %arg4[%mul3A_60] : memref<160000xi32, #tpu.memory_space<hbm>> -> memref<128xi32, #tpu.memory_space<hbm>>
          tpu.wait_dma2 semaphore(%run_scoped3A : memref<!tpu.dma_semaphore, #tpu.memory_space<semaphore_mem>>) src(%dma_wait3A_70 : memref<128xi32, #tpu.memory_space<hbm>>) dst(%arg9 : memref<128xi32, #tpu.memory_space<vmem>>)
          tpu.yield
        }) : () -> ()
        "tpu.region"() ({
          %run_scoped3A = tpu.sem_alloc : memref<!tpu.dma_semaphore, #tpu.memory_space<semaphore_mem>>
          %dma_start3A_67 = tpu.memref_slice %arg5[%mul3A_60] : memref<160000xi32, #tpu.memory_space<hbm>> -> memref<128xi32, #tpu.memory_space<hbm>>
          %dma_start3A_68 = tpu.memref_slice %arg5[%mul3A_60] : memref<160000xi32, #tpu.memory_space<hbm>> -> memref<128xi32, #tpu.memory_space<hbm>>
          tpu.enqueue_dma source(%dma_start3A_68 : memref<128xi32, #tpu.memory_space<hbm>>) target(%arg11 : memref<128xi32, #tpu.memory_space<vmem>>) target_semaphore(%run_scoped3A : memref<!tpu.dma_semaphore, #tpu.memory_space<semaphore_mem>>)
          %dma_wait3A_69 = tpu.memref_slice %arg5[%mul3A_60] : memref<160000xi32, #tpu.memory_space<hbm>> -> memref<128xi32, #tpu.memory_space<hbm>>
          %dma_wait3A_70 = tpu.memref_slice %arg5[%mul3A_60] : memref<160000xi32, #tpu.memory_space<hbm>> -> memref<128xi32, #tpu.memory_space<hbm>>
          tpu.wait_dma2 semaphore(%run_scoped3A : memref<!tpu.dma_semaphore, #tpu.memory_space<semaphore_mem>>) src(%dma_wait3A_70 : memref<128xi32, #tpu.memory_space<hbm>>) dst(%arg11 : memref<128xi32, #tpu.memory_space<vmem>>)
          tpu.yield
        }) : () -> ()
        %dma_start3A_61 = arith.constant 0 : i32
        %dma_start3A_62 = arith.constant 0 : i32
        %dma_start3A_63 = tpu.memref_slice %arg2[%dma_start3A_61, %dma_start3A_62] : memref<10000x128xf32, #tpu.memory_space<hbm>> -> memref<10000x128xf32, #tpu.memory_space<hbm>>
        tpu.enqueue_indirect_dma source(%dma_start3A_63 : memref<10000x128xf32, #tpu.memory_space<hbm>>) target(%arg13 : memref<128x128xf32, #tpu.memory_space<vmem>>) offsets(%arg9 : memref<128xi32, #tpu.memory_space<vmem>>) semaphore(%arg19 : memref<!tpu.dma_semaphore, #tpu.memory_space<semaphore_mem>>)
        %dma_wait3A_64 = arith.constant 0 : i32
        %dma_wait3A_65 = arith.constant 0 : i32
        %dma_wait3A_66 = tpu.memref_slice %arg2[%dma_wait3A_64, %dma_wait3A_65] : memref<10000x128xf32, #tpu.memory_space<hbm>> -> memref<10000x128xf32, #tpu.memory_space<hbm>>
        tpu.wait_indirect_dma semaphore(%arg19 : memref<!tpu.dma_semaphore, #tpu.memory_space<semaphore_mem>>) src(%dma_wait3A_66 : memref<10000x128xf32, #tpu.memory_space<hbm>>) dst(%arg13 : memref<128x128xf32, #tpu.memory_space<vmem>>)
        "tpu.region"() ({
          %run_scoped3A = tpu.sem_alloc : memref<!tpu.dma_semaphore, #tpu.memory_space<semaphore_mem>>
          %dma_start3A_67 = arith.constant 0 : i32
          %dma_start3A_68 = arith.constant 0 : i32
          %dma_start3A_69 = tpu.memref_slice %arg8[%dma_start3A_67, %dma_start3A_68] : memref<10000x128xf32, #tpu.memory_space<vmem_shared>> -> memref<10000x128xf32, #tpu.memory_space<vmem_shared>>
          tpu.enqueue_indirect_dma source(%arg13 : memref<128x128xf32, #tpu.memory_space<vmem>>) target(%dma_start3A_69 : memref<10000x128xf32, #tpu.memory_space<vmem_shared>>) offsets(%arg11 : memref<128xi32, #tpu.memory_space<vmem>>) semaphore(%run_scoped3A : memref<!tpu.dma_semaphore, #tpu.memory_space<semaphore_mem>>) {add = true}
          %dma_wait3A_70 = arith.constant 0 : i32
          %dma_wait3A_71 = arith.constant 0 : i32
          %dma_wait3A_72 = tpu.memref_slice %arg8[%dma_wait3A_70, %dma_wait3A_71] : memref<10000x128xf32, #tpu.memory_space<vmem_shared>> -> memref<10000x128xf32, #tpu.memory_space<vmem_shared>>
          tpu.wait_indirect_dma semaphore(%run_scoped3A : memref<!tpu.dma_semaphore, #tpu.memory_space<semaphore_mem>>) src(%arg13 : memref<128x128xf32, #tpu.memory_space<vmem>>) dst(%dma_wait3A_72 : memref<10000x128xf32, #tpu.memory_space<vmem_shared>>)
          tpu.yield
        }) : () -> ()
      } else {
      }
      %barrier3A_46 = arith.constant 0 : index
      tpu.barrier barrier_id(%barrier3A_46)
      %lt3A_47 = arith.constant 15 : i32
      %lt3A_48 = arith.cmpi slt, %arg1, %lt3A_47 : i32
      %convert_element_type3A_49 = arith.extui %lt3A_48 : i1 to i32
      %cond3A_50 = arith.constant 0 : i32
      %cond3A_51 = arith.cmpi ne, %convert_element_type3A_49, %cond3A_50 : i32
      scf.if %cond3A_51 {
        %mul3A_57 = arith.constant 624 : i32
        %mul3A_58 = arith.muli %arg1, %mul3A_57 : i32
        %mul3A_59 = arith.constant 624 : i32
        %mul3A_60 = arith.muli %arg1, %mul3A_59 : i32
        "tpu.region"() ({
          %run_scoped3A = tpu.sem_alloc : memref<!tpu.dma_semaphore, #tpu.memory_space<semaphore_mem>>
          %dma_start3A_61 = arith.constant 0 : i32
          %dma_start3A_62 = tpu.memref_slice %arg6[%mul3A_60, %dma_start3A_61] : memref<10000x128xf32, #tpu.memory_space<hbm>> -> memref<624x128xf32, #tpu.memory_space<hbm>>
          %dma_start3A_63 = arith.constant 0 : i32
          %dma_start3A_64 = tpu.memref_slice %arg8[%mul3A_58, %dma_start3A_63] : memref<10000x128xf32, #tpu.memory_space<vmem_shared>> -> memref<624x128xf32, #tpu.memory_space<vmem_shared>>
          tpu.enqueue_dma source(%dma_start3A_64 : memref<624x128xf32, #tpu.memory_space<vmem_shared>>) target(%dma_start3A_62 : memref<624x128xf32, #tpu.memory_space<hbm>>) target_semaphore(%run_scoped3A : memref<!tpu.dma_semaphore, #tpu.memory_space<semaphore_mem>>)
          %dma_wait3A_65 = arith.constant 0 : i32
          %dma_wait3A_66 = tpu.memref_slice %arg6[%mul3A_60, %dma_wait3A_65] : memref<10000x128xf32, #tpu.memory_space<hbm>> -> memref<624x128xf32, #tpu.memory_space<hbm>>
          %dma_wait3A_67 = arith.constant 0 : i32
          %dma_wait3A_68 = tpu.memref_slice %arg8[%mul3A_58, %dma_wait3A_67] : memref<10000x128xf32, #tpu.memory_space<vmem_shared>> -> memref<624x128xf32, #tpu.memory_space<vmem_shared>>
          tpu.wait_dma2 semaphore(%run_scoped3A : memref<!tpu.dma_semaphore, #tpu.memory_space<semaphore_mem>>) src(%dma_wait3A_68 : memref<624x128xf32, #tpu.memory_space<vmem_shared>>) dst(%dma_wait3A_66 : memref<624x128xf32, #tpu.memory_space<hbm>>)
          tpu.yield
        }) : () -> ()
      } else {
      }
      %eq3A_52 = arith.constant 15 : i32
      %eq3A_53 = arith.cmpi eq, %arg1, %eq3A_52 : i32
      %convert_element_type3A_54 = arith.extui %eq3A_53 : i1 to i32
      %cond3A_55 = arith.constant 0 : i32
      %cond3A_56 = arith.cmpi ne, %convert_element_type3A_54, %cond3A_55 : i32
      scf.if %cond3A_56 {
        "tpu.region"() ({
          %run_scoped3A = tpu.sem_alloc : memref<!tpu.dma_semaphore, #tpu.memory_space<semaphore_mem>>
          %dma_start3A_57 = arith.constant 9360 : i32
          %dma_start3A_58 = arith.constant 0 : i32
          %dma_start3A_59 = tpu.memref_slice %arg6[%dma_start3A_57, %dma_start3A_58] : memref<10000x128xf32, #tpu.memory_space<hbm>> -> memref<640x128xf32, #tpu.memory_space<hbm>>
          %dma_start3A_60 = arith.constant 9360 : i32
          %dma_start3A_61 = arith.constant 0 : i32
          %dma_start3A_62 = tpu.memref_slice %arg8[%dma_start3A_60, %dma_start3A_61] : memref<10000x128xf32, #tpu.memory_space<vmem_shared>> -> memref<640x128xf32, #tpu.memory_space<vmem_shared>>
          tpu.enqueue_dma source(%dma_start3A_62 : memref<640x128xf32, #tpu.memory_space<vmem_shared>>) target(%dma_start3A_59 : memref<640x128xf32, #tpu.memory_space<hbm>>) target_semaphore(%run_scoped3A : memref<!tpu.dma_semaphore, #tpu.memory_space<semaphore_mem>>)
          %dma_wait3A_63 = arith.constant 9360 : i32
          %dma_wait3A_64 = arith.constant 0 : i32
          %dma_wait3A_65 = tpu.memref_slice %arg6[%dma_wait3A_63, %dma_wait3A_64] : memref<10000x128xf32, #tpu.memory_space<hbm>> -> memref<640x128xf32, #tpu.memory_space<hbm>>
          %dma_wait3A_66 = arith.constant 9360 : i32
          %dma_wait3A_67 = arith.constant 0 : i32
          %dma_wait3A_68 = tpu.memref_slice %arg8[%dma_wait3A_66, %dma_wait3A_67] : memref<10000x128xf32, #tpu.memory_space<vmem_shared>> -> memref<640x128xf32, #tpu.memory_space<vmem_shared>>
          tpu.wait_dma2 semaphore(%run_scoped3A : memref<!tpu.dma_semaphore, #tpu.memory_space<semaphore_mem>>) src(%dma_wait3A_68 : memref<640x128xf32, #tpu.memory_space<vmem_shared>>) dst(%dma_wait3A_65 : memref<640x128xf32, #tpu.memory_space<hbm>>)
          tpu.yield
        }) : () -> ()
      } else {
      }
    } else {
    }
    %eq3A_2 = arith.constant 1 : i32
    %eq3A_3 = arith.cmpi eq, %arg0, %eq3A_2 : i32
    %convert_element_type3A_4 = arith.extui %eq3A_3 : i1 to i32
    %cond3A_5 = arith.constant 0 : i32
    %cond3A_6 = arith.cmpi ne, %convert_element_type3A_4, %cond3A_5 : i32
    scf.if %cond3A_6 {
      %lt3A = arith.constant 15 : i32
      %lt3A_7 = arith.cmpi slt, %arg1, %lt3A : i32
      %convert_element_type3A_8 = arith.extui %lt3A_7 : i1 to i32
      %cond3A_9 = arith.constant 0 : i32
      %cond3A_10 = arith.cmpi ne, %convert_element_type3A_8, %cond3A_9 : i32
      scf.if %cond3A_10 {
        %mul3A_57 = arith.constant 624 : i32
        %mul3A_58 = arith.muli %arg1, %mul3A_57 : i32
        %mul3A_59 = arith.constant 624 : i32
        %mul3A_60 = arith.muli %arg1, %mul3A_59 : i32
        "tpu.region"() ({
          %run_scoped3A = tpu.sem_alloc : memref<!tpu.dma_semaphore, #tpu.memory_space<semaphore_mem>>
          %dma_start3A_61 = arith.constant 0 : i32
          %dma_start3A_62 = tpu.memref_slice %arg8[%mul3A_60, %dma_start3A_61] : memref<10000x128xf32, #tpu.memory_space<vmem_shared>> -> memref<624x128xf32, #tpu.memory_space<vmem_shared>>
          %dma_start3A_63 = arith.constant 0 : i32
          %dma_start3A_64 = tpu.memref_slice %arg3[%mul3A_58, %dma_start3A_63] : memref<10000x128xf32, #tpu.memory_space<hbm>> -> memref<624x128xf32, #tpu.memory_space<hbm>>
          tpu.enqueue_dma source(%dma_start3A_64 : memref<624x128xf32, #tpu.memory_space<hbm>>) target(%dma_start3A_62 : memref<624x128xf32, #tpu.memory_space<vmem_shared>>) target_semaphore(%run_scoped3A : memref<!tpu.dma_semaphore, #tpu.memory_space<semaphore_mem>>)
          %dma_wait3A_65 = arith.constant 0 : i32
          %dma_wait3A_66 = tpu.memref_slice %arg8[%mul3A_60, %dma_wait3A_65] : memref<10000x128xf32, #tpu.memory_space<vmem_shared>> -> memref<624x128xf32, #tpu.memory_space<vmem_shared>>
          %dma_wait3A_67 = arith.constant 0 : i32
          %dma_wait3A_68 = tpu.memref_slice %arg3[%mul3A_58, %dma_wait3A_67] : memref<10000x128xf32, #tpu.memory_space<hbm>> -> memref<624x128xf32, #tpu.memory_space<hbm>>
          tpu.wait_dma2 semaphore(%run_scoped3A : memref<!tpu.dma_semaphore, #tpu.memory_space<semaphore_mem>>) src(%dma_wait3A_68 : memref<624x128xf32, #tpu.memory_space<hbm>>) dst(%dma_wait3A_66 : memref<624x128xf32, #tpu.memory_space<vmem_shared>>)
          tpu.yield
        }) : () -> ()
      } else {
      }
      %eq3A_11 = arith.constant 15 : i32
      %eq3A_12 = arith.cmpi eq, %arg1, %eq3A_11 : i32
      %convert_element_type3A_13 = arith.extui %eq3A_12 : i1 to i32
      %cond3A_14 = arith.constant 0 : i32
      %cond3A_15 = arith.cmpi ne, %convert_element_type3A_13, %cond3A_14 : i32
      scf.if %cond3A_15 {
        "tpu.region"() ({
          %run_scoped3A = tpu.sem_alloc : memref<!tpu.dma_semaphore, #tpu.memory_space<semaphore_mem>>
          %dma_start3A_57 = arith.constant 9360 : i32
          %dma_start3A_58 = arith.constant 0 : i32
          %dma_start3A_59 = tpu.memref_slice %arg8[%dma_start3A_57, %dma_start3A_58] : memref<10000x128xf32, #tpu.memory_space<vmem_shared>> -> memref<640x128xf32, #tpu.memory_space<vmem_shared>>
          %dma_start3A_60 = arith.constant 9360 : i32
          %dma_start3A_61 = arith.constant 0 : i32
          %dma_start3A_62 = tpu.memref_slice %arg3[%dma_start3A_60, %dma_start3A_61] : memref<10000x128xf32, #tpu.memory_space<hbm>> -> memref<640x128xf32, #tpu.memory_space<hbm>>
          tpu.enqueue_dma source(%dma_start3A_62 : memref<640x128xf32, #tpu.memory_space<hbm>>) target(%dma_start3A_59 : memref<640x128xf32, #tpu.memory_space<vmem_shared>>) target_semaphore(%run_scoped3A : memref<!tpu.dma_semaphore, #tpu.memory_space<semaphore_mem>>)
          %dma_wait3A_63 = arith.constant 9360 : i32
          %dma_wait3A_64 = arith.constant 0 : i32
          %dma_wait3A_65 = tpu.memref_slice %arg8[%dma_wait3A_63, %dma_wait3A_64] : memref<10000x128xf32, #tpu.memory_space<vmem_shared>> -> memref<640x128xf32, #tpu.memory_space<vmem_shared>>
          %dma_wait3A_66 = arith.constant 9360 : i32
          %dma_wait3A_67 = arith.constant 0 : i32
          %dma_wait3A_68 = tpu.memref_slice %arg3[%dma_wait3A_66, %dma_wait3A_67] : memref<10000x128xf32, #tpu.memory_space<hbm>> -> memref<640x128xf32, #tpu.memory_space<hbm>>
          tpu.wait_dma2 semaphore(%run_scoped3A : memref<!tpu.dma_semaphore, #tpu.memory_space<semaphore_mem>>) src(%dma_wait3A_68 : memref<640x128xf32, #tpu.memory_space<hbm>>) dst(%dma_wait3A_65 : memref<640x128xf32, #tpu.memory_space<vmem_shared>>)
          tpu.yield
        }) : () -> ()
      } else {
      }
      %barrier3A = arith.constant 0 : index
      tpu.barrier barrier_id(%barrier3A)
      %add3A = arith.constant 0 : i32
      %add3A_16 = arith.addi %arg1, %add3A : i32
      %mul3A = arith.constant 128 : i32
      %mul3A_17 = arith.muli %add3A_16, %mul3A : i32
      %dma_start3A = tpu.memref_slice %arg4[%mul3A_17] : memref<160000xi32, #tpu.memory_space<hbm>> -> memref<128xi32, #tpu.memory_space<hbm>>
      %dma_start3A_18 = tpu.memref_slice %arg4[%mul3A_17] : memref<160000xi32, #tpu.memory_space<hbm>> -> memref<128xi32, #tpu.memory_space<hbm>>
      tpu.enqueue_dma source(%dma_start3A_18 : memref<128xi32, #tpu.memory_space<hbm>>) target(%arg9 : memref<128xi32, #tpu.memory_space<vmem>>) target_semaphore(%arg15 : memref<!tpu.dma_semaphore, #tpu.memory_space<semaphore_mem>>)
      %scan3A = arith.constant 0 : i32
      %scan3A_19 = arith.constant 0 : i32
      %scan3A_20 = arith.constant 39 : i32
      %scan3A_21 = arith.addi %scan3A_19, %scan3A_20 : i32
      %scan3A_22 = arith.constant 1 : i32
      scf.for %scan3A_57 = %scan3A_19 to %scan3A_21 step %scan3A_22  : i32 {
        %mul3A_58 = arith.constant 2 : i32
        %mul3A_59 = arith.muli %mul3A_58, %scan3A_57 : i32
        %ge3A = arith.constant 2 : i32
        %ge3A_60 = arith.cmpi sge, %mul3A_59, %ge3A : i32
        %convert_element_type3A_61 = arith.extui %ge3A_60 : i1 to i32
        %cond3A_62 = arith.constant 0 : i32
        %cond3A_63 = arith.cmpi ne, %convert_element_type3A_61, %cond3A_62 : i32
        scf.if %cond3A_63 {
          %dma_wait3A_141 = arith.constant 0 : i32
          %dma_wait3A_142 = arith.constant 0 : i32
          %dma_wait3A_143 = tpu.memref_slice %arg8[%dma_wait3A_141, %dma_wait3A_142] : memref<10000x128xf32, #tpu.memory_space<vmem_shared>> -> memref<10000x128xf32, #tpu.memory_space<vmem_shared>>
          tpu.wait_indirect_dma semaphore(%arg21 : memref<!tpu.dma_semaphore, #tpu.memory_space<semaphore_mem>>) src(%arg13 : memref<128x128xf32, #tpu.memory_space<vmem>>) dst(%dma_wait3A_143 : memref<10000x128xf32, #tpu.memory_space<vmem_shared>>)
        } else {
        }
        %mul3A_64 = arith.constant 16 : i32
        %mul3A_65 = arith.muli %mul3A_59, %mul3A_64 : i32
        %add3A_66 = arith.addi %arg1, %mul3A_65 : i32
        %mul3A_67 = arith.constant 128 : i32
        %mul3A_68 = arith.muli %add3A_66, %mul3A_67 : i32
        %dma_start3A_69 = tpu.memref_slice %arg5[%mul3A_68] : memref<160000xi32, #tpu.memory_space<hbm>> -> memref<128xi32, #tpu.memory_space<hbm>>
        %dma_start3A_70 = tpu.memref_slice %arg5[%mul3A_68] : memref<160000xi32, #tpu.memory_space<hbm>> -> memref<128xi32, #tpu.memory_space<hbm>>
        tpu.enqueue_dma source(%dma_start3A_70 : memref<128xi32, #tpu.memory_space<hbm>>) target(%arg11 : memref<128xi32, #tpu.memory_space<vmem>>) target_semaphore(%arg17 : memref<!tpu.dma_semaphore, #tpu.memory_space<semaphore_mem>>)
        %mul3A_71 = arith.constant 16 : i32
        %mul3A_72 = arith.muli %mul3A_59, %mul3A_71 : i32
        %add3A_73 = arith.addi %arg1, %mul3A_72 : i32
        %mul3A_74 = arith.constant 128 : i32
        %mul3A_75 = arith.muli %add3A_73, %mul3A_74 : i32
        %dma_wait3A_76 = tpu.memref_slice %arg4[%mul3A_75] : memref<160000xi32, #tpu.memory_space<hbm>> -> memref<128xi32, #tpu.memory_space<hbm>>
        %dma_wait3A_77 = tpu.memref_slice %arg4[%mul3A_75] : memref<160000xi32, #tpu.memory_space<hbm>> -> memref<128xi32, #tpu.memory_space<hbm>>
        tpu.wait_dma2 semaphore(%arg15 : memref<!tpu.dma_semaphore, #tpu.memory_space<semaphore_mem>>) src(%dma_wait3A_77 : memref<128xi32, #tpu.memory_space<hbm>>) dst(%arg9 : memref<128xi32, #tpu.memory_space<vmem>>)
        %dma_start3A_78 = arith.constant 0 : i32
        %dma_start3A_79 = arith.constant 0 : i32
        %dma_start3A_80 = tpu.memref_slice %arg3[%dma_start3A_78, %dma_start3A_79] : memref<10000x128xf32, #tpu.memory_space<hbm>> -> memref<10000x128xf32, #tpu.memory_space<hbm>>
        tpu.enqueue_indirect_dma source(%dma_start3A_80 : memref<10000x128xf32, #tpu.memory_space<hbm>>) target(%arg13 : memref<128x128xf32, #tpu.memory_space<vmem>>) offsets(%arg9 : memref<128xi32, #tpu.memory_space<vmem>>) semaphore(%arg19 : memref<!tpu.dma_semaphore, #tpu.memory_space<semaphore_mem>>)
        %ge3A_81 = arith.constant 1 : i32
        %ge3A_82 = arith.cmpi sge, %mul3A_59, %ge3A_81 : i32
        %convert_element_type3A_83 = arith.extui %ge3A_82 : i1 to i32
        %cond3A_84 = arith.constant 0 : i32
        %cond3A_85 = arith.cmpi ne, %convert_element_type3A_83, %cond3A_84 : i32
        scf.if %cond3A_85 {
          %dma_wait3A_141 = arith.constant 0 : i32
          %dma_wait3A_142 = arith.constant 0 : i32
          %dma_wait3A_143 = tpu.memref_slice %arg3[%dma_wait3A_141, %dma_wait3A_142] : memref<10000x128xf32, #tpu.memory_space<hbm>> -> memref<10000x128xf32, #tpu.memory_space<hbm>>
          tpu.wait_indirect_dma semaphore(%arg20 : memref<!tpu.dma_semaphore, #tpu.memory_space<semaphore_mem>>) src(%dma_wait3A_143 : memref<10000x128xf32, #tpu.memory_space<hbm>>) dst(%arg14 : memref<128x128xf32, #tpu.memory_space<vmem>>)
        } else {
        }
        %add3A_86 = arith.constant 1 : i32
        %add3A_87 = arith.addi %mul3A_59, %add3A_86 : i32
        %lt3A_88 = arith.constant 78 : i32
        %lt3A_89 = arith.cmpi slt, %add3A_87, %lt3A_88 : i32
        %convert_element_type3A_90 = arith.extui %lt3A_89 : i1 to i32
        %cond3A_91 = arith.constant 0 : i32
        %cond3A_92 = arith.cmpi ne, %convert_element_type3A_90, %cond3A_91 : i32
        scf.if %cond3A_92 {
          %add3A_141 = arith.constant 1 : i32
          %add3A_142 = arith.addi %mul3A_59, %add3A_141 : i32
          %mul3A_143 = arith.constant 16 : i32
          %mul3A_144 = arith.muli %add3A_142, %mul3A_143 : i32
          %add3A_145 = arith.addi %arg1, %mul3A_144 : i32
          %mul3A_146 = arith.constant 128 : i32
          %mul3A_147 = arith.muli %add3A_145, %mul3A_146 : i32
          %dma_start3A_148 = tpu.memref_slice %arg4[%mul3A_147] : memref<160000xi32, #tpu.memory_space<hbm>> -> memref<128xi32, #tpu.memory_space<hbm>>
          %dma_start3A_149 = tpu.memref_slice %arg4[%mul3A_147] : memref<160000xi32, #tpu.memory_space<hbm>> -> memref<128xi32, #tpu.memory_space<hbm>>
          tpu.enqueue_dma source(%dma_start3A_149 : memref<128xi32, #tpu.memory_space<hbm>>) target(%arg10 : memref<128xi32, #tpu.memory_space<vmem>>) target_semaphore(%arg16 : memref<!tpu.dma_semaphore, #tpu.memory_space<semaphore_mem>>)
        } else {
        }
        %ge3A_93 = arith.constant 1 : i32
        %ge3A_94 = arith.cmpi sge, %mul3A_59, %ge3A_93 : i32
        %convert_element_type3A_95 = arith.extui %ge3A_94 : i1 to i32
        %cond3A_96 = arith.constant 0 : i32
        %cond3A_97 = arith.cmpi ne, %convert_element_type3A_95, %cond3A_96 : i32
        scf.if %cond3A_97 {
          %sub3A = arith.constant 1 : i32
          %sub3A_141 = arith.subi %mul3A_59, %sub3A : i32
          %mul3A_142 = arith.constant 16 : i32
          %mul3A_143 = arith.muli %sub3A_141, %mul3A_142 : i32
          %add3A_144 = arith.addi %arg1, %mul3A_143 : i32
          %mul3A_145 = arith.constant 128 : i32
          %mul3A_146 = arith.muli %add3A_144, %mul3A_145 : i32
          %dma_wait3A_147 = tpu.memref_slice %arg5[%mul3A_146] : memref<160000xi32, #tpu.memory_space<hbm>> -> memref<128xi32, #tpu.memory_space<hbm>>
          %dma_wait3A_148 = tpu.memref_slice %arg5[%mul3A_146] : memref<160000xi32, #tpu.memory_space<hbm>> -> memref<128xi32, #tpu.memory_space<hbm>>
          tpu.wait_dma2 semaphore(%arg18 : memref<!tpu.dma_semaphore, #tpu.memory_space<semaphore_mem>>) src(%dma_wait3A_148 : memref<128xi32, #tpu.memory_space<hbm>>) dst(%arg12 : memref<128xi32, #tpu.memory_space<vmem>>)
          %dma_start3A_149 = arith.constant 0 : i32
          %dma_start3A_150 = arith.constant 0 : i32
          %dma_start3A_151 = tpu.memref_slice %arg8[%dma_start3A_149, %dma_start3A_150] : memref<10000x128xf32, #tpu.memory_space<vmem_shared>> -> memref<10000x128xf32, #tpu.memory_space<vmem_shared>>
          tpu.enqueue_indirect_dma source(%arg14 : memref<128x128xf32, #tpu.memory_space<vmem>>) target(%dma_start3A_151 : memref<10000x128xf32, #tpu.memory_space<vmem_shared>>) offsets(%arg12 : memref<128xi32, #tpu.memory_space<vmem>>) semaphore(%arg22 : memref<!tpu.dma_semaphore, #tpu.memory_space<semaphore_mem>>) {add = true}
        } else {
        }
        %mul3A_98 = arith.constant 2 : i32
        %mul3A_99 = arith.muli %mul3A_98, %scan3A_57 : i32
        %add3A_100 = arith.constant 1 : i32
        %add3A_101 = arith.addi %mul3A_99, %add3A_100 : i32
        %ge3A_102 = arith.constant 2 : i32
        %ge3A_103 = arith.cmpi sge, %add3A_101, %ge3A_102 : i32
        %convert_element_type3A_104 = arith.extui %ge3A_103 : i1 to i32
        %cond3A_105 = arith.constant 0 : i32
        %cond3A_106 = arith.cmpi ne, %convert_element_type3A_104, %cond3A_105 : i32
        scf.if %cond3A_106 {
          %dma_wait3A_141 = arith.constant 0 : i32
          %dma_wait3A_142 = arith.constant 0 : i32
          %dma_wait3A_143 = tpu.memref_slice %arg8[%dma_wait3A_141, %dma_wait3A_142] : memref<10000x128xf32, #tpu.memory_space<vmem_shared>> -> memref<10000x128xf32, #tpu.memory_space<vmem_shared>>
          tpu.wait_indirect_dma semaphore(%arg22 : memref<!tpu.dma_semaphore, #tpu.memory_space<semaphore_mem>>) src(%arg14 : memref<128x128xf32, #tpu.memory_space<vmem>>) dst(%dma_wait3A_143 : memref<10000x128xf32, #tpu.memory_space<vmem_shared>>)
        } else {
        }
        %mul3A_107 = arith.constant 16 : i32
        %mul3A_108 = arith.muli %add3A_101, %mul3A_107 : i32
        %add3A_109 = arith.addi %arg1, %mul3A_108 : i32
        %mul3A_110 = arith.constant 128 : i32
        %mul3A_111 = arith.muli %add3A_109, %mul3A_110 : i32
        %dma_start3A_112 = tpu.memref_slice %arg5[%mul3A_111] : memref<160000xi32, #tpu.memory_space<hbm>> -> memref<128xi32, #tpu.memory_space<hbm>>
        %dma_start3A_113 = tpu.memref_slice %arg5[%mul3A_111] : memref<160000xi32, #tpu.memory_space<hbm>> -> memref<128xi32, #tpu.memory_space<hbm>>
        tpu.enqueue_dma source(%dma_start3A_113 : memref<128xi32, #tpu.memory_space<hbm>>) target(%arg12 : memref<128xi32, #tpu.memory_space<vmem>>) target_semaphore(%arg18 : memref<!tpu.dma_semaphore, #tpu.memory_space<semaphore_mem>>)
        %mul3A_114 = arith.constant 16 : i32
        %mul3A_115 = arith.muli %add3A_101, %mul3A_114 : i32
        %add3A_116 = arith.addi %arg1, %mul3A_115 : i32
        %mul3A_117 = arith.constant 128 : i32
        %mul3A_118 = arith.muli %add3A_116, %mul3A_117 : i32
        %dma_wait3A_119 = tpu.memref_slice %arg4[%mul3A_118] : memref<160000xi32, #tpu.memory_space<hbm>> -> memref<128xi32, #tpu.memory_space<hbm>>
        %dma_wait3A_120 = tpu.memref_slice %arg4[%mul3A_118] : memref<160000xi32, #tpu.memory_space<hbm>> -> memref<128xi32, #tpu.memory_space<hbm>>
        tpu.wait_dma2 semaphore(%arg16 : memref<!tpu.dma_semaphore, #tpu.memory_space<semaphore_mem>>) src(%dma_wait3A_120 : memref<128xi32, #tpu.memory_space<hbm>>) dst(%arg10 : memref<128xi32, #tpu.memory_space<vmem>>)
        %dma_start3A_121 = arith.constant 0 : i32
        %dma_start3A_122 = arith.constant 0 : i32
        %dma_start3A_123 = tpu.memref_slice %arg3[%dma_start3A_121, %dma_start3A_122] : memref<10000x128xf32, #tpu.memory_space<hbm>> -> memref<10000x128xf32, #tpu.memory_space<hbm>>
        tpu.enqueue_indirect_dma source(%dma_start3A_123 : memref<10000x128xf32, #tpu.memory_space<hbm>>) target(%arg14 : memref<128x128xf32, #tpu.memory_space<vmem>>) offsets(%arg10 : memref<128xi32, #tpu.memory_space<vmem>>) semaphore(%arg20 : memref<!tpu.dma_semaphore, #tpu.memory_space<semaphore_mem>>)
        %ge3A_124 = arith.constant 1 : i32
        %ge3A_125 = arith.cmpi sge, %add3A_101, %ge3A_124 : i32
        %convert_element_type3A_126 = arith.extui %ge3A_125 : i1 to i32
        %cond3A_127 = arith.constant 0 : i32
        %cond3A_128 = arith.cmpi ne, %convert_element_type3A_126, %cond3A_127 : i32
        scf.if %cond3A_128 {
          %dma_wait3A_141 = arith.constant 0 : i32
          %dma_wait3A_142 = arith.constant 0 : i32
          %dma_wait3A_143 = tpu.memref_slice %arg3[%dma_wait3A_141, %dma_wait3A_142] : memref<10000x128xf32, #tpu.memory_space<hbm>> -> memref<10000x128xf32, #tpu.memory_space<hbm>>
          tpu.wait_indirect_dma semaphore(%arg19 : memref<!tpu.dma_semaphore, #tpu.memory_space<semaphore_mem>>) src(%dma_wait3A_143 : memref<10000x128xf32, #tpu.memory_space<hbm>>) dst(%arg13 : memref<128x128xf32, #tpu.memory_space<vmem>>)
        } else {
        }
        %add3A_129 = arith.constant 1 : i32
        %add3A_130 = arith.addi %add3A_101, %add3A_129 : i32
        %lt3A_131 = arith.constant 78 : i32
        %lt3A_132 = arith.cmpi slt, %add3A_130, %lt3A_131 : i32
        %convert_element_type3A_133 = arith.extui %lt3A_132 : i1 to i32
        %cond3A_134 = arith.constant 0 : i32
        %cond3A_135 = arith.cmpi ne, %convert_element_type3A_133, %cond3A_134 : i32
        scf.if %cond3A_135 {
          %add3A_141 = arith.constant 1 : i32
          %add3A_142 = arith.addi %add3A_101, %add3A_141 : i32
          %mul3A_143 = arith.constant 16 : i32
          %mul3A_144 = arith.muli %add3A_142, %mul3A_143 : i32
          %add3A_145 = arith.addi %arg1, %mul3A_144 : i32
          %mul3A_146 = arith.constant 128 : i32
          %mul3A_147 = arith.muli %add3A_145, %mul3A_146 : i32
          %dma_start3A_148 = tpu.memref_slice %arg4[%mul3A_147] : memref<160000xi32, #tpu.memory_space<hbm>> -> memref<128xi32, #tpu.memory_space<hbm>>
          %dma_start3A_149 = tpu.memref_slice %arg4[%mul3A_147] : memref<160000xi32, #tpu.memory_space<hbm>> -> memref<128xi32, #tpu.memory_space<hbm>>
          tpu.enqueue_dma source(%dma_start3A_149 : memref<128xi32, #tpu.memory_space<hbm>>) target(%arg9 : memref<128xi32, #tpu.memory_space<vmem>>) target_semaphore(%arg15 : memref<!tpu.dma_semaphore, #tpu.memory_space<semaphore_mem>>)
        } else {
        }
        %ge3A_136 = arith.constant 1 : i32
        %ge3A_137 = arith.cmpi sge, %add3A_101, %ge3A_136 : i32
        %convert_element_type3A_138 = arith.extui %ge3A_137 : i1 to i32
        %cond3A_139 = arith.constant 0 : i32
        %cond3A_140 = arith.cmpi ne, %convert_element_type3A_138, %cond3A_139 : i32
        scf.if %cond3A_140 {
          %sub3A = arith.constant 1 : i32
          %sub3A_141 = arith.subi %add3A_101, %sub3A : i32
          %mul3A_142 = arith.constant 16 : i32
          %mul3A_143 = arith.muli %sub3A_141, %mul3A_142 : i32
          %add3A_144 = arith.addi %arg1, %mul3A_143 : i32
          %mul3A_145 = arith.constant 128 : i32
          %mul3A_146 = arith.muli %add3A_144, %mul3A_145 : i32
          %dma_wait3A_147 = tpu.memref_slice %arg5[%mul3A_146] : memref<160000xi32, #tpu.memory_space<hbm>> -> memref<128xi32, #tpu.memory_space<hbm>>
          %dma_wait3A_148 = tpu.memref_slice %arg5[%mul3A_146] : memref<160000xi32, #tpu.memory_space<hbm>> -> memref<128xi32, #tpu.memory_space<hbm>>
          tpu.wait_dma2 semaphore(%arg17 : memref<!tpu.dma_semaphore, #tpu.memory_space<semaphore_mem>>) src(%dma_wait3A_148 : memref<128xi32, #tpu.memory_space<hbm>>) dst(%arg11 : memref<128xi32, #tpu.memory_space<vmem>>)
          %dma_start3A_149 = arith.constant 0 : i32
          %dma_start3A_150 = arith.constant 0 : i32
          %dma_start3A_151 = tpu.memref_slice %arg8[%dma_start3A_149, %dma_start3A_150] : memref<10000x128xf32, #tpu.memory_space<vmem_shared>> -> memref<10000x128xf32, #tpu.memory_space<vmem_shared>>
          tpu.enqueue_indirect_dma source(%arg13 : memref<128x128xf32, #tpu.memory_space<vmem>>) target(%dma_start3A_151 : memref<10000x128xf32, #tpu.memory_space<vmem_shared>>) offsets(%arg11 : memref<128xi32, #tpu.memory_space<vmem>>) semaphore(%arg21 : memref<!tpu.dma_semaphore, #tpu.memory_space<semaphore_mem>>) {add = true}
        } else {
        }
      }
      %scan3A_23 = arith.constant 39 : i32
      %dma_wait3A = arith.constant 0 : i32
      %dma_wait3A_24 = arith.constant 0 : i32
      %dma_wait3A_25 = tpu.memref_slice %arg3[%dma_wait3A, %dma_wait3A_24] : memref<10000x128xf32, #tpu.memory_space<hbm>> -> memref<10000x128xf32, #tpu.memory_space<hbm>>
      tpu.wait_indirect_dma semaphore(%arg20 : memref<!tpu.dma_semaphore, #tpu.memory_space<semaphore_mem>>) src(%dma_wait3A_25 : memref<10000x128xf32, #tpu.memory_space<hbm>>) dst(%arg14 : memref<128x128xf32, #tpu.memory_space<vmem>>)
      %add3A_26 = arith.constant 1232 : i32
      %add3A_27 = arith.addi %arg1, %add3A_26 : i32
      %mul3A_28 = arith.constant 128 : i32
      %mul3A_29 = arith.muli %add3A_27, %mul3A_28 : i32
      %dma_wait3A_30 = tpu.memref_slice %arg5[%mul3A_29] : memref<160000xi32, #tpu.memory_space<hbm>> -> memref<128xi32, #tpu.memory_space<hbm>>
      %dma_wait3A_31 = tpu.memref_slice %arg5[%mul3A_29] : memref<160000xi32, #tpu.memory_space<hbm>> -> memref<128xi32, #tpu.memory_space<hbm>>
      tpu.wait_dma2 semaphore(%arg18 : memref<!tpu.dma_semaphore, #tpu.memory_space<semaphore_mem>>) src(%dma_wait3A_31 : memref<128xi32, #tpu.memory_space<hbm>>) dst(%arg12 : memref<128xi32, #tpu.memory_space<vmem>>)
      %dma_start3A_32 = arith.constant 0 : i32
      %dma_start3A_33 = arith.constant 0 : i32
      %dma_start3A_34 = tpu.memref_slice %arg8[%dma_start3A_32, %dma_start3A_33] : memref<10000x128xf32, #tpu.memory_space<vmem_shared>> -> memref<10000x128xf32, #tpu.memory_space<vmem_shared>>
      tpu.enqueue_indirect_dma source(%arg14 : memref<128x128xf32, #tpu.memory_space<vmem>>) target(%dma_start3A_34 : memref<10000x128xf32, #tpu.memory_space<vmem_shared>>) offsets(%arg12 : memref<128xi32, #tpu.memory_space<vmem>>) semaphore(%arg22 : memref<!tpu.dma_semaphore, #tpu.memory_space<semaphore_mem>>) {add = true}
      %dma_wait3A_35 = arith.constant 0 : i32
      %dma_wait3A_36 = arith.constant 0 : i32
      %dma_wait3A_37 = tpu.memref_slice %arg8[%dma_wait3A_35, %dma_wait3A_36] : memref<10000x128xf32, #tpu.memory_space<vmem_shared>> -> memref<10000x128xf32, #tpu.memory_space<vmem_shared>>
      tpu.wait_indirect_dma semaphore(%arg21 : memref<!tpu.dma_semaphore, #tpu.memory_space<semaphore_mem>>) src(%arg13 : memref<128x128xf32, #tpu.memory_space<vmem>>) dst(%dma_wait3A_37 : memref<10000x128xf32, #tpu.memory_space<vmem_shared>>)
      %dma_wait3A_38 = arith.constant 0 : i32
      %dma_wait3A_39 = arith.constant 0 : i32
      %dma_wait3A_40 = tpu.memref_slice %arg8[%dma_wait3A_38, %dma_wait3A_39] : memref<10000x128xf32, #tpu.memory_space<vmem_shared>> -> memref<10000x128xf32, #tpu.memory_space<vmem_shared>>
      tpu.wait_indirect_dma semaphore(%arg22 : memref<!tpu.dma_semaphore, #tpu.memory_space<semaphore_mem>>) src(%arg14 : memref<128x128xf32, #tpu.memory_space<vmem>>) dst(%dma_wait3A_40 : memref<10000x128xf32, #tpu.memory_space<vmem_shared>>)
      %lt3A_41 = arith.constant 2 : i32
      %lt3A_42 = arith.cmpi slt, %arg1, %lt3A_41 : i32
      %convert_element_type3A_43 = arith.extui %lt3A_42 : i1 to i32
      %cond3A_44 = arith.constant 0 : i32
      %cond3A_45 = arith.cmpi ne, %convert_element_type3A_43, %cond3A_44 : i32
      scf.if %cond3A_45 {
        %add3A_57 = arith.constant 1248 : i32
        %add3A_58 = arith.addi %add3A_57, %arg1 : i32
        %mul3A_59 = arith.constant 128 : i32
        %mul3A_60 = arith.muli %add3A_58, %mul3A_59 : i32
        "tpu.region"() ({
          %run_scoped3A = tpu.sem_alloc : memref<!tpu.dma_semaphore, #tpu.memory_space<semaphore_mem>>
          %dma_start3A_67 = tpu.memref_slice %arg4[%mul3A_60] : memref<160000xi32, #tpu.memory_space<hbm>> -> memref<128xi32, #tpu.memory_space<hbm>>
          %dma_start3A_68 = tpu.memref_slice %arg4[%mul3A_60] : memref<160000xi32, #tpu.memory_space<hbm>> -> memref<128xi32, #tpu.memory_space<hbm>>
          tpu.enqueue_dma source(%dma_start3A_68 : memref<128xi32, #tpu.memory_space<hbm>>) target(%arg9 : memref<128xi32, #tpu.memory_space<vmem>>) target_semaphore(%run_scoped3A : memref<!tpu.dma_semaphore, #tpu.memory_space<semaphore_mem>>)
          %dma_wait3A_69 = tpu.memref_slice %arg4[%mul3A_60] : memref<160000xi32, #tpu.memory_space<hbm>> -> memref<128xi32, #tpu.memory_space<hbm>>
          %dma_wait3A_70 = tpu.memref_slice %arg4[%mul3A_60] : memref<160000xi32, #tpu.memory_space<hbm>> -> memref<128xi32, #tpu.memory_space<hbm>>
          tpu.wait_dma2 semaphore(%run_scoped3A : memref<!tpu.dma_semaphore, #tpu.memory_space<semaphore_mem>>) src(%dma_wait3A_70 : memref<128xi32, #tpu.memory_space<hbm>>) dst(%arg9 : memref<128xi32, #tpu.memory_space<vmem>>)
          tpu.yield
        }) : () -> ()
        "tpu.region"() ({
          %run_scoped3A = tpu.sem_alloc : memref<!tpu.dma_semaphore, #tpu.memory_space<semaphore_mem>>
          %dma_start3A_67 = tpu.memref_slice %arg5[%mul3A_60] : memref<160000xi32, #tpu.memory_space<hbm>> -> memref<128xi32, #tpu.memory_space<hbm>>
          %dma_start3A_68 = tpu.memref_slice %arg5[%mul3A_60] : memref<160000xi32, #tpu.memory_space<hbm>> -> memref<128xi32, #tpu.memory_space<hbm>>
          tpu.enqueue_dma source(%dma_start3A_68 : memref<128xi32, #tpu.memory_space<hbm>>) target(%arg11 : memref<128xi32, #tpu.memory_space<vmem>>) target_semaphore(%run_scoped3A : memref<!tpu.dma_semaphore, #tpu.memory_space<semaphore_mem>>)
          %dma_wait3A_69 = tpu.memref_slice %arg5[%mul3A_60] : memref<160000xi32, #tpu.memory_space<hbm>> -> memref<128xi32, #tpu.memory_space<hbm>>
          %dma_wait3A_70 = tpu.memref_slice %arg5[%mul3A_60] : memref<160000xi32, #tpu.memory_space<hbm>> -> memref<128xi32, #tpu.memory_space<hbm>>
          tpu.wait_dma2 semaphore(%run_scoped3A : memref<!tpu.dma_semaphore, #tpu.memory_space<semaphore_mem>>) src(%dma_wait3A_70 : memref<128xi32, #tpu.memory_space<hbm>>) dst(%arg11 : memref<128xi32, #tpu.memory_space<vmem>>)
          tpu.yield
        }) : () -> ()
        %dma_start3A_61 = arith.constant 0 : i32
        %dma_start3A_62 = arith.constant 0 : i32
        %dma_start3A_63 = tpu.memref_slice %arg3[%dma_start3A_61, %dma_start3A_62] : memref<10000x128xf32, #tpu.memory_space<hbm>> -> memref<10000x128xf32, #tpu.memory_space<hbm>>
        tpu.enqueue_indirect_dma source(%dma_start3A_63 : memref<10000x128xf32, #tpu.memory_space<hbm>>) target(%arg13 : memref<128x128xf32, #tpu.memory_space<vmem>>) offsets(%arg9 : memref<128xi32, #tpu.memory_space<vmem>>) semaphore(%arg19 : memref<!tpu.dma_semaphore, #tpu.memory_space<semaphore_mem>>)
        %dma_wait3A_64 = arith.constant 0 : i32
        %dma_wait3A_65 = arith.constant 0 : i32
        %dma_wait3A_66 = tpu.memref_slice %arg3[%dma_wait3A_64, %dma_wait3A_65] : memref<10000x128xf32, #tpu.memory_space<hbm>> -> memref<10000x128xf32, #tpu.memory_space<hbm>>
        tpu.wait_indirect_dma semaphore(%arg19 : memref<!tpu.dma_semaphore, #tpu.memory_space<semaphore_mem>>) src(%dma_wait3A_66 : memref<10000x128xf32, #tpu.memory_space<hbm>>) dst(%arg13 : memref<128x128xf32, #tpu.memory_space<vmem>>)
        "tpu.region"() ({
          %run_scoped3A = tpu.sem_alloc : memref<!tpu.dma_semaphore, #tpu.memory_space<semaphore_mem>>
          %dma_start3A_67 = arith.constant 0 : i32
          %dma_start3A_68 = arith.constant 0 : i32
          %dma_start3A_69 = tpu.memref_slice %arg8[%dma_start3A_67, %dma_start3A_68] : memref<10000x128xf32, #tpu.memory_space<vmem_shared>> -> memref<10000x128xf32, #tpu.memory_space<vmem_shared>>
          tpu.enqueue_indirect_dma source(%arg13 : memref<128x128xf32, #tpu.memory_space<vmem>>) target(%dma_start3A_69 : memref<10000x128xf32, #tpu.memory_space<vmem_shared>>) offsets(%arg11 : memref<128xi32, #tpu.memory_space<vmem>>) semaphore(%run_scoped3A : memref<!tpu.dma_semaphore, #tpu.memory_space<semaphore_mem>>) {add = true}
          %dma_wait3A_70 = arith.constant 0 : i32
          %dma_wait3A_71 = arith.constant 0 : i32
          %dma_wait3A_72 = tpu.memref_slice %arg8[%dma_wait3A_70, %dma_wait3A_71] : memref<10000x128xf32, #tpu.memory_space<vmem_shared>> -> memref<10000x128xf32, #tpu.memory_space<vmem_shared>>
          tpu.wait_indirect_dma semaphore(%run_scoped3A : memref<!tpu.dma_semaphore, #tpu.memory_space<semaphore_mem>>) src(%arg13 : memref<128x128xf32, #tpu.memory_space<vmem>>) dst(%dma_wait3A_72 : memref<10000x128xf32, #tpu.memory_space<vmem_shared>>)
          tpu.yield
        }) : () -> ()
      } else {
      }
      %barrier3A_46 = arith.constant 0 : index
      tpu.barrier barrier_id(%barrier3A_46)
      %lt3A_47 = arith.constant 15 : i32
      %lt3A_48 = arith.cmpi slt, %arg1, %lt3A_47 : i32
      %convert_element_type3A_49 = arith.extui %lt3A_48 : i1 to i32
      %cond3A_50 = arith.constant 0 : i32
      %cond3A_51 = arith.cmpi ne, %convert_element_type3A_49, %cond3A_50 : i32
      scf.if %cond3A_51 {
        %mul3A_57 = arith.constant 624 : i32
        %mul3A_58 = arith.muli %arg1, %mul3A_57 : i32
        %mul3A_59 = arith.constant 624 : i32
        %mul3A_60 = arith.muli %arg1, %mul3A_59 : i32
        "tpu.region"() ({
          %run_scoped3A = tpu.sem_alloc : memref<!tpu.dma_semaphore, #tpu.memory_space<semaphore_mem>>
          %dma_start3A_61 = arith.constant 0 : i32
          %dma_start3A_62 = tpu.memref_slice %arg7[%mul3A_60, %dma_start3A_61] : memref<10000x128xf32, #tpu.memory_space<hbm>> -> memref<624x128xf32, #tpu.memory_space<hbm>>
          %dma_start3A_63 = arith.constant 0 : i32
          %dma_start3A_64 = tpu.memref_slice %arg8[%mul3A_58, %dma_start3A_63] : memref<10000x128xf32, #tpu.memory_space<vmem_shared>> -> memref<624x128xf32, #tpu.memory_space<vmem_shared>>
          tpu.enqueue_dma source(%dma_start3A_64 : memref<624x128xf32, #tpu.memory_space<vmem_shared>>) target(%dma_start3A_62 : memref<624x128xf32, #tpu.memory_space<hbm>>) target_semaphore(%run_scoped3A : memref<!tpu.dma_semaphore, #tpu.memory_space<semaphore_mem>>)
          %dma_wait3A_65 = arith.constant 0 : i32
          %dma_wait3A_66 = tpu.memref_slice %arg7[%mul3A_60, %dma_wait3A_65] : memref<10000x128xf32, #tpu.memory_space<hbm>> -> memref<624x128xf32, #tpu.memory_space<hbm>>
          %dma_wait3A_67 = arith.constant 0 : i32
          %dma_wait3A_68 = tpu.memref_slice %arg8[%mul3A_58, %dma_wait3A_67] : memref<10000x128xf32, #tpu.memory_space<vmem_shared>> -> memref<624x128xf32, #tpu.memory_space<vmem_shared>>
          tpu.wait_dma2 semaphore(%run_scoped3A : memref<!tpu.dma_semaphore, #tpu.memory_space<semaphore_mem>>) src(%dma_wait3A_68 : memref<624x128xf32, #tpu.memory_space<vmem_shared>>) dst(%dma_wait3A_66 : memref<624x128xf32, #tpu.memory_space<hbm>>)
          tpu.yield
        }) : () -> ()
      } else {
      }
      %eq3A_52 = arith.constant 15 : i32
      %eq3A_53 = arith.cmpi eq, %arg1, %eq3A_52 : i32
      %convert_element_type3A_54 = arith.extui %eq3A_53 : i1 to i32
      %cond3A_55 = arith.constant 0 : i32
      %cond3A_56 = arith.cmpi ne, %convert_element_type3A_54, %cond3A_55 : i32
      scf.if %cond3A_56 {
        "tpu.region"() ({
          %run_scoped3A = tpu.sem_alloc : memref<!tpu.dma_semaphore, #tpu.memory_space<semaphore_mem>>
          %dma_start3A_57 = arith.constant 9360 : i32
          %dma_start3A_58 = arith.constant 0 : i32
          %dma_start3A_59 = tpu.memref_slice %arg7[%dma_start3A_57, %dma_start3A_58] : memref<10000x128xf32, #tpu.memory_space<hbm>> -> memref<640x128xf32, #tpu.memory_space<hbm>>
          %dma_start3A_60 = arith.constant 9360 : i32
          %dma_start3A_61 = arith.constant 0 : i32
          %dma_start3A_62 = tpu.memref_slice %arg8[%dma_start3A_60, %dma_start3A_61] : memref<10000x128xf32, #tpu.memory_space<vmem_shared>> -> memref<640x128xf32, #tpu.memory_space<vmem_shared>>
          tpu.enqueue_dma source(%dma_start3A_62 : memref<640x128xf32, #tpu.memory_space<vmem_shared>>) target(%dma_start3A_59 : memref<640x128xf32, #tpu.memory_space<hbm>>) target_semaphore(%run_scoped3A : memref<!tpu.dma_semaphore, #tpu.memory_space<semaphore_mem>>)
          %dma_wait3A_63 = arith.constant 9360 : i32
          %dma_wait3A_64 = arith.constant 0 : i32
          %dma_wait3A_65 = tpu.memref_slice %arg7[%dma_wait3A_63, %dma_wait3A_64] : memref<10000x128xf32, #tpu.memory_space<hbm>> -> memref<640x128xf32, #tpu.memory_space<hbm>>
          %dma_wait3A_66 = arith.constant 9360 : i32
          %dma_wait3A_67 = arith.constant 0 : i32
          %dma_wait3A_68 = tpu.memref_slice %arg8[%dma_wait3A_66, %dma_wait3A_67] : memref<10000x128xf32, #tpu.memory_space<vmem_shared>> -> memref<640x128xf32, #tpu.memory_space<vmem_shared>>
          tpu.wait_dma2 semaphore(%run_scoped3A : memref<!tpu.dma_semaphore, #tpu.memory_space<semaphore_mem>>) src(%dma_wait3A_68 : memref<640x128xf32, #tpu.memory_space<vmem_shared>>) dst(%dma_wait3A_65 : memref<640x128xf32, #tpu.memory_space<hbm>>)
          tpu.yield
        }) : () -> ()
      } else {
      }
    } else {
    }
    return
  }
}

module attributes {stable_mosaic.version = 14 : i64} {
  func.func @_first_body(%arg0: i32, %arg1: memref<5000x256xf32, #tpu.memory_space<vmem>>, %arg2: memref<256x256xf32, #tpu.memory_space<vmem>>, %arg3: memref<5000x1xf32, #tpu.memory_space<vmem>>, %arg4: memref<5000x1xf32, #tpu.memory_space<vmem>>, %arg5: memref<5000x128xf32, #tpu.memory_space<vmem>>, %arg6: memref<5000x128xf32, #tpu.memory_space<vmem>>, %arg7: memref<5000x1xf32, #tpu.memory_space<vmem>>) attributes {dimension_semantics = [#tpu.dimension_semantics<arbitrary>], iteration_bounds = array<i64: 2>, scalar_prefetch = 0 : i64, scratch_operands = 0 : i64, tpu.core_type = #tpu.core_type<tc>, window_params = [{transform_indices = @transform_0, window_bounds = array<i64: 5000, 256>}, {pipeline_mode = #tpu.pipeline_mode<synchronous>, transform_indices = @transform_1, window_bounds = array<i64: 256, 256>}, {transform_indices = @transform_2, window_bounds = array<i64: 5000, 1>}, {transform_indices = @transform_3, window_bounds = array<i64: 5000, 1>}, {transform_indices = @transform_4, window_bounds = array<i64: 5000, 128>}, {transform_indices = @transform_5, window_bounds = array<i64: 5000, 128>}, {transform_indices = @transform_6, window_bounds = array<i64: 5000, 1>}]} {
    %get3A = arith.constant 0 : index
    %get3A_0 = arith.constant 0 : index
    %get3A_1 = vector.load %arg3[%get3A, %get3A_0] : memref<5000x1xf32, #tpu.memory_space<vmem>>, vector<5000x1xf32>
    %get3A_2 = arith.constant 0 : index
    %get3A_3 = arith.constant 0 : index
    %get3A_4 = vector.load %arg4[%get3A_2, %get3A_3] : memref<5000x1xf32, #tpu.memory_space<vmem>>, vector<5000x1xf32>
    %add3A = arith.addf %get3A_1, %get3A_4 : vector<5000x1xf32>
    %sub3A = arith.constant 1.000000e+00 : f32
    %sub3A_5 = vector.broadcast %sub3A : f32 to vector<5000x1xf32>
    %sub3A_6 = arith.subf %add3A, %sub3A_5 : vector<5000x1xf32>
    %rsqrt3A = math.rsqrt %sub3A_6 : vector<5000x1xf32>
    %get3A_7 = arith.constant 0 : index
    %get3A_8 = arith.constant 0 : index
    %get3A_9 = vector.load %arg1[%get3A_7, %get3A_8] : memref<5000x256xf32, #tpu.memory_space<vmem>>, vector<5000x256xf32>
    %get3A_10 = arith.constant 0 : index
    %get3A_11 = arith.constant 0 : index
    %get3A_12 = vector.load %arg2[%get3A_10, %get3A_11] : memref<256x256xf32, #tpu.memory_space<vmem>>, vector<256x256xf32>
    %dot_general3A = arith.constant dense<0.000000e+00> : vector<5000x256xf32>
    %dot_general3A_13 = tpu.matmul %get3A_9, %get3A_12, %dot_general3A {dimension_numbers = #tpu.dot_dimension_numbers<[1], [0], [0], [1], [0, 0, 1, 1], [], []>, transpose_lhs_hint = false} : vector<5000x256xf32>, vector<256x256xf32>, vector<5000x256xf32> -> vector<5000x256xf32>
    %mul3A = vector.broadcast %rsqrt3A : vector<5000x1xf32> to vector<5000x256xf32>
    %mul3A_14 = arith.mulf %dot_general3A_13, %mul3A : vector<5000x256xf32>
    %slice3A = vector.extract_strided_slice %mul3A_14 {offsets = [0, 0], sizes = [5000, 128], strides = [1, 1]} : vector<5000x256xf32> to vector<5000x128xf32>
    %swap3A = arith.constant 0 : index
    %swap3A_15 = arith.constant 0 : index
    %swap3A_16 = vector.load %arg5[%swap3A, %swap3A_15] : memref<5000x128xf32, #tpu.memory_space<vmem>>, vector<5000x128xf32>
    tpu.vector_store %arg5[%swap3A, %swap3A_15], %slice3A {strides = array<i32>} : memref<5000x128xf32, #tpu.memory_space<vmem>>, vector<5000x128xf32>,
    %slice3A_17 = vector.extract_strided_slice %mul3A_14 {offsets = [0, 128], sizes = [5000, 128], strides = [1, 1]} : vector<5000x256xf32> to vector<5000x128xf32>
    %swap3A_18 = arith.constant 0 : index
    %swap3A_19 = arith.constant 0 : index
    %swap3A_20 = vector.load %arg6[%swap3A_18, %swap3A_19] : memref<5000x128xf32, #tpu.memory_space<vmem>>, vector<5000x128xf32>
    tpu.vector_store %arg6[%swap3A_18, %swap3A_19], %slice3A_17 {strides = array<i32>} : memref<5000x128xf32, #tpu.memory_space<vmem>>, vector<5000x128xf32>,
    %swap3A_21 = arith.constant 0 : index
    %swap3A_22 = arith.constant 0 : index
    %swap3A_23 = vector.load %arg7[%swap3A_21, %swap3A_22] : memref<5000x1xf32, #tpu.memory_space<vmem>>, vector<5000x1xf32>
    tpu.vector_store %arg7[%swap3A_21, %swap3A_22], %rsqrt3A {strides = array<i32>} : memref<5000x1xf32, #tpu.memory_space<vmem>>, vector<5000x1xf32>,
    return
  }
  func.func @transform_0(%arg0: i32) -> (i32, i32) {
    %c0_i32 = arith.constant 0 : i32
    %c0_i32_0 = arith.constant 0 : i32
    return %arg0, %c0_i32 : i32, i32
  }
  func.func @transform_1(%arg0: i32) -> (i32, i32) {
    %c0_i32 = arith.constant 0 : i32
    %c0_i32_0 = arith.constant 0 : i32
    %c0_i32_1 = arith.constant 0 : i32
    return %c0_i32, %c0_i32_0 : i32, i32
  }
  func.func @transform_2(%arg0: i32) -> (i32, i32) {
    %c0_i32 = arith.constant 0 : i32
    %c0_i32_0 = arith.constant 0 : i32
    return %arg0, %c0_i32 : i32, i32
  }
  func.func @transform_3(%arg0: i32) -> (i32, i32) {
    %c0_i32 = arith.constant 0 : i32
    %c0_i32_0 = arith.constant 0 : i32
    return %arg0, %c0_i32 : i32, i32
  }
  func.func @transform_4(%arg0: i32) -> (i32, i32) {
    %c0_i32 = arith.constant 0 : i32
    %c0_i32_0 = arith.constant 0 : i32
    return %arg0, %c0_i32 : i32, i32
  }
  func.func @transform_5(%arg0: i32) -> (i32, i32) {
    %c0_i32 = arith.constant 0 : i32
    %c0_i32_0 = arith.constant 0 : i32
    return %arg0, %c0_i32 : i32, i32
  }
  func.func @transform_6(%arg0: i32) -> (i32, i32) {
    %c0_i32 = arith.constant 0 : i32
    %c0_i32_0 = arith.constant 0 : i32
    return %arg0, %c0_i32 : i32, i32
  }
}

module attributes {stable_mosaic.version = 14 : i64} {
  func.func @_mid_body(%arg0: i32, %arg1: memref<5000x128xf32, #tpu.memory_space<vmem>>, %arg2: memref<5000x128xf32, #tpu.memory_space<vmem>>, %arg3: memref<5000x1xf32, #tpu.memory_space<vmem>>, %arg4: memref<1x256xf32, #tpu.memory_space<vmem>>, %arg5: memref<256x256xf32, #tpu.memory_space<vmem>>, %arg6: memref<5000x128xf32, #tpu.memory_space<vmem>>, %arg7: memref<5000x128xf32, #tpu.memory_space<vmem>>) attributes {dimension_semantics = [#tpu.dimension_semantics<arbitrary>], iteration_bounds = array<i64: 2>, scalar_prefetch = 0 : i64, scratch_operands = 0 : i64, tpu.core_type = #tpu.core_type<tc>, window_params = [{transform_indices = @transform_0, window_bounds = array<i64: 5000, 128>}, {transform_indices = @transform_1, window_bounds = array<i64: 5000, 128>}, {transform_indices = @transform_2, window_bounds = array<i64: 5000, 1>}, {pipeline_mode = #tpu.pipeline_mode<synchronous>, transform_indices = @transform_3, window_bounds = array<i64: 1, 256>}, {pipeline_mode = #tpu.pipeline_mode<synchronous>, transform_indices = @transform_4, window_bounds = array<i64: 256, 256>}, {transform_indices = @transform_5, window_bounds = array<i64: 5000, 128>}, {transform_indices = @transform_6, window_bounds = array<i64: 5000, 128>}]} {
    %get3A = arith.constant 0 : index
    %get3A_0 = arith.constant 0 : index
    %get3A_1 = vector.load %arg3[%get3A, %get3A_0] : memref<5000x1xf32, #tpu.memory_space<vmem>>, vector<5000x1xf32>
    %get3A_2 = arith.constant 0 : index
    %get3A_3 = arith.constant 0 : index
    %get3A_4 = vector.load %arg1[%get3A_2, %get3A_3] : memref<5000x128xf32, #tpu.memory_space<vmem>>, vector<5000x128xf32>
    %get3A_5 = arith.constant 0 : index
    %get3A_6 = arith.constant 0 : index
    %get3A_7 = vector.load %arg2[%get3A_5, %get3A_6] : memref<5000x128xf32, #tpu.memory_space<vmem>>, vector<5000x128xf32>
    %concatenate3A = tpu.concatenate %get3A_4, %get3A_7 in 1 : vector<5000x128xf32>, vector<5000x128xf32> -> vector<5000x256xf32>
    %mul3A = vector.broadcast %get3A_1 : vector<5000x1xf32> to vector<5000x256xf32>
    %mul3A_8 = arith.mulf %concatenate3A, %mul3A : vector<5000x256xf32>
    %get3A_9 = arith.constant 0 : index
    %get3A_10 = arith.constant 0 : index
    %get3A_11 = vector.load %arg4[%get3A_9, %get3A_10] : memref<1x256xf32, #tpu.memory_space<vmem>>, vector<1x256xf32>
    %add3A = vector.broadcast %get3A_11 : vector<1x256xf32> to vector<5000x256xf32>
    %add3A_12 = arith.addf %mul3A_8, %add3A : vector<5000x256xf32>
    %max3A = arith.constant 0.000000e+00 : f32
    %max3A_13 = vector.broadcast %max3A : f32 to vector<5000x256xf32>
    %max3A_14 = arith.maximumf %add3A_12, %max3A_13 : vector<5000x256xf32>
    %get3A_15 = arith.constant 0 : index
    %get3A_16 = arith.constant 0 : index
    %get3A_17 = vector.load %arg5[%get3A_15, %get3A_16] : memref<256x256xf32, #tpu.memory_space<vmem>>, vector<256x256xf32>
    %dot_general3A = arith.constant dense<0.000000e+00> : vector<5000x256xf32>
    %dot_general3A_18 = tpu.matmul %max3A_14, %get3A_17, %dot_general3A {dimension_numbers = #tpu.dot_dimension_numbers<[1], [0], [0], [1], [0, 0, 1, 1], [], []>, transpose_lhs_hint = false} : vector<5000x256xf32>, vector<256x256xf32>, vector<5000x256xf32> -> vector<5000x256xf32>
    %mul3A_19 = vector.broadcast %get3A_1 : vector<5000x1xf32> to vector<5000x256xf32>
    %mul3A_20 = arith.mulf %dot_general3A_18, %mul3A_19 : vector<5000x256xf32>
    %slice3A = vector.extract_strided_slice %mul3A_20 {offsets = [0, 0], sizes = [5000, 128], strides = [1, 1]} : vector<5000x256xf32> to vector<5000x128xf32>
    %swap3A = arith.constant 0 : index
    %swap3A_21 = arith.constant 0 : index
    %swap3A_22 = vector.load %arg6[%swap3A, %swap3A_21] : memref<5000x128xf32, #tpu.memory_space<vmem>>, vector<5000x128xf32>
    tpu.vector_store %arg6[%swap3A, %swap3A_21], %slice3A {strides = array<i32>} : memref<5000x128xf32, #tpu.memory_space<vmem>>, vector<5000x128xf32>,
    %slice3A_23 = vector.extract_strided_slice %mul3A_20 {offsets = [0, 128], sizes = [5000, 128], strides = [1, 1]} : vector<5000x256xf32> to vector<5000x128xf32>
    %swap3A_24 = arith.constant 0 : index
    %swap3A_25 = arith.constant 0 : index
    %swap3A_26 = vector.load %arg7[%swap3A_24, %swap3A_25] : memref<5000x128xf32, #tpu.memory_space<vmem>>, vector<5000x128xf32>
    tpu.vector_store %arg7[%swap3A_24, %swap3A_25], %slice3A_23 {strides = array<i32>} : memref<5000x128xf32, #tpu.memory_space<vmem>>, vector<5000x128xf32>,
    return
  }
  func.func @transform_0(%arg0: i32) -> (i32, i32) {
    %c0_i32 = arith.constant 0 : i32
    %c0_i32_0 = arith.constant 0 : i32
    return %arg0, %c0_i32 : i32, i32
  }
  func.func @transform_1(%arg0: i32) -> (i32, i32) {
    %c0_i32 = arith.constant 0 : i32
    %c0_i32_0 = arith.constant 0 : i32
    return %arg0, %c0_i32 : i32, i32
  }
  func.func @transform_2(%arg0: i32) -> (i32, i32) {
    %c0_i32 = arith.constant 0 : i32
    %c0_i32_0 = arith.constant 0 : i32
    return %arg0, %c0_i32 : i32, i32
  }
  func.func @transform_3(%arg0: i32) -> (i32, i32) {
    %c0_i32 = arith.constant 0 : i32
    %c0_i32_0 = arith.constant 0 : i32
    %c0_i32_1 = arith.constant 0 : i32
    return %c0_i32, %c0_i32_0 : i32, i32
  }
  func.func @transform_4(%arg0: i32) -> (i32, i32) {
    %c0_i32 = arith.constant 0 : i32
    %c0_i32_0 = arith.constant 0 : i32
    %c0_i32_1 = arith.constant 0 : i32
    return %c0_i32, %c0_i32_0 : i32, i32
  }
  func.func @transform_5(%arg0: i32) -> (i32, i32) {
    %c0_i32 = arith.constant 0 : i32
    %c0_i32_0 = arith.constant 0 : i32
    return %arg0, %c0_i32 : i32, i32
  }
  func.func @transform_6(%arg0: i32) -> (i32, i32) {
    %c0_i32 = arith.constant 0 : i32
    %c0_i32_0 = arith.constant 0 : i32
    return %arg0, %c0_i32 : i32, i32
  }
}

module attributes {stable_mosaic.version = 14 : i64} {
  func.func @_last_body(%arg0: i32, %arg1: memref<5000x128xf32, #tpu.memory_space<vmem>>, %arg2: memref<5000x128xf32, #tpu.memory_space<vmem>>, %arg3: memref<5000x1xf32, #tpu.memory_space<vmem>>, %arg4: memref<1x256xf32, #tpu.memory_space<vmem>>, %arg5: memref<5000x256xf32, #tpu.memory_space<vmem>>) attributes {dimension_semantics = [#tpu.dimension_semantics<arbitrary>], iteration_bounds = array<i64: 2>, scalar_prefetch = 0 : i64, scratch_operands = 0 : i64, tpu.core_type = #tpu.core_type<tc>, window_params = [{transform_indices = @transform_0, window_bounds = array<i64: 5000, 128>}, {transform_indices = @transform_1, window_bounds = array<i64: 5000, 128>}, {transform_indices = @transform_2, window_bounds = array<i64: 5000, 1>}, {pipeline_mode = #tpu.pipeline_mode<synchronous>, transform_indices = @transform_3, window_bounds = array<i64: 1, 256>}, {transform_indices = @transform_4, window_bounds = array<i64: 5000, 256>}]} {
    %get3A = arith.constant 0 : index
    %get3A_0 = arith.constant 0 : index
    %get3A_1 = vector.load %arg3[%get3A, %get3A_0] : memref<5000x1xf32, #tpu.memory_space<vmem>>, vector<5000x1xf32>
    %get3A_2 = arith.constant 0 : index
    %get3A_3 = arith.constant 0 : index
    %get3A_4 = vector.load %arg1[%get3A_2, %get3A_3] : memref<5000x128xf32, #tpu.memory_space<vmem>>, vector<5000x128xf32>
    %get3A_5 = arith.constant 0 : index
    %get3A_6 = arith.constant 0 : index
    %get3A_7 = vector.load %arg2[%get3A_5, %get3A_6] : memref<5000x128xf32, #tpu.memory_space<vmem>>, vector<5000x128xf32>
    %concatenate3A = tpu.concatenate %get3A_4, %get3A_7 in 1 : vector<5000x128xf32>, vector<5000x128xf32> -> vector<5000x256xf32>
    %mul3A = vector.broadcast %get3A_1 : vector<5000x1xf32> to vector<5000x256xf32>
    %mul3A_8 = arith.mulf %concatenate3A, %mul3A : vector<5000x256xf32>
    %get3A_9 = arith.constant 0 : index
    %get3A_10 = arith.constant 0 : index
    %get3A_11 = vector.load %arg4[%get3A_9, %get3A_10] : memref<1x256xf32, #tpu.memory_space<vmem>>, vector<1x256xf32>
    %add3A = vector.broadcast %get3A_11 : vector<1x256xf32> to vector<5000x256xf32>
    %add3A_12 = arith.addf %mul3A_8, %add3A : vector<5000x256xf32>
    %swap3A = arith.constant 0 : index
    %swap3A_13 = arith.constant 0 : index
    %swap3A_14 = vector.load %arg5[%swap3A, %swap3A_13] : memref<5000x256xf32, #tpu.memory_space<vmem>>, vector<5000x256xf32>
    tpu.vector_store %arg5[%swap3A, %swap3A_13], %add3A_12 {strides = array<i32>} : memref<5000x256xf32, #tpu.memory_space<vmem>>, vector<5000x256xf32>,
    return
  }
  func.func @transform_0(%arg0: i32) -> (i32, i32) {
    %c0_i32 = arith.constant 0 : i32
    %c0_i32_0 = arith.constant 0 : i32
    return %arg0, %c0_i32 : i32, i32
  }
  func.func @transform_1(%arg0: i32) -> (i32, i32) {
    %c0_i32 = arith.constant 0 : i32
    %c0_i32_0 = arith.constant 0 : i32
    return %arg0, %c0_i32 : i32, i32
  }
  func.func @transform_2(%arg0: i32) -> (i32, i32) {
    %c0_i32 = arith.constant 0 : i32
    %c0_i32_0 = arith.constant 0 : i32
    return %arg0, %c0_i32 : i32, i32
  }
  func.func @transform_3(%arg0: i32) -> (i32, i32) {
    %c0_i32 = arith.constant 0 : i32
    %c0_i32_0 = arith.constant 0 : i32
    %c0_i32_1 = arith.constant 0 : i32
    return %c0_i32, %c0_i32_0 : i32, i32
  }
  func.func @transform_4(%arg0: i32) -> (i32, i32) {
    %c0_i32 = arith.constant 0 : i32
    %c0_i32_0 = arith.constant 0 : i32
    return %arg0, %c0_i32 : i32, i32
  }
}

</mosaic_0001>

<sc_bundles>
// kernel: kernel.10.cloned.1.call-start
scs
__scs_entry_jumppad:
0x0: {  	(pc) =	sbr.rel $0x88, $3  }
0x1: {  	(tag) =	ssettag $0x0;
	lr =	simm.s32 $0x1  }
0x2: {  	[smem:$0x3F99] =	sst lr;
	_ =	strace $0xD0000000  }
0x3: {  	_ = 	snop  }
0x4: {  	_ = 	snop  }
0x5: {  	_ = 	snop  }
0x6: {  	_ = 	snop  }
0x7: {  	_ = 	snop  }
__scs_overlays_trampoline_lowered:
0x8: {  	[smem:$0x3FA8] =	sst s0  }
0x9: {  	[smem:$0x3FA9] =	sst s1  }
0xa: {  	[smem:$0x3FAA] =	sst s2  }
0xb: {  	[smem:$0x3FAB] =	sst s3  }
0xc: {  	[smem:$0x3FAC] =	sst s4  }
0xd: {  	[smem:$0x3FAD] =	sst s5  }
0xe: {  	[smem:$0x3FAE] =	sst s6  }
0xf: {  	[smem:$0x3FAF] =	sst s7  }
0x10: {  	[smem:$0x3FB0] =	sst s8  }
0x11: {  	[smem:$0x3FB1] =	sst s9;
	s0 =	simm.s32 @!p0 $0x0  }
0x12: {  	s1 =	sld [smem:$0x3F97];
	s0 =	simm.s32 @p0 $0x1  }
0x13: {  	[smem:$0x3FB2] =	sst s0;
	s0 =	simm.s32 @!p1 $0x0  }
0x14: {  	s2 =	sld [smem:$0x3F96];
	s0 =	simm.s32 @p1 $0x1  }
0x15: {  	[smem:$0x3FB3] =	sst s0;
	s0 =	simm.s32 @!p2 $0x0  }
0x16: {  	s3 =	sld [smem:$0x3FDB];
	s0 =	simm.s32 @p2 $0x1  }
0x17: {  	s4 =	simm.s32 $0x1BF5;
	[smem:$0x3FB5] =	sst s0  }
0x18: {  	s0 =	sld [smem:$0x3F98];
	_ =	swait.ge [sflag:s4], $0x0  }
0x19: {  	s7 =	sld [smem:$0x3F99]  }
0x1a: {  	s8 =	sadd.s32 $0xFFFFE003, lr  }
0x1b: {  	s9 =	sadd.s32 $0xFFFFFEF7, lr;
	s5 =	simm.s32 $0xFFFFFFFF;
	p2 =	slt.u32 s8, $0xFFFFF086  }
0x1c: {  	p1 =	slt.u32 s9, $0xF7A;
	s5 =	simm.s32 @!p2 $0x0  }
0x1d: {  	s5 =	simm.s32 @p1 $0x1;
	p0 =	seq.s32 s7, s2  }
0x1e: {  	s7 =	smul.u32 @!p0 $0xF7A, s2;
	p2 =	seq.s32 @!p0 s5, $0x0  }
0x1f: {  	s9 =	smul.u32 $0xF7A, s1;
	s8 =	simm.s32 @!p0 $0x1BF5;
	p2 =	por !p2, p0  }
0x20: {  	[sflag:s8] =	ssyncset.s32 @!p0 $0xFFFFF086;
	s6 =	sadd.s32 @!p0 s3, s7;
	s7 =	simm.s32 @!p0 $0x108  }
0x21: {  	s3 =	sadd.s32 s3, s9;
	s6 =	sadd.s32 @!p0 $0x88, s6;
	s7 =	simm.s32 @p2 $0x1082  }
0x22: {  	[simem:s7], [sflag:s8] =	dma.local @!p0 [hbm:s6], $0xF7A  }
0x23: {  	s9 =	sor.u32 $0xD0000000, s2;
	s6 =	simm.s32 $0x108;
	_ =	swait.ge @!p0 [sflag:s8], $0x0  }
0x24: {  	s3 =	sadd.s32 $0x88, s3;
	s6 =	simm.s32 @!p1 $0x1082;
	[sflag:s4] =	ssyncset.s32 $0xFFFFF086  }
0x25: {  	[simem:s6], [sflag:s4] =	dma.local [hbm:s3], $0xF7A  }
0x26: {  	[smem:$0x3F99] =	sst s1;
	(tag) =	ssettag s2;
	_ =	strace s9  }
0x27: {  	s1 =	sld [smem:$0x3FA9]  }
0x28: {  	s2 =	sld [smem:$0x3FAA]  }
0x29: {  	s4 =	sld [smem:$0x3FAC]  }
0x2a: {  	p0 =	seq.s32 s5, $0x0;
	s5 =	sld [smem:$0x3FAD]  }
0x2b: {  	s6 =	sld [smem:$0x3FAE]  }
0x2c: {  	s7 =	sld [smem:$0x3FAF]  }
0x2d: {  	s3 =	simm.s32 $0x108;
	s8 =	sld [smem:$0x3FB0]  }
0x2e: {  	s3 =	simm.s32 @!p0 $0x1082;
	s9 =	sld [smem:$0x3FB1]  }
0x2f: {  	lr =	sadd.s32 s0, s3;
	s0 =	sld [smem:$0x3FA8]  }
0x30: {  	s3 =	sld [smem:$0x3FAB]  }
0x31: {  	[smem:$0x3FB4] =	sst s10  }
0x32: {  	s10 =	sld [smem:$0x3FB2];
	_ =	sdelay $0x3  }
0x33: {  	p0 =	seq.s32 s10, $0x1;
	s10 =	sld [smem:$0x3FB4];
	_ =	sdelay $0x3  }
0x34: {  	[smem:$0x3FB4] =	sst s10  }
0x35: {  	s10 =	sld [smem:$0x3FB3];
	_ =	sdelay $0x3  }
0x36: {  	p1 =	seq.s32 s10, $0x1;
	s10 =	sld [smem:$0x3FB4];
	_ =	sdelay $0x3  }
0x37: {  	[smem:$0x3FB4] =	sst s10  }
0x38: {  	s10 =	sld [smem:$0x3FB5]  }
0x39: {  	_ = 	snop;
	(pc) =	sbr.ind lr, $3  }
0x3a: {  	_ = 	snop  }
0x3b: {  	_ = 	snop  }
0x3c: {  	p2 =	seq.s32 s10, $0x1;
	s10 =	sld [smem:$0x3FB4]  }
0x3d: {  	_ =	shalt  }
0x3e: {  	_ =	shalt  }
0x3f: {  	_ =	shalt  }
0x40: {  	_ =	shalt  }
0x41: {  	_ =	shalt  }
0x42: {  	_ =	shalt  }
0x43: {  	_ =	shalt  }
0x44: {  	_ =	shalt  }
0x45: {  	_ =	shalt  }
0x46: {  	_ =	shalt  }
0x47: {  	_ =	shalt  }
0x48: {  	_ =	shalt  }
0x49: {  	_ =	shalt  }
0x4a: {  	_ =	shalt  }
0x4b: {  	_ =	shalt  }
0x4c: {  	_ =	shalt  }
0x4d: {  	_ =	shalt  }
0x4e: {  	_ =	shalt  }
0x4f: {  	_ =	shalt  }
0x50: {  	_ =	shalt  }
0x51: {  	_ =	shalt  }
0x52: {  	_ =	shalt  }
0x53: {  	_ =	shalt  }
0x54: {  	_ =	shalt  }
0x55: {  	_ =	shalt  }
0x56: {  	_ =	shalt  }
0x57: {  	_ =	shalt  }
0x58: {  	_ =	shalt  }
0x59: {  	_ =	shalt  }
0x5a: {  	_ =	shalt  }
0x5b: {  	_ =	shalt  }
0x5c: {  	_ =	shalt  }
0x5d: {  	_ =	shalt  }
0x5e: {  	_ =	shalt  }
0x5f: {  	_ =	shalt  }
0x60: {  	_ =	shalt  }
0x61: {  	_ =	shalt  }
0x62: {  	_ =	shalt  }
0x63: {  	_ =	shalt  }
0x64: {  	_ =	shalt  }
0x65: {  	_ =	shalt  }
0x66: {  	_ =	shalt  }
0x67: {  	_ =	shalt  }
0x68: {  	_ =	shalt  }
0x69: {  	_ =	shalt  }
0x6a: {  	_ =	shalt  }
0x6b: {  	_ =	shalt  }
0x6c: {  	_ =	shalt  }
0x6d: {  	_ =	shalt  }
0x6e: {  	_ =	shalt  }
0x6f: {  	_ =	shalt  }
0x70: {  	_ =	shalt  }
0x71: {  	_ =	shalt  }
0x72: {  	_ =	shalt  }
0x73: {  	_ =	shalt  }
0x74: {  	_ =	shalt  }
0x75: {  	_ =	shalt  }
0x76: {  	_ =	shalt  }
0x77: {  	_ =	shalt  }
0x78: {  	_ =	shalt  }
0x79: {  	_ =	shalt  }
0x7a: {  	_ =	shalt  }
0x7b: {  	_ =	shalt  }
0x7c: {  	_ =	shalt  }
0x7d: {  	_ =	shalt  }
0x7e: {  	_ =	shalt  }
0x7f: {  	_ =	shalt  }
0x80: {  	_ =	shalt  }
0x81: {  	_ =	shalt  }
0x82: {  	_ =	shalt  }
0x83: {  	_ =	shalt  }
0x84: {  	_ =	shalt  }
0x85: {  	_ =	shalt  }
0x86: {  	_ =	shalt  }
0x87: {  	_ =	shalt  }
.Lfunc_end0:
.L_simem_size_0:
called_computation_lowered:
.L_overlay_start_0:
0x88: {  	s2 =	sld [smem:$0x3FD9]  }
0x89: {  	s3 =	sld [smem:$0x3FFE];
	_ =	sdelay $0x1  }
0x8a: {  	s1 =	srdreg.scid  }
0x8b: {  	s0 =	sand.u32 $0x1, s1  }
0x8c: {  	s17 =	sshll.u32 s0, $0xA;
	s2 =	sadd.s32 s3, s2  }
0x8d: {  	s2 =	sadd.s32 s2, s17  }
0x8e: {  	[smem:$0x3FC0] =	sst s2  }
0x8f: {  	_ = 	snop  }
0x90: {  	s2 =	sld [smem:$0x3FD0];
	(tm) =	ssettm $0x1  }
0x91: {  	s18 =	sld [smem:$0x3FFB];
	_ =	sdelay $0x3  }
0x92: {  	_ =	strace s18  }
0x93: {  	s3 =	sld [smem:$0x3FFC];
	_ =	sdelay $0x3  }
0x94: {  	_ =	strace s3  }
0x95: {  	s3 =	sld [smem:$0x3FFD];
	_ =	sdelay $0x3  }
0x96: {  	_ =	strace s3  }
0x97: {  	_ =	strace $0x8FFFFFFF  }
0x98: {  	s19 =	sld [smem:$0x3FDB];
	_ =	sdelay $0x1  }
0x99: {  	s4 =	simm.s32 $_scs_section_size  }
0x9a: {  	s5 =	simm.s32 $_size__tile_overlayer_lowered;
	s6 =	simm.s32 $_tile_overlayer_lowered  }
0x9b: {  	s22 =	simm.s32 $0x1BFF;
	s21 =	sshll.u32 s6, $0x1;
	s3 =	sadd.s32 s4, s19  }
0x9c: {  	s7 =	simm.s32 $0x0;
	s20 =	sshll.u32 s5, $0x1;
	s5 =	sadd.s32 s21, s3  }
0x9d: {  	[timem:s7], [sflag:s22] =	dma.local [hbm:s5], s20  }
0x9e: {  	_ =	swait.ge [sflag:s22], s20  }
0x9f: {  	s4 =	ssub.s32 $0x0, s20;
	[sflag:s22] =	ssyncset.done $0x0  }
0xa0: {  	[sflag:s22] =	ssyncadd.s32 s4;
	_ =	sdelay $0x1  }
0xa1: {  	s23 =	simm.s32 $0x1B8B  }
0xa2: {  	_ =	swait.ge [sflag:s23], $0x1  }
0xa3: {  	[sflag:s23] =	ssyncset.done $0x0  }
0xa4: {  	s25 =	simm.s32 $0x1B8E;
	s24 =	sld [smem:$0x3FFE];
	[sflag:s23] =	ssyncadd.s32 $0xFFFFFFFF  }
0xa5: {  	s26 =	simm.s32 $execute0_lowered;
	[smem:$0x3FD2] =	sst s25  }
0xa6: {  	s5 =	sshll.u32 s26, $0x1;
	_ =	strace $0x80000046;
	[dreg:$0x1] =	wrdreg $0xFFFFFFFF  }
0xa7: {  	s28 =	simm.s32 $_size_execute0_lowered;
	s3 =	sadd.s32 s3, s5;
	[dreg:$0x0] =	wrdreg $0x0  }
0xa8: {  	s5 =	sshll.u32 s28, $0x1;
	[dreg:$0x2] =	wrdreg s3  }
0xa9: {  	[dreg:$0x3] =	wrdreg s5  }
0xaa: {  	[dreg:$0x4] =	wrdreg $0xC0  }
0xab: {  	_ =	task [dreg:s7], $0x5FFFF  }
0xac: {  	[dreg:$0x1] =	wrdreg $0xFFFFFFFF  }
0xad: {  	[dreg:$0x0] =	wrdreg $0x60  }
0xae: {  	[dreg:$0x2] =	wrdreg s24  }
0xaf: {  	[dreg:$0x3] =	wrdreg s2  }
0xb0: {  	[dreg:$0x4] =	wrdreg $0x0  }
0xb1: {  	[dreg:$0x5] =	wrdreg $0x9  }
0xb2: {  	_ =	task.clear_ibuf [dreg:s7], $0x6FFFF;
	_ =	strace $0x90000046  }
0xb3: {  	s29 =	simm.s32 $0x9;
	_ =	strace $0x80000048  }
0xb4: {  	_ =	swait.ge [sflag:s29], $0x1  }
0xb5: {  	[sflag:s29] =	ssyncadd.s32 $0xFFFFFFFF  }
0xb6: {  	_ =	strace $0x90000048  }
0xb7: {  	_ =	sfence  }
0xb8: {  	s30 =	sld [smem:$0x0];
	_ =	sdelay $0x2  }
0xb9: {  	s31 =	sshll.u32 s1, $0xD;
	s1 =	sshrl.u32 s1, $0x2  }
0xba: {  	s3 =	sand.u32 $0x4000, s31;
	s1 =	sadd.s32 s1, s30  }
0xbb: {  	s0 =	sor.u32 s3, s0;
	s1 =	sshll.u32 s1, $0x11  }
0xbc: {  	s0 =	sor.u32 s1, s0  }
0xbd: {  	s0 =	sadd.s32 $0x8F2B, s0  }
0xbe: {  	[sflag:s0] =	ssyncadd.remote.s32 $0x1  }
0xbf: {  	_ =	sfence.sel $0xFFFF  }
0xc0: {  	[dreg:$0x0] =	wrdreg $0xFFFFFFFF;
	(pc) =	sbr.abs _section_cstart, $3  }
0xc1: {  	[dreg:$0x1] =	wrdreg $0xFFFFFFFF  }
0xc2: {  	_ =	task.clear_ibuf [dreg:s7], $0x2FFFF;
	_ =	strace $0x9FFFFFFF  }
0xc3: {  	(tm) =	ssettm $0x7FFFFFFF  }
tec
execute0_lowered:
.L_overlay_start_1:
0x0: {  	(tag) =	ssettag $0x1  }
0x1: {  	s0 =	rddreg [dreg:$0x0]  }
0x2: {  	s2 =	rddreg [dreg:$0x2]  }
0x3: {  	s3 =	simm.s32 $0x0;
	s1 =	srdreg.scid;
	s24 =	stileid.u32  }
0x4: {  	s28 =	simm.s32 $0x5;
	s29 =	simm.s32 $0x3;
	s30 =	simm.s32 $0x6  }
0x5: {  	s31 =	simm.s32 $0x4;
	[smem:$0x7FF] =	sst s3;
	s4 =	sadd.s32 $0x9E00, s0  }
0x6: {  	s1 =	sand.u32 $0x1, s1;
	s5 =	sadd.s32 $0xEE00, s0;
	s9 =	smul.u32 $0x9C0, s24  }
0x7: {  	s0 =	sadd.s32 $0xF000, s0;
	p0 =	seq.s32 s24, $0x0;
	s26 =	sshll.u32 s24, $0x4  }
0x8: {  	p2 =	sne.s32 s24, $0x0;
	_ =	strace $0x80000047;
	[dreg:$0x4] =	wrdreg s5  }
0x9: {  	s6 =	ssub.s32 $0x2, s1;
	s7 =	smul.u32 $0x271, s1;
	[dreg:$0x5] =	wrdreg s0  }
0xa: {  	s11 =	smul.u32 $0x13880, s1;
	p1 =	seq.s32 s1, $0x1;
	s25 =	sor.u32 s24, s1  }
0xb: {  	s1 =	smul.u32 $0x2710, s1;
	s0 =	simm.s32 $0x0;
	s8 =	sshrl.u32 s6, $0x1  }
0xc: {  	s20 =	sshrl.u32 s9, $0x2;
	p0 =	por !p0, !p1;
	p1 =	seq.s32 s24, $0xF  }
0xd: {  	p3 =	sne.s32 s25, $0x0;
	s25 =	simm.s32 $0x2;
	s18 =	ssub.s32 s6, s8  }
0xe: {  	s19 =	sadd.s32 s24, s7;
	s22 =	sadd.s32 s20, s2;
	s7 =	sadd.s32 $0x2490, s2  }
0xf: {  	s13 =	sshrl.u32 s11, $0x3;
	p0 =	por !p0, !p0;
	s23 =	sadd.s32 s1, s4  }
0x10: {  	s20 =	simm.s32 $0x278;
	s24 =	simm.s32 $0x378;
	s21 =	sshll.u32 s19, $0x4  }
0x11: {  	[dreg:$0x6] =	wrdreg s22;
	s13 =	sadd.s32 s4, s13;
	s14 =	smax.u32 s18, $0x1  }
0x12: {  	s17 =	sadd.s32 s26, s23;
	s18 =	simm.s32 $0x478;
	s19 =	simm.s32 $0x7  }
0x13: {  	s22 =	simm.s32 $0x1;
	s23 =	simm.s32 $0x80;
	s26 =	simm.s32 $0x3F8  }
0x14: {  	s8 =	sadd.s32 s4, s21;
	s13 =	sadd.s32 $0x2700, s13;
	s21 =	simm.s32 $0x2F8  }
0x15: {  	s9 =	sadd.s32 $0x100, s8;
	s10 =	sadd.s32 $0x200, s8;
	s11 =	sadd.s32 $0x300, s8  }
0x16: {  	s12 =	sadd.s32 $0x2600, s8;
	s15 =	sadd.s32 $0x400, s8;
	s16 =	sadd.s32 $0x500, s8  }
.LBB2_1:
0x17: {  	s1 =	rddreg [dreg:$0x4]  }
0x18: {  	[tilespmem:s18], [sflag:$0x7] =	stream.linear.gather [hbm4b:s1+s3], $0x280, $0x38;
	[tilespmem:$0x2E78] =	vst v63  }
0x19: {  	_ =	swait.ge [sflag:s19], $0x280  }
0x1a: {  	[sflag:s19] =	ssyncset.done $0x0  }
0x1b: {  	s1 =	simm.s32 @p1 $0x478;
	[sflag:s19] =	ssyncadd.s32 $0xFFFFFD80  }
0x1c: {  	[spmem:s7] =	stream.linear.scatter @p1 [tilespmem:s1], [sflag:$0x7], $0x280, $0x38;
	[tilespmem:$0x2E78] =	vst v63  }
0x1d: {  	s1 =	simm.s32 @p1 $0x7  }
0x1e: {  	_ =	swait.ge @p1 [sflag:s1], $0x280  }
0x1f: {  	[sflag:s1] =	ssyncset.done @p1 $0x0  }
0x20: {  	s4 =	rddreg [dreg:$0x6];
	[sflag:s1] =	ssyncadd.s32 @p1 $0xFFFFFD80;
	s1 =	simm.s32 @!p1 $0x478  }
0x21: {  	[spmem:s4] =	stream.linear.scatter @!p1 [tilespmem:s1], [sflag:$0x7], $0x270, $0x38;
	[tilespmem:$0x2E78] =	vst v63  }
0x22: {  	s1 =	simm.s32 @!p1 $0x7  }
0x23: {  	_ =	swait.ge @!p1 [sflag:s1], $0x270  }
0x24: {  	[sflag:s1] =	ssyncset.done @!p1 $0x0  }
0x25: {  	[sflag:s1] =	ssyncadd.s32 @!p1 $0xFFFFFD90  }
0x26: {  	[bflag:$0x0] =	sbarrier.arrive $0xFFFF  }
0x27: {  	[tilespmem:s20], [sflag:$0x1] =	stream.linear.gather [hbm4b:s8+s3], $0x80, $0x38;
	[tilespmem:$0x2E78] =	vst v63  }
0x28: {  	_ = 	snop  }
0x29: {  	[tilespmem:s21], [sflag:$0x2] =	stream.linear.gather [hbm4b:s9+s3], $0x80, $0x38;
	[tilespmem:$0x2E78] =	vst v63  }
0x2a: {  	_ =	swait.ge [sflag:s22], $0x80  }
0x2b: {  	[sflag:s22] =	ssyncset.done $0x0  }
0x2c: {  	[sflag:s22] =	ssyncadd.s32 $0xFFFFFF80  }
0x2d: {  	[spmem:s2] =	stream.indirect.scatter.add.f32 [tilespmem:s18], [sflag:$0x5], $0x1, s20, s23, $0xb8;
	[tilespmem:$0x2E78] =	vst v63  }
0x2e: {  	_ = 	snop  }
0x2f: {  	[tilespmem:s24], [sflag:$0x3] =	stream.linear.gather [hbm4b:s10+s3], $0x80, $0x38;
	[tilespmem:$0x2E78] =	vst v63  }
0x30: {  	_ =	swait.ge [sflag:s25], $0x80  }
0x31: {  	[sflag:s25] =	ssyncset.done $0x0  }
0x32: {  	[sflag:s25] =	ssyncadd.s32 $0xFFFFFF80  }
0x33: {  	[spmem:s2] =	stream.indirect.scatter.add.f32 [tilespmem:s18], [sflag:$0x6], $0x1, s21, s23, $0xb8;
	[tilespmem:$0x2E78] =	vst v63  }
0x34: {  	_ = 	snop  }
0x35: {  	[tilespmem:s26], [sflag:$0x4] =	stream.linear.gather [hbm4b:s11+s3], $0x80, $0x38;
	[tilespmem:$0x2E78] =	vst v63  }
0x36: {  	_ =	swait.ge [sflag:s28], $0x80  }
0x37: {  	[sflag:s28] =	ssyncset.done $0x0  }
0x38: {  	[sflag:s28] =	ssyncadd.s32 $0xFFFFFF80  }
0x39: {  	_ =	swait.ge [sflag:s29], $0x80  }
0x3a: {  	[sflag:s29] =	ssyncset.done $0x0  }
0x3b: {  	[sflag:s29] =	ssyncadd.s32 $0xFFFFFF80  }
0x3c: {  	[spmem:s2] =	stream.indirect.scatter.add.f32 [tilespmem:s18], [sflag:$0x5], $0x1, s24, s23, $0xb8;
	[tilespmem:$0x2E78] =	vst v63  }
0x3d: {  	_ = 	snop  }
0x3e: {  	[tilespmem:s20], [sflag:$0x1] =	stream.linear.gather [hbm4b:s15+s3], $0x80, $0x38;
	[tilespmem:$0x2E78] =	vst v63  }
0x3f: {  	_ =	swait.ge [sflag:s30], $0x80  }
0x40: {  	[sflag:s30] =	ssyncset.done $0x0  }
0x41: {  	[sflag:s30] =	ssyncadd.s32 $0xFFFFFF80  }
0x42: {  	_ =	swait.ge [sflag:s31], $0x80  }
0x43: {  	[sflag:s31] =	ssyncset.done $0x0  }
0x44: {  	[sflag:s31] =	ssyncadd.s32 $0xFFFFFF80  }
0x45: {  	[spmem:s2] =	stream.indirect.scatter.add.f32 [tilespmem:s18], [sflag:$0x6], $0x1, s26, s23, $0xb8;
	[tilespmem:$0x2E78] =	vst v63  }
0x46: {  	_ = 	snop  }
0x47: {  	[tilespmem:s21], [sflag:$0x2] =	stream.linear.gather [hbm4b:s16+s3], $0x80, $0x38;
	[tilespmem:$0x2E78] =	vst v63  }
0x48: {  	_ =	swait.ge [sflag:s28], $0x80  }
0x49: {  	[sflag:s28] =	ssyncset.done $0x0  }
0x4a: {  	[sflag:s28] =	ssyncadd.s32 $0xFFFFFF80  }
0x4b: {  	_ =	swait.ge [sflag:s22], $0x80  }
0x4c: {  	[sflag:s22] =	ssyncset.done $0x0  }
0x4d: {  	s4 =	sadd.s32 $0x0, s17;
	[sflag:s22] =	ssyncadd.s32 $0xFFFFFF80  }
0x4e: {  	[spmem:s2] =	stream.indirect.scatter.add.f32 [tilespmem:s18], [sflag:$0x5], $0x1, s20, s23, $0xb8;
	[tilespmem:$0x2E78] =	vst v63  }
0x4f: {  	s6 =	sadd.s32 $0x600, s4  }
0x50: {  	[tilespmem:s24], [sflag:$0x3] =	stream.linear.gather [hbm4b:s6+s3], $0x80, $0x38;
	[tilespmem:$0x2E78] =	vst v63  }
0x51: {  	_ =	swait.ge [sflag:s30], $0x80  }
0x52: {  	[sflag:s30] =	ssyncset.done $0x0  }
0x53: {  	[sflag:s30] =	ssyncadd.s32 $0xFFFFFF80  }
0x54: {  	_ =	swait.ge [sflag:s25], $0x80  }
0x55: {  	[sflag:s25] =	ssyncset.done $0x0  }
0x56: {  	[sflag:s25] =	ssyncadd.s32 $0xFFFFFF80  }
0x57: {  	[spmem:s2] =	stream.indirect.scatter.add.f32 [tilespmem:s18], [sflag:$0x6], $0x1, s21, s23, $0xb8;
	[tilespmem:$0x2E78] =	vst v63  }
0x58: {  	s5 =	sadd.s32 $0x700, s4  }
0x59: {  	[tilespmem:s26], [sflag:$0x4] =	stream.linear.gather [hbm4b:s5+s3], $0x80, $0x38;
	[tilespmem:$0x2E78] =	vst v63  }
0x5a: {  	_ =	swait.ge [sflag:s28], $0x80  }
0x5b: {  	[sflag:s28] =	ssyncset.done $0x0  }
0x5c: {  	[sflag:s28] =	ssyncadd.s32 $0xFFFFFF80  }
0x5d: {  	_ =	swait.ge [sflag:s29], $0x80  }
0x5e: {  	[sflag:s29] =	ssyncset.done $0x0  }
0x5f: {  	[sflag:s29] =	ssyncadd.s32 $0xFFFFFF80  }
0x60: {  	[spmem:s2] =	stream.indirect.scatter.add.f32 [tilespmem:s18], [sflag:$0x5], $0x1, s24, s23, $0xb8;
	[tilespmem:$0x2E78] =	vst v63  }
0x61: {  	s6 =	sadd.s32 $0x800, s4  }
0x62: {  	[tilespmem:s20], [sflag:$0x1] =	stream.linear.gather [hbm4b:s6+s3], $0x80, $0x38;
	[tilespmem:$0x2E78] =	vst v63  }
0x63: {  	_ =	swait.ge [sflag:s30], $0x80  }
0x64: {  	[sflag:s30] =	ssyncset.done $0x0  }
0x65: {  	[sflag:s30] =	ssyncadd.s32 $0xFFFFFF80  }
0x66: {  	_ =	swait.ge [sflag:s31], $0x80  }
0x67: {  	[sflag:s31] =	ssyncset.done $0x0  }
0x68: {  	s1 =	simm.s32 $0x400;
	s4 =	sadd.s32 $0x900, s4;
	[sflag:s31] =	ssyncadd.s32 $0xFFFFFF80  }
0x69: {  	[spmem:s2] =	stream.indirect.scatter.add.f32 [tilespmem:s18], [sflag:$0x6], $0x1, s26, s23, $0xb8;
	[tilespmem:$0x2E78] =	vst v63  }
.LBB2_2:
0x6a: {  	[tilespmem:s21], [sflag:$0x2] =	stream.linear.gather [hbm4b:s4+s3], $0x80, $0x38;
	[tilespmem:$0x2E78] =	vst v63  }
0x6b: {  	s4 =	smov.u32 s1  }
0x6c: {  	p4 =	sne.s32 s1, $0x1C00;
	s1 =	sadd.s32 $0x400, s1;
	_ =	swait.ge [sflag:s28], $0x80  }
0x6d: {  	[sflag:s28] =	ssyncset.done $0x0  }
0x6e: {  	[sflag:s28] =	ssyncadd.s32 $0xFFFFFF80  }
0x6f: {  	_ =	swait.ge [sflag:s22], $0x80  }
0x70: {  	[sflag:s22] =	ssyncset.done $0x0  }
0x71: {  	s4 =	sadd.s32 s4, s17;
	[sflag:s22] =	ssyncadd.s32 $0xFFFFFF80  }
0x72: {  	[spmem:s2] =	stream.indirect.scatter.add.f32 [tilespmem:s18], [sflag:$0x5], $0x1, s20, s23, $0xb8;
	[tilespmem:$0x2E78] =	vst v63  }
0x73: {  	s5 =	sadd.s32 $0x600, s4  }
0x74: {  	[tilespmem:s24], [sflag:$0x3] =	stream.linear.gather [hbm4b:s5+s3], $0x80, $0x38;
	[tilespmem:$0x2E78] =	vst v63  }
0x75: {  	_ =	swait.ge [sflag:s30], $0x80  }
0x76: {  	[sflag:s30] =	ssyncset.done $0x0  }
0x77: {  	[sflag:s30] =	ssyncadd.s32 $0xFFFFFF80  }
0x78: {  	_ =	swait.ge [sflag:s25], $0x80  }
0x79: {  	[sflag:s25] =	ssyncset.done $0x0  }
0x7a: {  	[sflag:s25] =	ssyncadd.s32 $0xFFFFFF80  }
0x7b: {  	[spmem:s2] =	stream.indirect.scatter.add.f32 [tilespmem:s18], [sflag:$0x6], $0x1, s21, s23, $0xb8;
	[tilespmem:$0x2E78] =	vst v63  }
0x7c: {  	s5 =	sadd.s32 $0x700, s4  }
0x7d: {  	[tilespmem:s26], [sflag:$0x4] =	stream.linear.gather [hbm4b:s5+s3], $0x80, $0x38;
	[tilespmem:$0x2E78] =	vst v63  }
0x7e: {  	_ =	swait.ge [sflag:s28], $0x80  }
0x7f: {  	[sflag:s28] =	ssyncset.done $0x0  }
0x80: {  	[sflag:s28] =	ssyncadd.s32 $0xFFFFFF80  }
0x81: {  	_ =	swait.ge [sflag:s29], $0x80  }
0x82: {  	[sflag:s29] =	ssyncset.done $0x0  }
0x83: {  	[sflag:s29] =	ssyncadd.s32 $0xFFFFFF80  }
0x84: {  	[spmem:s2] =	stream.indirect.scatter.add.f32 [tilespmem:s18], [sflag:$0x5], $0x1, s24, s23, $0xb8;
	[tilespmem:$0x2E78] =	vst v63  }
0x85: {  	s5 =	sadd.s32 $0x800, s4  }
0x86: {  	[tilespmem:s20], [sflag:$0x1] =	stream.linear.gather [hbm4b:s5+s3], $0x80, $0x38;
	[tilespmem:$0x2E78] =	vst v63  }
0x87: {  	_ =	swait.ge [sflag:s30], $0x80  }
0x88: {  	[sflag:s30] =	ssyncset.done $0x0  }
0x89: {  	[sflag:s30] =	ssyncadd.s32 $0xFFFFFF80  }
.Ltmp0:
0x8a: {  	_ =	swait.ge [sflag:s31], $0x80;
	(pc) =	sbr.rel @p4 .LBB2_2-.Ltmp0, $4  }
0x8b: {  	[sflag:s31] =	ssyncset.done $0x0  }
0x8c: {  	[sflag:s31] =	ssyncadd.s32 $0xFFFFFF80  }
0x8d: {  	[spmem:s2] =	stream.indirect.scatter.add.f32 [tilespmem:s18], [sflag:$0x6], $0x1, s26, s23, $0xb8;
	[tilespmem:$0x2E78] =	vst v63  }
0x8e: {  	s4 =	sadd.s32 $0x900, s4  }
0x8f: {  	[tilespmem:s21], [sflag:$0x2] =	stream.linear.gather [hbm4b:s4+s3], $0x80, $0x38;
	[tilespmem:$0x2E78] =	vst v63  }
0x90: {  	_ =	swait.ge [sflag:s28], $0x80  }
0x91: {  	[sflag:s28] =	ssyncset.done $0x0  }
0x92: {  	[sflag:s28] =	ssyncadd.s32 $0xFFFFFF80  }
0x93: {  	_ =	swait.ge [sflag:s22], $0x80  }
0x94: {  	[sflag:s22] =	ssyncset.done $0x0  }
0x95: {  	[sflag:s22] =	ssyncadd.s32 $0xFFFFFF80  }
0x96: {  	[spmem:s2] =	stream.indirect.scatter.add.f32 [tilespmem:s18], [sflag:$0x5], $0x1, s20, s23, $0xb8;
	[tilespmem:$0x2E78] =	vst v63  }
0x97: {  	_ = 	snop  }
0x98: {  	[tilespmem:s24], [sflag:$0x3] =	stream.linear.gather [hbm4b:s12+s3], $0x80, $0x38;
	[tilespmem:$0x2E78] =	vst v63  }
0x99: {  	_ =	swait.ge [sflag:s30], $0x80  }
0x9a: {  	[sflag:s30] =	ssyncset.done $0x0  }
0x9b: {  	[sflag:s30] =	ssyncadd.s32 $0xFFFFFF80  }
0x9c: {  	_ =	swait.ge [sflag:s25], $0x80  }
0x9d: {  	[sflag:s25] =	ssyncset.done $0x0  }
0x9e: {  	[sflag:s25] =	ssyncadd.s32 $0xFFFFFF80  }
0x9f: {  	[spmem:s2] =	stream.indirect.scatter.add.f32 [tilespmem:s18], [sflag:$0x6], $0x1, s21, s23, $0xb8;
	[tilespmem:$0x2E78] =	vst v63  }
0xa0: {  	_ =	swait.ge [sflag:s28], $0x80  }
0xa1: {  	[sflag:s28] =	ssyncset.done $0x0  }
0xa2: {  	[sflag:s28] =	ssyncadd.s32 $0xFFFFFF80  }
0xa3: {  	_ =	swait.ge [sflag:s29], $0x80  }
0xa4: {  	[sflag:s29] =	ssyncset.done $0x0  }
0xa5: {  	[sflag:s29] =	ssyncadd.s32 $0xFFFFFF80  }
0xa6: {  	[spmem:s2] =	stream.indirect.scatter.add.f32 [tilespmem:s18], [sflag:$0x5], $0x1, s24, s23, $0xb8;
	[tilespmem:$0x2E78] =	vst v63  }
0xa7: {  	_ =	swait.ge [sflag:s30], $0x80  }
0xa8: {  	[sflag:s30] =	ssyncset.done $0x0  }
0xa9: {  	[sflag:s30] =	ssyncadd.s32 $0xFFFFFF80  }
0xaa: {  	_ =	swait.ge [sflag:s28], $0x80  }
0xab: {  	[sflag:s28] =	ssyncset.done $0x0  }
0xac: {  	s1 =	simm.s32 @!p2 $0x0;
	s4 =	simm.s32 @!p2 $0x3F8;
	[sflag:s28] =	ssyncadd.s32 $0xFFFFFF80  }
0xad: {  	[tilespmem:s4], [sflag:$0x7] =	stream.linear.gather @!p2 [hbm4b:s13+s1], $0x80, $0x38;
	[tilespmem:$0x2E78] =	vst v63  }
0xae: {  	s1 =	simm.s32 @!p2 $0x7  }
0xaf: {  	_ =	swait.ge @!p2 [sflag:s1], $0x80  }
0xb0: {  	[sflag:s1] =	ssyncset.done @!p2 $0x0  }
0xb1: {  	s5 =	simm.s32 @!p2 $0x80;
	s6 =	simm.s32 @!p2 $0x478;
	[sflag:s1] =	ssyncadd.s32 @!p2 $0xFFFFFF80  }
0xb2: {  	[spmem:s2] =	stream.indirect.scatter.add.f32 @!p2 [tilespmem:s6], [sflag:$0x7], $0x1, s4, s5, $0xb8;
	[tilespmem:$0x2E78] =	vst v63  }
0xb3: {  	_ =	swait.ge @!p2 [sflag:s1], $0x80  }
0xb4: {  	[sflag:s1] =	ssyncset.done @!p2 $0x0  }
0xb5: {  	[sflag:s1] =	ssyncadd.s32 @!p2 $0xFFFFFF80  }
0xb6: {  	s4 =	simm.s32 @!p3 $0x7;
	s1 =	simm.s32 @!p3 $0x6F8;
	[bflag:$0x0] =	sbarrier.arrive $0xFFFF  }
0xb7: {  	[tilespmem:s1], [sflag:$0x7] =	stream.linear.gather @!p3 [spmem:s2], $0x2780, $0x38;
	[tilespmem:$0x2E78] =	vst v63  }
0xb8: {  	_ =	swait.ge @!p3 [sflag:s4], $0x2780  }
0xb9: {  	[sflag:s4] =	ssyncset.done @!p3 $0x0  }
0xba: {  	[sflag:s4] =	ssyncadd.s32 @!p3 $0xFFFFD880  }
0xbb: {  	s5 =	simm.s32 @!p3 $0x0;
	s6 =	rddreg [dreg:$0x1]  }
0xbc: {  	[hbm4b:s6+s5] =	stream.linear.scatter @!p3 [tilespmem:s1], [sflag:$0x7], $0x2780, $0x38;
	[tilespmem:$0x2E78] =	vst v63  }
0xbd: {  	_ =	swait.ge @!p3 [sflag:s4], $0x2780  }
0xbe: {  	[sflag:s4] =	ssyncset.done @!p3 $0x0  }
0xbf: {  	s1 =	simm.s32 @p0 $0x6F8;
	[sflag:s4] =	ssyncadd.s32 @!p3 $0xFFFFD880;
	s4 =	simm.s32 @p0 $0x7  }
0xc0: {  	[tilespmem:s1], [sflag:$0x7] =	stream.linear.gather @p0 [spmem:s2], $0x2780, $0x38;
	[tilespmem:$0x2E78] =	vst v63  }
0xc1: {  	s0 =	sadd.s32 $0x1, s0;
	_ =	swait.ge @p0 [sflag:s4], $0x2780  }
0xc2: {  	p4 =	sne.s32 s0, s14;
	s5 =	simm.s32 @p0 $0x0;
	[sflag:s4] =	ssyncset.done @p0 $0x0  }
.Ltmp1:
0xc3: {  	s6 =	rddreg [dreg:$0x5];
	[sflag:s4] =	ssyncadd.s32 @p0 $0xFFFFD880;
	(pc) =	sbr.rel @p4 .LBB2_1-.Ltmp1, $4  }
0xc4: {  	[hbm4b:s6+s5] =	stream.linear.scatter @p0 [tilespmem:s1], [sflag:$0x7], $0x2780, $0x38;
	[tilespmem:$0x2E78] =	vst v63  }
0xc5: {  	_ =	swait.ge @p0 [sflag:s4], $0x2780  }
0xc6: {  	[sflag:s4] =	ssyncset.done @p0 $0x0  }
0xc7: {  	[sflag:s4] =	ssyncadd.s32 @p0 $0xFFFFD880  }
0xc8: {  	_ =	sfence.sel $0x180000  }
0xc9: {  	[bflag:$0x0] =	sbarrier.arrive $0xFFFF  }
0xca: {  	_ =	strace $0x90000047  }
0xcb: {  	[bflag:$0x2] =	sbarrier.arrive $0xFFFF  }
0xcc: {  	s0 =	rddreg [dreg:$0x3]  }
0xcd: {  	s0 =	sadd.s32 @!p2 $0x100000, s0  }
0xce: {  	[sflag:s0] =	ssyncadd.tile.s32 @!p2 $0x1;
	_ =	shalt  }
.Lfunc_end2:
_tile_overlayer_lowered:
.L_overlay_start_2:
0xcf: {  	(tag) =	ssettag $0x2  }
0xd0: {  	s0 =	rddreg [dreg:$0x0];
	s2 =	stileid.u32  }
0xd1: {  	s1 =	rddreg [dreg:$0x1];
	p0 =	sne.s32 s2, $0x0  }
0xd2: {  	s3 =	rddreg [dreg:$0x2];
	[bflag:$0x3] =	sbarrier.arrive $0xFFFF;
	s2 =	simm.s32 @!p0 $0x1C07  }
0xd3: {  	[timem:s3], [sflag:s2] =	dma.local @!p0 [hbm:s0], s1  }
0xd4: {  	s0 =	simm.s32 @!p0 $0x7  }
0xd5: {  	_ =	swait.ge @!p0 [sflag:s0], s1  }
0xd6: {  	s1 =	ssub.s32 @!p0 $0x0, s1;
	[sflag:s0] =	ssyncset.done @!p0 $0x0  }
0xd7: {  	[sflag:s0] =	ssyncadd.s32 @!p0 s1  }
0xd8: {  	[bflag:$0x3] =	sbarrier.arrive $0xFFFF  }
0xd9: {  	_ =	shalt  }

// kernel: kernel.13.cloned.1.call-start
scs
__scs_entry_jumppad:
0x0: {  	(pc) =	sbr.rel $0x88, $3  }
0x1: {  	(tag) =	ssettag $0x0;
	lr =	simm.s32 $0x1  }
0x2: {  	[smem:$0x3F99] =	sst lr;
	_ =	strace $0xD0000000  }
0x3: {  	_ = 	snop  }
0x4: {  	_ = 	snop  }
0x5: {  	_ = 	snop  }
0x6: {  	_ = 	snop  }
0x7: {  	_ = 	snop  }
__scs_overlays_trampoline_lowered:
0x8: {  	[smem:$0x3FA8] =	sst s0  }
0x9: {  	[smem:$0x3FA9] =	sst s1  }
0xa: {  	[smem:$0x3FAA] =	sst s2  }
0xb: {  	[smem:$0x3FAB] =	sst s3  }
0xc: {  	[smem:$0x3FAC] =	sst s4  }
0xd: {  	[smem:$0x3FAD] =	sst s5  }
0xe: {  	[smem:$0x3FAE] =	sst s6  }
0xf: {  	[smem:$0x3FAF] =	sst s7  }
0x10: {  	[smem:$0x3FB0] =	sst s8  }
0x11: {  	[smem:$0x3FB1] =	sst s9;
	s0 =	simm.s32 @!p0 $0x0  }
0x12: {  	s1 =	sld [smem:$0x3F97];
	s0 =	simm.s32 @p0 $0x1  }
0x13: {  	[smem:$0x3FB2] =	sst s0;
	s0 =	simm.s32 @!p1 $0x0  }
0x14: {  	s2 =	sld [smem:$0x3F96];
	s0 =	simm.s32 @p1 $0x1  }
0x15: {  	[smem:$0x3FB3] =	sst s0;
	s0 =	simm.s32 @!p2 $0x0  }
0x16: {  	s3 =	sld [smem:$0x3FDB];
	s0 =	simm.s32 @p2 $0x1  }
0x17: {  	s4 =	simm.s32 $0x1BF5;
	[smem:$0x3FB5] =	sst s0  }
0x18: {  	s0 =	sld [smem:$0x3F98];
	_ =	swait.ge [sflag:s4], $0x0  }
0x19: {  	s7 =	sld [smem:$0x3F99]  }
0x1a: {  	s8 =	sadd.s32 $0xFFFFE003, lr  }
0x1b: {  	s9 =	sadd.s32 $0xFFFFFEF7, lr;
	s5 =	simm.s32 $0xFFFFFFFF;
	p2 =	slt.u32 s8, $0xFFFFF086  }
0x1c: {  	p1 =	slt.u32 s9, $0xF7A;
	s5 =	simm.s32 @!p2 $0x0  }
0x1d: {  	s5 =	simm.s32 @p1 $0x1;
	p0 =	seq.s32 s7, s2  }
0x1e: {  	s7 =	smul.u32 @!p0 $0xF7A, s2;
	p2 =	seq.s32 @!p0 s5, $0x0  }
0x1f: {  	s9 =	smul.u32 $0xF7A, s1;
	s8 =	simm.s32 @!p0 $0x1BF5;
	p2 =	por !p2, p0  }
0x20: {  	[sflag:s8] =	ssyncset.s32 @!p0 $0xFFFFF086;
	s6 =	sadd.s32 @!p0 s3, s7;
	s7 =	simm.s32 @!p0 $0x108  }
0x21: {  	s3 =	sadd.s32 s3, s9;
	s6 =	sadd.s32 @!p0 $0x88, s6;
	s7 =	simm.s32 @p2 $0x1082  }
0x22: {  	[simem:s7], [sflag:s8] =	dma.local @!p0 [hbm:s6], $0xF7A  }
0x23: {  	s9 =	sor.u32 $0xD0000000, s2;
	s6 =	simm.s32 $0x108;
	_ =	swait.ge @!p0 [sflag:s8], $0x0  }
0x24: {  	s3 =	sadd.s32 $0x88, s3;
	s6 =	simm.s32 @!p1 $0x1082;
	[sflag:s4] =	ssyncset.s32 $0xFFFFF086  }
0x25: {  	[simem:s6], [sflag:s4] =	dma.local [hbm:s3], $0xF7A  }
0x26: {  	[smem:$0x3F99] =	sst s1;
	(tag) =	ssettag s2;
	_ =	strace s9  }
0x27: {  	s1 =	sld [smem:$0x3FA9]  }
0x28: {  	s2 =	sld [smem:$0x3FAA]  }
0x29: {  	s4 =	sld [smem:$0x3FAC]  }
0x2a: {  	p0 =	seq.s32 s5, $0x0;
	s5 =	sld [smem:$0x3FAD]  }
0x2b: {  	s6 =	sld [smem:$0x3FAE]  }
0x2c: {  	s7 =	sld [smem:$0x3FAF]  }
0x2d: {  	s3 =	simm.s32 $0x108;
	s8 =	sld [smem:$0x3FB0]  }
0x2e: {  	s3 =	simm.s32 @!p0 $0x1082;
	s9 =	sld [smem:$0x3FB1]  }
0x2f: {  	lr =	sadd.s32 s0, s3;
	s0 =	sld [smem:$0x3FA8]  }
0x30: {  	s3 =	sld [smem:$0x3FAB]  }
0x31: {  	[smem:$0x3FB4] =	sst s10  }
0x32: {  	s10 =	sld [smem:$0x3FB2];
	_ =	sdelay $0x3  }
0x33: {  	p0 =	seq.s32 s10, $0x1;
	s10 =	sld [smem:$0x3FB4];
	_ =	sdelay $0x3  }
0x34: {  	[smem:$0x3FB4] =	sst s10  }
0x35: {  	s10 =	sld [smem:$0x3FB3];
	_ =	sdelay $0x3  }
0x36: {  	p1 =	seq.s32 s10, $0x1;
	s10 =	sld [smem:$0x3FB4];
	_ =	sdelay $0x3  }
0x37: {  	[smem:$0x3FB4] =	sst s10  }
0x38: {  	s10 =	sld [smem:$0x3FB5]  }
0x39: {  	_ = 	snop;
	(pc) =	sbr.ind lr, $3  }
0x3a: {  	_ = 	snop  }
0x3b: {  	_ = 	snop  }
0x3c: {  	p2 =	seq.s32 s10, $0x1;
	s10 =	sld [smem:$0x3FB4]  }
0x3d: {  	_ =	shalt  }
0x3e: {  	_ =	shalt  }
0x3f: {  	_ =	shalt  }
0x40: {  	_ =	shalt  }
0x41: {  	_ =	shalt  }
0x42: {  	_ =	shalt  }
0x43: {  	_ =	shalt  }
0x44: {  	_ =	shalt  }
0x45: {  	_ =	shalt  }
0x46: {  	_ =	shalt  }
0x47: {  	_ =	shalt  }
0x48: {  	_ =	shalt  }
0x49: {  	_ =	shalt  }
0x4a: {  	_ =	shalt  }
0x4b: {  	_ =	shalt  }
0x4c: {  	_ =	shalt  }
0x4d: {  	_ =	shalt  }
0x4e: {  	_ =	shalt  }
0x4f: {  	_ =	shalt  }
0x50: {  	_ =	shalt  }
0x51: {  	_ =	shalt  }
0x52: {  	_ =	shalt  }
0x53: {  	_ =	shalt  }
0x54: {  	_ =	shalt  }
0x55: {  	_ =	shalt  }
0x56: {  	_ =	shalt  }
0x57: {  	_ =	shalt  }
0x58: {  	_ =	shalt  }
0x59: {  	_ =	shalt  }
0x5a: {  	_ =	shalt  }
0x5b: {  	_ =	shalt  }
0x5c: {  	_ =	shalt  }
0x5d: {  	_ =	shalt  }
0x5e: {  	_ =	shalt  }
0x5f: {  	_ =	shalt  }
0x60: {  	_ =	shalt  }
0x61: {  	_ =	shalt  }
0x62: {  	_ =	shalt  }
0x63: {  	_ =	shalt  }
0x64: {  	_ =	shalt  }
0x65: {  	_ =	shalt  }
0x66: {  	_ =	shalt  }
0x67: {  	_ =	shalt  }
0x68: {  	_ =	shalt  }
0x69: {  	_ =	shalt  }
0x6a: {  	_ =	shalt  }
0x6b: {  	_ =	shalt  }
0x6c: {  	_ =	shalt  }
0x6d: {  	_ =	shalt  }
0x6e: {  	_ =	shalt  }
0x6f: {  	_ =	shalt  }
0x70: {  	_ =	shalt  }
0x71: {  	_ =	shalt  }
0x72: {  	_ =	shalt  }
0x73: {  	_ =	shalt  }
0x74: {  	_ =	shalt  }
0x75: {  	_ =	shalt  }
0x76: {  	_ =	shalt  }
0x77: {  	_ =	shalt  }
0x78: {  	_ =	shalt  }
0x79: {  	_ =	shalt  }
0x7a: {  	_ =	shalt  }
0x7b: {  	_ =	shalt  }
0x7c: {  	_ =	shalt  }
0x7d: {  	_ =	shalt  }
0x7e: {  	_ =	shalt  }
0x7f: {  	_ =	shalt  }
0x80: {  	_ =	shalt  }
0x81: {  	_ =	shalt  }
0x82: {  	_ =	shalt  }
0x83: {  	_ =	shalt  }
0x84: {  	_ =	shalt  }
0x85: {  	_ =	shalt  }
0x86: {  	_ =	shalt  }
0x87: {  	_ =	shalt  }
.Lfunc_end0:
.L_simem_size_0:
called_computation.1_lowered:
.L_overlay_start_0:
0x88: {  	s2 =	sld [smem:$0x3FD9]  }
0x89: {  	s3 =	sld [smem:$0x3FFE];
	_ =	sdelay $0x1  }
0x8a: {  	s1 =	srdreg.scid  }
0x8b: {  	s0 =	sand.u32 $0x1, s1  }
0x8c: {  	s17 =	sshll.u32 s0, $0xA;
	s2 =	sadd.s32 s3, s2  }
0x8d: {  	s2 =	sadd.s32 s2, s17  }
0x8e: {  	[smem:$0x3FC0] =	sst s2  }
0x8f: {  	_ = 	snop  }
0x90: {  	s2 =	sld [smem:$0x3FD0];
	(tm) =	ssettm $0x1  }
0x91: {  	s18 =	sld [smem:$0x3FFB];
	_ =	sdelay $0x3  }
0x92: {  	_ =	strace s18  }
0x93: {  	s3 =	sld [smem:$0x3FFC];
	_ =	sdelay $0x3  }
0x94: {  	_ =	strace s3  }
0x95: {  	s3 =	sld [smem:$0x3FFD];
	_ =	sdelay $0x3  }
0x96: {  	_ =	strace s3  }
0x97: {  	_ =	strace $0x8FFFFFFF  }
0x98: {  	s19 =	sld [smem:$0x3FDB];
	_ =	sdelay $0x1  }
0x99: {  	s4 =	simm.s32 $_scs_section_size  }
0x9a: {  	s5 =	simm.s32 $_size__tile_overlayer_lowered;
	s6 =	simm.s32 $_tile_overlayer_lowered  }
0x9b: {  	s22 =	simm.s32 $0x1BFF;
	s21 =	sshll.u32 s6, $0x1;
	s3 =	sadd.s32 s4, s19  }
0x9c: {  	s7 =	simm.s32 $0x0;
	s20 =	sshll.u32 s5, $0x1;
	s5 =	sadd.s32 s21, s3  }
0x9d: {  	[timem:s7], [sflag:s22] =	dma.local [hbm:s5], s20  }
0x9e: {  	_ =	swait.ge [sflag:s22], s20  }
0x9f: {  	s4 =	ssub.s32 $0x0, s20;
	[sflag:s22] =	ssyncset.done $0x0  }
0xa0: {  	[sflag:s22] =	ssyncadd.s32 s4;
	_ =	sdelay $0x1  }
0xa1: {  	s23 =	simm.s32 $0x1B8B  }
0xa2: {  	_ =	swait.ge [sflag:s23], $0x1  }
0xa3: {  	[sflag:s23] =	ssyncset.done $0x0  }
0xa4: {  	s25 =	simm.s32 $0x1B8E;
	s24 =	sld [smem:$0x3FFE];
	[sflag:s23] =	ssyncadd.s32 $0xFFFFFFFF  }
0xa5: {  	s26 =	simm.s32 $execute0_lowered;
	[smem:$0x3FD2] =	sst s25  }
0xa6: {  	s5 =	sshll.u32 s26, $0x1;
	_ =	strace $0x80000049;
	[dreg:$0x1] =	wrdreg $0xFFFFFFFF  }
0xa7: {  	s28 =	simm.s32 $_size_execute0_lowered;
	s3 =	sadd.s32 s3, s5;
	[dreg:$0x0] =	wrdreg $0x0  }
0xa8: {  	s5 =	sshll.u32 s28, $0x1;
	[dreg:$0x2] =	wrdreg s3  }
0xa9: {  	[dreg:$0x3] =	wrdreg s5  }
0xaa: {  	[dreg:$0x4] =	wrdreg $0xC0  }
0xab: {  	_ =	task [dreg:s7], $0x5FFFF  }
0xac: {  	[dreg:$0x1] =	wrdreg $0xFFFFFFFF  }
0xad: {  	[dreg:$0x0] =	wrdreg $0x60  }
0xae: {  	[dreg:$0x2] =	wrdreg s2  }
0xaf: {  	[dreg:$0x3] =	wrdreg s24  }
0xb0: {  	[dreg:$0x4] =	wrdreg $0x0  }
0xb1: {  	[dreg:$0x5] =	wrdreg $0x9  }
0xb2: {  	_ =	task.clear_ibuf [dreg:s7], $0x6FFFF;
	_ =	strace $0x90000049  }
0xb3: {  	s29 =	simm.s32 $0x9;
	_ =	strace $0x8000004B  }
0xb4: {  	_ =	swait.ge [sflag:s29], $0x1  }
0xb5: {  	[sflag:s29] =	ssyncadd.s32 $0xFFFFFFFF  }
0xb6: {  	_ =	strace $0x9000004B  }
0xb7: {  	_ =	sfence  }
0xb8: {  	s30 =	sld [smem:$0x0];
	_ =	sdelay $0x2  }
0xb9: {  	s31 =	sshll.u32 s1, $0xD;
	s1 =	sshrl.u32 s1, $0x2  }
0xba: {  	s3 =	sand.u32 $0x4000, s31;
	s1 =	sadd.s32 s1, s30  }
0xbb: {  	s0 =	sor.u32 s3, s0;
	s1 =	sshll.u32 s1, $0x11  }
0xbc: {  	s0 =	sor.u32 s1, s0  }
0xbd: {  	s0 =	sadd.s32 $0x8F2B, s0  }
0xbe: {  	[sflag:s0] =	ssyncadd.remote.s32 $0x1  }
0xbf: {  	_ =	sfence.sel $0xFFFF  }
0xc0: {  	[dreg:$0x0] =	wrdreg $0xFFFFFFFF;
	(pc) =	sbr.abs _section_cstart, $3  }
0xc1: {  	[dreg:$0x1] =	wrdreg $0xFFFFFFFF  }
0xc2: {  	_ =	task.clear_ibuf [dreg:s7], $0x2FFFF;
	_ =	strace $0x9FFFFFFF  }
0xc3: {  	(tm) =	ssettm $0x7FFFFFFF  }
tec
execute0_lowered:
.L_overlay_start_1:
0x0: {  	(tag) =	ssettag $0x1  }
0x1: {  	s1 =	rddreg [dreg:$0x0]  }
0x2: {  	s0 =	rddreg [dreg:$0x1]  }
0x3: {  	s2 =	rddreg [dreg:$0x2];
	s4 =	simm.s32 $0x0  }
0x4: {  	s17 =	stileid.u32;
	s3 =	srdreg.scid;
	s28 =	simm.s32 $0x13880  }
0x5: {  	s29 =	simm.s32 $0x13980;
	s30 =	simm.s32 $0x1;
	s31 =	simm.s32 $0x80  }
0x6: {  	[smem:$0x7FF] =	sst s4;
	s5 =	sadd.s32 $0xEE00, s0;
	s7 =	smul.u32 $0x2700, s17  }
0x7: {  	s3 =	sand.u32 $0x1, s3;
	s9 =	sadd.s32 $0x4E00, s0;
	s8 =	smul.u32 $0x4E000, s17  }
0x8: {  	s12 =	sadd.s32 $0x9E00, s0;
	s23 =	sshll.u32 s17, $0x4;
	s24 =	sadd.s32 $0x24900, s1  }
0x9: {  	s25 =	sadd.s32 $0x81B00, s0;
	p1 =	seq.s32 s17, $0xF;
	p2 =	sgt.u32 s17, $0x1  }
0xa: {  	s17 =	simm.s32 $0x4;
	_ =	strace $0x8000004A;
	s6 =	ssub.s32 $0x2, s3  }
0xb: {  	p0 =	seq.s32 s3, $0x1;
	[dreg:$0x5] =	wrdreg s24;
	s15 =	sor.u32 $0x100, s23  }
0xc: {  	s11 =	sadd.s32 s12, s23;
	s16 =	sor.u32 $0x4E00, s23;
	[dreg:$0x6] =	wrdreg s25  }
0xd: {  	s3 =	sor.u32 $0x4D00, s23;
	s13 =	sadd.s32 s7, s0;
	s10 =	sshrl.u32 s6, $0x1  }
0xe: {  	s21 =	sshrl.u32 s8, $0x2;
	s22 =	sadd.s32 s1, s7;
	s8 =	sadd.s32 $0x124800, s2  }
0xf: {  	s26 =	sadd.s32 s9, s16;
	s16 =	sadd.s32 s12, s16;
	[dreg:$0x4] =	wrdreg s22  }
0x10: {  	s7 =	sadd.s32 s5, s7;
	s20 =	sadd.s32 s12, s15;
	[dreg:$0x7] =	wrdreg s26  }
0x11: {  	s25 =	sadd.s32 $0x4C00, s11;
	s14 =	ssub.s32 s6, s10;
	[dreg:$0x8] =	wrdreg s16  }
0x12: {  	s6 =	sadd.s32 s21, s2;
	s10 =	sadd.s32 s9, s23;
	[dreg:$0xa] =	wrdreg s7  }
0x13: {  	s19 =	sadd.s32 $0x5D200, s13;
	s26 =	sadd.s32 s9, s15;
	[dreg:$0xc] =	wrdreg s20  }
0x14: {  	s21 =	sadd.s32 s9, s3;
	s3 =	sadd.s32 s12, s3;
	[dreg:$0x14] =	wrdreg s25  }
0x15: {  	s22 =	sadd.s32 $0x33700, s0;
	s0 =	sadd.s32 $0xA8D00, s0;
	[dreg:$0x9] =	wrdreg s19  }
0x16: {  	s23 =	sadd.s32 $0x84400, s13;
	s13 =	simm.s32 $0x13900;
	[dreg:$0xd] =	wrdreg s21  }
0x17: {  	s16 =	simm.s32 $0x2;
	s7 =	simm.s32 $0x5;
	[dreg:$0xe] =	wrdreg s3  }
0x18: {  	s9 =	simm.s32 $0x3;
	s15 =	simm.s32 $0x6;
	[dreg:$0xf] =	wrdreg s22  }
.Ltmp0:
0x19: {  	s12 =	simm.s32 $0x0;
	[dreg:$0x11] =	wrdreg s0;
	(pc) =	sbr.rel .LBB2_1-.Ltmp0, $4  }
0x1a: {  	s18 =	sadd.s32 $0x200, s10;
	[dreg:$0x12] =	wrdreg s23;
	s24 =	smax.u32 s14, $0x1  }
0x1b: {  	s0 =	simm.s32 $0x13A80;
	s23 =	simm.s32 $0x13A00;
	[dreg:$0xb] =	wrdreg s6  }
0x1c: {  	s14 =	simm.s32 $0x7;
	s22 =	simm.s32 $0x8;
	[dreg:$0x10] =	wrdreg s18  }
0x1d: {  	s3 =	simm.s32 $0x9;
	[dreg:$0x13] =	wrdreg s24;
	s24 =	simm.s32 $0x17A80  }
.LBB2_15:
0x1e: {  	s18 =	sshrl.u32 s8, $0x3;
	s19 =	rddreg [dreg:$0x11];
	s20 =	simm.s32 $0x1FC9  }
0x1f: {  	[hbm:s19], [sflag:s20] =	dma.local [spmem:s18], $0x2800  }
0x20: {  	_ =	swait.ge [sflag:s3], $0x2800  }
0x21: {  	[sflag:s3] =	ssyncset.done $0x0  }
0x22: {  	[sflag:s3] =	ssyncadd.s32 $0xFFFFD800  }
.LBB2_16:
0x23: {  	s12 =	sadd.s32 $0x1, s12;
	s18 =	rddreg [dreg:$0x13]  }
0x24: {  	p3 =	sne.s32 s12, s18  }
.Ltmp1:
0x25: {  	_ = 	snop;
	(pc) =	sbr.rel @!p3 .LBB2_17-.Ltmp1, $1  }
0x26: {  	_ =	sdelay $0x3  }
.LBB2_1:
.Ltmp2:
0x27: {  	(pc) =	sbr.rel @!p0 .LBB2_2-.Ltmp2, $4  }
0x28: {  	_ = 	snop  }
0x29: {  	s18 =	stileid.u32  }
0x2a: {  	s19 =	sshll.u32 @!p1 s18, $0x6  }
0x2b: {  	s20 =	sshrl.u32 @p1 s8, $0x3;
	s18 =	sshrl.u32 @!p1 s6, $0x3;
	s19 =	sor.u32 @!p1 $0x1C09, s19  }
0x2c: {  	s21 =	simm.s32 @p1 $0x1FC9;
	s25 =	rddreg [dreg:$0xf]  }
0x2d: {  	[spmem:s20], [sflag:s21] =	dma.local @p1 [hbm:s25], $0x2800  }
0x2e: {  	s20 =	simm.s32 @p1 $0x9  }
0x2f: {  	_ =	swait.ge @p1 [sflag:s20], $0x2800  }
0x30: {  	[sflag:s20] =	ssyncset.done @p1 $0x0  }
0x31: {  	[sflag:s20] =	ssyncadd.s32 @p1 $0xFFFFD800;
	s20 =	rddreg [dreg:$0xa]  }
0x32: {  	[spmem:s18], [sflag:s19] =	dma.local @!p1 [hbm:s20], $0x2700  }
0x33: {  	s18 =	simm.s32 @!p1 $0x9  }
0x34: {  	_ =	swait.ge @!p1 [sflag:s18], $0x2700  }
0x35: {  	[sflag:s18] =	ssyncset.done @!p1 $0x0  }
0x36: {  	[sflag:s18] =	ssyncadd.s32 @!p1 $0xFFFFD900  }
0x37: {  	[bflag:$0x0] =	sbarrier.arrive $0xFFFF  }
0x38: {  	[tilespmem:s28], [sflag:$0x1] =	stream.linear.gather [hbm4b:s10+s4], $0x80, $0x38;
	[tilespmem:$0x1BA80] =	vst v63  }
0x39: {  	_ = 	snop  }
0x3a: {  	[tilespmem:s29], [sflag:$0x3] =	stream.linear.gather [hbm4b:s11+s4], $0x80, $0x38;
	[tilespmem:$0x1BA80] =	vst v63  }
0x3b: {  	_ =	swait.ge [sflag:s30], $0x80  }
0x3c: {  	[sflag:s30] =	ssyncset.done $0x0  }
0x3d: {  	[sflag:s30] =	ssyncadd.s32 $0xFFFFFF80  }
0x3e: {  	[tilespmem:s0], [sflag:$0x5] =	stream.indirect.gather [hbm4b:s5+s31], $0x80, s28, s31, $0xb8;
	[tilespmem:$0x1BA80] =	vst v63  }
0x3f: {  	_ = 	snop  }
0x40: {  	[tilespmem:s13], [sflag:$0x2] =	stream.linear.gather [hbm4b:s26+s4], $0x80, $0x38;
	[tilespmem:$0x1BA80] =	vst v63  }
0x41: {  	s19 =	rddreg [dreg:$0xc]  }
0x42: {  	[tilespmem:s23], [sflag:$0x4] =	stream.linear.gather [hbm4b:s19+s4], $0x80, $0x38;
	[tilespmem:$0x1BA80] =	vst v63  }
0x43: {  	_ =	swait.ge [sflag:s16], $0x80  }
0x44: {  	[sflag:s16] =	ssyncset.done $0x0  }
0x45: {  	[sflag:s16] =	ssyncadd.s32 $0xFFFFFF80  }
0x46: {  	[tilespmem:s24], [sflag:$0x6] =	stream.indirect.gather [hbm4b:s5+s31], $0x80, s13, s31, $0xb8;
	[tilespmem:$0x1BA80] =	vst v63  }
0x47: {  	_ =	swait.ge [sflag:s7], $0x4000  }
0x48: {  	[sflag:s7] =	ssyncset.done $0x0  }
0x49: {  	s20 =	rddreg [dreg:$0x10];
	[sflag:s7] =	ssyncadd.s32 $0xFFFFC000  }
0x4a: {  	[tilespmem:s28], [sflag:$0x1] =	stream.linear.gather [hbm4b:s20+s4], $0x80, $0x38;
	[tilespmem:$0x1BA80] =	vst v63  }
0x4b: {  	_ =	swait.ge [sflag:s9], $0x80  }
0x4c: {  	[sflag:s9] =	ssyncset.done $0x0  }
0x4d: {  	[sflag:s9] =	ssyncadd.s32 $0xFFFFFF80  }
0x4e: {  	[spmem:s2] =	stream.indirect.scatter.add.f32 [tilespmem:s0], [sflag:$0x7], $0x80, s29, s31, $0xb8;
	[tilespmem:$0x1BA80] =	vst v63  }
0x4f: {  	_ =	swait.ge [sflag:s14], $0x4000  }
0x50: {  	s18 =	sadd.s32 $0xFFFFB600, s11;
	[sflag:s14] =	ssyncset.done $0x0  }
0x51: {  	s21 =	sadd.s32 $0x4C00, s18;
	[sflag:s14] =	ssyncadd.s32 $0xFFFFC000  }
0x52: {  	[tilespmem:s29], [sflag:$0x3] =	stream.linear.gather [hbm4b:s21+s4], $0x80, $0x38;
	[tilespmem:$0x1BA80] =	vst v63  }
0x53: {  	_ =	swait.ge [sflag:s30], $0x80  }
0x54: {  	[sflag:s30] =	ssyncset.done $0x0  }
0x55: {  	[sflag:s30] =	ssyncadd.s32 $0xFFFFFF80  }
0x56: {  	[tilespmem:s0], [sflag:$0x5] =	stream.indirect.gather [hbm4b:s5+s31], $0x80, s28, s31, $0xb8;
	[tilespmem:$0x1BA80] =	vst v63  }
0x57: {  	_ =	swait.ge [sflag:s15], $0x4000  }
0x58: {  	s25 =	sadd.s32 $0xFFFFB600, s10;
	[sflag:s15] =	ssyncset.done $0x0  }
0x59: {  	s21 =	sadd.s32 $0x4D00, s25;
	[sflag:s15] =	ssyncadd.s32 $0xFFFFC000  }
0x5a: {  	[tilespmem:s13], [sflag:$0x2] =	stream.linear.gather [hbm4b:s21+s4], $0x80, $0x38;
	[tilespmem:$0x1BA80] =	vst v63  }
0x5b: {  	_ =	swait.ge [sflag:s17], $0x80  }
0x5c: {  	[sflag:s17] =	ssyncset.done $0x0  }
0x5d: {  	[sflag:s17] =	ssyncadd.s32 $0xFFFFFF80  }
0x5e: {  	[spmem:s2] =	stream.indirect.scatter.add.f32 [tilespmem:s24], [sflag:$0x8], $0x80, s23, s31, $0xb8;
	[tilespmem:$0x1BA80] =	vst v63  }
0x5f: {  	_ =	swait.ge [sflag:s22], $0x4000  }
0x60: {  	[sflag:s22] =	ssyncset.done $0x0  }
0x61: {  	s18 =	sadd.s32 $0x4D00, s18;
	[sflag:s22] =	ssyncadd.s32 $0xFFFFC000  }
0x62: {  	[tilespmem:s23], [sflag:$0x4] =	stream.linear.gather [hbm4b:s18+s4], $0x80, $0x38;
	[tilespmem:$0x1BA80] =	vst v63  }
0x63: {  	_ =	swait.ge [sflag:s16], $0x80  }
0x64: {  	[sflag:s16] =	ssyncset.done $0x0  }
0x65: {  	[sflag:s16] =	ssyncadd.s32 $0xFFFFFF80  }
0x66: {  	[tilespmem:s24], [sflag:$0x6] =	stream.indirect.gather [hbm4b:s5+s31], $0x80, s13, s31, $0xb8;
	[tilespmem:$0x1BA80] =	vst v63  }
0x67: {  	_ =	swait.ge [sflag:s7], $0x4000  }
0x68: {  	[sflag:s7] =	ssyncset.done $0x0  }
0x69: {  	s25 =	sadd.s32 $0x4E00, s25;
	[sflag:s7] =	ssyncadd.s32 $0xFFFFC000  }
0x6a: {  	[tilespmem:s28], [sflag:$0x1] =	stream.linear.gather [hbm4b:s25+s4], $0x80, $0x38;
	[tilespmem:$0x1BA80] =	vst v63  }
0x6b: {  	_ =	swait.ge [sflag:s9], $0x80  }
0x6c: {  	[sflag:s9] =	ssyncset.done $0x0  }
0x6d: {  	s18 =	simm.s32 $0xFFFFB800;
	[sflag:s9] =	ssyncadd.s32 $0xFFFFFF80  }
.LBB2_10:
0x6e: {  	[spmem:s2] =	stream.indirect.scatter.add.f32 [tilespmem:s0], [sflag:$0x7], $0x80, s29, s31, $0xb8;
	[tilespmem:$0x1BA80] =	vst v63  }
0x6f: {  	s19 =	smov.u32 s18  }
0x70: {  	p3 =	sne.s32 s18, $0xFFFFFE00;
	s18 =	sadd.s32 $0x200, s18;
	_ =	swait.ge [sflag:s14], $0x4000  }
0x71: {  	s20 =	sadd.s32 s19, s11;
	[sflag:s14] =	ssyncset.done $0x0  }
0x72: {  	s21 =	sadd.s32 $0x4C00, s20;
	[sflag:s14] =	ssyncadd.s32 $0xFFFFC000  }
0x73: {  	[tilespmem:s29], [sflag:$0x3] =	stream.linear.gather [hbm4b:s21+s4], $0x80, $0x38;
	[tilespmem:$0x1BA80] =	vst v63  }
0x74: {  	_ =	swait.ge [sflag:s30], $0x80  }
0x75: {  	[sflag:s30] =	ssyncset.done $0x0  }
0x76: {  	[sflag:s30] =	ssyncadd.s32 $0xFFFFFF80  }
0x77: {  	[tilespmem:s0], [sflag:$0x5] =	stream.indirect.gather [hbm4b:s5+s31], $0x80, s28, s31, $0xb8;
	[tilespmem:$0x1BA80] =	vst v63  }
0x78: {  	_ =	swait.ge [sflag:s15], $0x4000  }
0x79: {  	s19 =	sadd.s32 s19, s10;
	[sflag:s15] =	ssyncset.done $0x0  }
0x7a: {  	s21 =	sadd.s32 $0x4D00, s19;
	[sflag:s15] =	ssyncadd.s32 $0xFFFFC000  }
0x7b: {  	[tilespmem:s13], [sflag:$0x2] =	stream.linear.gather [hbm4b:s21+s4], $0x80, $0x38;
	[tilespmem:$0x1BA80] =	vst v63  }
0x7c: {  	_ =	swait.ge [sflag:s17], $0x80  }
0x7d: {  	[sflag:s17] =	ssyncset.done $0x0  }
0x7e: {  	[sflag:s17] =	ssyncadd.s32 $0xFFFFFF80  }
0x7f: {  	[spmem:s2] =	stream.indirect.scatter.add.f32 [tilespmem:s24], [sflag:$0x8], $0x80, s23, s31, $0xb8;
	[tilespmem:$0x1BA80] =	vst v63  }
0x80: {  	_ =	swait.ge [sflag:s22], $0x4000  }
0x81: {  	[sflag:s22] =	ssyncset.done $0x0  }
0x82: {  	s20 =	sadd.s32 $0x4D00, s20;
	[sflag:s22] =	ssyncadd.s32 $0xFFFFC000  }
0x83: {  	[tilespmem:s23], [sflag:$0x4] =	stream.linear.gather [hbm4b:s20+s4], $0x80, $0x38;
	[tilespmem:$0x1BA80] =	vst v63  }
0x84: {  	_ =	swait.ge [sflag:s16], $0x80  }
0x85: {  	[sflag:s16] =	ssyncset.done $0x0  }
0x86: {  	[sflag:s16] =	ssyncadd.s32 $0xFFFFFF80  }
0x87: {  	[tilespmem:s24], [sflag:$0x6] =	stream.indirect.gather [hbm4b:s5+s31], $0x80, s13, s31, $0xb8;
	[tilespmem:$0x1BA80] =	vst v63  }
0x88: {  	_ =	swait.ge [sflag:s7], $0x4000  }
0x89: {  	[sflag:s7] =	ssyncset.done $0x0  }
.Ltmp3:
0x8a: {  	s19 =	sadd.s32 $0x4E00, s19;
	[sflag:s7] =	ssyncadd.s32 $0xFFFFC000;
	(pc) =	sbr.rel @p3 .LBB2_10-.Ltmp3, $4  }
0x8b: {  	[tilespmem:s28], [sflag:$0x1] =	stream.linear.gather [hbm4b:s19+s4], $0x80, $0x38;
	[tilespmem:$0x1BA80] =	vst v63  }
0x8c: {  	_ =	swait.ge [sflag:s9], $0x80  }
0x8d: {  	[sflag:s9] =	ssyncset.done $0x0  }
0x8e: {  	[sflag:s9] =	ssyncadd.s32 $0xFFFFFF80  }
0x8f: {  	[spmem:s2] =	stream.indirect.scatter.add.f32 [tilespmem:s0], [sflag:$0x7], $0x80, s29, s31, $0xb8;
	[tilespmem:$0x1BA80] =	vst v63  }
0x90: {  	_ =	swait.ge [sflag:s14], $0x4000  }
0x91: {  	[sflag:s14] =	ssyncset.done $0x0  }
0x92: {  	s18 =	rddreg [dreg:$0x14];
	[sflag:s14] =	ssyncadd.s32 $0xFFFFC000  }
0x93: {  	[tilespmem:s29], [sflag:$0x3] =	stream.linear.gather [hbm4b:s18+s4], $0x80, $0x38;
	[tilespmem:$0x1BA80] =	vst v63  }
0x94: {  	_ =	swait.ge [sflag:s30], $0x80  }
0x95: {  	[sflag:s30] =	ssyncset.done $0x0  }
0x96: {  	[sflag:s30] =	ssyncadd.s32 $0xFFFFFF80  }
0x97: {  	[tilespmem:s0], [sflag:$0x5] =	stream.indirect.gather [hbm4b:s5+s31], $0x80, s28, s31, $0xb8;
	[tilespmem:$0x1BA80] =	vst v63  }
0x98: {  	_ =	swait.ge [sflag:s15], $0x4000  }
0x99: {  	[sflag:s15] =	ssyncset.done $0x0  }
0x9a: {  	s21 =	rddreg [dreg:$0xd];
	[sflag:s15] =	ssyncadd.s32 $0xFFFFC000  }
0x9b: {  	[tilespmem:s13], [sflag:$0x2] =	stream.linear.gather [hbm4b:s21+s4], $0x80, $0x38;
	[tilespmem:$0x1BA80] =	vst v63  }
0x9c: {  	_ =	swait.ge [sflag:s17], $0x80  }
0x9d: {  	[sflag:s17] =	ssyncset.done $0x0  }
0x9e: {  	[sflag:s17] =	ssyncadd.s32 $0xFFFFFF80  }
0x9f: {  	[spmem:s2] =	stream.indirect.scatter.add.f32 [tilespmem:s24], [sflag:$0x8], $0x80, s23, s31, $0xb8;
	[tilespmem:$0x1BA80] =	vst v63  }
0xa0: {  	_ =	swait.ge [sflag:s22], $0x4000  }
0xa1: {  	[sflag:s22] =	ssyncset.done $0x0  }
0xa2: {  	s25 =	rddreg [dreg:$0xe];
	[sflag:s22] =	ssyncadd.s32 $0xFFFFC000  }
0xa3: {  	[tilespmem:s23], [sflag:$0x4] =	stream.linear.gather [hbm4b:s25+s4], $0x80, $0x38;
	[tilespmem:$0x1BA80] =	vst v63  }
0xa4: {  	_ =	swait.ge [sflag:s16], $0x80  }
0xa5: {  	[sflag:s16] =	ssyncset.done $0x0  }
0xa6: {  	[sflag:s16] =	ssyncadd.s32 $0xFFFFFF80  }
0xa7: {  	[tilespmem:s24], [sflag:$0x6] =	stream.indirect.gather [hbm4b:s5+s31], $0x80, s13, s31, $0xb8;
	[tilespmem:$0x1BA80] =	vst v63  }
0xa8: {  	_ =	swait.ge [sflag:s7], $0x4000  }
0xa9: {  	[sflag:s7] =	ssyncset.done $0x0  }
0xaa: {  	[sflag:s7] =	ssyncadd.s32 $0xFFFFC000  }
0xab: {  	_ =	swait.ge [sflag:s9], $0x80  }
0xac: {  	[sflag:s9] =	ssyncset.done $0x0  }
0xad: {  	[sflag:s9] =	ssyncadd.s32 $0xFFFFFF80  }
0xae: {  	[spmem:s2] =	stream.indirect.scatter.add.f32 [tilespmem:s0], [sflag:$0x7], $0x80, s29, s31, $0xb8;
	[tilespmem:$0x1BA80] =	vst v63  }
0xaf: {  	_ =	swait.ge [sflag:s15], $0x4000  }
0xb0: {  	[sflag:s15] =	ssyncset.done $0x0  }
0xb1: {  	[sflag:s15] =	ssyncadd.s32 $0xFFFFC000  }
0xb2: {  	_ =	swait.ge [sflag:s17], $0x80  }
0xb3: {  	[sflag:s17] =	ssyncset.done $0x0  }
0xb4: {  	[sflag:s17] =	ssyncadd.s32 $0xFFFFFF80  }
0xb5: {  	[spmem:s2] =	stream.indirect.scatter.add.f32 [tilespmem:s24], [sflag:$0x8], $0x80, s23, s31, $0xb8;
	[tilespmem:$0x1BA80] =	vst v63  }
0xb6: {  	_ =	swait.ge [sflag:s14], $0x4000  }
.Ltmp4:
0xb7: {  	[sflag:s14] =	ssyncset.done $0x0;
	(pc) =	sbr.rel @p2 .LBB2_13-.Ltmp4, $4  }
0xb8: {  	[sflag:s14] =	ssyncadd.s32 $0xFFFFC000  }
0xb9: {  	_ =	swait.ge [sflag:s22], $0x4000  }
0xba: {  	[sflag:s22] =	ssyncset.done $0x0  }
0xbb: {  	[sflag:s22] =	ssyncadd.s32 $0xFFFFC000  }
0xbc: {  	s18 =	rddreg [dreg:$0x7]  }
0xbd: {  	[tilespmem:s28], [sflag:$0x9] =	stream.linear.gather [hbm4b:s18+s4], $0x80, $0x38;
	[tilespmem:$0x1BA80] =	vst v63  }
0xbe: {  	_ =	swait.ge [sflag:s3], $0x80  }
0xbf: {  	[sflag:s3] =	ssyncset.done $0x0  }
0xc0: {  	s25 =	rddreg [dreg:$0x8];
	[sflag:s3] =	ssyncadd.s32 $0xFFFFFF80  }
0xc1: {  	[tilespmem:s29], [sflag:$0x9] =	stream.linear.gather [hbm4b:s25+s4], $0x80, $0x38;
	[tilespmem:$0x1BA80] =	vst v63  }
0xc2: {  	_ =	swait.ge [sflag:s3], $0x80  }
0xc3: {  	[sflag:s3] =	ssyncset.done $0x0  }
0xc4: {  	[sflag:s3] =	ssyncadd.s32 $0xFFFFFF80  }
0xc5: {  	[tilespmem:s0], [sflag:$0x5] =	stream.indirect.gather [hbm4b:s5+s31], $0x80, s28, s31, $0xb8;
	[tilespmem:$0x1BA80] =	vst v63  }
0xc6: {  	_ =	swait.ge [sflag:s7], $0x4000  }
0xc7: {  	[sflag:s7] =	ssyncset.done $0x0  }
0xc8: {  	[sflag:s7] =	ssyncadd.s32 $0xFFFFC000  }
0xc9: {  	[spmem:s2] =	stream.indirect.scatter.add.f32 [tilespmem:s0], [sflag:$0x9], $0x80, s29, s31, $0xb8;
	[tilespmem:$0x1BA80] =	vst v63  }
.Ltmp5:
0xca: {  	_ =	swait.ge [sflag:s3], $0x4000;
	(pc) =	sbr.rel .LBB2_14-.Ltmp5, $3  }
0xcb: {  	[sflag:s3] =	ssyncset.done $0x0  }
0xcc: {  	[sflag:s3] =	ssyncadd.s32 $0xFFFFC000  }
0xcd: {  	[bflag:$0x0] =	sbarrier.arrive $0xFFFF;
	_ =	sdelay $0x1  }
.LBB2_2:
0xce: {  	s21 =	simm.s32 @p1 $0x1FC9;
	s25 =	rddreg [dreg:$0x5]  }
0xcf: {  	[spmem:s20], [sflag:s21] =	dma.local @p1 [hbm:s25], $0x2800  }
0xd0: {  	s20 =	simm.s32 @p1 $0x9  }
0xd1: {  	s21 =	rddreg [dreg:$0x10];
	_ =	swait.ge @p1 [sflag:s20], $0x2800  }
0xd2: {  	[sflag:s20] =	ssyncset.done @p1 $0x0  }
0xd3: {  	[sflag:s20] =	ssyncadd.s32 @p1 $0xFFFFD800;
	s20 =	rddreg [dreg:$0x4]  }
0xd4: {  	[spmem:s18], [sflag:s19] =	dma.local @!p1 [hbm:s20], $0x2700  }
0xd5: {  	s18 =	simm.s32 @!p1 $0x9  }
0xd6: {  	_ =	swait.ge @!p1 [sflag:s18], $0x2700  }
0xd7: {  	[sflag:s18] =	ssyncset.done @!p1 $0x0  }
0xd8: {  	[sflag:s18] =	ssyncadd.s32 @!p1 $0xFFFFD900  }
0xd9: {  	[bflag:$0x0] =	sbarrier.arrive $0xFFFF  }
0xda: {  	[tilespmem:s28], [sflag:$0x1] =	stream.linear.gather [hbm4b:s10+s4], $0x80, $0x38;
	[tilespmem:$0x1BA80] =	vst v63  }
0xdb: {  	_ = 	snop  }
0xdc: {  	[tilespmem:s29], [sflag:$0x3] =	stream.linear.gather [hbm4b:s11+s4], $0x80, $0x38;
	[tilespmem:$0x1BA80] =	vst v63  }
0xdd: {  	_ =	swait.ge [sflag:s30], $0x80  }
0xde: {  	[sflag:s30] =	ssyncset.done $0x0  }
0xdf: {  	[sflag:s30] =	ssyncadd.s32 $0xFFFFFF80  }
0xe0: {  	[tilespmem:s0], [sflag:$0x5] =	stream.indirect.gather [hbm4b:s1+s31], $0x80, s28, s31, $0xb8;
	[tilespmem:$0x1BA80] =	vst v63  }
0xe1: {  	_ = 	snop  }
0xe2: {  	[tilespmem:s13], [sflag:$0x2] =	stream.linear.gather [hbm4b:s26+s4], $0x80, $0x38;
	[tilespmem:$0x1BA80] =	vst v63  }
0xe3: {  	s20 =	rddreg [dreg:$0xc]  }
0xe4: {  	[tilespmem:s23], [sflag:$0x4] =	stream.linear.gather [hbm4b:s20+s4], $0x80, $0x38;
	[tilespmem:$0x1BA80] =	vst v63  }
0xe5: {  	_ =	swait.ge [sflag:s16], $0x80  }
0xe6: {  	[sflag:s16] =	ssyncset.done $0x0  }
0xe7: {  	[sflag:s16] =	ssyncadd.s32 $0xFFFFFF80  }
0xe8: {  	[tilespmem:s24], [sflag:$0x6] =	stream.indirect.gather [hbm4b:s1+s31], $0x80, s13, s31, $0xb8;
	[tilespmem:$0x1BA80] =	vst v63  }
0xe9: {  	_ =	swait.ge [sflag:s7], $0x4000  }
0xea: {  	[sflag:s7] =	ssyncset.done $0x0  }
0xeb: {  	[sflag:s7] =	ssyncadd.s32 $0xFFFFC000  }
0xec: {  	[tilespmem:s28], [sflag:$0x1] =	stream.linear.gather [hbm4b:s21+s4], $0x80, $0x38;
	[tilespmem:$0x1BA80] =	vst v63  }
0xed: {  	_ =	swait.ge [sflag:s9], $0x80  }
0xee: {  	[sflag:s9] =	ssyncset.done $0x0  }
0xef: {  	[sflag:s9] =	ssyncadd.s32 $0xFFFFFF80  }
0xf0: {  	[spmem:s2] =	stream.indirect.scatter.add.f32 [tilespmem:s0], [sflag:$0x7], $0x80, s29, s31, $0xb8;
	[tilespmem:$0x1BA80] =	vst v63  }
0xf1: {  	_ =	swait.ge [sflag:s14], $0x4000  }
0xf2: {  	s18 =	sadd.s32 $0xFFFFB600, s11;
	[sflag:s14] =	ssyncset.done $0x0  }
0xf3: {  	s25 =	sadd.s32 $0x4C00, s18;
	[sflag:s14] =	ssyncadd.s32 $0xFFFFC000  }
0xf4: {  	[tilespmem:s29], [sflag:$0x3] =	stream.linear.gather [hbm4b:s25+s4], $0x80, $0x38;
	[tilespmem:$0x1BA80] =	vst v63  }
0xf5: {  	_ =	swait.ge [sflag:s30], $0x80  }
0xf6: {  	[sflag:s30] =	ssyncset.done $0x0  }
0xf7: {  	[sflag:s30] =	ssyncadd.s32 $0xFFFFFF80  }
0xf8: {  	[tilespmem:s0], [sflag:$0x5] =	stream.indirect.gather [hbm4b:s1+s31], $0x80, s28, s31, $0xb8;
	[tilespmem:$0x1BA80] =	vst v63  }
0xf9: {  	_ =	swait.ge [sflag:s15], $0x4000  }
0xfa: {  	s6 =	smov.u32 s8;
	s8 =	sadd.s32 $0xFFFFB600, s10;
	[sflag:s15] =	ssyncset.done $0x0  }
0xfb: {  	s21 =	sadd.s32 $0x4D00, s8;
	[sflag:s15] =	ssyncadd.s32 $0xFFFFC000  }
0xfc: {  	[tilespmem:s13], [sflag:$0x2] =	stream.linear.gather [hbm4b:s21+s4], $0x80, $0x38;
	[tilespmem:$0x1BA80] =	vst v63  }
0xfd: {  	_ =	swait.ge [sflag:s17], $0x80  }
0xfe: {  	[sflag:s17] =	ssyncset.done $0x0  }
0xff: {  	[sflag:s17] =	ssyncadd.s32 $0xFFFFFF80  }
0x100: {  	[spmem:s2] =	stream.indirect.scatter.add.f32 [tilespmem:s24], [sflag:$0x8], $0x80, s23, s31, $0xb8;
	[tilespmem:$0x1BA80] =	vst v63  }
0x101: {  	_ =	swait.ge [sflag:s22], $0x4000  }
0x102: {  	[sflag:s22] =	ssyncset.done $0x0  }
0x103: {  	s18 =	sadd.s32 $0x4D00, s18;
	[sflag:s22] =	ssyncadd.s32 $0xFFFFC000  }
0x104: {  	[tilespmem:s23], [sflag:$0x4] =	stream.linear.gather [hbm4b:s18+s4], $0x80, $0x38;
	[tilespmem:$0x1BA80] =	vst v63  }
0x105: {  	_ =	swait.ge [sflag:s16], $0x80  }
0x106: {  	[sflag:s16] =	ssyncset.done $0x0  }
0x107: {  	[sflag:s16] =	ssyncadd.s32 $0xFFFFFF80  }
0x108: {  	[tilespmem:s24], [sflag:$0x6] =	stream.indirect.gather [hbm4b:s1+s31], $0x80, s13, s31, $0xb8;
	[tilespmem:$0x1BA80] =	vst v63  }
0x109: {  	_ =	swait.ge [sflag:s7], $0x4000  }
0x10a: {  	[sflag:s7] =	ssyncset.done $0x0  }
0x10b: {  	s25 =	sadd.s32 $0x4E00, s8;
	[sflag:s7] =	ssyncadd.s32 $0xFFFFC000  }
0x10c: {  	[tilespmem:s28], [sflag:$0x1] =	stream.linear.gather [hbm4b:s25+s4], $0x80, $0x38;
	[tilespmem:$0x1BA80] =	vst v63  }
0x10d: {  	_ =	swait.ge [sflag:s9], $0x80  }
0x10e: {  	[sflag:s9] =	ssyncset.done $0x0  }
0x10f: {  	s18 =	simm.s32 $0xFFFFB800;
	[sflag:s9] =	ssyncadd.s32 $0xFFFFFF80  }
.LBB2_3:
0x110: {  	[spmem:s2] =	stream.indirect.scatter.add.f32 [tilespmem:s0], [sflag:$0x7], $0x80, s29, s31, $0xb8;
	[tilespmem:$0x1BA80] =	vst v63  }
0x111: {  	s19 =	smov.u32 s18  }
0x112: {  	p3 =	sne.s32 s18, $0xFFFFFE00;
	s18 =	sadd.s32 $0x200, s18;
	_ =	swait.ge [sflag:s14], $0x4000  }
0x113: {  	s20 =	sadd.s32 s19, s11;
	[sflag:s14] =	ssyncset.done $0x0  }
0x114: {  	s21 =	sadd.s32 $0x4C00, s20;
	[sflag:s14] =	ssyncadd.s32 $0xFFFFC000  }
0x115: {  	[tilespmem:s29], [sflag:$0x3] =	stream.linear.gather [hbm4b:s21+s4], $0x80, $0x38;
	[tilespmem:$0x1BA80] =	vst v63  }
0x116: {  	_ =	swait.ge [sflag:s30], $0x80  }
0x117: {  	[sflag:s30] =	ssyncset.done $0x0  }
0x118: {  	[sflag:s30] =	ssyncadd.s32 $0xFFFFFF80  }
0x119: {  	[tilespmem:s0], [sflag:$0x5] =	stream.indirect.gather [hbm4b:s1+s31], $0x80, s28, s31, $0xb8;
	[tilespmem:$0x1BA80] =	vst v63  }
0x11a: {  	_ =	swait.ge [sflag:s15], $0x4000  }
0x11b: {  	s19 =	sadd.s32 s19, s10;
	[sflag:s15] =	ssyncset.done $0x0  }
0x11c: {  	s21 =	sadd.s32 $0x4D00, s19;
	[sflag:s15] =	ssyncadd.s32 $0xFFFFC000  }
0x11d: {  	[tilespmem:s13], [sflag:$0x2] =	stream.linear.gather [hbm4b:s21+s4], $0x80, $0x38;
	[tilespmem:$0x1BA80] =	vst v63  }
0x11e: {  	_ =	swait.ge [sflag:s17], $0x80  }
0x11f: {  	[sflag:s17] =	ssyncset.done $0x0  }
0x120: {  	[sflag:s17] =	ssyncadd.s32 $0xFFFFFF80  }
0x121: {  	[spmem:s2] =	stream.indirect.scatter.add.f32 [tilespmem:s24], [sflag:$0x8], $0x80, s23, s31, $0xb8;
	[tilespmem:$0x1BA80] =	vst v63  }
0x122: {  	_ =	swait.ge [sflag:s22], $0x4000  }
0x123: {  	[sflag:s22] =	ssyncset.done $0x0  }
0x124: {  	s20 =	sadd.s32 $0x4D00, s20;
	[sflag:s22] =	ssyncadd.s32 $0xFFFFC000  }
0x125: {  	[tilespmem:s23], [sflag:$0x4] =	stream.linear.gather [hbm4b:s20+s4], $0x80, $0x38;
	[tilespmem:$0x1BA80] =	vst v63  }
0x126: {  	_ =	swait.ge [sflag:s16], $0x80  }
0x127: {  	[sflag:s16] =	ssyncset.done $0x0  }
0x128: {  	[sflag:s16] =	ssyncadd.s32 $0xFFFFFF80  }
0x129: {  	[tilespmem:s24], [sflag:$0x6] =	stream.indirect.gather [hbm4b:s1+s31], $0x80, s13, s31, $0xb8;
	[tilespmem:$0x1BA80] =	vst v63  }
0x12a: {  	_ =	swait.ge [sflag:s7], $0x4000  }
0x12b: {  	[sflag:s7] =	ssyncset.done $0x0  }
.Ltmp6:
0x12c: {  	s19 =	sadd.s32 $0x4E00, s19;
	[sflag:s7] =	ssyncadd.s32 $0xFFFFC000;
	(pc) =	sbr.rel @p3 .LBB2_3-.Ltmp6, $4  }
0x12d: {  	[tilespmem:s28], [sflag:$0x1] =	stream.linear.gather [hbm4b:s19+s4], $0x80, $0x38;
	[tilespmem:$0x1BA80] =	vst v63  }
0x12e: {  	_ =	swait.ge [sflag:s9], $0x80  }
0x12f: {  	[sflag:s9] =	ssyncset.done $0x0  }
0x130: {  	[sflag:s9] =	ssyncadd.s32 $0xFFFFFF80  }
0x131: {  	[spmem:s2] =	stream.indirect.scatter.add.f32 [tilespmem:s0], [sflag:$0x7], $0x80, s29, s31, $0xb8;
	[tilespmem:$0x1BA80] =	vst v63  }
0x132: {  	_ =	swait.ge [sflag:s14], $0x4000  }
0x133: {  	[sflag:s14] =	ssyncset.done $0x0  }
0x134: {  	s8 =	rddreg [dreg:$0x14];
	[sflag:s14] =	ssyncadd.s32 $0xFFFFC000  }
0x135: {  	[tilespmem:s29], [sflag:$0x3] =	stream.linear.gather [hbm4b:s8+s4], $0x80, $0x38;
	[tilespmem:$0x1BA80] =	vst v63  }
0x136: {  	_ =	swait.ge [sflag:s30], $0x80  }
0x137: {  	[sflag:s30] =	ssyncset.done $0x0  }
0x138: {  	[sflag:s30] =	ssyncadd.s32 $0xFFFFFF80  }
0x139: {  	[tilespmem:s0], [sflag:$0x5] =	stream.indirect.gather [hbm4b:s1+s31], $0x80, s28, s31, $0xb8;
	[tilespmem:$0x1BA80] =	vst v63  }
0x13a: {  	_ =	swait.ge [sflag:s15], $0x4000  }
0x13b: {  	[sflag:s15] =	ssyncset.done $0x0  }
0x13c: {  	s21 =	rddreg [dreg:$0xd];
	[sflag:s15] =	ssyncadd.s32 $0xFFFFC000  }
0x13d: {  	[tilespmem:s13], [sflag:$0x2] =	stream.linear.gather [hbm4b:s21+s4], $0x80, $0x38;
	[tilespmem:$0x1BA80] =	vst v63  }
0x13e: {  	_ =	swait.ge [sflag:s17], $0x80  }
0x13f: {  	[sflag:s17] =	ssyncset.done $0x0  }
0x140: {  	[sflag:s17] =	ssyncadd.s32 $0xFFFFFF80  }
0x141: {  	[spmem:s2] =	stream.indirect.scatter.add.f32 [tilespmem:s24], [sflag:$0x8], $0x80, s23, s31, $0xb8;
	[tilespmem:$0x1BA80] =	vst v63  }
0x142: {  	_ =	swait.ge [sflag:s22], $0x4000  }
0x143: {  	[sflag:s22] =	ssyncset.done $0x0  }
0x144: {  	s25 =	rddreg [dreg:$0xe];
	[sflag:s22] =	ssyncadd.s32 $0xFFFFC000  }
0x145: {  	[tilespmem:s23], [sflag:$0x4] =	stream.linear.gather [hbm4b:s25+s4], $0x80, $0x38;
	[tilespmem:$0x1BA80] =	vst v63  }
0x146: {  	_ =	swait.ge [sflag:s16], $0x80  }
0x147: {  	[sflag:s16] =	ssyncset.done $0x0  }
0x148: {  	[sflag:s16] =	ssyncadd.s32 $0xFFFFFF80  }
0x149: {  	[tilespmem:s24], [sflag:$0x6] =	stream.indirect.gather [hbm4b:s1+s31], $0x80, s13, s31, $0xb8;
	[tilespmem:$0x1BA80] =	vst v63  }
0x14a: {  	_ =	swait.ge [sflag:s7], $0x4000  }
0x14b: {  	[sflag:s7] =	ssyncset.done $0x0  }
0x14c: {  	[sflag:s7] =	ssyncadd.s32 $0xFFFFC000  }
0x14d: {  	_ =	swait.ge [sflag:s9], $0x80  }
0x14e: {  	[sflag:s9] =	ssyncset.done $0x0  }
0x14f: {  	[sflag:s9] =	ssyncadd.s32 $0xFFFFFF80  }
0x150: {  	[spmem:s2] =	stream.indirect.scatter.add.f32 [tilespmem:s0], [sflag:$0x7], $0x80, s29, s31, $0xb8;
	[tilespmem:$0x1BA80] =	vst v63  }
0x151: {  	_ =	swait.ge [sflag:s15], $0x4000  }
0x152: {  	[sflag:s15] =	ssyncset.done $0x0  }
0x153: {  	[sflag:s15] =	ssyncadd.s32 $0xFFFFC000  }
0x154: {  	_ =	swait.ge [sflag:s17], $0x80  }
0x155: {  	[sflag:s17] =	ssyncset.done $0x0  }
0x156: {  	[sflag:s17] =	ssyncadd.s32 $0xFFFFFF80  }
0x157: {  	[spmem:s2] =	stream.indirect.scatter.add.f32 [tilespmem:s24], [sflag:$0x8], $0x80, s23, s31, $0xb8;
	[tilespmem:$0x1BA80] =	vst v63  }
0x158: {  	_ =	swait.ge [sflag:s14], $0x4000  }
.Ltmp7:
0x159: {  	[sflag:s14] =	ssyncset.done $0x0;
	(pc) =	sbr.rel @p2 .LBB2_6-.Ltmp7, $4  }
0x15a: {  	[sflag:s14] =	ssyncadd.s32 $0xFFFFC000  }
0x15b: {  	_ =	swait.ge [sflag:s22], $0x4000  }
0x15c: {  	[sflag:s22] =	ssyncset.done $0x0  }
0x15d: {  	[sflag:s22] =	ssyncadd.s32 $0xFFFFC000  }
0x15e: {  	s18 =	rddreg [dreg:$0x7]  }
0x15f: {  	[tilespmem:s28], [sflag:$0x9] =	stream.linear.gather [hbm4b:s18+s4], $0x80, $0x38;
	[tilespmem:$0x1BA80] =	vst v63  }
0x160: {  	_ =	swait.ge [sflag:s3], $0x80  }
0x161: {  	[sflag:s3] =	ssyncset.done $0x0  }
0x162: {  	s25 =	rddreg [dreg:$0x8];
	[sflag:s3] =	ssyncadd.s32 $0xFFFFFF80  }
0x163: {  	[tilespmem:s29], [sflag:$0x9] =	stream.linear.gather [hbm4b:s25+s4], $0x80, $0x38;
	[tilespmem:$0x1BA80] =	vst v63  }
0x164: {  	_ =	swait.ge [sflag:s3], $0x80  }
0x165: {  	[sflag:s3] =	ssyncset.done $0x0  }
0x166: {  	[sflag:s3] =	ssyncadd.s32 $0xFFFFFF80  }
0x167: {  	[tilespmem:s0], [sflag:$0x5] =	stream.indirect.gather [hbm4b:s1+s31], $0x80, s28, s31, $0xb8;
	[tilespmem:$0x1BA80] =	vst v63  }
0x168: {  	_ =	swait.ge [sflag:s7], $0x4000  }
0x169: {  	[sflag:s7] =	ssyncset.done $0x0  }
0x16a: {  	[sflag:s7] =	ssyncadd.s32 $0xFFFFC000  }
0x16b: {  	[spmem:s2] =	stream.indirect.scatter.add.f32 [tilespmem:s0], [sflag:$0x9], $0x80, s29, s31, $0xb8;
	[tilespmem:$0x1BA80] =	vst v63  }
.Ltmp8:
0x16c: {  	_ =	swait.ge [sflag:s3], $0x4000;
	(pc) =	sbr.rel .LBB2_7-.Ltmp8, $4  }
0x16d: {  	[sflag:s3] =	ssyncset.done $0x0  }
0x16e: {  	[sflag:s3] =	ssyncadd.s32 $0xFFFFC000  }
0x16f: {  	[bflag:$0x0] =	sbarrier.arrive $0xFFFF  }
0x170: {  	s8 =	smov.u32 s6  }
.LBB2_13:
.Ltmp9:
0x171: {  	(pc) =	sbr.rel @p1 .LBB2_15-.Ltmp9, $2  }
0x172: {  	_ =	sdelay $0x1  }
0x173: {  	[bflag:$0x0] =	sbarrier.arrive $0xFFFF;
	_ =	sdelay $0x1  }
.LBB2_14:
0x174: {  	s18 =	stileid.u32  }
0x175: {  	s19 =	sshrl.u32 s6, $0x3;
	s18 =	sshll.u32 s18, $0x6  }
.Ltmp10:
0x176: {  	s20 =	rddreg [dreg:$0x12];
	s18 =	sor.u32 $0x1C09, s18;
	(pc) =	sbr.rel .LBB2_16-.Ltmp10, $4  }
0x177: {  	[hbm:s20], [sflag:s18] =	dma.local [spmem:s19], $0x2700  }
0x178: {  	_ =	swait.ge [sflag:s3], $0x2700  }
0x179: {  	[sflag:s3] =	ssyncset.done $0x0  }
0x17a: {  	[sflag:s3] =	ssyncadd.s32 $0xFFFFD900  }
.LBB2_6:
.Ltmp11:
0x17b: {  	(pc) =	sbr.rel @!p1 .LBB2_7-.Ltmp11, $3  }
0x17c: {  	_ =	sdelay $0x1  }
0x17d: {  	[bflag:$0x0] =	sbarrier.arrive $0xFFFF  }
0x17e: {  	s8 =	smov.u32 s6  }
0x17f: {  	s18 =	sshrl.u32 s8, $0x3  }
.Ltmp12:
0x180: {  	s19 =	rddreg [dreg:$0x6];
	s6 =	simm.s32 $0x1FC9;
	(pc) =	sbr.rel .LBB2_16-.Ltmp12, $4  }
0x181: {  	[hbm:s19], [sflag:s6] =	dma.local [spmem:s18], $0x2800  }
0x182: {  	_ =	swait.ge [sflag:s3], $0x2800  }
0x183: {  	[sflag:s3] =	ssyncset.done $0x0  }
0x184: {  	s6 =	rddreg [dreg:$0xb];
	[sflag:s3] =	ssyncadd.s32 $0xFFFFD800  }
.LBB2_7:
0x185: {  	s18 =	stileid.u32;
	s6 =	rddreg [dreg:$0xb]  }
0x186: {  	s20 =	rddreg [dreg:$0x9];
	s18 =	sshll.u32 s18, $0x6  }
.Ltmp13:
0x187: {  	s19 =	sshrl.u32 s6, $0x3;
	s18 =	sor.u32 $0x1C09, s18;
	(pc) =	sbr.rel .LBB2_16-.Ltmp13, $4  }
0x188: {  	[hbm:s20], [sflag:s18] =	dma.local [spmem:s19], $0x2700  }
0x189: {  	_ =	swait.ge [sflag:s3], $0x2700  }
0x18a: {  	[sflag:s3] =	ssyncset.done $0x0  }
0x18b: {  	[sflag:s3] =	ssyncadd.s32 $0xFFFFD900  }
.LBB2_17:
0x18c: {  	_ =	sfence.sel $0x180000  }
0x18d: {  	[bflag:$0x0] =	sbarrier.arrive $0xFFFF  }
0x18e: {  	_ =	strace $0x9000004A  }
0x18f: {  	s0 =	stileid.u32;
	[bflag:$0x2] =	sbarrier.arrive $0xFFFF  }
0x190: {  	p0 =	sne.s32 s0, $0x0;
	s0 =	rddreg [dreg:$0x3]  }
0x191: {  	s0 =	sadd.s32 @!p0 $0x100000, s0  }
0x192: {  	[sflag:s0] =	ssyncadd.tile.s32 @!p0 $0x1;
	_ =	shalt  }
.Lfunc_end2:
_tile_overlayer_lowered:
.L_overlay_start_2:
0x193: {  	(tag) =	ssettag $0x2  }
0x194: {  	s0 =	rddreg [dreg:$0x0];
	s2 =	stileid.u32  }
0x195: {  	s1 =	rddreg [dreg:$0x1];
	p0 =	sne.s32 s2, $0x0  }
0x196: {  	s3 =	rddreg [dreg:$0x2];
	[bflag:$0x3] =	sbarrier.arrive $0xFFFF;
	s2 =	simm.s32 @!p0 $0x1C09  }
0x197: {  	[timem:s3], [sflag:s2] =	dma.local @!p0 [hbm:s0], s1  }
0x198: {  	s0 =	simm.s32 @!p0 $0x9  }
0x199: {  	_ =	swait.ge @!p0 [sflag:s0], s1  }
0x19a: {  	s1 =	ssub.s32 @!p0 $0x0, s1;
	[sflag:s0] =	ssyncset.done @!p0 $0x0  }
0x19b: {  	[sflag:s0] =	ssyncadd.s32 @!p0 s1  }
0x19c: {  	[bflag:$0x3] =	sbarrier.arrive $0xFFFF  }
0x19d: {  	_ =	shalt  }

// kernel: kernel.16.cloned.1.call-start
scs
__scs_entry_jumppad:
0x0: {  	(pc) =	sbr.rel $0x88, $3  }
0x1: {  	(tag) =	ssettag $0x0;
	lr =	simm.s32 $0x1  }
0x2: {  	[smem:$0x3F99] =	sst lr;
	_ =	strace $0xD0000000  }
0x3: {  	_ = 	snop  }
0x4: {  	_ = 	snop  }
0x5: {  	_ = 	snop  }
0x6: {  	_ = 	snop  }
0x7: {  	_ = 	snop  }
__scs_overlays_trampoline_lowered:
0x8: {  	[smem:$0x3FA8] =	sst s0  }
0x9: {  	[smem:$0x3FA9] =	sst s1  }
0xa: {  	[smem:$0x3FAA] =	sst s2  }
0xb: {  	[smem:$0x3FAB] =	sst s3  }
0xc: {  	[smem:$0x3FAC] =	sst s4  }
0xd: {  	[smem:$0x3FAD] =	sst s5  }
0xe: {  	[smem:$0x3FAE] =	sst s6  }
0xf: {  	[smem:$0x3FAF] =	sst s7  }
0x10: {  	[smem:$0x3FB0] =	sst s8  }
0x11: {  	[smem:$0x3FB1] =	sst s9;
	s0 =	simm.s32 @!p0 $0x0  }
0x12: {  	s1 =	sld [smem:$0x3F97];
	s0 =	simm.s32 @p0 $0x1  }
0x13: {  	[smem:$0x3FB2] =	sst s0;
	s0 =	simm.s32 @!p1 $0x0  }
0x14: {  	s2 =	sld [smem:$0x3F96];
	s0 =	simm.s32 @p1 $0x1  }
0x15: {  	[smem:$0x3FB3] =	sst s0;
	s0 =	simm.s32 @!p2 $0x0  }
0x16: {  	s3 =	sld [smem:$0x3FDB];
	s0 =	simm.s32 @p2 $0x1  }
0x17: {  	s4 =	simm.s32 $0x1BF5;
	[smem:$0x3FB5] =	sst s0  }
0x18: {  	s0 =	sld [smem:$0x3F98];
	_ =	swait.ge [sflag:s4], $0x0  }
0x19: {  	s7 =	sld [smem:$0x3F99]  }
0x1a: {  	s8 =	sadd.s32 $0xFFFFE003, lr  }
0x1b: {  	s9 =	sadd.s32 $0xFFFFFEF7, lr;
	s5 =	simm.s32 $0xFFFFFFFF;
	p2 =	slt.u32 s8, $0xFFFFF086  }
0x1c: {  	p1 =	slt.u32 s9, $0xF7A;
	s5 =	simm.s32 @!p2 $0x0  }
0x1d: {  	s5 =	simm.s32 @p1 $0x1;
	p0 =	seq.s32 s7, s2  }
0x1e: {  	s7 =	smul.u32 @!p0 $0xF7A, s2;
	p2 =	seq.s32 @!p0 s5, $0x0  }
0x1f: {  	s9 =	smul.u32 $0xF7A, s1;
	s8 =	simm.s32 @!p0 $0x1BF5;
	p2 =	por !p2, p0  }
0x20: {  	[sflag:s8] =	ssyncset.s32 @!p0 $0xFFFFF086;
	s6 =	sadd.s32 @!p0 s3, s7;
	s7 =	simm.s32 @!p0 $0x108  }
0x21: {  	s3 =	sadd.s32 s3, s9;
	s6 =	sadd.s32 @!p0 $0x88, s6;
	s7 =	simm.s32 @p2 $0x1082  }
0x22: {  	[simem:s7], [sflag:s8] =	dma.local @!p0 [hbm:s6], $0xF7A  }
0x23: {  	s9 =	sor.u32 $0xD0000000, s2;
	s6 =	simm.s32 $0x108;
	_ =	swait.ge @!p0 [sflag:s8], $0x0  }
0x24: {  	s3 =	sadd.s32 $0x88, s3;
	s6 =	simm.s32 @!p1 $0x1082;
	[sflag:s4] =	ssyncset.s32 $0xFFFFF086  }
0x25: {  	[simem:s6], [sflag:s4] =	dma.local [hbm:s3], $0xF7A  }
0x26: {  	[smem:$0x3F99] =	sst s1;
	(tag) =	ssettag s2;
	_ =	strace s9  }
0x27: {  	s1 =	sld [smem:$0x3FA9]  }
0x28: {  	s2 =	sld [smem:$0x3FAA]  }
0x29: {  	s4 =	sld [smem:$0x3FAC]  }
0x2a: {  	p0 =	seq.s32 s5, $0x0;
	s5 =	sld [smem:$0x3FAD]  }
0x2b: {  	s6 =	sld [smem:$0x3FAE]  }
0x2c: {  	s7 =	sld [smem:$0x3FAF]  }
0x2d: {  	s3 =	simm.s32 $0x108;
	s8 =	sld [smem:$0x3FB0]  }
0x2e: {  	s3 =	simm.s32 @!p0 $0x1082;
	s9 =	sld [smem:$0x3FB1]  }
0x2f: {  	lr =	sadd.s32 s0, s3;
	s0 =	sld [smem:$0x3FA8]  }
0x30: {  	s3 =	sld [smem:$0x3FAB]  }
0x31: {  	[smem:$0x3FB4] =	sst s10  }
0x32: {  	s10 =	sld [smem:$0x3FB2];
	_ =	sdelay $0x3  }
0x33: {  	p0 =	seq.s32 s10, $0x1;
	s10 =	sld [smem:$0x3FB4];
	_ =	sdelay $0x3  }
0x34: {  	[smem:$0x3FB4] =	sst s10  }
0x35: {  	s10 =	sld [smem:$0x3FB3];
	_ =	sdelay $0x3  }
0x36: {  	p1 =	seq.s32 s10, $0x1;
	s10 =	sld [smem:$0x3FB4];
	_ =	sdelay $0x3  }
0x37: {  	[smem:$0x3FB4] =	sst s10  }
0x38: {  	s10 =	sld [smem:$0x3FB5]  }
0x39: {  	_ = 	snop;
	(pc) =	sbr.ind lr, $3  }
0x3a: {  	_ = 	snop  }
0x3b: {  	_ = 	snop  }
0x3c: {  	p2 =	seq.s32 s10, $0x1;
	s10 =	sld [smem:$0x3FB4]  }
0x3d: {  	_ =	shalt  }
0x3e: {  	_ =	shalt  }
0x3f: {  	_ =	shalt  }
0x40: {  	_ =	shalt  }
0x41: {  	_ =	shalt  }
0x42: {  	_ =	shalt  }
0x43: {  	_ =	shalt  }
0x44: {  	_ =	shalt  }
0x45: {  	_ =	shalt  }
0x46: {  	_ =	shalt  }
0x47: {  	_ =	shalt  }
0x48: {  	_ =	shalt  }
0x49: {  	_ =	shalt  }
0x4a: {  	_ =	shalt  }
0x4b: {  	_ =	shalt  }
0x4c: {  	_ =	shalt  }
0x4d: {  	_ =	shalt  }
0x4e: {  	_ =	shalt  }
0x4f: {  	_ =	shalt  }
0x50: {  	_ =	shalt  }
0x51: {  	_ =	shalt  }
0x52: {  	_ =	shalt  }
0x53: {  	_ =	shalt  }
0x54: {  	_ =	shalt  }
0x55: {  	_ =	shalt  }
0x56: {  	_ =	shalt  }
0x57: {  	_ =	shalt  }
0x58: {  	_ =	shalt  }
0x59: {  	_ =	shalt  }
0x5a: {  	_ =	shalt  }
0x5b: {  	_ =	shalt  }
0x5c: {  	_ =	shalt  }
0x5d: {  	_ =	shalt  }
0x5e: {  	_ =	shalt  }
0x5f: {  	_ =	shalt  }
0x60: {  	_ =	shalt  }
0x61: {  	_ =	shalt  }
0x62: {  	_ =	shalt  }
0x63: {  	_ =	shalt  }
0x64: {  	_ =	shalt  }
0x65: {  	_ =	shalt  }
0x66: {  	_ =	shalt  }
0x67: {  	_ =	shalt  }
0x68: {  	_ =	shalt  }
0x69: {  	_ =	shalt  }
0x6a: {  	_ =	shalt  }
0x6b: {  	_ =	shalt  }
0x6c: {  	_ =	shalt  }
0x6d: {  	_ =	shalt  }
0x6e: {  	_ =	shalt  }
0x6f: {  	_ =	shalt  }
0x70: {  	_ =	shalt  }
0x71: {  	_ =	shalt  }
0x72: {  	_ =	shalt  }
0x73: {  	_ =	shalt  }
0x74: {  	_ =	shalt  }
0x75: {  	_ =	shalt  }
0x76: {  	_ =	shalt  }
0x77: {  	_ =	shalt  }
0x78: {  	_ =	shalt  }
0x79: {  	_ =	shalt  }
0x7a: {  	_ =	shalt  }
0x7b: {  	_ =	shalt  }
0x7c: {  	_ =	shalt  }
0x7d: {  	_ =	shalt  }
0x7e: {  	_ =	shalt  }
0x7f: {  	_ =	shalt  }
0x80: {  	_ =	shalt  }
0x81: {  	_ =	shalt  }
0x82: {  	_ =	shalt  }
0x83: {  	_ =	shalt  }
0x84: {  	_ =	shalt  }
0x85: {  	_ =	shalt  }
0x86: {  	_ =	shalt  }
0x87: {  	_ =	shalt  }
.Lfunc_end0:
.L_simem_size_0:
called_computation.2_lowered:
.L_overlay_start_0:
0x88: {  	s2 =	sld [smem:$0x3FD9]  }
0x89: {  	s3 =	sld [smem:$0x3FFE];
	_ =	sdelay $0x1  }
0x8a: {  	s1 =	srdreg.scid  }
0x8b: {  	s0 =	sand.u32 $0x1, s1  }
0x8c: {  	s17 =	sshll.u32 s0, $0xA;
	s2 =	sadd.s32 s3, s2  }
0x8d: {  	s2 =	sadd.s32 s2, s17  }
0x8e: {  	[smem:$0x3FC0] =	sst s2  }
0x8f: {  	_ = 	snop  }
0x90: {  	s2 =	sld [smem:$0x3FD0];
	(tm) =	ssettm $0x1  }
0x91: {  	s18 =	sld [smem:$0x3FFB];
	_ =	sdelay $0x3  }
0x92: {  	_ =	strace s18  }
0x93: {  	s3 =	sld [smem:$0x3FFC];
	_ =	sdelay $0x3  }
0x94: {  	_ =	strace s3  }
0x95: {  	s3 =	sld [smem:$0x3FFD];
	_ =	sdelay $0x3  }
0x96: {  	_ =	strace s3  }
0x97: {  	_ =	strace $0x8FFFFFFF  }
0x98: {  	s19 =	sld [smem:$0x3FDB];
	_ =	sdelay $0x1  }
0x99: {  	s4 =	simm.s32 $_scs_section_size  }
0x9a: {  	s5 =	simm.s32 $_size__tile_overlayer_lowered;
	s6 =	simm.s32 $_tile_overlayer_lowered  }
0x9b: {  	s22 =	simm.s32 $0x1BFF;
	s21 =	sshll.u32 s6, $0x1;
	s3 =	sadd.s32 s4, s19  }
0x9c: {  	s7 =	simm.s32 $0x0;
	s20 =	sshll.u32 s5, $0x1;
	s5 =	sadd.s32 s21, s3  }
0x9d: {  	[timem:s7], [sflag:s22] =	dma.local [hbm:s5], s20  }
0x9e: {  	_ =	swait.ge [sflag:s22], s20  }
0x9f: {  	s4 =	ssub.s32 $0x0, s20;
	[sflag:s22] =	ssyncset.done $0x0  }
0xa0: {  	[sflag:s22] =	ssyncadd.s32 s4;
	_ =	sdelay $0x1  }
0xa1: {  	s23 =	simm.s32 $0x1B8B  }
0xa2: {  	_ =	swait.ge [sflag:s23], $0x1  }
0xa3: {  	[sflag:s23] =	ssyncset.done $0x0  }
0xa4: {  	s25 =	simm.s32 $0x1B8E;
	s24 =	sld [smem:$0x3FFE];
	[sflag:s23] =	ssyncadd.s32 $0xFFFFFFFF  }
0xa5: {  	s26 =	simm.s32 $execute0_lowered;
	[smem:$0x3FD2] =	sst s25  }
0xa6: {  	s5 =	sshll.u32 s26, $0x1;
	_ =	strace $0x8000004C;
	[dreg:$0x1] =	wrdreg $0xFFFFFFFF  }
0xa7: {  	s28 =	simm.s32 $_size_execute0_lowered;
	s3 =	sadd.s32 s3, s5;
	[dreg:$0x0] =	wrdreg $0x0  }
0xa8: {  	s5 =	sshll.u32 s28, $0x1;
	[dreg:$0x2] =	wrdreg s3  }
0xa9: {  	[dreg:$0x3] =	wrdreg s5  }
0xaa: {  	[dreg:$0x4] =	wrdreg $0xC0  }
0xab: {  	_ =	task [dreg:s7], $0x5FFFF  }
0xac: {  	[dreg:$0x1] =	wrdreg $0xFFFFFFFF  }
0xad: {  	[dreg:$0x0] =	wrdreg $0x60  }
0xae: {  	[dreg:$0x2] =	wrdreg s2  }
0xaf: {  	[dreg:$0x3] =	wrdreg s24  }
0xb0: {  	[dreg:$0x4] =	wrdreg $0x0  }
0xb1: {  	[dreg:$0x5] =	wrdreg $0x9  }
0xb2: {  	_ =	task.clear_ibuf [dreg:s7], $0x6FFFF;
	_ =	strace $0x9000004C  }
0xb3: {  	s29 =	simm.s32 $0x9;
	_ =	strace $0x8000004E  }
0xb4: {  	_ =	swait.ge [sflag:s29], $0x1  }
0xb5: {  	[sflag:s29] =	ssyncadd.s32 $0xFFFFFFFF  }
0xb6: {  	_ =	strace $0x9000004E  }
0xb7: {  	_ =	sfence  }
0xb8: {  	s30 =	sld [smem:$0x0];
	_ =	sdelay $0x2  }
0xb9: {  	s31 =	sshll.u32 s1, $0xD;
	s1 =	sshrl.u32 s1, $0x2  }
0xba: {  	s3 =	sand.u32 $0x4000, s31;
	s1 =	sadd.s32 s1, s30  }
0xbb: {  	s0 =	sor.u32 s3, s0;
	s1 =	sshll.u32 s1, $0x11  }
0xbc: {  	s0 =	sor.u32 s1, s0  }
0xbd: {  	s0 =	sadd.s32 $0x8F2B, s0  }
0xbe: {  	[sflag:s0] =	ssyncadd.remote.s32 $0x1  }
0xbf: {  	_ =	sfence.sel $0xFFFF  }
0xc0: {  	[dreg:$0x0] =	wrdreg $0xFFFFFFFF;
	(pc) =	sbr.abs _section_cstart, $3  }
0xc1: {  	[dreg:$0x1] =	wrdreg $0xFFFFFFFF  }
0xc2: {  	_ =	task.clear_ibuf [dreg:s7], $0x2FFFF;
	_ =	strace $0x9FFFFFFF  }
0xc3: {  	(tm) =	ssettm $0x7FFFFFFF  }
tec
execute0_lowered:
.L_overlay_start_1:
0x0: {  	(tag) =	ssettag $0x1  }
0x1: {  	s1 =	rddreg [dreg:$0x0]  }
0x2: {  	s0 =	rddreg [dreg:$0x1]  }
0x3: {  	s2 =	rddreg [dreg:$0x2];
	s4 =	simm.s32 $0x0  }
0x4: {  	s17 =	stileid.u32;
	s3 =	srdreg.scid;
	s28 =	simm.s32 $0x13880  }
0x5: {  	s29 =	simm.s32 $0x13980;
	s30 =	simm.s32 $0x1;
	s31 =	simm.s32 $0x80  }
0x6: {  	[smem:$0x7FF] =	sst s4;
	s5 =	sadd.s32 $0xEE00, s0;
	s7 =	smul.u32 $0x2700, s17  }
0x7: {  	s3 =	sand.u32 $0x1, s3;
	s9 =	sadd.s32 $0x4E00, s0;
	s8 =	smul.u32 $0x4E000, s17  }
0x8: {  	s12 =	sadd.s32 $0x9E00, s0;
	s23 =	sshll.u32 s17, $0x4;
	s24 =	sadd.s32 $0x24900, s1  }
0x9: {  	s25 =	sadd.s32 $0x81B00, s0;
	p1 =	seq.s32 s17, $0xF;
	p2 =	sgt.u32 s17, $0x1  }
0xa: {  	s17 =	simm.s32 $0x4;
	_ =	strace $0x8000004D;
	s6 =	ssub.s32 $0x2, s3  }
0xb: {  	p0 =	seq.s32 s3, $0x1;
	[dreg:$0x5] =	wrdreg s24;
	s15 =	sor.u32 $0x100, s23  }
0xc: {  	s11 =	sadd.s32 s12, s23;
	s16 =	sor.u32 $0x4E00, s23;
	[dreg:$0x6] =	wrdreg s25  }
0xd: {  	s3 =	sor.u32 $0x4D00, s23;
	s13 =	sadd.s32 s7, s0;
	s10 =	sshrl.u32 s6, $0x1  }
0xe: {  	s21 =	sshrl.u32 s8, $0x2;
	s22 =	sadd.s32 s1, s7;
	s8 =	sadd.s32 $0x124800, s2  }
0xf: {  	s26 =	sadd.s32 s9, s16;
	s16 =	sadd.s32 s12, s16;
	[dreg:$0x4] =	wrdreg s22  }
0x10: {  	s7 =	sadd.s32 s5, s7;
	s20 =	sadd.s32 s12, s15;
	[dreg:$0x7] =	wrdreg s26  }
0x11: {  	s25 =	sadd.s32 $0x4C00, s11;
	s14 =	ssub.s32 s6, s10;
	[dreg:$0x8] =	wrdreg s16  }
0x12: {  	s6 =	sadd.s32 s21, s2;
	s10 =	sadd.s32 s9, s23;
	[dreg:$0xa] =	wrdreg s7  }
0x13: {  	s19 =	sadd.s32 $0x5D200, s13;
	s26 =	sadd.s32 s9, s15;
	[dreg:$0xc] =	wrdreg s20  }
0x14: {  	s21 =	sadd.s32 s9, s3;
	s3 =	sadd.s32 s12, s3;
	[dreg:$0x14] =	wrdreg s25  }
0x15: {  	s22 =	sadd.s32 $0x33700, s0;
	s0 =	sadd.s32 $0xA8D00, s0;
	[dreg:$0x9] =	wrdreg s19  }
0x16: {  	s23 =	sadd.s32 $0x84400, s13;
	s13 =	simm.s32 $0x13900;
	[dreg:$0xd] =	wrdreg s21  }
0x17: {  	s16 =	simm.s32 $0x2;
	s7 =	simm.s32 $0x5;
	[dreg:$0xe] =	wrdreg s3  }
0x18: {  	s9 =	simm.s32 $0x3;
	s15 =	simm.s32 $0x6;
	[dreg:$0xf] =	wrdreg s22  }
.Ltmp0:
0x19: {  	s12 =	simm.s32 $0x0;
	[dreg:$0x11] =	wrdreg s0;
	(pc) =	sbr.rel .LBB2_1-.Ltmp0, $4  }
0x1a: {  	s18 =	sadd.s32 $0x200, s10;
	[dreg:$0x12] =	wrdreg s23;
	s24 =	smax.u32 s14, $0x1  }
0x1b: {  	s0 =	simm.s32 $0x13A80;
	s23 =	simm.s32 $0x13A00;
	[dreg:$0xb] =	wrdreg s6  }
0x1c: {  	s14 =	simm.s32 $0x7;
	s22 =	simm.s32 $0x8;
	[dreg:$0x10] =	wrdreg s18  }
0x1d: {  	s3 =	simm.s32 $0x9;
	[dreg:$0x13] =	wrdreg s24;
	s24 =	simm.s32 $0x17A80  }
.LBB2_15:
0x1e: {  	s18 =	sshrl.u32 s8, $0x3;
	s19 =	rddreg [dreg:$0x11];
	s20 =	simm.s32 $0x1FC9  }
0x1f: {  	[hbm:s19], [sflag:s20] =	dma.local [spmem:s18], $0x2800  }
0x20: {  	_ =	swait.ge [sflag:s3], $0x2800  }
0x21: {  	[sflag:s3] =	ssyncset.done $0x0  }
0x22: {  	[sflag:s3] =	ssyncadd.s32 $0xFFFFD800  }
.LBB2_16:
0x23: {  	s12 =	sadd.s32 $0x1, s12;
	s18 =	rddreg [dreg:$0x13]  }
0x24: {  	p3 =	sne.s32 s12, s18  }
.Ltmp1:
0x25: {  	_ = 	snop;
	(pc) =	sbr.rel @!p3 .LBB2_17-.Ltmp1, $1  }
0x26: {  	_ =	sdelay $0x3  }
.LBB2_1:
.Ltmp2:
0x27: {  	(pc) =	sbr.rel @!p0 .LBB2_2-.Ltmp2, $4  }
0x28: {  	_ = 	snop  }
0x29: {  	s18 =	stileid.u32  }
0x2a: {  	s19 =	sshll.u32 @!p1 s18, $0x6  }
0x2b: {  	s20 =	sshrl.u32 @p1 s8, $0x3;
	s18 =	sshrl.u32 @!p1 s6, $0x3;
	s19 =	sor.u32 @!p1 $0x1C09, s19  }
0x2c: {  	s21 =	simm.s32 @p1 $0x1FC9;
	s25 =	rddreg [dreg:$0xf]  }
0x2d: {  	[spmem:s20], [sflag:s21] =	dma.local @p1 [hbm:s25], $0x2800  }
0x2e: {  	s20 =	simm.s32 @p1 $0x9  }
0x2f: {  	_ =	swait.ge @p1 [sflag:s20], $0x2800  }
0x30: {  	[sflag:s20] =	ssyncset.done @p1 $0x0  }
0x31: {  	[sflag:s20] =	ssyncadd.s32 @p1 $0xFFFFD800;
	s20 =	rddreg [dreg:$0xa]  }
0x32: {  	[spmem:s18], [sflag:s19] =	dma.local @!p1 [hbm:s20], $0x2700  }
0x33: {  	s18 =	simm.s32 @!p1 $0x9  }
0x34: {  	_ =	swait.ge @!p1 [sflag:s18], $0x2700  }
0x35: {  	[sflag:s18] =	ssyncset.done @!p1 $0x0  }
0x36: {  	[sflag:s18] =	ssyncadd.s32 @!p1 $0xFFFFD900  }
0x37: {  	[bflag:$0x0] =	sbarrier.arrive $0xFFFF  }
0x38: {  	[tilespmem:s28], [sflag:$0x1] =	stream.linear.gather [hbm4b:s10+s4], $0x80, $0x38;
	[tilespmem:$0x1BA80] =	vst v63  }
0x39: {  	_ = 	snop  }
0x3a: {  	[tilespmem:s29], [sflag:$0x3] =	stream.linear.gather [hbm4b:s11+s4], $0x80, $0x38;
	[tilespmem:$0x1BA80] =	vst v63  }
0x3b: {  	_ =	swait.ge [sflag:s30], $0x80  }
0x3c: {  	[sflag:s30] =	ssyncset.done $0x0  }
0x3d: {  	[sflag:s30] =	ssyncadd.s32 $0xFFFFFF80  }
0x3e: {  	[tilespmem:s0], [sflag:$0x5] =	stream.indirect.gather [hbm4b:s5+s31], $0x80, s28, s31, $0xb8;
	[tilespmem:$0x1BA80] =	vst v63  }
0x3f: {  	_ = 	snop  }
0x40: {  	[tilespmem:s13], [sflag:$0x2] =	stream.linear.gather [hbm4b:s26+s4], $0x80, $0x38;
	[tilespmem:$0x1BA80] =	vst v63  }
0x41: {  	s19 =	rddreg [dreg:$0xc]  }
0x42: {  	[tilespmem:s23], [sflag:$0x4] =	stream.linear.gather [hbm4b:s19+s4], $0x80, $0x38;
	[tilespmem:$0x1BA80] =	vst v63  }
0x43: {  	_ =	swait.ge [sflag:s16], $0x80  }
0x44: {  	[sflag:s16] =	ssyncset.done $0x0  }
0x45: {  	[sflag:s16] =	ssyncadd.s32 $0xFFFFFF80  }
0x46: {  	[tilespmem:s24], [sflag:$0x6] =	stream.indirect.gather [hbm4b:s5+s31], $0x80, s13, s31, $0xb8;
	[tilespmem:$0x1BA80] =	vst v63  }
0x47: {  	_ =	swait.ge [sflag:s7], $0x4000  }
0x48: {  	[sflag:s7] =	ssyncset.done $0x0  }
0x49: {  	s20 =	rddreg [dreg:$0x10];
	[sflag:s7] =	ssyncadd.s32 $0xFFFFC000  }
0x4a: {  	[tilespmem:s28], [sflag:$0x1] =	stream.linear.gather [hbm4b:s20+s4], $0x80, $0x38;
	[tilespmem:$0x1BA80] =	vst v63  }
0x4b: {  	_ =	swait.ge [sflag:s9], $0x80  }
0x4c: {  	[sflag:s9] =	ssyncset.done $0x0  }
0x4d: {  	[sflag:s9] =	ssyncadd.s32 $0xFFFFFF80  }
0x4e: {  	[spmem:s2] =	stream.indirect.scatter.add.f32 [tilespmem:s0], [sflag:$0x7], $0x80, s29, s31, $0xb8;
	[tilespmem:$0x1BA80] =	vst v63  }
0x4f: {  	_ =	swait.ge [sflag:s14], $0x4000  }
0x50: {  	s18 =	sadd.s32 $0xFFFFB600, s11;
	[sflag:s14] =	ssyncset.done $0x0  }
0x51: {  	s21 =	sadd.s32 $0x4C00, s18;
	[sflag:s14] =	ssyncadd.s32 $0xFFFFC000  }
0x52: {  	[tilespmem:s29], [sflag:$0x3] =	stream.linear.gather [hbm4b:s21+s4], $0x80, $0x38;
	[tilespmem:$0x1BA80] =	vst v63  }
0x53: {  	_ =	swait.ge [sflag:s30], $0x80  }
0x54: {  	[sflag:s30] =	ssyncset.done $0x0  }
0x55: {  	[sflag:s30] =	ssyncadd.s32 $0xFFFFFF80  }
0x56: {  	[tilespmem:s0], [sflag:$0x5] =	stream.indirect.gather [hbm4b:s5+s31], $0x80, s28, s31, $0xb8;
	[tilespmem:$0x1BA80] =	vst v63  }
0x57: {  	_ =	swait.ge [sflag:s15], $0x4000  }
0x58: {  	s25 =	sadd.s32 $0xFFFFB600, s10;
	[sflag:s15] =	ssyncset.done $0x0  }
0x59: {  	s21 =	sadd.s32 $0x4D00, s25;
	[sflag:s15] =	ssyncadd.s32 $0xFFFFC000  }
0x5a: {  	[tilespmem:s13], [sflag:$0x2] =	stream.linear.gather [hbm4b:s21+s4], $0x80, $0x38;
	[tilespmem:$0x1BA80] =	vst v63  }
0x5b: {  	_ =	swait.ge [sflag:s17], $0x80  }
0x5c: {  	[sflag:s17] =	ssyncset.done $0x0  }
0x5d: {  	[sflag:s17] =	ssyncadd.s32 $0xFFFFFF80  }
0x5e: {  	[spmem:s2] =	stream.indirect.scatter.add.f32 [tilespmem:s24], [sflag:$0x8], $0x80, s23, s31, $0xb8;
	[tilespmem:$0x1BA80] =	vst v63  }
0x5f: {  	_ =	swait.ge [sflag:s22], $0x4000  }
0x60: {  	[sflag:s22] =	ssyncset.done $0x0  }
0x61: {  	s18 =	sadd.s32 $0x4D00, s18;
	[sflag:s22] =	ssyncadd.s32 $0xFFFFC000  }
0x62: {  	[tilespmem:s23], [sflag:$0x4] =	stream.linear.gather [hbm4b:s18+s4], $0x80, $0x38;
	[tilespmem:$0x1BA80] =	vst v63  }
0x63: {  	_ =	swait.ge [sflag:s16], $0x80  }
0x64: {  	[sflag:s16] =	ssyncset.done $0x0  }
0x65: {  	[sflag:s16] =	ssyncadd.s32 $0xFFFFFF80  }
0x66: {  	[tilespmem:s24], [sflag:$0x6] =	stream.indirect.gather [hbm4b:s5+s31], $0x80, s13, s31, $0xb8;
	[tilespmem:$0x1BA80] =	vst v63  }
0x67: {  	_ =	swait.ge [sflag:s7], $0x4000  }
0x68: {  	[sflag:s7] =	ssyncset.done $0x0  }
0x69: {  	s25 =	sadd.s32 $0x4E00, s25;
	[sflag:s7] =	ssyncadd.s32 $0xFFFFC000  }
0x6a: {  	[tilespmem:s28], [sflag:$0x1] =	stream.linear.gather [hbm4b:s25+s4], $0x80, $0x38;
	[tilespmem:$0x1BA80] =	vst v63  }
0x6b: {  	_ =	swait.ge [sflag:s9], $0x80  }
0x6c: {  	[sflag:s9] =	ssyncset.done $0x0  }
0x6d: {  	s18 =	simm.s32 $0xFFFFB800;
	[sflag:s9] =	ssyncadd.s32 $0xFFFFFF80  }
.LBB2_10:
0x6e: {  	[spmem:s2] =	stream.indirect.scatter.add.f32 [tilespmem:s0], [sflag:$0x7], $0x80, s29, s31, $0xb8;
	[tilespmem:$0x1BA80] =	vst v63  }
0x6f: {  	s19 =	smov.u32 s18  }
0x70: {  	p3 =	sne.s32 s18, $0xFFFFFE00;
	s18 =	sadd.s32 $0x200, s18;
	_ =	swait.ge [sflag:s14], $0x4000  }
0x71: {  	s20 =	sadd.s32 s19, s11;
	[sflag:s14] =	ssyncset.done $0x0  }
0x72: {  	s21 =	sadd.s32 $0x4C00, s20;
	[sflag:s14] =	ssyncadd.s32 $0xFFFFC000  }
0x73: {  	[tilespmem:s29], [sflag:$0x3] =	stream.linear.gather [hbm4b:s21+s4], $0x80, $0x38;
	[tilespmem:$0x1BA80] =	vst v63  }
0x74: {  	_ =	swait.ge [sflag:s30], $0x80  }
0x75: {  	[sflag:s30] =	ssyncset.done $0x0  }
0x76: {  	[sflag:s30] =	ssyncadd.s32 $0xFFFFFF80  }
0x77: {  	[tilespmem:s0], [sflag:$0x5] =	stream.indirect.gather [hbm4b:s5+s31], $0x80, s28, s31, $0xb8;
	[tilespmem:$0x1BA80] =	vst v63  }
0x78: {  	_ =	swait.ge [sflag:s15], $0x4000  }
0x79: {  	s19 =	sadd.s32 s19, s10;
	[sflag:s15] =	ssyncset.done $0x0  }
0x7a: {  	s21 =	sadd.s32 $0x4D00, s19;
	[sflag:s15] =	ssyncadd.s32 $0xFFFFC000  }
0x7b: {  	[tilespmem:s13], [sflag:$0x2] =	stream.linear.gather [hbm4b:s21+s4], $0x80, $0x38;
	[tilespmem:$0x1BA80] =	vst v63  }
0x7c: {  	_ =	swait.ge [sflag:s17], $0x80  }
0x7d: {  	[sflag:s17] =	ssyncset.done $0x0  }
0x7e: {  	[sflag:s17] =	ssyncadd.s32 $0xFFFFFF80  }
0x7f: {  	[spmem:s2] =	stream.indirect.scatter.add.f32 [tilespmem:s24], [sflag:$0x8], $0x80, s23, s31, $0xb8;
	[tilespmem:$0x1BA80] =	vst v63  }
0x80: {  	_ =	swait.ge [sflag:s22], $0x4000  }
0x81: {  	[sflag:s22] =	ssyncset.done $0x0  }
0x82: {  	s20 =	sadd.s32 $0x4D00, s20;
	[sflag:s22] =	ssyncadd.s32 $0xFFFFC000  }
0x83: {  	[tilespmem:s23], [sflag:$0x4] =	stream.linear.gather [hbm4b:s20+s4], $0x80, $0x38;
	[tilespmem:$0x1BA80] =	vst v63  }
0x84: {  	_ =	swait.ge [sflag:s16], $0x80  }
0x85: {  	[sflag:s16] =	ssyncset.done $0x0  }
0x86: {  	[sflag:s16] =	ssyncadd.s32 $0xFFFFFF80  }
0x87: {  	[tilespmem:s24], [sflag:$0x6] =	stream.indirect.gather [hbm4b:s5+s31], $0x80, s13, s31, $0xb8;
	[tilespmem:$0x1BA80] =	vst v63  }
0x88: {  	_ =	swait.ge [sflag:s7], $0x4000  }
0x89: {  	[sflag:s7] =	ssyncset.done $0x0  }
.Ltmp3:
0x8a: {  	s19 =	sadd.s32 $0x4E00, s19;
	[sflag:s7] =	ssyncadd.s32 $0xFFFFC000;
	(pc) =	sbr.rel @p3 .LBB2_10-.Ltmp3, $4  }
0x8b: {  	[tilespmem:s28], [sflag:$0x1] =	stream.linear.gather [hbm4b:s19+s4], $0x80, $0x38;
	[tilespmem:$0x1BA80] =	vst v63  }
0x8c: {  	_ =	swait.ge [sflag:s9], $0x80  }
0x8d: {  	[sflag:s9] =	ssyncset.done $0x0  }
0x8e: {  	[sflag:s9] =	ssyncadd.s32 $0xFFFFFF80  }
0x8f: {  	[spmem:s2] =	stream.indirect.scatter.add.f32 [tilespmem:s0], [sflag:$0x7], $0x80, s29, s31, $0xb8;
	[tilespmem:$0x1BA80] =	vst v63  }
0x90: {  	_ =	swait.ge [sflag:s14], $0x4000  }
0x91: {  	[sflag:s14] =	ssyncset.done $0x0  }
0x92: {  	s18 =	rddreg [dreg:$0x14];
	[sflag:s14] =	ssyncadd.s32 $0xFFFFC000  }
0x93: {  	[tilespmem:s29], [sflag:$0x3] =	stream.linear.gather [hbm4b:s18+s4], $0x80, $0x38;
	[tilespmem:$0x1BA80] =	vst v63  }
0x94: {  	_ =	swait.ge [sflag:s30], $0x80  }
0x95: {  	[sflag:s30] =	ssyncset.done $0x0  }
0x96: {  	[sflag:s30] =	ssyncadd.s32 $0xFFFFFF80  }
0x97: {  	[tilespmem:s0], [sflag:$0x5] =	stream.indirect.gather [hbm4b:s5+s31], $0x80, s28, s31, $0xb8;
	[tilespmem:$0x1BA80] =	vst v63  }
0x98: {  	_ =	swait.ge [sflag:s15], $0x4000  }
0x99: {  	[sflag:s15] =	ssyncset.done $0x0  }
0x9a: {  	s21 =	rddreg [dreg:$0xd];
	[sflag:s15] =	ssyncadd.s32 $0xFFFFC000  }
0x9b: {  	[tilespmem:s13], [sflag:$0x2] =	stream.linear.gather [hbm4b:s21+s4], $0x80, $0x38;
	[tilespmem:$0x1BA80] =	vst v63  }
0x9c: {  	_ =	swait.ge [sflag:s17], $0x80  }
0x9d: {  	[sflag:s17] =	ssyncset.done $0x0  }
0x9e: {  	[sflag:s17] =	ssyncadd.s32 $0xFFFFFF80  }
0x9f: {  	[spmem:s2] =	stream.indirect.scatter.add.f32 [tilespmem:s24], [sflag:$0x8], $0x80, s23, s31, $0xb8;
	[tilespmem:$0x1BA80] =	vst v63  }
0xa0: {  	_ =	swait.ge [sflag:s22], $0x4000  }
0xa1: {  	[sflag:s22] =	ssyncset.done $0x0  }
0xa2: {  	s25 =	rddreg [dreg:$0xe];
	[sflag:s22] =	ssyncadd.s32 $0xFFFFC000  }
0xa3: {  	[tilespmem:s23], [sflag:$0x4] =	stream.linear.gather [hbm4b:s25+s4], $0x80, $0x38;
	[tilespmem:$0x1BA80] =	vst v63  }
0xa4: {  	_ =	swait.ge [sflag:s16], $0x80  }
0xa5: {  	[sflag:s16] =	ssyncset.done $0x0  }
0xa6: {  	[sflag:s16] =	ssyncadd.s32 $0xFFFFFF80  }
0xa7: {  	[tilespmem:s24], [sflag:$0x6] =	stream.indirect.gather [hbm4b:s5+s31], $0x80, s13, s31, $0xb8;
	[tilespmem:$0x1BA80] =	vst v63  }
0xa8: {  	_ =	swait.ge [sflag:s7], $0x4000  }
0xa9: {  	[sflag:s7] =	ssyncset.done $0x0  }
0xaa: {  	[sflag:s7] =	ssyncadd.s32 $0xFFFFC000  }
0xab: {  	_ =	swait.ge [sflag:s9], $0x80  }
0xac: {  	[sflag:s9] =	ssyncset.done $0x0  }
0xad: {  	[sflag:s9] =	ssyncadd.s32 $0xFFFFFF80  }
0xae: {  	[spmem:s2] =	stream.indirect.scatter.add.f32 [tilespmem:s0], [sflag:$0x7], $0x80, s29, s31, $0xb8;
	[tilespmem:$0x1BA80] =	vst v63  }
0xaf: {  	_ =	swait.ge [sflag:s15], $0x4000  }
0xb0: {  	[sflag:s15] =	ssyncset.done $0x0  }
0xb1: {  	[sflag:s15] =	ssyncadd.s32 $0xFFFFC000  }
0xb2: {  	_ =	swait.ge [sflag:s17], $0x80  }
0xb3: {  	[sflag:s17] =	ssyncset.done $0x0  }
0xb4: {  	[sflag:s17] =	ssyncadd.s32 $0xFFFFFF80  }
0xb5: {  	[spmem:s2] =	stream.indirect.scatter.add.f32 [tilespmem:s24], [sflag:$0x8], $0x80, s23, s31, $0xb8;
	[tilespmem:$0x1BA80] =	vst v63  }
0xb6: {  	_ =	swait.ge [sflag:s14], $0x4000  }
.Ltmp4:
0xb7: {  	[sflag:s14] =	ssyncset.done $0x0;
	(pc) =	sbr.rel @p2 .LBB2_13-.Ltmp4, $4  }
0xb8: {  	[sflag:s14] =	ssyncadd.s32 $0xFFFFC000  }
0xb9: {  	_ =	swait.ge [sflag:s22], $0x4000  }
0xba: {  	[sflag:s22] =	ssyncset.done $0x0  }
0xbb: {  	[sflag:s22] =	ssyncadd.s32 $0xFFFFC000  }
0xbc: {  	s18 =	rddreg [dreg:$0x7]  }
0xbd: {  	[tilespmem:s28], [sflag:$0x9] =	stream.linear.gather [hbm4b:s18+s4], $0x80, $0x38;
	[tilespmem:$0x1BA80] =	vst v63  }
0xbe: {  	_ =	swait.ge [sflag:s3], $0x80  }
0xbf: {  	[sflag:s3] =	ssyncset.done $0x0  }
0xc0: {  	s25 =	rddreg [dreg:$0x8];
	[sflag:s3] =	ssyncadd.s32 $0xFFFFFF80  }
0xc1: {  	[tilespmem:s29], [sflag:$0x9] =	stream.linear.gather [hbm4b:s25+s4], $0x80, $0x38;
	[tilespmem:$0x1BA80] =	vst v63  }
0xc2: {  	_ =	swait.ge [sflag:s3], $0x80  }
0xc3: {  	[sflag:s3] =	ssyncset.done $0x0  }
0xc4: {  	[sflag:s3] =	ssyncadd.s32 $0xFFFFFF80  }
0xc5: {  	[tilespmem:s0], [sflag:$0x5] =	stream.indirect.gather [hbm4b:s5+s31], $0x80, s28, s31, $0xb8;
	[tilespmem:$0x1BA80] =	vst v63  }
0xc6: {  	_ =	swait.ge [sflag:s7], $0x4000  }
0xc7: {  	[sflag:s7] =	ssyncset.done $0x0  }
0xc8: {  	[sflag:s7] =	ssyncadd.s32 $0xFFFFC000  }
0xc9: {  	[spmem:s2] =	stream.indirect.scatter.add.f32 [tilespmem:s0], [sflag:$0x9], $0x80, s29, s31, $0xb8;
	[tilespmem:$0x1BA80] =	vst v63  }
.Ltmp5:
0xca: {  	_ =	swait.ge [sflag:s3], $0x4000;
	(pc) =	sbr.rel .LBB2_14-.Ltmp5, $3  }
0xcb: {  	[sflag:s3] =	ssyncset.done $0x0  }
0xcc: {  	[sflag:s3] =	ssyncadd.s32 $0xFFFFC000  }
0xcd: {  	[bflag:$0x0] =	sbarrier.arrive $0xFFFF;
	_ =	sdelay $0x1  }
.LBB2_2:
0xce: {  	s21 =	simm.s32 @p1 $0x1FC9;
	s25 =	rddreg [dreg:$0x5]  }
0xcf: {  	[spmem:s20], [sflag:s21] =	dma.local @p1 [hbm:s25], $0x2800  }
0xd0: {  	s20 =	simm.s32 @p1 $0x9  }
0xd1: {  	s21 =	rddreg [dreg:$0x10];
	_ =	swait.ge @p1 [sflag:s20], $0x2800  }
0xd2: {  	[sflag:s20] =	ssyncset.done @p1 $0x0  }
0xd3: {  	[sflag:s20] =	ssyncadd.s32 @p1 $0xFFFFD800;
	s20 =	rddreg [dreg:$0x4]  }
0xd4: {  	[spmem:s18], [sflag:s19] =	dma.local @!p1 [hbm:s20], $0x2700  }
0xd5: {  	s18 =	simm.s32 @!p1 $0x9  }
0xd6: {  	_ =	swait.ge @!p1 [sflag:s18], $0x2700  }
0xd7: {  	[sflag:s18] =	ssyncset.done @!p1 $0x0  }
0xd8: {  	[sflag:s18] =	ssyncadd.s32 @!p1 $0xFFFFD900  }
0xd9: {  	[bflag:$0x0] =	sbarrier.arrive $0xFFFF  }
0xda: {  	[tilespmem:s28], [sflag:$0x1] =	stream.linear.gather [hbm4b:s10+s4], $0x80, $0x38;
	[tilespmem:$0x1BA80] =	vst v63  }
0xdb: {  	_ = 	snop  }
0xdc: {  	[tilespmem:s29], [sflag:$0x3] =	stream.linear.gather [hbm4b:s11+s4], $0x80, $0x38;
	[tilespmem:$0x1BA80] =	vst v63  }
0xdd: {  	_ =	swait.ge [sflag:s30], $0x80  }
0xde: {  	[sflag:s30] =	ssyncset.done $0x0  }
0xdf: {  	[sflag:s30] =	ssyncadd.s32 $0xFFFFFF80  }
0xe0: {  	[tilespmem:s0], [sflag:$0x5] =	stream.indirect.gather [hbm4b:s1+s31], $0x80, s28, s31, $0xb8;
	[tilespmem:$0x1BA80] =	vst v63  }
0xe1: {  	_ = 	snop  }
0xe2: {  	[tilespmem:s13], [sflag:$0x2] =	stream.linear.gather [hbm4b:s26+s4], $0x80, $0x38;
	[tilespmem:$0x1BA80] =	vst v63  }
0xe3: {  	s20 =	rddreg [dreg:$0xc]  }
0xe4: {  	[tilespmem:s23], [sflag:$0x4] =	stream.linear.gather [hbm4b:s20+s4], $0x80, $0x38;
	[tilespmem:$0x1BA80] =	vst v63  }
0xe5: {  	_ =	swait.ge [sflag:s16], $0x80  }
0xe6: {  	[sflag:s16] =	ssyncset.done $0x0  }
0xe7: {  	[sflag:s16] =	ssyncadd.s32 $0xFFFFFF80  }
0xe8: {  	[tilespmem:s24], [sflag:$0x6] =	stream.indirect.gather [hbm4b:s1+s31], $0x80, s13, s31, $0xb8;
	[tilespmem:$0x1BA80] =	vst v63  }
0xe9: {  	_ =	swait.ge [sflag:s7], $0x4000  }
0xea: {  	[sflag:s7] =	ssyncset.done $0x0  }
0xeb: {  	[sflag:s7] =	ssyncadd.s32 $0xFFFFC000  }
0xec: {  	[tilespmem:s28], [sflag:$0x1] =	stream.linear.gather [hbm4b:s21+s4], $0x80, $0x38;
	[tilespmem:$0x1BA80] =	vst v63  }
0xed: {  	_ =	swait.ge [sflag:s9], $0x80  }
0xee: {  	[sflag:s9] =	ssyncset.done $0x0  }
0xef: {  	[sflag:s9] =	ssyncadd.s32 $0xFFFFFF80  }
0xf0: {  	[spmem:s2] =	stream.indirect.scatter.add.f32 [tilespmem:s0], [sflag:$0x7], $0x80, s29, s31, $0xb8;
	[tilespmem:$0x1BA80] =	vst v63  }
0xf1: {  	_ =	swait.ge [sflag:s14], $0x4000  }
0xf2: {  	s18 =	sadd.s32 $0xFFFFB600, s11;
	[sflag:s14] =	ssyncset.done $0x0  }
0xf3: {  	s25 =	sadd.s32 $0x4C00, s18;
	[sflag:s14] =	ssyncadd.s32 $0xFFFFC000  }
0xf4: {  	[tilespmem:s29], [sflag:$0x3] =	stream.linear.gather [hbm4b:s25+s4], $0x80, $0x38;
	[tilespmem:$0x1BA80] =	vst v63  }
0xf5: {  	_ =	swait.ge [sflag:s30], $0x80  }
0xf6: {  	[sflag:s30] =	ssyncset.done $0x0  }
0xf7: {  	[sflag:s30] =	ssyncadd.s32 $0xFFFFFF80  }
0xf8: {  	[tilespmem:s0], [sflag:$0x5] =	stream.indirect.gather [hbm4b:s1+s31], $0x80, s28, s31, $0xb8;
	[tilespmem:$0x1BA80] =	vst v63  }
0xf9: {  	_ =	swait.ge [sflag:s15], $0x4000  }
0xfa: {  	s6 =	smov.u32 s8;
	s8 =	sadd.s32 $0xFFFFB600, s10;
	[sflag:s15] =	ssyncset.done $0x0  }
0xfb: {  	s21 =	sadd.s32 $0x4D00, s8;
	[sflag:s15] =	ssyncadd.s32 $0xFFFFC000  }
0xfc: {  	[tilespmem:s13], [sflag:$0x2] =	stream.linear.gather [hbm4b:s21+s4], $0x80, $0x38;
	[tilespmem:$0x1BA80] =	vst v63  }
0xfd: {  	_ =	swait.ge [sflag:s17], $0x80  }
0xfe: {  	[sflag:s17] =	ssyncset.done $0x0  }
0xff: {  	[sflag:s17] =	ssyncadd.s32 $0xFFFFFF80  }
0x100: {  	[spmem:s2] =	stream.indirect.scatter.add.f32 [tilespmem:s24], [sflag:$0x8], $0x80, s23, s31, $0xb8;
	[tilespmem:$0x1BA80] =	vst v63  }
0x101: {  	_ =	swait.ge [sflag:s22], $0x4000  }
0x102: {  	[sflag:s22] =	ssyncset.done $0x0  }
0x103: {  	s18 =	sadd.s32 $0x4D00, s18;
	[sflag:s22] =	ssyncadd.s32 $0xFFFFC000  }
0x104: {  	[tilespmem:s23], [sflag:$0x4] =	stream.linear.gather [hbm4b:s18+s4], $0x80, $0x38;
	[tilespmem:$0x1BA80] =	vst v63  }
0x105: {  	_ =	swait.ge [sflag:s16], $0x80  }
0x106: {  	[sflag:s16] =	ssyncset.done $0x0  }
0x107: {  	[sflag:s16] =	ssyncadd.s32 $0xFFFFFF80  }
0x108: {  	[tilespmem:s24], [sflag:$0x6] =	stream.indirect.gather [hbm4b:s1+s31], $0x80, s13, s31, $0xb8;
	[tilespmem:$0x1BA80] =	vst v63  }
0x109: {  	_ =	swait.ge [sflag:s7], $0x4000  }
0x10a: {  	[sflag:s7] =	ssyncset.done $0x0  }
0x10b: {  	s25 =	sadd.s32 $0x4E00, s8;
	[sflag:s7] =	ssyncadd.s32 $0xFFFFC000  }
0x10c: {  	[tilespmem:s28], [sflag:$0x1] =	stream.linear.gather [hbm4b:s25+s4], $0x80, $0x38;
	[tilespmem:$0x1BA80] =	vst v63  }
0x10d: {  	_ =	swait.ge [sflag:s9], $0x80  }
0x10e: {  	[sflag:s9] =	ssyncset.done $0x0  }
0x10f: {  	s18 =	simm.s32 $0xFFFFB800;
	[sflag:s9] =	ssyncadd.s32 $0xFFFFFF80  }
.LBB2_3:
0x110: {  	[spmem:s2] =	stream.indirect.scatter.add.f32 [tilespmem:s0], [sflag:$0x7], $0x80, s29, s31, $0xb8;
	[tilespmem:$0x1BA80] =	vst v63  }
0x111: {  	s19 =	smov.u32 s18  }
0x112: {  	p3 =	sne.s32 s18, $0xFFFFFE00;
	s18 =	sadd.s32 $0x200, s18;
	_ =	swait.ge [sflag:s14], $0x4000  }
0x113: {  	s20 =	sadd.s32 s19, s11;
	[sflag:s14] =	ssyncset.done $0x0  }
0x114: {  	s21 =	sadd.s32 $0x4C00, s20;
	[sflag:s14] =	ssyncadd.s32 $0xFFFFC000  }
0x115: {  	[tilespmem:s29], [sflag:$0x3] =	stream.linear.gather [hbm4b:s21+s4], $0x80, $0x38;
	[tilespmem:$0x1BA80] =	vst v63  }
0x116: {  	_ =	swait.ge [sflag:s30], $0x80  }
0x117: {  	[sflag:s30] =	ssyncset.done $0x0  }
0x118: {  	[sflag:s30] =	ssyncadd.s32 $0xFFFFFF80  }
0x119: {  	[tilespmem:s0], [sflag:$0x5] =	stream.indirect.gather [hbm4b:s1+s31], $0x80, s28, s31, $0xb8;
	[tilespmem:$0x1BA80] =	vst v63  }
0x11a: {  	_ =	swait.ge [sflag:s15], $0x4000  }
0x11b: {  	s19 =	sadd.s32 s19, s10;
	[sflag:s15] =	ssyncset.done $0x0  }
0x11c: {  	s21 =	sadd.s32 $0x4D00, s19;
	[sflag:s15] =	ssyncadd.s32 $0xFFFFC000  }
0x11d: {  	[tilespmem:s13], [sflag:$0x2] =	stream.linear.gather [hbm4b:s21+s4], $0x80, $0x38;
	[tilespmem:$0x1BA80] =	vst v63  }
0x11e: {  	_ =	swait.ge [sflag:s17], $0x80  }
0x11f: {  	[sflag:s17] =	ssyncset.done $0x0  }
0x120: {  	[sflag:s17] =	ssyncadd.s32 $0xFFFFFF80  }
0x121: {  	[spmem:s2] =	stream.indirect.scatter.add.f32 [tilespmem:s24], [sflag:$0x8], $0x80, s23, s31, $0xb8;
	[tilespmem:$0x1BA80] =	vst v63  }
0x122: {  	_ =	swait.ge [sflag:s22], $0x4000  }
0x123: {  	[sflag:s22] =	ssyncset.done $0x0  }
0x124: {  	s20 =	sadd.s32 $0x4D00, s20;
	[sflag:s22] =	ssyncadd.s32 $0xFFFFC000  }
0x125: {  	[tilespmem:s23], [sflag:$0x4] =	stream.linear.gather [hbm4b:s20+s4], $0x80, $0x38;
	[tilespmem:$0x1BA80] =	vst v63  }
0x126: {  	_ =	swait.ge [sflag:s16], $0x80  }
0x127: {  	[sflag:s16] =	ssyncset.done $0x0  }
0x128: {  	[sflag:s16] =	ssyncadd.s32 $0xFFFFFF80  }
0x129: {  	[tilespmem:s24], [sflag:$0x6] =	stream.indirect.gather [hbm4b:s1+s31], $0x80, s13, s31, $0xb8;
	[tilespmem:$0x1BA80] =	vst v63  }
0x12a: {  	_ =	swait.ge [sflag:s7], $0x4000  }
0x12b: {  	[sflag:s7] =	ssyncset.done $0x0  }
.Ltmp6:
0x12c: {  	s19 =	sadd.s32 $0x4E00, s19;
	[sflag:s7] =	ssyncadd.s32 $0xFFFFC000;
	(pc) =	sbr.rel @p3 .LBB2_3-.Ltmp6, $4  }
0x12d: {  	[tilespmem:s28], [sflag:$0x1] =	stream.linear.gather [hbm4b:s19+s4], $0x80, $0x38;
	[tilespmem:$0x1BA80] =	vst v63  }
0x12e: {  	_ =	swait.ge [sflag:s9], $0x80  }
0x12f: {  	[sflag:s9] =	ssyncset.done $0x0  }
0x130: {  	[sflag:s9] =	ssyncadd.s32 $0xFFFFFF80  }
0x131: {  	[spmem:s2] =	stream.indirect.scatter.add.f32 [tilespmem:s0], [sflag:$0x7], $0x80, s29, s31, $0xb8;
	[tilespmem:$0x1BA80] =	vst v63  }
0x132: {  	_ =	swait.ge [sflag:s14], $0x4000  }
0x133: {  	[sflag:s14] =	ssyncset.done $0x0  }
0x134: {  	s8 =	rddreg [dreg:$0x14];
	[sflag:s14] =	ssyncadd.s32 $0xFFFFC000  }
0x135: {  	[tilespmem:s29], [sflag:$0x3] =	stream.linear.gather [hbm4b:s8+s4], $0x80, $0x38;
	[tilespmem:$0x1BA80] =	vst v63  }
0x136: {  	_ =	swait.ge [sflag:s30], $0x80  }
0x137: {  	[sflag:s30] =	ssyncset.done $0x0  }
0x138: {  	[sflag:s30] =	ssyncadd.s32 $0xFFFFFF80  }
0x139: {  	[tilespmem:s0], [sflag:$0x5] =	stream.indirect.gather [hbm4b:s1+s31], $0x80, s28, s31, $0xb8;
	[tilespmem:$0x1BA80] =	vst v63  }
0x13a: {  	_ =	swait.ge [sflag:s15], $0x4000  }
0x13b: {  	[sflag:s15] =	ssyncset.done $0x0  }
0x13c: {  	s21 =	rddreg [dreg:$0xd];
	[sflag:s15] =	ssyncadd.s32 $0xFFFFC000  }
0x13d: {  	[tilespmem:s13], [sflag:$0x2] =	stream.linear.gather [hbm4b:s21+s4], $0x80, $0x38;
	[tilespmem:$0x1BA80] =	vst v63  }
0x13e: {  	_ =	swait.ge [sflag:s17], $0x80  }
0x13f: {  	[sflag:s17] =	ssyncset.done $0x0  }
0x140: {  	[sflag:s17] =	ssyncadd.s32 $0xFFFFFF80  }
0x141: {  	[spmem:s2] =	stream.indirect.scatter.add.f32 [tilespmem:s24], [sflag:$0x8], $0x80, s23, s31, $0xb8;
	[tilespmem:$0x1BA80] =	vst v63  }
0x142: {  	_ =	swait.ge [sflag:s22], $0x4000  }
0x143: {  	[sflag:s22] =	ssyncset.done $0x0  }
0x144: {  	s25 =	rddreg [dreg:$0xe];
	[sflag:s22] =	ssyncadd.s32 $0xFFFFC000  }
0x145: {  	[tilespmem:s23], [sflag:$0x4] =	stream.linear.gather [hbm4b:s25+s4], $0x80, $0x38;
	[tilespmem:$0x1BA80] =	vst v63  }
0x146: {  	_ =	swait.ge [sflag:s16], $0x80  }
0x147: {  	[sflag:s16] =	ssyncset.done $0x0  }
0x148: {  	[sflag:s16] =	ssyncadd.s32 $0xFFFFFF80  }
0x149: {  	[tilespmem:s24], [sflag:$0x6] =	stream.indirect.gather [hbm4b:s1+s31], $0x80, s13, s31, $0xb8;
	[tilespmem:$0x1BA80] =	vst v63  }
0x14a: {  	_ =	swait.ge [sflag:s7], $0x4000  }
0x14b: {  	[sflag:s7] =	ssyncset.done $0x0  }
0x14c: {  	[sflag:s7] =	ssyncadd.s32 $0xFFFFC000  }
0x14d: {  	_ =	swait.ge [sflag:s9], $0x80  }
0x14e: {  	[sflag:s9] =	ssyncset.done $0x0  }
0x14f: {  	[sflag:s9] =	ssyncadd.s32 $0xFFFFFF80  }
0x150: {  	[spmem:s2] =	stream.indirect.scatter.add.f32 [tilespmem:s0], [sflag:$0x7], $0x80, s29, s31, $0xb8;
	[tilespmem:$0x1BA80] =	vst v63  }
0x151: {  	_ =	swait.ge [sflag:s15], $0x4000  }
0x152: {  	[sflag:s15] =	ssyncset.done $0x0  }
0x153: {  	[sflag:s15] =	ssyncadd.s32 $0xFFFFC000  }
0x154: {  	_ =	swait.ge [sflag:s17], $0x80  }
0x155: {  	[sflag:s17] =	ssyncset.done $0x0  }
0x156: {  	[sflag:s17] =	ssyncadd.s32 $0xFFFFFF80  }
0x157: {  	[spmem:s2] =	stream.indirect.scatter.add.f32 [tilespmem:s24], [sflag:$0x8], $0x80, s23, s31, $0xb8;
	[tilespmem:$0x1BA80] =	vst v63  }
0x158: {  	_ =	swait.ge [sflag:s14], $0x4000  }
.Ltmp7:
0x159: {  	[sflag:s14] =	ssyncset.done $0x0;
	(pc) =	sbr.rel @p2 .LBB2_6-.Ltmp7, $4  }
0x15a: {  	[sflag:s14] =	ssyncadd.s32 $0xFFFFC000  }
0x15b: {  	_ =	swait.ge [sflag:s22], $0x4000  }
0x15c: {  	[sflag:s22] =	ssyncset.done $0x0  }
0x15d: {  	[sflag:s22] =	ssyncadd.s32 $0xFFFFC000  }
0x15e: {  	s18 =	rddreg [dreg:$0x7]  }
0x15f: {  	[tilespmem:s28], [sflag:$0x9] =	stream.linear.gather [hbm4b:s18+s4], $0x80, $0x38;
	[tilespmem:$0x1BA80] =	vst v63  }
0x160: {  	_ =	swait.ge [sflag:s3], $0x80  }
0x161: {  	[sflag:s3] =	ssyncset.done $0x0  }
0x162: {  	s25 =	rddreg [dreg:$0x8];
	[sflag:s3] =	ssyncadd.s32 $0xFFFFFF80  }
0x163: {  	[tilespmem:s29], [sflag:$0x9] =	stream.linear.gather [hbm4b:s25+s4], $0x80, $0x38;
	[tilespmem:$0x1BA80] =	vst v63  }
0x164: {  	_ =	swait.ge [sflag:s3], $0x80  }
0x165: {  	[sflag:s3] =	ssyncset.done $0x0  }
0x166: {  	[sflag:s3] =	ssyncadd.s32 $0xFFFFFF80  }
0x167: {  	[tilespmem:s0], [sflag:$0x5] =	stream.indirect.gather [hbm4b:s1+s31], $0x80, s28, s31, $0xb8;
	[tilespmem:$0x1BA80] =	vst v63  }
0x168: {  	_ =	swait.ge [sflag:s7], $0x4000  }
0x169: {  	[sflag:s7] =	ssyncset.done $0x0  }
0x16a: {  	[sflag:s7] =	ssyncadd.s32 $0xFFFFC000  }
0x16b: {  	[spmem:s2] =	stream.indirect.scatter.add.f32 [tilespmem:s0], [sflag:$0x9], $0x80, s29, s31, $0xb8;
	[tilespmem:$0x1BA80] =	vst v63  }
.Ltmp8:
0x16c: {  	_ =	swait.ge [sflag:s3], $0x4000;
	(pc) =	sbr.rel .LBB2_7-.Ltmp8, $4  }
0x16d: {  	[sflag:s3] =	ssyncset.done $0x0  }
0x16e: {  	[sflag:s3] =	ssyncadd.s32 $0xFFFFC000  }
0x16f: {  	[bflag:$0x0] =	sbarrier.arrive $0xFFFF  }
0x170: {  	s8 =	smov.u32 s6  }
.LBB2_13:
.Ltmp9:
0x171: {  	(pc) =	sbr.rel @p1 .LBB2_15-.Ltmp9, $2  }
0x172: {  	_ =	sdelay $0x1  }
0x173: {  	[bflag:$0x0] =	sbarrier.arrive $0xFFFF;
	_ =	sdelay $0x1  }
.LBB2_14:
0x174: {  	s18 =	stileid.u32  }
0x175: {  	s19 =	sshrl.u32 s6, $0x3;
	s18 =	sshll.u32 s18, $0x6  }
.Ltmp10:
0x176: {  	s20 =	rddreg [dreg:$0x12];
	s18 =	sor.u32 $0x1C09, s18;
	(pc) =	sbr.rel .LBB2_16-.Ltmp10, $4  }
0x177: {  	[hbm:s20], [sflag:s18] =	dma.local [spmem:s19], $0x2700  }
0x178: {  	_ =	swait.ge [sflag:s3], $0x2700  }
0x179: {  	[sflag:s3] =	ssyncset.done $0x0  }
0x17a: {  	[sflag:s3] =	ssyncadd.s32 $0xFFFFD900  }
.LBB2_6:
.Ltmp11:
0x17b: {  	(pc) =	sbr.rel @!p1 .LBB2_7-.Ltmp11, $3  }
0x17c: {  	_ =	sdelay $0x1  }
0x17d: {  	[bflag:$0x0] =	sbarrier.arrive $0xFFFF  }
0x17e: {  	s8 =	smov.u32 s6  }
0x17f: {  	s18 =	sshrl.u32 s8, $0x3  }
.Ltmp12:
0x180: {  	s19 =	rddreg [dreg:$0x6];
	s6 =	simm.s32 $0x1FC9;
	(pc) =	sbr.rel .LBB2_16-.Ltmp12, $4  }
0x181: {  	[hbm:s19], [sflag:s6] =	dma.local [spmem:s18], $0x2800  }
0x182: {  	_ =	swait.ge [sflag:s3], $0x2800  }
0x183: {  	[sflag:s3] =	ssyncset.done $0x0  }
0x184: {  	s6 =	rddreg [dreg:$0xb];
	[sflag:s3] =	ssyncadd.s32 $0xFFFFD800  }
.LBB2_7:
0x185: {  	s18 =	stileid.u32;
	s6 =	rddreg [dreg:$0xb]  }
0x186: {  	s20 =	rddreg [dreg:$0x9];
	s18 =	sshll.u32 s18, $0x6  }
.Ltmp13:
0x187: {  	s19 =	sshrl.u32 s6, $0x3;
	s18 =	sor.u32 $0x1C09, s18;
	(pc) =	sbr.rel .LBB2_16-.Ltmp13, $4  }
0x188: {  	[hbm:s20], [sflag:s18] =	dma.local [spmem:s19], $0x2700  }
0x189: {  	_ =	swait.ge [sflag:s3], $0x2700  }
0x18a: {  	[sflag:s3] =	ssyncset.done $0x0  }
0x18b: {  	[sflag:s3] =	ssyncadd.s32 $0xFFFFD900  }
.LBB2_17:
0x18c: {  	_ =	sfence.sel $0x180000  }
0x18d: {  	[bflag:$0x0] =	sbarrier.arrive $0xFFFF  }
0x18e: {  	_ =	strace $0x9000004D  }
0x18f: {  	s0 =	stileid.u32;
	[bflag:$0x2] =	sbarrier.arrive $0xFFFF  }
0x190: {  	p0 =	sne.s32 s0, $0x0;
	s0 =	rddreg [dreg:$0x3]  }
0x191: {  	s0 =	sadd.s32 @!p0 $0x100000, s0  }
0x192: {  	[sflag:s0] =	ssyncadd.tile.s32 @!p0 $0x1;
	_ =	shalt  }
.Lfunc_end2:
_tile_overlayer_lowered:
.L_overlay_start_2:
0x193: {  	(tag) =	ssettag $0x2  }
0x194: {  	s0 =	rddreg [dreg:$0x0];
	s2 =	stileid.u32  }
0x195: {  	s1 =	rddreg [dreg:$0x1];
	p0 =	sne.s32 s2, $0x0  }
0x196: {  	s3 =	rddreg [dreg:$0x2];
	[bflag:$0x3] =	sbarrier.arrive $0xFFFF;
	s2 =	simm.s32 @!p0 $0x1C09  }
0x197: {  	[timem:s3], [sflag:s2] =	dma.local @!p0 [hbm:s0], s1  }
0x198: {  	s0 =	simm.s32 @!p0 $0x9  }
0x199: {  	_ =	swait.ge @!p0 [sflag:s0], s1  }
0x19a: {  	s1 =	ssub.s32 @!p0 $0x0, s1;
	[sflag:s0] =	ssyncset.done @!p0 $0x0  }
0x19b: {  	[sflag:s0] =	ssyncadd.s32 @!p0 s1  }
0x19c: {  	[bflag:$0x3] =	sbarrier.arrive $0xFFFF  }
0x19d: {  	_ =	shalt  }

// kernel: kernel.19.cloned.1.call-start
scs
__scs_entry_jumppad:
0x0: {  	(pc) =	sbr.rel $0x88, $3  }
0x1: {  	(tag) =	ssettag $0x0;
	lr =	simm.s32 $0x1  }
0x2: {  	[smem:$0x3F99] =	sst lr;
	_ =	strace $0xD0000000  }
0x3: {  	_ = 	snop  }
0x4: {  	_ = 	snop  }
0x5: {  	_ = 	snop  }
0x6: {  	_ = 	snop  }
0x7: {  	_ = 	snop  }
__scs_overlays_trampoline_lowered:
0x8: {  	[smem:$0x3FA8] =	sst s0  }
0x9: {  	[smem:$0x3FA9] =	sst s1  }
0xa: {  	[smem:$0x3FAA] =	sst s2  }
0xb: {  	[smem:$0x3FAB] =	sst s3  }
0xc: {  	[smem:$0x3FAC] =	sst s4  }
0xd: {  	[smem:$0x3FAD] =	sst s5  }
0xe: {  	[smem:$0x3FAE] =	sst s6  }
0xf: {  	[smem:$0x3FAF] =	sst s7  }
0x10: {  	[smem:$0x3FB0] =	sst s8  }
0x11: {  	[smem:$0x3FB1] =	sst s9;
	s0 =	simm.s32 @!p0 $0x0  }
0x12: {  	s1 =	sld [smem:$0x3F97];
	s0 =	simm.s32 @p0 $0x1  }
0x13: {  	[smem:$0x3FB2] =	sst s0;
	s0 =	simm.s32 @!p1 $0x0  }
0x14: {  	s2 =	sld [smem:$0x3F96];
	s0 =	simm.s32 @p1 $0x1  }
0x15: {  	[smem:$0x3FB3] =	sst s0;
	s0 =	simm.s32 @!p2 $0x0  }
0x16: {  	s3 =	sld [smem:$0x3FDB];
	s0 =	simm.s32 @p2 $0x1  }
0x17: {  	s4 =	simm.s32 $0x1BF5;
	[smem:$0x3FB5] =	sst s0  }
0x18: {  	s0 =	sld [smem:$0x3F98];
	_ =	swait.ge [sflag:s4], $0x0  }
0x19: {  	s7 =	sld [smem:$0x3F99]  }
0x1a: {  	s8 =	sadd.s32 $0xFFFFE003, lr  }
0x1b: {  	s9 =	sadd.s32 $0xFFFFFEF7, lr;
	s5 =	simm.s32 $0xFFFFFFFF;
	p2 =	slt.u32 s8, $0xFFFFF086  }
0x1c: {  	p1 =	slt.u32 s9, $0xF7A;
	s5 =	simm.s32 @!p2 $0x0  }
0x1d: {  	s5 =	simm.s32 @p1 $0x1;
	p0 =	seq.s32 s7, s2  }
0x1e: {  	s7 =	smul.u32 @!p0 $0xF7A, s2;
	p2 =	seq.s32 @!p0 s5, $0x0  }
0x1f: {  	s9 =	smul.u32 $0xF7A, s1;
	s8 =	simm.s32 @!p0 $0x1BF5;
	p2 =	por !p2, p0  }
0x20: {  	[sflag:s8] =	ssyncset.s32 @!p0 $0xFFFFF086;
	s6 =	sadd.s32 @!p0 s3, s7;
	s7 =	simm.s32 @!p0 $0x108  }
0x21: {  	s3 =	sadd.s32 s3, s9;
	s6 =	sadd.s32 @!p0 $0x88, s6;
	s7 =	simm.s32 @p2 $0x1082  }
0x22: {  	[simem:s7], [sflag:s8] =	dma.local @!p0 [hbm:s6], $0xF7A  }
0x23: {  	s9 =	sor.u32 $0xD0000000, s2;
	s6 =	simm.s32 $0x108;
	_ =	swait.ge @!p0 [sflag:s8], $0x0  }
0x24: {  	s3 =	sadd.s32 $0x88, s3;
	s6 =	simm.s32 @!p1 $0x1082;
	[sflag:s4] =	ssyncset.s32 $0xFFFFF086  }
0x25: {  	[simem:s6], [sflag:s4] =	dma.local [hbm:s3], $0xF7A  }
0x26: {  	[smem:$0x3F99] =	sst s1;
	(tag) =	ssettag s2;
	_ =	strace s9  }
0x27: {  	s1 =	sld [smem:$0x3FA9]  }
0x28: {  	s2 =	sld [smem:$0x3FAA]  }
0x29: {  	s4 =	sld [smem:$0x3FAC]  }
0x2a: {  	p0 =	seq.s32 s5, $0x0;
	s5 =	sld [smem:$0x3FAD]  }
0x2b: {  	s6 =	sld [smem:$0x3FAE]  }
0x2c: {  	s7 =	sld [smem:$0x3FAF]  }
0x2d: {  	s3 =	simm.s32 $0x108;
	s8 =	sld [smem:$0x3FB0]  }
0x2e: {  	s3 =	simm.s32 @!p0 $0x1082;
	s9 =	sld [smem:$0x3FB1]  }
0x2f: {  	lr =	sadd.s32 s0, s3;
	s0 =	sld [smem:$0x3FA8]  }
0x30: {  	s3 =	sld [smem:$0x3FAB]  }
0x31: {  	[smem:$0x3FB4] =	sst s10  }
0x32: {  	s10 =	sld [smem:$0x3FB2];
	_ =	sdelay $0x3  }
0x33: {  	p0 =	seq.s32 s10, $0x1;
	s10 =	sld [smem:$0x3FB4];
	_ =	sdelay $0x3  }
0x34: {  	[smem:$0x3FB4] =	sst s10  }
0x35: {  	s10 =	sld [smem:$0x3FB3];
	_ =	sdelay $0x3  }
0x36: {  	p1 =	seq.s32 s10, $0x1;
	s10 =	sld [smem:$0x3FB4];
	_ =	sdelay $0x3  }
0x37: {  	[smem:$0x3FB4] =	sst s10  }
0x38: {  	s10 =	sld [smem:$0x3FB5]  }
0x39: {  	_ = 	snop;
	(pc) =	sbr.ind lr, $3  }
0x3a: {  	_ = 	snop  }
0x3b: {  	_ = 	snop  }
0x3c: {  	p2 =	seq.s32 s10, $0x1;
	s10 =	sld [smem:$0x3FB4]  }
0x3d: {  	_ =	shalt  }
0x3e: {  	_ =	shalt  }
0x3f: {  	_ =	shalt  }
0x40: {  	_ =	shalt  }
0x41: {  	_ =	shalt  }
0x42: {  	_ =	shalt  }
0x43: {  	_ =	shalt  }
0x44: {  	_ =	shalt  }
0x45: {  	_ =	shalt  }
0x46: {  	_ =	shalt  }
0x47: {  	_ =	shalt  }
0x48: {  	_ =	shalt  }
0x49: {  	_ =	shalt  }
0x4a: {  	_ =	shalt  }
0x4b: {  	_ =	shalt  }
0x4c: {  	_ =	shalt  }
0x4d: {  	_ =	shalt  }
0x4e: {  	_ =	shalt  }
0x4f: {  	_ =	shalt  }
0x50: {  	_ =	shalt  }
0x51: {  	_ =	shalt  }
0x52: {  	_ =	shalt  }
0x53: {  	_ =	shalt  }
0x54: {  	_ =	shalt  }
0x55: {  	_ =	shalt  }
0x56: {  	_ =	shalt  }
0x57: {  	_ =	shalt  }
0x58: {  	_ =	shalt  }
0x59: {  	_ =	shalt  }
0x5a: {  	_ =	shalt  }
0x5b: {  	_ =	shalt  }
0x5c: {  	_ =	shalt  }
0x5d: {  	_ =	shalt  }
0x5e: {  	_ =	shalt  }
0x5f: {  	_ =	shalt  }
0x60: {  	_ =	shalt  }
0x61: {  	_ =	shalt  }
0x62: {  	_ =	shalt  }
0x63: {  	_ =	shalt  }
0x64: {  	_ =	shalt  }
0x65: {  	_ =	shalt  }
0x66: {  	_ =	shalt  }
0x67: {  	_ =	shalt  }
0x68: {  	_ =	shalt  }
0x69: {  	_ =	shalt  }
0x6a: {  	_ =	shalt  }
0x6b: {  	_ =	shalt  }
0x6c: {  	_ =	shalt  }
0x6d: {  	_ =	shalt  }
0x6e: {  	_ =	shalt  }
0x6f: {  	_ =	shalt  }
0x70: {  	_ =	shalt  }
0x71: {  	_ =	shalt  }
0x72: {  	_ =	shalt  }
0x73: {  	_ =	shalt  }
0x74: {  	_ =	shalt  }
0x75: {  	_ =	shalt  }
0x76: {  	_ =	shalt  }
0x77: {  	_ =	shalt  }
0x78: {  	_ =	shalt  }
0x79: {  	_ =	shalt  }
0x7a: {  	_ =	shalt  }
0x7b: {  	_ =	shalt  }
0x7c: {  	_ =	shalt  }
0x7d: {  	_ =	shalt  }
0x7e: {  	_ =	shalt  }
0x7f: {  	_ =	shalt  }
0x80: {  	_ =	shalt  }
0x81: {  	_ =	shalt  }
0x82: {  	_ =	shalt  }
0x83: {  	_ =	shalt  }
0x84: {  	_ =	shalt  }
0x85: {  	_ =	shalt  }
0x86: {  	_ =	shalt  }
0x87: {  	_ =	shalt  }
.Lfunc_end0:
.L_simem_size_0:
called_computation.3_lowered:
.L_overlay_start_0:
0x88: {  	s2 =	sld [smem:$0x3FD9]  }
0x89: {  	s3 =	sld [smem:$0x3FFE];
	_ =	sdelay $0x1  }
0x8a: {  	s1 =	srdreg.scid  }
0x8b: {  	s0 =	sand.u32 $0x1, s1  }
0x8c: {  	s17 =	sshll.u32 s0, $0xA;
	s2 =	sadd.s32 s3, s2  }
0x8d: {  	s2 =	sadd.s32 s2, s17  }
0x8e: {  	[smem:$0x3FC0] =	sst s2  }
0x8f: {  	_ = 	snop  }
0x90: {  	s2 =	sld [smem:$0x3FD0];
	(tm) =	ssettm $0x1  }
0x91: {  	s18 =	sld [smem:$0x3FFB];
	_ =	sdelay $0x3  }
0x92: {  	_ =	strace s18  }
0x93: {  	s3 =	sld [smem:$0x3FFC];
	_ =	sdelay $0x3  }
0x94: {  	_ =	strace s3  }
0x95: {  	s3 =	sld [smem:$0x3FFD];
	_ =	sdelay $0x3  }
0x96: {  	_ =	strace s3  }
0x97: {  	_ =	strace $0x8FFFFFFF  }
0x98: {  	s19 =	sld [smem:$0x3FDB];
	_ =	sdelay $0x1  }
0x99: {  	s4 =	simm.s32 $_scs_section_size  }
0x9a: {  	s5 =	simm.s32 $_size__tile_overlayer_lowered;
	s6 =	simm.s32 $_tile_overlayer_lowered  }
0x9b: {  	s22 =	simm.s32 $0x1BFF;
	s21 =	sshll.u32 s6, $0x1;
	s3 =	sadd.s32 s4, s19  }
0x9c: {  	s7 =	simm.s32 $0x0;
	s20 =	sshll.u32 s5, $0x1;
	s5 =	sadd.s32 s21, s3  }
0x9d: {  	[timem:s7], [sflag:s22] =	dma.local [hbm:s5], s20  }
0x9e: {  	_ =	swait.ge [sflag:s22], s20  }
0x9f: {  	s4 =	ssub.s32 $0x0, s20;
	[sflag:s22] =	ssyncset.done $0x0  }
0xa0: {  	[sflag:s22] =	ssyncadd.s32 s4;
	_ =	sdelay $0x1  }
0xa1: {  	s23 =	simm.s32 $0x1B8B  }
0xa2: {  	_ =	swait.ge [sflag:s23], $0x1  }
0xa3: {  	[sflag:s23] =	ssyncset.done $0x0  }
0xa4: {  	s25 =	simm.s32 $0x1B8E;
	s24 =	sld [smem:$0x3FFE];
	[sflag:s23] =	ssyncadd.s32 $0xFFFFFFFF  }
0xa5: {  	s26 =	simm.s32 $execute0_lowered;
	[smem:$0x3FD2] =	sst s25  }
0xa6: {  	s5 =	sshll.u32 s26, $0x1;
	_ =	strace $0x8000004F;
	[dreg:$0x1] =	wrdreg $0xFFFFFFFF  }
0xa7: {  	s28 =	simm.s32 $_size_execute0_lowered;
	s3 =	sadd.s32 s3, s5;
	[dreg:$0x0] =	wrdreg $0x0  }
0xa8: {  	s5 =	sshll.u32 s28, $0x1;
	[dreg:$0x2] =	wrdreg s3  }
0xa9: {  	[dreg:$0x3] =	wrdreg s5  }
0xaa: {  	[dreg:$0x4] =	wrdreg $0xC0  }
0xab: {  	_ =	task [dreg:s7], $0x5FFFF  }
0xac: {  	[dreg:$0x1] =	wrdreg $0xFFFFFFFF  }
0xad: {  	[dreg:$0x0] =	wrdreg $0x60  }
0xae: {  	[dreg:$0x2] =	wrdreg s2  }
0xaf: {  	[dreg:$0x3] =	wrdreg s24  }
0xb0: {  	[dreg:$0x4] =	wrdreg $0x0  }
0xb1: {  	[dreg:$0x5] =	wrdreg $0x9  }
0xb2: {  	_ =	task.clear_ibuf [dreg:s7], $0x6FFFF;
	_ =	strace $0x9000004F  }
0xb3: {  	s29 =	simm.s32 $0x9;
	_ =	strace $0x80000051  }
0xb4: {  	_ =	swait.ge [sflag:s29], $0x1  }
0xb5: {  	[sflag:s29] =	ssyncadd.s32 $0xFFFFFFFF  }
0xb6: {  	_ =	strace $0x90000051  }
0xb7: {  	_ =	sfence  }
0xb8: {  	s30 =	sld [smem:$0x0];
	_ =	sdelay $0x2  }
0xb9: {  	s31 =	sshll.u32 s1, $0xD;
	s1 =	sshrl.u32 s1, $0x2  }
0xba: {  	s3 =	sand.u32 $0x4000, s31;
	s1 =	sadd.s32 s1, s30  }
0xbb: {  	s0 =	sor.u32 s3, s0;
	s1 =	sshll.u32 s1, $0x11  }
0xbc: {  	s0 =	sor.u32 s1, s0  }
0xbd: {  	s0 =	sadd.s32 $0x8F2B, s0  }
0xbe: {  	[sflag:s0] =	ssyncadd.remote.s32 $0x1  }
0xbf: {  	_ =	sfence.sel $0xFFFF  }
0xc0: {  	[dreg:$0x0] =	wrdreg $0xFFFFFFFF;
	(pc) =	sbr.abs _section_cstart, $3  }
0xc1: {  	[dreg:$0x1] =	wrdreg $0xFFFFFFFF  }
0xc2: {  	_ =	task.clear_ibuf [dreg:s7], $0x2FFFF;
	_ =	strace $0x9FFFFFFF  }
0xc3: {  	(tm) =	ssettm $0x7FFFFFFF  }
tec
execute0_lowered:
.L_overlay_start_1:
0x0: {  	(tag) =	ssettag $0x1  }
0x1: {  	s1 =	rddreg [dreg:$0x0]  }
0x2: {  	s0 =	rddreg [dreg:$0x1]  }
0x3: {  	s2 =	rddreg [dreg:$0x2];
	s4 =	simm.s32 $0x0  }
0x4: {  	s17 =	stileid.u32;
	s3 =	srdreg.scid;
	s28 =	simm.s32 $0x13880  }
0x5: {  	s29 =	simm.s32 $0x13980;
	s30 =	simm.s32 $0x1;
	s31 =	simm.s32 $0x80  }
0x6: {  	[smem:$0x7FF] =	sst s4;
	s5 =	sadd.s32 $0xEE00, s0;
	s7 =	smul.u32 $0x2700, s17  }
0x7: {  	s3 =	sand.u32 $0x1, s3;
	s9 =	sadd.s32 $0x4E00, s0;
	s8 =	smul.u32 $0x4E000, s17  }
0x8: {  	s12 =	sadd.s32 $0x9E00, s0;
	s23 =	sshll.u32 s17, $0x4;
	s24 =	sadd.s32 $0x24900, s1  }
0x9: {  	s25 =	sadd.s32 $0x81B00, s0;
	p1 =	seq.s32 s17, $0xF;
	p2 =	sgt.u32 s17, $0x1  }
0xa: {  	s17 =	simm.s32 $0x4;
	_ =	strace $0x80000050;
	s6 =	ssub.s32 $0x2, s3  }
0xb: {  	p0 =	seq.s32 s3, $0x1;
	[dreg:$0x5] =	wrdreg s24;
	s15 =	sor.u32 $0x100, s23  }
0xc: {  	s11 =	sadd.s32 s12, s23;
	s16 =	sor.u32 $0x4E00, s23;
	[dreg:$0x6] =	wrdreg s25  }
0xd: {  	s3 =	sor.u32 $0x4D00, s23;
	s13 =	sadd.s32 s7, s0;
	s10 =	sshrl.u32 s6, $0x1  }
0xe: {  	s21 =	sshrl.u32 s8, $0x2;
	s22 =	sadd.s32 s1, s7;
	s8 =	sadd.s32 $0x124800, s2  }
0xf: {  	s26 =	sadd.s32 s9, s16;
	s16 =	sadd.s32 s12, s16;
	[dreg:$0x4] =	wrdreg s22  }
0x10: {  	s7 =	sadd.s32 s5, s7;
	s20 =	sadd.s32 s12, s15;
	[dreg:$0x7] =	wrdreg s26  }
0x11: {  	s25 =	sadd.s32 $0x4C00, s11;
	s14 =	ssub.s32 s6, s10;
	[dreg:$0x8] =	wrdreg s16  }
0x12: {  	s6 =	sadd.s32 s21, s2;
	s10 =	sadd.s32 s9, s23;
	[dreg:$0xa] =	wrdreg s7  }
0x13: {  	s19 =	sadd.s32 $0x5D200, s13;
	s26 =	sadd.s32 s9, s15;
	[dreg:$0xc] =	wrdreg s20  }
0x14: {  	s21 =	sadd.s32 s9, s3;
	s3 =	sadd.s32 s12, s3;
	[dreg:$0x14] =	wrdreg s25  }
0x15: {  	s22 =	sadd.s32 $0x33700, s0;
	s0 =	sadd.s32 $0xA8D00, s0;
	[dreg:$0x9] =	wrdreg s19  }
0x16: {  	s23 =	sadd.s32 $0x84400, s13;
	s13 =	simm.s32 $0x13900;
	[dreg:$0xd] =	wrdreg s21  }
0x17: {  	s16 =	simm.s32 $0x2;
	s7 =	simm.s32 $0x5;
	[dreg:$0xe] =	wrdreg s3  }
0x18: {  	s9 =	simm.s32 $0x3;
	s15 =	simm.s32 $0x6;
	[dreg:$0xf] =	wrdreg s22  }
.Ltmp0:
0x19: {  	s12 =	simm.s32 $0x0;
	[dreg:$0x11] =	wrdreg s0;
	(pc) =	sbr.rel .LBB2_1-.Ltmp0, $4  }
0x1a: {  	s18 =	sadd.s32 $0x200, s10;
	[dreg:$0x12] =	wrdreg s23;
	s24 =	smax.u32 s14, $0x1  }
0x1b: {  	s0 =	simm.s32 $0x13A80;
	s23 =	simm.s32 $0x13A00;
	[dreg:$0xb] =	wrdreg s6  }
0x1c: {  	s14 =	simm.s32 $0x7;
	s22 =	simm.s32 $0x8;
	[dreg:$0x10] =	wrdreg s18  }
0x1d: {  	s3 =	simm.s32 $0x9;
	[dreg:$0x13] =	wrdreg s24;
	s24 =	simm.s32 $0x17A80  }
.LBB2_15:
0x1e: {  	s18 =	sshrl.u32 s8, $0x3;
	s19 =	rddreg [dreg:$0x11];
	s20 =	simm.s32 $0x1FC9  }
0x1f: {  	[hbm:s19], [sflag:s20] =	dma.local [spmem:s18], $0x2800  }
0x20: {  	_ =	swait.ge [sflag:s3], $0x2800  }
0x21: {  	[sflag:s3] =	ssyncset.done $0x0  }
0x22: {  	[sflag:s3] =	ssyncadd.s32 $0xFFFFD800  }
.LBB2_16:
0x23: {  	s12 =	sadd.s32 $0x1, s12;
	s18 =	rddreg [dreg:$0x13]  }
0x24: {  	p3 =	sne.s32 s12, s18  }
.Ltmp1:
0x25: {  	_ = 	snop;
	(pc) =	sbr.rel @!p3 .LBB2_17-.Ltmp1, $1  }
0x26: {  	_ =	sdelay $0x3  }
.LBB2_1:
.Ltmp2:
0x27: {  	(pc) =	sbr.rel @!p0 .LBB2_2-.Ltmp2, $4  }
0x28: {  	_ = 	snop  }
0x29: {  	s18 =	stileid.u32  }
0x2a: {  	s19 =	sshll.u32 @!p1 s18, $0x6  }
0x2b: {  	s20 =	sshrl.u32 @p1 s8, $0x3;
	s18 =	sshrl.u32 @!p1 s6, $0x3;
	s19 =	sor.u32 @!p1 $0x1C09, s19  }
0x2c: {  	s21 =	simm.s32 @p1 $0x1FC9;
	s25 =	rddreg [dreg:$0xf]  }
0x2d: {  	[spmem:s20], [sflag:s21] =	dma.local @p1 [hbm:s25], $0x2800  }
0x2e: {  	s20 =	simm.s32 @p1 $0x9  }
0x2f: {  	_ =	swait.ge @p1 [sflag:s20], $0x2800  }
0x30: {  	[sflag:s20] =	ssyncset.done @p1 $0x0  }
0x31: {  	[sflag:s20] =	ssyncadd.s32 @p1 $0xFFFFD800;
	s20 =	rddreg [dreg:$0xa]  }
0x32: {  	[spmem:s18], [sflag:s19] =	dma.local @!p1 [hbm:s20], $0x2700  }
0x33: {  	s18 =	simm.s32 @!p1 $0x9  }
0x34: {  	_ =	swait.ge @!p1 [sflag:s18], $0x2700  }
0x35: {  	[sflag:s18] =	ssyncset.done @!p1 $0x0  }
0x36: {  	[sflag:s18] =	ssyncadd.s32 @!p1 $0xFFFFD900  }
0x37: {  	[bflag:$0x0] =	sbarrier.arrive $0xFFFF  }
0x38: {  	[tilespmem:s28], [sflag:$0x1] =	stream.linear.gather [hbm4b:s10+s4], $0x80, $0x38;
	[tilespmem:$0x1BA80] =	vst v63  }
0x39: {  	_ = 	snop  }
0x3a: {  	[tilespmem:s29], [sflag:$0x3] =	stream.linear.gather [hbm4b:s11+s4], $0x80, $0x38;
	[tilespmem:$0x1BA80] =	vst v63  }
0x3b: {  	_ =	swait.ge [sflag:s30], $0x80  }
0x3c: {  	[sflag:s30] =	ssyncset.done $0x0  }
0x3d: {  	[sflag:s30] =	ssyncadd.s32 $0xFFFFFF80  }
0x3e: {  	[tilespmem:s0], [sflag:$0x5] =	stream.indirect.gather [hbm4b:s5+s31], $0x80, s28, s31, $0xb8;
	[tilespmem:$0x1BA80] =	vst v63  }
0x3f: {  	_ = 	snop  }
0x40: {  	[tilespmem:s13], [sflag:$0x2] =	stream.linear.gather [hbm4b:s26+s4], $0x80, $0x38;
	[tilespmem:$0x1BA80] =	vst v63  }
0x41: {  	s19 =	rddreg [dreg:$0xc]  }
0x42: {  	[tilespmem:s23], [sflag:$0x4] =	stream.linear.gather [hbm4b:s19+s4], $0x80, $0x38;
	[tilespmem:$0x1BA80] =	vst v63  }
0x43: {  	_ =	swait.ge [sflag:s16], $0x80  }
0x44: {  	[sflag:s16] =	ssyncset.done $0x0  }
0x45: {  	[sflag:s16] =	ssyncadd.s32 $0xFFFFFF80  }
0x46: {  	[tilespmem:s24], [sflag:$0x6] =	stream.indirect.gather [hbm4b:s5+s31], $0x80, s13, s31, $0xb8;
	[tilespmem:$0x1BA80] =	vst v63  }
0x47: {  	_ =	swait.ge [sflag:s7], $0x4000  }
0x48: {  	[sflag:s7] =	ssyncset.done $0x0  }
0x49: {  	s20 =	rddreg [dreg:$0x10];
	[sflag:s7] =	ssyncadd.s32 $0xFFFFC000  }
0x4a: {  	[tilespmem:s28], [sflag:$0x1] =	stream.linear.gather [hbm4b:s20+s4], $0x80, $0x38;
	[tilespmem:$0x1BA80] =	vst v63  }
0x4b: {  	_ =	swait.ge [sflag:s9], $0x80  }
0x4c: {  	[sflag:s9] =	ssyncset.done $0x0  }
0x4d: {  	[sflag:s9] =	ssyncadd.s32 $0xFFFFFF80  }
0x4e: {  	[spmem:s2] =	stream.indirect.scatter.add.f32 [tilespmem:s0], [sflag:$0x7], $0x80, s29, s31, $0xb8;
	[tilespmem:$0x1BA80] =	vst v63  }
0x4f: {  	_ =	swait.ge [sflag:s14], $0x4000  }
0x50: {  	s18 =	sadd.s32 $0xFFFFB600, s11;
	[sflag:s14] =	ssyncset.done $0x0  }
0x51: {  	s21 =	sadd.s32 $0x4C00, s18;
	[sflag:s14] =	ssyncadd.s32 $0xFFFFC000  }
0x52: {  	[tilespmem:s29], [sflag:$0x3] =	stream.linear.gather [hbm4b:s21+s4], $0x80, $0x38;
	[tilespmem:$0x1BA80] =	vst v63  }
0x53: {  	_ =	swait.ge [sflag:s30], $0x80  }
0x54: {  	[sflag:s30] =	ssyncset.done $0x0  }
0x55: {  	[sflag:s30] =	ssyncadd.s32 $0xFFFFFF80  }
0x56: {  	[tilespmem:s0], [sflag:$0x5] =	stream.indirect.gather [hbm4b:s5+s31], $0x80, s28, s31, $0xb8;
	[tilespmem:$0x1BA80] =	vst v63  }
0x57: {  	_ =	swait.ge [sflag:s15], $0x4000  }
0x58: {  	s25 =	sadd.s32 $0xFFFFB600, s10;
	[sflag:s15] =	ssyncset.done $0x0  }
0x59: {  	s21 =	sadd.s32 $0x4D00, s25;
	[sflag:s15] =	ssyncadd.s32 $0xFFFFC000  }
0x5a: {  	[tilespmem:s13], [sflag:$0x2] =	stream.linear.gather [hbm4b:s21+s4], $0x80, $0x38;
	[tilespmem:$0x1BA80] =	vst v63  }
0x5b: {  	_ =	swait.ge [sflag:s17], $0x80  }
0x5c: {  	[sflag:s17] =	ssyncset.done $0x0  }
0x5d: {  	[sflag:s17] =	ssyncadd.s32 $0xFFFFFF80  }
0x5e: {  	[spmem:s2] =	stream.indirect.scatter.add.f32 [tilespmem:s24], [sflag:$0x8], $0x80, s23, s31, $0xb8;
	[tilespmem:$0x1BA80] =	vst v63  }
0x5f: {  	_ =	swait.ge [sflag:s22], $0x4000  }
0x60: {  	[sflag:s22] =	ssyncset.done $0x0  }
0x61: {  	s18 =	sadd.s32 $0x4D00, s18;
	[sflag:s22] =	ssyncadd.s32 $0xFFFFC000  }
0x62: {  	[tilespmem:s23], [sflag:$0x4] =	stream.linear.gather [hbm4b:s18+s4], $0x80, $0x38;
	[tilespmem:$0x1BA80] =	vst v63  }
0x63: {  	_ =	swait.ge [sflag:s16], $0x80  }
0x64: {  	[sflag:s16] =	ssyncset.done $0x0  }
0x65: {  	[sflag:s16] =	ssyncadd.s32 $0xFFFFFF80  }
0x66: {  	[tilespmem:s24], [sflag:$0x6] =	stream.indirect.gather [hbm4b:s5+s31], $0x80, s13, s31, $0xb8;
	[tilespmem:$0x1BA80] =	vst v63  }
0x67: {  	_ =	swait.ge [sflag:s7], $0x4000  }
0x68: {  	[sflag:s7] =	ssyncset.done $0x0  }
0x69: {  	s25 =	sadd.s32 $0x4E00, s25;
	[sflag:s7] =	ssyncadd.s32 $0xFFFFC000  }
0x6a: {  	[tilespmem:s28], [sflag:$0x1] =	stream.linear.gather [hbm4b:s25+s4], $0x80, $0x38;
	[tilespmem:$0x1BA80] =	vst v63  }
0x6b: {  	_ =	swait.ge [sflag:s9], $0x80  }
0x6c: {  	[sflag:s9] =	ssyncset.done $0x0  }
0x6d: {  	s18 =	simm.s32 $0xFFFFB800;
	[sflag:s9] =	ssyncadd.s32 $0xFFFFFF80  }
.LBB2_10:
0x6e: {  	[spmem:s2] =	stream.indirect.scatter.add.f32 [tilespmem:s0], [sflag:$0x7], $0x80, s29, s31, $0xb8;
	[tilespmem:$0x1BA80] =	vst v63  }
0x6f: {  	s19 =	smov.u32 s18  }
0x70: {  	p3 =	sne.s32 s18, $0xFFFFFE00;
	s18 =	sadd.s32 $0x200, s18;
	_ =	swait.ge [sflag:s14], $0x4000  }
0x71: {  	s20 =	sadd.s32 s19, s11;
	[sflag:s14] =	ssyncset.done $0x0  }
0x72: {  	s21 =	sadd.s32 $0x4C00, s20;
	[sflag:s14] =	ssyncadd.s32 $0xFFFFC000  }
0x73: {  	[tilespmem:s29], [sflag:$0x3] =	stream.linear.gather [hbm4b:s21+s4], $0x80, $0x38;
	[tilespmem:$0x1BA80] =	vst v63  }
0x74: {  	_ =	swait.ge [sflag:s30], $0x80  }
0x75: {  	[sflag:s30] =	ssyncset.done $0x0  }
0x76: {  	[sflag:s30] =	ssyncadd.s32 $0xFFFFFF80  }
0x77: {  	[tilespmem:s0], [sflag:$0x5] =	stream.indirect.gather [hbm4b:s5+s31], $0x80, s28, s31, $0xb8;
	[tilespmem:$0x1BA80] =	vst v63  }
0x78: {  	_ =	swait.ge [sflag:s15], $0x4000  }
0x79: {  	s19 =	sadd.s32 s19, s10;
	[sflag:s15] =	ssyncset.done $0x0  }
0x7a: {  	s21 =	sadd.s32 $0x4D00, s19;
	[sflag:s15] =	ssyncadd.s32 $0xFFFFC000  }
0x7b: {  	[tilespmem:s13], [sflag:$0x2] =	stream.linear.gather [hbm4b:s21+s4], $0x80, $0x38;
	[tilespmem:$0x1BA80] =	vst v63  }
0x7c: {  	_ =	swait.ge [sflag:s17], $0x80  }
0x7d: {  	[sflag:s17] =	ssyncset.done $0x0  }
0x7e: {  	[sflag:s17] =	ssyncadd.s32 $0xFFFFFF80  }
0x7f: {  	[spmem:s2] =	stream.indirect.scatter.add.f32 [tilespmem:s24], [sflag:$0x8], $0x80, s23, s31, $0xb8;
	[tilespmem:$0x1BA80] =	vst v63  }
0x80: {  	_ =	swait.ge [sflag:s22], $0x4000  }
0x81: {  	[sflag:s22] =	ssyncset.done $0x0  }
0x82: {  	s20 =	sadd.s32 $0x4D00, s20;
	[sflag:s22] =	ssyncadd.s32 $0xFFFFC000  }
0x83: {  	[tilespmem:s23], [sflag:$0x4] =	stream.linear.gather [hbm4b:s20+s4], $0x80, $0x38;
	[tilespmem:$0x1BA80] =	vst v63  }
0x84: {  	_ =	swait.ge [sflag:s16], $0x80  }
0x85: {  	[sflag:s16] =	ssyncset.done $0x0  }
0x86: {  	[sflag:s16] =	ssyncadd.s32 $0xFFFFFF80  }
0x87: {  	[tilespmem:s24], [sflag:$0x6] =	stream.indirect.gather [hbm4b:s5+s31], $0x80, s13, s31, $0xb8;
	[tilespmem:$0x1BA80] =	vst v63  }
0x88: {  	_ =	swait.ge [sflag:s7], $0x4000  }
0x89: {  	[sflag:s7] =	ssyncset.done $0x0  }
.Ltmp3:
0x8a: {  	s19 =	sadd.s32 $0x4E00, s19;
	[sflag:s7] =	ssyncadd.s32 $0xFFFFC000;
	(pc) =	sbr.rel @p3 .LBB2_10-.Ltmp3, $4  }
0x8b: {  	[tilespmem:s28], [sflag:$0x1] =	stream.linear.gather [hbm4b:s19+s4], $0x80, $0x38;
	[tilespmem:$0x1BA80] =	vst v63  }
0x8c: {  	_ =	swait.ge [sflag:s9], $0x80  }
0x8d: {  	[sflag:s9] =	ssyncset.done $0x0  }
0x8e: {  	[sflag:s9] =	ssyncadd.s32 $0xFFFFFF80  }
0x8f: {  	[spmem:s2] =	stream.indirect.scatter.add.f32 [tilespmem:s0], [sflag:$0x7], $0x80, s29, s31, $0xb8;
	[tilespmem:$0x1BA80] =	vst v63  }
0x90: {  	_ =	swait.ge [sflag:s14], $0x4000  }
0x91: {  	[sflag:s14] =	ssyncset.done $0x0  }
0x92: {  	s18 =	rddreg [dreg:$0x14];
	[sflag:s14] =	ssyncadd.s32 $0xFFFFC000  }
0x93: {  	[tilespmem:s29], [sflag:$0x3] =	stream.linear.gather [hbm4b:s18+s4], $0x80, $0x38;
	[tilespmem:$0x1BA80] =	vst v63  }
0x94: {  	_ =	swait.ge [sflag:s30], $0x80  }
0x95: {  	[sflag:s30] =	ssyncset.done $0x0  }
0x96: {  	[sflag:s30] =	ssyncadd.s32 $0xFFFFFF80  }
0x97: {  	[tilespmem:s0], [sflag:$0x5] =	stream.indirect.gather [hbm4b:s5+s31], $0x80, s28, s31, $0xb8;
	[tilespmem:$0x1BA80] =	vst v63  }
0x98: {  	_ =	swait.ge [sflag:s15], $0x4000  }
0x99: {  	[sflag:s15] =	ssyncset.done $0x0  }
0x9a: {  	s21 =	rddreg [dreg:$0xd];
	[sflag:s15] =	ssyncadd.s32 $0xFFFFC000  }
0x9b: {  	[tilespmem:s13], [sflag:$0x2] =	stream.linear.gather [hbm4b:s21+s4], $0x80, $0x38;
	[tilespmem:$0x1BA80] =	vst v63  }
0x9c: {  	_ =	swait.ge [sflag:s17], $0x80  }
0x9d: {  	[sflag:s17] =	ssyncset.done $0x0  }
0x9e: {  	[sflag:s17] =	ssyncadd.s32 $0xFFFFFF80  }
0x9f: {  	[spmem:s2] =	stream.indirect.scatter.add.f32 [tilespmem:s24], [sflag:$0x8], $0x80, s23, s31, $0xb8;
	[tilespmem:$0x1BA80] =	vst v63  }
0xa0: {  	_ =	swait.ge [sflag:s22], $0x4000  }
0xa1: {  	[sflag:s22] =	ssyncset.done $0x0  }
0xa2: {  	s25 =	rddreg [dreg:$0xe];
	[sflag:s22] =	ssyncadd.s32 $0xFFFFC000  }
0xa3: {  	[tilespmem:s23], [sflag:$0x4] =	stream.linear.gather [hbm4b:s25+s4], $0x80, $0x38;
	[tilespmem:$0x1BA80] =	vst v63  }
0xa4: {  	_ =	swait.ge [sflag:s16], $0x80  }
0xa5: {  	[sflag:s16] =	ssyncset.done $0x0  }
0xa6: {  	[sflag:s16] =	ssyncadd.s32 $0xFFFFFF80  }
0xa7: {  	[tilespmem:s24], [sflag:$0x6] =	stream.indirect.gather [hbm4b:s5+s31], $0x80, s13, s31, $0xb8;
	[tilespmem:$0x1BA80] =	vst v63  }
0xa8: {  	_ =	swait.ge [sflag:s7], $0x4000  }
0xa9: {  	[sflag:s7] =	ssyncset.done $0x0  }
0xaa: {  	[sflag:s7] =	ssyncadd.s32 $0xFFFFC000  }
0xab: {  	_ =	swait.ge [sflag:s9], $0x80  }
0xac: {  	[sflag:s9] =	ssyncset.done $0x0  }
0xad: {  	[sflag:s9] =	ssyncadd.s32 $0xFFFFFF80  }
0xae: {  	[spmem:s2] =	stream.indirect.scatter.add.f32 [tilespmem:s0], [sflag:$0x7], $0x80, s29, s31, $0xb8;
	[tilespmem:$0x1BA80] =	vst v63  }
0xaf: {  	_ =	swait.ge [sflag:s15], $0x4000  }
0xb0: {  	[sflag:s15] =	ssyncset.done $0x0  }
0xb1: {  	[sflag:s15] =	ssyncadd.s32 $0xFFFFC000  }
0xb2: {  	_ =	swait.ge [sflag:s17], $0x80  }
0xb3: {  	[sflag:s17] =	ssyncset.done $0x0  }
0xb4: {  	[sflag:s17] =	ssyncadd.s32 $0xFFFFFF80  }
0xb5: {  	[spmem:s2] =	stream.indirect.scatter.add.f32 [tilespmem:s24], [sflag:$0x8], $0x80, s23, s31, $0xb8;
	[tilespmem:$0x1BA80] =	vst v63  }
0xb6: {  	_ =	swait.ge [sflag:s14], $0x4000  }
.Ltmp4:
0xb7: {  	[sflag:s14] =	ssyncset.done $0x0;
	(pc) =	sbr.rel @p2 .LBB2_13-.Ltmp4, $4  }
0xb8: {  	[sflag:s14] =	ssyncadd.s32 $0xFFFFC000  }
0xb9: {  	_ =	swait.ge [sflag:s22], $0x4000  }
0xba: {  	[sflag:s22] =	ssyncset.done $0x0  }
0xbb: {  	[sflag:s22] =	ssyncadd.s32 $0xFFFFC000  }
0xbc: {  	s18 =	rddreg [dreg:$0x7]  }
0xbd: {  	[tilespmem:s28], [sflag:$0x9] =	stream.linear.gather [hbm4b:s18+s4], $0x80, $0x38;
	[tilespmem:$0x1BA80] =	vst v63  }
0xbe: {  	_ =	swait.ge [sflag:s3], $0x80  }
0xbf: {  	[sflag:s3] =	ssyncset.done $0x0  }
0xc0: {  	s25 =	rddreg [dreg:$0x8];
	[sflag:s3] =	ssyncadd.s32 $0xFFFFFF80  }
0xc1: {  	[tilespmem:s29], [sflag:$0x9] =	stream.linear.gather [hbm4b:s25+s4], $0x80, $0x38;
	[tilespmem:$0x1BA80] =	vst v63  }
0xc2: {  	_ =	swait.ge [sflag:s3], $0x80  }
0xc3: {  	[sflag:s3] =	ssyncset.done $0x0  }
0xc4: {  	[sflag:s3] =	ssyncadd.s32 $0xFFFFFF80  }
0xc5: {  	[tilespmem:s0], [sflag:$0x5] =	stream.indirect.gather [hbm4b:s5+s31], $0x80, s28, s31, $0xb8;
	[tilespmem:$0x1BA80] =	vst v63  }
0xc6: {  	_ =	swait.ge [sflag:s7], $0x4000  }
0xc7: {  	[sflag:s7] =	ssyncset.done $0x0  }
0xc8: {  	[sflag:s7] =	ssyncadd.s32 $0xFFFFC000  }
0xc9: {  	[spmem:s2] =	stream.indirect.scatter.add.f32 [tilespmem:s0], [sflag:$0x9], $0x80, s29, s31, $0xb8;
	[tilespmem:$0x1BA80] =	vst v63  }
.Ltmp5:
0xca: {  	_ =	swait.ge [sflag:s3], $0x4000;
	(pc) =	sbr.rel .LBB2_14-.Ltmp5, $3  }
0xcb: {  	[sflag:s3] =	ssyncset.done $0x0  }
0xcc: {  	[sflag:s3] =	ssyncadd.s32 $0xFFFFC000  }
0xcd: {  	[bflag:$0x0] =	sbarrier.arrive $0xFFFF;
	_ =	sdelay $0x1  }
.LBB2_2:
0xce: {  	s21 =	simm.s32 @p1 $0x1FC9;
	s25 =	rddreg [dreg:$0x5]  }
0xcf: {  	[spmem:s20], [sflag:s21] =	dma.local @p1 [hbm:s25], $0x2800  }
0xd0: {  	s20 =	simm.s32 @p1 $0x9  }
0xd1: {  	s21 =	rddreg [dreg:$0x10];
	_ =	swait.ge @p1 [sflag:s20], $0x2800  }
0xd2: {  	[sflag:s20] =	ssyncset.done @p1 $0x0  }
0xd3: {  	[sflag:s20] =	ssyncadd.s32 @p1 $0xFFFFD800;
	s20 =	rddreg [dreg:$0x4]  }
0xd4: {  	[spmem:s18], [sflag:s19] =	dma.local @!p1 [hbm:s20], $0x2700  }
0xd5: {  	s18 =	simm.s32 @!p1 $0x9  }
0xd6: {  	_ =	swait.ge @!p1 [sflag:s18], $0x2700  }
0xd7: {  	[sflag:s18] =	ssyncset.done @!p1 $0x0  }
0xd8: {  	[sflag:s18] =	ssyncadd.s32 @!p1 $0xFFFFD900  }
0xd9: {  	[bflag:$0x0] =	sbarrier.arrive $0xFFFF  }
0xda: {  	[tilespmem:s28], [sflag:$0x1] =	stream.linear.gather [hbm4b:s10+s4], $0x80, $0x38;
	[tilespmem:$0x1BA80] =	vst v63  }
0xdb: {  	_ = 	snop  }
0xdc: {  	[tilespmem:s29], [sflag:$0x3] =	stream.linear.gather [hbm4b:s11+s4], $0x80, $0x38;
	[tilespmem:$0x1BA80] =	vst v63  }
0xdd: {  	_ =	swait.ge [sflag:s30], $0x80  }
0xde: {  	[sflag:s30] =	ssyncset.done $0x0  }
0xdf: {  	[sflag:s30] =	ssyncadd.s32 $0xFFFFFF80  }
0xe0: {  	[tilespmem:s0], [sflag:$0x5] =	stream.indirect.gather [hbm4b:s1+s31], $0x80, s28, s31, $0xb8;
	[tilespmem:$0x1BA80] =	vst v63  }
0xe1: {  	_ = 	snop  }
0xe2: {  	[tilespmem:s13], [sflag:$0x2] =	stream.linear.gather [hbm4b:s26+s4], $0x80, $0x38;
	[tilespmem:$0x1BA80] =	vst v63  }
0xe3: {  	s20 =	rddreg [dreg:$0xc]  }
0xe4: {  	[tilespmem:s23], [sflag:$0x4] =	stream.linear.gather [hbm4b:s20+s4], $0x80, $0x38;
	[tilespmem:$0x1BA80] =	vst v63  }
0xe5: {  	_ =	swait.ge [sflag:s16], $0x80  }
0xe6: {  	[sflag:s16] =	ssyncset.done $0x0  }
0xe7: {  	[sflag:s16] =	ssyncadd.s32 $0xFFFFFF80  }
0xe8: {  	[tilespmem:s24], [sflag:$0x6] =	stream.indirect.gather [hbm4b:s1+s31], $0x80, s13, s31, $0xb8;
	[tilespmem:$0x1BA80] =	vst v63  }
0xe9: {  	_ =	swait.ge [sflag:s7], $0x4000  }
0xea: {  	[sflag:s7] =	ssyncset.done $0x0  }
0xeb: {  	[sflag:s7] =	ssyncadd.s32 $0xFFFFC000  }
0xec: {  	[tilespmem:s28], [sflag:$0x1] =	stream.linear.gather [hbm4b:s21+s4], $0x80, $0x38;
	[tilespmem:$0x1BA80] =	vst v63  }
0xed: {  	_ =	swait.ge [sflag:s9], $0x80  }
0xee: {  	[sflag:s9] =	ssyncset.done $0x0  }
0xef: {  	[sflag:s9] =	ssyncadd.s32 $0xFFFFFF80  }
0xf0: {  	[spmem:s2] =	stream.indirect.scatter.add.f32 [tilespmem:s0], [sflag:$0x7], $0x80, s29, s31, $0xb8;
	[tilespmem:$0x1BA80] =	vst v63  }
0xf1: {  	_ =	swait.ge [sflag:s14], $0x4000  }
0xf2: {  	s18 =	sadd.s32 $0xFFFFB600, s11;
	[sflag:s14] =	ssyncset.done $0x0  }
0xf3: {  	s25 =	sadd.s32 $0x4C00, s18;
	[sflag:s14] =	ssyncadd.s32 $0xFFFFC000  }
0xf4: {  	[tilespmem:s29], [sflag:$0x3] =	stream.linear.gather [hbm4b:s25+s4], $0x80, $0x38;
	[tilespmem:$0x1BA80] =	vst v63  }
0xf5: {  	_ =	swait.ge [sflag:s30], $0x80  }
0xf6: {  	[sflag:s30] =	ssyncset.done $0x0  }
0xf7: {  	[sflag:s30] =	ssyncadd.s32 $0xFFFFFF80  }
0xf8: {  	[tilespmem:s0], [sflag:$0x5] =	stream.indirect.gather [hbm4b:s1+s31], $0x80, s28, s31, $0xb8;
	[tilespmem:$0x1BA80] =	vst v63  }
0xf9: {  	_ =	swait.ge [sflag:s15], $0x4000  }
0xfa: {  	s6 =	smov.u32 s8;
	s8 =	sadd.s32 $0xFFFFB600, s10;
	[sflag:s15] =	ssyncset.done $0x0  }
0xfb: {  	s21 =	sadd.s32 $0x4D00, s8;
	[sflag:s15] =	ssyncadd.s32 $0xFFFFC000  }
0xfc: {  	[tilespmem:s13], [sflag:$0x2] =	stream.linear.gather [hbm4b:s21+s4], $0x80, $0x38;
	[tilespmem:$0x1BA80] =	vst v63  }
0xfd: {  	_ =	swait.ge [sflag:s17], $0x80  }
0xfe: {  	[sflag:s17] =	ssyncset.done $0x0  }
0xff: {  	[sflag:s17] =	ssyncadd.s32 $0xFFFFFF80  }
0x100: {  	[spmem:s2] =	stream.indirect.scatter.add.f32 [tilespmem:s24], [sflag:$0x8], $0x80, s23, s31, $0xb8;
	[tilespmem:$0x1BA80] =	vst v63  }
0x101: {  	_ =	swait.ge [sflag:s22], $0x4000  }
0x102: {  	[sflag:s22] =	ssyncset.done $0x0  }
0x103: {  	s18 =	sadd.s32 $0x4D00, s18;
	[sflag:s22] =	ssyncadd.s32 $0xFFFFC000  }
0x104: {  	[tilespmem:s23], [sflag:$0x4] =	stream.linear.gather [hbm4b:s18+s4], $0x80, $0x38;
	[tilespmem:$0x1BA80] =	vst v63  }
0x105: {  	_ =	swait.ge [sflag:s16], $0x80  }
0x106: {  	[sflag:s16] =	ssyncset.done $0x0  }
0x107: {  	[sflag:s16] =	ssyncadd.s32 $0xFFFFFF80  }
0x108: {  	[tilespmem:s24], [sflag:$0x6] =	stream.indirect.gather [hbm4b:s1+s31], $0x80, s13, s31, $0xb8;
	[tilespmem:$0x1BA80] =	vst v63  }
0x109: {  	_ =	swait.ge [sflag:s7], $0x4000  }
0x10a: {  	[sflag:s7] =	ssyncset.done $0x0  }
0x10b: {  	s25 =	sadd.s32 $0x4E00, s8;
	[sflag:s7] =	ssyncadd.s32 $0xFFFFC000  }
0x10c: {  	[tilespmem:s28], [sflag:$0x1] =	stream.linear.gather [hbm4b:s25+s4], $0x80, $0x38;
	[tilespmem:$0x1BA80] =	vst v63  }
0x10d: {  	_ =	swait.ge [sflag:s9], $0x80  }
0x10e: {  	[sflag:s9] =	ssyncset.done $0x0  }
0x10f: {  	s18 =	simm.s32 $0xFFFFB800;
	[sflag:s9] =	ssyncadd.s32 $0xFFFFFF80  }
.LBB2_3:
0x110: {  	[spmem:s2] =	stream.indirect.scatter.add.f32 [tilespmem:s0], [sflag:$0x7], $0x80, s29, s31, $0xb8;
	[tilespmem:$0x1BA80] =	vst v63  }
0x111: {  	s19 =	smov.u32 s18  }
0x112: {  	p3 =	sne.s32 s18, $0xFFFFFE00;
	s18 =	sadd.s32 $0x200, s18;
	_ =	swait.ge [sflag:s14], $0x4000  }
0x113: {  	s20 =	sadd.s32 s19, s11;
	[sflag:s14] =	ssyncset.done $0x0  }
0x114: {  	s21 =	sadd.s32 $0x4C00, s20;
	[sflag:s14] =	ssyncadd.s32 $0xFFFFC000  }
0x115: {  	[tilespmem:s29], [sflag:$0x3] =	stream.linear.gather [hbm4b:s21+s4], $0x80, $0x38;
	[tilespmem:$0x1BA80] =	vst v63  }
0x116: {  	_ =	swait.ge [sflag:s30], $0x80  }
0x117: {  	[sflag:s30] =	ssyncset.done $0x0  }
0x118: {  	[sflag:s30] =	ssyncadd.s32 $0xFFFFFF80  }
0x119: {  	[tilespmem:s0], [sflag:$0x5] =	stream.indirect.gather [hbm4b:s1+s31], $0x80, s28, s31, $0xb8;
	[tilespmem:$0x1BA80] =	vst v63  }
0x11a: {  	_ =	swait.ge [sflag:s15], $0x4000  }
0x11b: {  	s19 =	sadd.s32 s19, s10;
	[sflag:s15] =	ssyncset.done $0x0  }
0x11c: {  	s21 =	sadd.s32 $0x4D00, s19;
	[sflag:s15] =	ssyncadd.s32 $0xFFFFC000  }
0x11d: {  	[tilespmem:s13], [sflag:$0x2] =	stream.linear.gather [hbm4b:s21+s4], $0x80, $0x38;
	[tilespmem:$0x1BA80] =	vst v63  }
0x11e: {  	_ =	swait.ge [sflag:s17], $0x80  }
0x11f: {  	[sflag:s17] =	ssyncset.done $0x0  }
0x120: {  	[sflag:s17] =	ssyncadd.s32 $0xFFFFFF80  }
0x121: {  	[spmem:s2] =	stream.indirect.scatter.add.f32 [tilespmem:s24], [sflag:$0x8], $0x80, s23, s31, $0xb8;
	[tilespmem:$0x1BA80] =	vst v63  }
0x122: {  	_ =	swait.ge [sflag:s22], $0x4000  }
0x123: {  	[sflag:s22] =	ssyncset.done $0x0  }
0x124: {  	s20 =	sadd.s32 $0x4D00, s20;
	[sflag:s22] =	ssyncadd.s32 $0xFFFFC000  }
0x125: {  	[tilespmem:s23], [sflag:$0x4] =	stream.linear.gather [hbm4b:s20+s4], $0x80, $0x38;
	[tilespmem:$0x1BA80] =	vst v63  }
0x126: {  	_ =	swait.ge [sflag:s16], $0x80  }
0x127: {  	[sflag:s16] =	ssyncset.done $0x0  }
0x128: {  	[sflag:s16] =	ssyncadd.s32 $0xFFFFFF80  }
0x129: {  	[tilespmem:s24], [sflag:$0x6] =	stream.indirect.gather [hbm4b:s1+s31], $0x80, s13, s31, $0xb8;
	[tilespmem:$0x1BA80] =	vst v63  }
0x12a: {  	_ =	swait.ge [sflag:s7], $0x4000  }
0x12b: {  	[sflag:s7] =	ssyncset.done $0x0  }
.Ltmp6:
0x12c: {  	s19 =	sadd.s32 $0x4E00, s19;
	[sflag:s7] =	ssyncadd.s32 $0xFFFFC000;
	(pc) =	sbr.rel @p3 .LBB2_3-.Ltmp6, $4  }
0x12d: {  	[tilespmem:s28], [sflag:$0x1] =	stream.linear.gather [hbm4b:s19+s4], $0x80, $0x38;
	[tilespmem:$0x1BA80] =	vst v63  }
0x12e: {  	_ =	swait.ge [sflag:s9], $0x80  }
0x12f: {  	[sflag:s9] =	ssyncset.done $0x0  }
0x130: {  	[sflag:s9] =	ssyncadd.s32 $0xFFFFFF80  }
0x131: {  	[spmem:s2] =	stream.indirect.scatter.add.f32 [tilespmem:s0], [sflag:$0x7], $0x80, s29, s31, $0xb8;
	[tilespmem:$0x1BA80] =	vst v63  }
0x132: {  	_ =	swait.ge [sflag:s14], $0x4000  }
0x133: {  	[sflag:s14] =	ssyncset.done $0x0  }
0x134: {  	s8 =	rddreg [dreg:$0x14];
	[sflag:s14] =	ssyncadd.s32 $0xFFFFC000  }
0x135: {  	[tilespmem:s29], [sflag:$0x3] =	stream.linear.gather [hbm4b:s8+s4], $0x80, $0x38;
	[tilespmem:$0x1BA80] =	vst v63  }
0x136: {  	_ =	swait.ge [sflag:s30], $0x80  }
0x137: {  	[sflag:s30] =	ssyncset.done $0x0  }
0x138: {  	[sflag:s30] =	ssyncadd.s32 $0xFFFFFF80  }
0x139: {  	[tilespmem:s0], [sflag:$0x5] =	stream.indirect.gather [hbm4b:s1+s31], $0x80, s28, s31, $0xb8;
	[tilespmem:$0x1BA80] =	vst v63  }
0x13a: {  	_ =	swait.ge [sflag:s15], $0x4000  }
0x13b: {  	[sflag:s15] =	ssyncset.done $0x0  }
0x13c: {  	s21 =	rddreg [dreg:$0xd];
	[sflag:s15] =	ssyncadd.s32 $0xFFFFC000  }
0x13d: {  	[tilespmem:s13], [sflag:$0x2] =	stream.linear.gather [hbm4b:s21+s4], $0x80, $0x38;
	[tilespmem:$0x1BA80] =	vst v63  }
0x13e: {  	_ =	swait.ge [sflag:s17], $0x80  }
0x13f: {  	[sflag:s17] =	ssyncset.done $0x0  }
0x140: {  	[sflag:s17] =	ssyncadd.s32 $0xFFFFFF80  }
0x141: {  	[spmem:s2] =	stream.indirect.scatter.add.f32 [tilespmem:s24], [sflag:$0x8], $0x80, s23, s31, $0xb8;
	[tilespmem:$0x1BA80] =	vst v63  }
0x142: {  	_ =	swait.ge [sflag:s22], $0x4000  }
0x143: {  	[sflag:s22] =	ssyncset.done $0x0  }
0x144: {  	s25 =	rddreg [dreg:$0xe];
	[sflag:s22] =	ssyncadd.s32 $0xFFFFC000  }
0x145: {  	[tilespmem:s23], [sflag:$0x4] =	stream.linear.gather [hbm4b:s25+s4], $0x80, $0x38;
	[tilespmem:$0x1BA80] =	vst v63  }
0x146: {  	_ =	swait.ge [sflag:s16], $0x80  }
0x147: {  	[sflag:s16] =	ssyncset.done $0x0  }
0x148: {  	[sflag:s16] =	ssyncadd.s32 $0xFFFFFF80  }
0x149: {  	[tilespmem:s24], [sflag:$0x6] =	stream.indirect.gather [hbm4b:s1+s31], $0x80, s13, s31, $0xb8;
	[tilespmem:$0x1BA80] =	vst v63  }
0x14a: {  	_ =	swait.ge [sflag:s7], $0x4000  }
0x14b: {  	[sflag:s7] =	ssyncset.done $0x0  }
0x14c: {  	[sflag:s7] =	ssyncadd.s32 $0xFFFFC000  }
0x14d: {  	_ =	swait.ge [sflag:s9], $0x80  }
0x14e: {  	[sflag:s9] =	ssyncset.done $0x0  }
0x14f: {  	[sflag:s9] =	ssyncadd.s32 $0xFFFFFF80  }
0x150: {  	[spmem:s2] =	stream.indirect.scatter.add.f32 [tilespmem:s0], [sflag:$0x7], $0x80, s29, s31, $0xb8;
	[tilespmem:$0x1BA80] =	vst v63  }
0x151: {  	_ =	swait.ge [sflag:s15], $0x4000  }
0x152: {  	[sflag:s15] =	ssyncset.done $0x0  }
0x153: {  	[sflag:s15] =	ssyncadd.s32 $0xFFFFC000  }
0x154: {  	_ =	swait.ge [sflag:s17], $0x80  }
0x155: {  	[sflag:s17] =	ssyncset.done $0x0  }
0x156: {  	[sflag:s17] =	ssyncadd.s32 $0xFFFFFF80  }
0x157: {  	[spmem:s2] =	stream.indirect.scatter.add.f32 [tilespmem:s24], [sflag:$0x8], $0x80, s23, s31, $0xb8;
	[tilespmem:$0x1BA80] =	vst v63  }
0x158: {  	_ =	swait.ge [sflag:s14], $0x4000  }
.Ltmp7:
0x159: {  	[sflag:s14] =	ssyncset.done $0x0;
	(pc) =	sbr.rel @p2 .LBB2_6-.Ltmp7, $4  }
0x15a: {  	[sflag:s14] =	ssyncadd.s32 $0xFFFFC000  }
0x15b: {  	_ =	swait.ge [sflag:s22], $0x4000  }
0x15c: {  	[sflag:s22] =	ssyncset.done $0x0  }
0x15d: {  	[sflag:s22] =	ssyncadd.s32 $0xFFFFC000  }
0x15e: {  	s18 =	rddreg [dreg:$0x7]  }
0x15f: {  	[tilespmem:s28], [sflag:$0x9] =	stream.linear.gather [hbm4b:s18+s4], $0x80, $0x38;
	[tilespmem:$0x1BA80] =	vst v63  }
0x160: {  	_ =	swait.ge [sflag:s3], $0x80  }
0x161: {  	[sflag:s3] =	ssyncset.done $0x0  }
0x162: {  	s25 =	rddreg [dreg:$0x8];
	[sflag:s3] =	ssyncadd.s32 $0xFFFFFF80  }
0x163: {  	[tilespmem:s29], [sflag:$0x9] =	stream.linear.gather [hbm4b:s25+s4], $0x80, $0x38;
	[tilespmem:$0x1BA80] =	vst v63  }
0x164: {  	_ =	swait.ge [sflag:s3], $0x80  }
0x165: {  	[sflag:s3] =	ssyncset.done $0x0  }
0x166: {  	[sflag:s3] =	ssyncadd.s32 $0xFFFFFF80  }
0x167: {  	[tilespmem:s0], [sflag:$0x5] =	stream.indirect.gather [hbm4b:s1+s31], $0x80, s28, s31, $0xb8;
	[tilespmem:$0x1BA80] =	vst v63  }
0x168: {  	_ =	swait.ge [sflag:s7], $0x4000  }
0x169: {  	[sflag:s7] =	ssyncset.done $0x0  }
0x16a: {  	[sflag:s7] =	ssyncadd.s32 $0xFFFFC000  }
0x16b: {  	[spmem:s2] =	stream.indirect.scatter.add.f32 [tilespmem:s0], [sflag:$0x9], $0x80, s29, s31, $0xb8;
	[tilespmem:$0x1BA80] =	vst v63  }
.Ltmp8:
0x16c: {  	_ =	swait.ge [sflag:s3], $0x4000;
	(pc) =	sbr.rel .LBB2_7-.Ltmp8, $4  }
0x16d: {  	[sflag:s3] =	ssyncset.done $0x0  }
0x16e: {  	[sflag:s3] =	ssyncadd.s32 $0xFFFFC000  }
0x16f: {  	[bflag:$0x0] =	sbarrier.arrive $0xFFFF  }
0x170: {  	s8 =	smov.u32 s6  }
.LBB2_13:
.Ltmp9:
0x171: {  	(pc) =	sbr.rel @p1 .LBB2_15-.Ltmp9, $2  }
0x172: {  	_ =	sdelay $0x1  }
0x173: {  	[bflag:$0x0] =	sbarrier.arrive $0xFFFF;
	_ =	sdelay $0x1  }
.LBB2_14:
0x174: {  	s18 =	stileid.u32  }
0x175: {  	s19 =	sshrl.u32 s6, $0x3;
	s18 =	sshll.u32 s18, $0x6  }
.Ltmp10:
0x176: {  	s20 =	rddreg [dreg:$0x12];
	s18 =	sor.u32 $0x1C09, s18;
	(pc) =	sbr.rel .LBB2_16-.Ltmp10, $4  }
0x177: {  	[hbm:s20], [sflag:s18] =	dma.local [spmem:s19], $0x2700  }
0x178: {  	_ =	swait.ge [sflag:s3], $0x2700  }
0x179: {  	[sflag:s3] =	ssyncset.done $0x0  }
0x17a: {  	[sflag:s3] =	ssyncadd.s32 $0xFFFFD900  }
.LBB2_6:
.Ltmp11:
0x17b: {  	(pc) =	sbr.rel @!p1 .LBB2_7-.Ltmp11, $3  }
0x17c: {  	_ =	sdelay $0x1  }
0x17d: {  	[bflag:$0x0] =	sbarrier.arrive $0xFFFF  }
0x17e: {  	s8 =	smov.u32 s6  }
0x17f: {  	s18 =	sshrl.u32 s8, $0x3  }
.Ltmp12:
0x180: {  	s19 =	rddreg [dreg:$0x6];
	s6 =	simm.s32 $0x1FC9;
	(pc) =	sbr.rel .LBB2_16-.Ltmp12, $4  }
0x181: {  	[hbm:s19], [sflag:s6] =	dma.local [spmem:s18], $0x2800  }
0x182: {  	_ =	swait.ge [sflag:s3], $0x2800  }
0x183: {  	[sflag:s3] =	ssyncset.done $0x0  }
0x184: {  	s6 =	rddreg [dreg:$0xb];
	[sflag:s3] =	ssyncadd.s32 $0xFFFFD800  }
.LBB2_7:
0x185: {  	s18 =	stileid.u32;
	s6 =	rddreg [dreg:$0xb]  }
0x186: {  	s20 =	rddreg [dreg:$0x9];
	s18 =	sshll.u32 s18, $0x6  }
.Ltmp13:
0x187: {  	s19 =	sshrl.u32 s6, $0x3;
	s18 =	sor.u32 $0x1C09, s18;
	(pc) =	sbr.rel .LBB2_16-.Ltmp13, $4  }
0x188: {  	[hbm:s20], [sflag:s18] =	dma.local [spmem:s19], $0x2700  }
0x189: {  	_ =	swait.ge [sflag:s3], $0x2700  }
0x18a: {  	[sflag:s3] =	ssyncset.done $0x0  }
0x18b: {  	[sflag:s3] =	ssyncadd.s32 $0xFFFFD900  }
.LBB2_17:
0x18c: {  	_ =	sfence.sel $0x180000  }
0x18d: {  	[bflag:$0x0] =	sbarrier.arrive $0xFFFF  }
0x18e: {  	_ =	strace $0x90000050  }
0x18f: {  	s0 =	stileid.u32;
	[bflag:$0x2] =	sbarrier.arrive $0xFFFF  }
0x190: {  	p0 =	sne.s32 s0, $0x0;
	s0 =	rddreg [dreg:$0x3]  }
0x191: {  	s0 =	sadd.s32 @!p0 $0x100000, s0  }
0x192: {  	[sflag:s0] =	ssyncadd.tile.s32 @!p0 $0x1;
	_ =	shalt  }
.Lfunc_end2:
_tile_overlayer_lowered:
.L_overlay_start_2:
0x193: {  	(tag) =	ssettag $0x2  }
0x194: {  	s0 =	rddreg [dreg:$0x0];
	s2 =	stileid.u32  }
0x195: {  	s1 =	rddreg [dreg:$0x1];
	p0 =	sne.s32 s2, $0x0  }
0x196: {  	s3 =	rddreg [dreg:$0x2];
	[bflag:$0x3] =	sbarrier.arrive $0xFFFF;
	s2 =	simm.s32 @!p0 $0x1C09  }
0x197: {  	[timem:s3], [sflag:s2] =	dma.local @!p0 [hbm:s0], s1  }
0x198: {  	s0 =	simm.s32 @!p0 $0x9  }
0x199: {  	_ =	swait.ge @!p0 [sflag:s0], s1  }
0x19a: {  	s1 =	ssub.s32 @!p0 $0x0, s1;
	[sflag:s0] =	ssyncset.done @!p0 $0x0  }
0x19b: {  	[sflag:s0] =	ssyncadd.s32 @!p0 s1  }
0x19c: {  	[bflag:$0x3] =	sbarrier.arrive $0xFFFF  }
0x19d: {  	_ =	shalt  }

</sc_bundles>
